<compile_context>
chip_gen: v7x
topology: tpu7x:2x2x1
jax: 0.10.2.dev20260603
libtpu: 0.0.44.dev20260713+nightly
codegen_flags: <defaults>
</compile_context>

<pallas_src>
import functools

import jax
import jax.numpy as jnp
from jax import lax
from jax.experimental import pallas as pl
from jax.experimental.pallas import tpu as pltpu
from jax.experimental.pallas import tpu_sc as plsc

N = 10000
E = 320000
D = 128
EPS = 1e-5

NC = 2
NS = 16
NW = NC * NS
CH = 64
KPT = 160
ET = KPT * CH
EPAD = NW * ET
NPAD = 10240
RPT = NPAD // NS
GB = 2
NPG = 4
KPP = KPT // NPG
RB = 5120

DEGCH = 128
DEGK = ET // DEGCH
DEGB = 8


def _sc_mesh():
    return plsc.VectorSubcoreMesh(core_axis_name="c", subcore_axis_name="s")


def _sc_deg(dst3, zrow, ones):

    @functools.partial(
        pl.kernel,
        out_type=jax.ShapeDtypeStruct((NC, NPAD), jnp.float32),
        mesh=_sc_mesh(),
        scratch_types=[
            pltpu.VMEM((DEGK, DEGCH), jnp.int32),
            pltpu.VMEM((DEGCH,), jnp.float32),
            pltpu.VMEM_SHARED((NPAD,), jnp.float32),
            pltpu.SemaphoreType.DMA,
        ],
    )
    def k(dst_hbm, z_hbm, ones_hbm, out_hbm, dst_v, ones_v, acc, sem):
        cid = lax.axis_index("c")
        sid = lax.axis_index("s")
        wid = cid * NS + sid
        pltpu.sync_copy(z_hbm, acc.at[pl.ds(sid * RPT, RPT)])
        pltpu.sync_copy(ones_hbm, ones_v)
        pltpu.sync_copy(dst_hbm.at[wid], dst_v)
        plsc.subcore_barrier()

        def body(blk, carry):
            base = blk * DEGB
            for i in range(DEGB):
                pltpu.async_copy(ones_v, acc.at[dst_v.at[base + i]], sem,
                                 add=True)
            for i in range(DEGB):
                pltpu.make_async_copy(ones_v, acc.at[dst_v.at[0]], sem).wait()
            return carry

        lax.fori_loop(0, DEGK // DEGB, body, 0)
        plsc.subcore_barrier()
        pltpu.sync_copy(acc.at[pl.ds(sid * RPT, RPT)],
                        out_hbm.at[cid, pl.ds(sid * RPT, RPT)])

    return k(dst3, zrow, ones)


def _sc_agg(y, src3, dst3, zrows):

    @functools.partial(
        pl.kernel,
        out_type=jax.ShapeDtypeStruct((NC, NPAD, D), jnp.float32),
        mesh=_sc_mesh(),
        scratch_types=[
            pltpu.VMEM((KPP, CH), jnp.int32),
            pltpu.VMEM((KPP, CH), jnp.int32),
            pltpu.VMEM((GB, CH, D), jnp.float32),
            pltpu.VMEM((GB, CH, D), jnp.float32),
            pltpu.VMEM_SHARED((NPAD, D), jnp.float32),
            pltpu.SemaphoreType.DMA,
            pltpu.SemaphoreType.DMA,
            pltpu.SemaphoreType.DMA,
            pltpu.SemaphoreType.DMA,
        ],
    )
    def k(y_hbm, src_hbm, dst_hbm, z_hbm, out_hbm,
          src_v, dst_v, bufa, bufb, acc, gsa, gsb, ssa, ssb):
        cid = lax.axis_index("c")
        sid = lax.axis_index("s")
        wid = cid * NS + sid

        nt = KPP // (2 * GB)

        def g_start(j, buf, sem):
            pltpu.async_copy(y_hbm.at[src_v.at[j]], buf, sem)

        def g_wait(buf, sem):
            pltpu.make_async_copy(y_hbm.at[src_v.at[0]], buf, sem).wait()

        def s_start(j, buf, sem):
            pltpu.async_copy(buf, acc.at[dst_v.at[j]], sem, add=True)

        def s_wait(buf, sem):
            pltpu.make_async_copy(buf, acc.at[dst_v.at[0]], sem).wait()

        pltpu.sync_copy(src_hbm.at[wid, pl.ds(0, KPP)], src_v)
        pltpu.sync_copy(dst_hbm.at[wid, pl.ds(0, KPP)], dst_v)
        for i in range(GB):
            g_start(i, bufa.at[i], gsa)
        pltpu.sync_copy(z_hbm, acc.at[pl.ds(sid * RPT, RPT)])
        plsc.subcore_barrier()

        for p in range(NPG):
            if p > 0:
                pltpu.sync_copy(src_hbm.at[wid, pl.ds(p * KPP, KPP)], src_v)
                pltpu.sync_copy(dst_hbm.at[wid, pl.ds(p * KPP, KPP)], dst_v)
                for i in range(GB):
                    g_start(i, bufa.at[i], gsa)

            def body(t, carry):
                a = 2 * GB * t
                b = a + GB
                for i in range(GB):
                    g_wait(bufa.at[i], gsa)

                @pl.when(t > 0)
                def _():
                    for i in range(GB):
                        s_wait(bufb.at[i], ssb)

                for i in range(GB):
                    g_start(b + i, bufb.at[i], gsb)
                for i in range(GB):
                    s_start(a + i, bufa.at[i], ssa)
                for i in range(GB):
                    g_wait(bufb.at[i], gsb)

                @pl.when(t < nt - 1)
                def _():
                    for i in range(GB):
                        s_wait(bufa.at[i], ssa)
                    for i in range(GB):
                        g_start(a + 2 * GB + i, bufa.at[i], gsa)

                for i in range(GB):
                    s_start(b + i, bufb.at[i], ssb)
                return carry

            lax.fori_loop(0, nt, body, 0)
            for i in range(GB):
                s_wait(bufa.at[i], ssa)
                s_wait(bufb.at[i], ssb)
        plsc.subcore_barrier()
        pltpu.sync_copy(acc.at[pl.ds(sid * RPT, RPT)],
                        out_hbm.at[cid, pl.ds(sid * RPT, RPT)])

    return k(y, src3, dst3, zrows)


def _tc_prep(hist, xp, w1t):

    def body(h_ref, x_ref, w_ref, y_ref, dinv_ref):
        deg = jnp.sum(h_ref[...], axis=0) + 1.0
        dinv = 1.0 / jnp.sqrt(deg)
        xw = jnp.dot(x_ref[...], w_ref[...], preferred_element_type=jnp.float32)
        y_ref[...] = xw * dinv[:, None]
        dinv_ref[...] = dinv[:, None]

    return pl.pallas_call(
        body,
        grid=(NPAD // RB,),
        in_specs=[
            pl.BlockSpec((NC, RB), lambda i: (0, i)),
            pl.BlockSpec((RB, D), lambda i: (i, 0)),
            pl.BlockSpec((D, D), lambda i: (0, 0)),
        ],
        out_specs=[
            pl.BlockSpec((RB, D), lambda i: (i, 0)),
            pl.BlockSpec((RB, 1), lambda i: (i, 0)),
        ],
        out_shape=[
            jax.ShapeDtypeStruct((NPAD, D), jnp.float32),
            jax.ShapeDtypeStruct((NPAD, 1), jnp.float32),
        ],
    )(hist, xp, w1t)


def _tc_mid(p, y, dinv, b, bnw, bnb, bnm, bnv, w2t):

    def body(p_ref, y_ref, d_ref, b_ref, w_ref, bb_ref, m_ref, v_ref, w2_ref,
             o_ref):
        agg = (p_ref[0] + p_ref[1] + y_ref[...]) * d_ref[...]
        pre = agg + b_ref[...]
        h = (pre - m_ref[...]) / jnp.sqrt(v_ref[...] + EPS) * w_ref[...] + bb_ref[...]
        h = jnp.maximum(h, 0.0)
        o_ref[...] = jnp.dot(h, w2_ref[...],
                             preferred_element_type=jnp.float32) * d_ref[...]

    vec = pl.BlockSpec((1, D), lambda i: (0, 0))
    return pl.pallas_call(
        body,
        grid=(NPAD // RB,),
        in_specs=[
            pl.BlockSpec((NC, RB, D), lambda i: (0, i, 0)),
            pl.BlockSpec((RB, D), lambda i: (i, 0)),
            pl.BlockSpec((RB, 1), lambda i: (i, 0)),
            vec, vec, vec, vec, vec,
            pl.BlockSpec((D, D), lambda i: (0, 0)),
        ],
        out_specs=pl.BlockSpec((RB, D), lambda i: (i, 0)),
        out_shape=jax.ShapeDtypeStruct((NPAD, D), jnp.float32),
    )(p, y, dinv, b, bnw, bnb, bnm, bnv, w2t)


def _tc_final(p, y, dinv, b, bnw, bnb, bnm, bnv, hw, hb):

    def body(p_ref, y_ref, d_ref, b_ref, w_ref, bb_ref, m_ref, v_ref,
             hw_ref, hb_ref, o_ref):
        agg = (p_ref[0] + p_ref[1] + y_ref[...]) * d_ref[...]
        pre = agg + b_ref[...]
        h = (pre - m_ref[...]) / jnp.sqrt(v_ref[...] + EPS) * w_ref[...] + bb_ref[...]
        h = jnp.maximum(h, 0.0)
        logit = jnp.sum(h * hw_ref[...], axis=1, keepdims=True) + hb_ref[...]
        o_ref[...] = jax.nn.sigmoid(logit)

    vec = pl.BlockSpec((1, D), lambda i: (0, 0))
    return pl.pallas_call(
        body,
        grid=(NPAD // RB,),
        in_specs=[
            pl.BlockSpec((NC, RB, D), lambda i: (0, i, 0)),
            pl.BlockSpec((RB, D), lambda i: (i, 0)),
            pl.BlockSpec((RB, 1), lambda i: (i, 0)),
            vec, vec, vec, vec, vec,
            vec,
            pl.BlockSpec((1, 1), lambda i: (0, 0)),
        ],
        out_specs=pl.BlockSpec((RB, 1), lambda i: (i, 0)),
        out_shape=jax.ShapeDtypeStruct((NPAD, 1), jnp.float32),
    )(p, y, dinv, b, bnw, bnb, bnm, bnv, hw, hb)


def kernel(x, edge_index, W1, b1, bn1_weight, bn1_bias, bn1_mean, bn1_var,
           W2, b2, bn2_weight, bn2_bias, bn2_mean, bn2_var, head_W, head_b):
    ei = edge_index.astype(jnp.int32)
    pad = jnp.arange(EPAD - E, dtype=jnp.int32) % (NPAD - N) + N
    src3 = jnp.concatenate([ei[0], pad]).reshape(NW, KPT, CH)
    dst3 = jnp.concatenate([ei[1], pad]).reshape(NW, KPT, CH)
    dst3d = jnp.concatenate([ei[1], pad]).reshape(NW, DEGK, DEGCH)
    xp = jnp.zeros((NPAD, D), jnp.float32).at[:N].set(x)
    zrows = jnp.zeros((RPT, D), jnp.float32)
    zrow = jnp.zeros((RPT,), jnp.float32)
    ones = jnp.ones((DEGCH,), jnp.float32)
    w1t = W1.T
    w2t = W2.T
    row = lambda v: v.reshape(1, D)

    hist = _sc_deg(dst3d, zrow, ones)
    y1, dinv = _tc_prep(hist, xp, w1t)
    p1 = _sc_agg(y1, src3, dst3, zrows)
    y2 = _tc_mid(p1, y1, dinv, row(b1), row(bn1_weight), row(bn1_bias),
                 row(bn1_mean), row(bn1_var), w2t)
    p2 = _sc_agg(y2, src3, dst3, zrows)
    out = _tc_final(p2, y2, dinv, row(b2), row(bn2_weight), row(bn2_bias),
                    row(bn2_mean), row(bn2_var), row(head_W),
                    head_b.reshape(1, 1))
    return out[:N]

# --- scband reference (transcript-rebuilt; emitter-appended) ---
"""Pipeline reference for scband-legal-gcn-4303557230748 (READ-ONLY COPY).

The authoritative reference and input builder live on the scoring server;
editing this copy changes nothing except your own understanding.
"""

import jax, jax.numpy as jnp
import numpy as np

N = 10000
E = 320000
D_IN = 128
D_H = 128
EPS = 1e-5


def setup_inputs(seed: int = 0) -> dict:
    key = jax.random.key(seed)
    ks = jax.random.split(key, 16)
    x = jax.random.normal(ks[0], (N, D_IN), dtype=jnp.float32)
    edge_index = jax.random.randint(ks[1], (2, E), 0, N)
    s1 = 1.0 / np.sqrt(D_IN)
    W1 = jax.random.uniform(ks[2], (D_H, D_IN), minval=-s1, maxval=s1, dtype=jnp.float32)
    b1 = jax.random.uniform(ks[3], (D_H,), minval=-s1, maxval=s1, dtype=jnp.float32)
    s2 = 1.0 / np.sqrt(D_H)
    W2 = jax.random.uniform(ks[4], (D_H, D_H), minval=-s2, maxval=s2, dtype=jnp.float32)
    b2 = jax.random.uniform(ks[5], (D_H,), minval=-s2, maxval=s2, dtype=jnp.float32)
    head_W = jax.random.uniform(ks[6], (1, D_H), minval=-s2, maxval=s2, dtype=jnp.float32)
    head_b = jax.random.uniform(ks[7], (1,), minval=-s2, maxval=s2, dtype=jnp.float32)
    bn1_weight = jnp.ones((D_H,), dtype=jnp.float32)
    bn1_bias = jnp.zeros((D_H,), dtype=jnp.float32)
    bn1_mean = jnp.zeros((D_H,), dtype=jnp.float32)
    bn1_var = jnp.ones((D_H,), dtype=jnp.float32)
    bn2_weight = jnp.ones((D_H,), dtype=jnp.float32)
    bn2_bias = jnp.zeros((D_H,), dtype=jnp.float32)
    bn2_mean = jnp.zeros((D_H,), dtype=jnp.float32)
    bn2_var = jnp.ones((D_H,), dtype=jnp.float32)
    return {"x": x, "edge_index": edge_index, "W1": W1, "b1": b1,
            "bn1_weight": bn1_weight, "bn1_bias": bn1_bias, "bn1_mean": bn1_mean, "bn1_var": bn1_var,
            "W2": W2, "b2": b2,
            "bn2_weight": bn2_weight, "bn2_bias": bn2_bias, "bn2_mean": bn2_mean, "bn2_var": bn2_var,
            "head_W": head_W, "head_b": head_b}


def _gcn_conv(x, src, dst, norm, W, b):
    # GCNConv: linear transform, then normalized scatter-add aggregation, then bias
    xw = x @ W.T
    msg = xw[src] * norm[:, None]
    out = jnp.zeros((N, W.shape[0]), dtype=x.dtype).at[dst].add(msg)
    return out + b


def _sym_norm(edge_index):
    # add self-loops and compute D^{-1/2} A_hat D^{-1/2} edge weights
    loop = jnp.arange(N)
    src = jnp.concatenate([edge_index[0], loop])
    dst = jnp.concatenate([edge_index[1], loop])
    deg = jnp.zeros((N,), dtype=jnp.float32).at[dst].add(1.0)
    dinv = jnp.where(deg > 0, 1.0 / jnp.sqrt(deg), 0.0)
    norm = dinv[src] * dinv[dst]
    return src, dst, norm


def _bn_eval(h, weight, bias, mean, var):
    return (h - mean) / jnp.sqrt(var + EPS) * weight + bias


def reference(x, edge_index, W1, b1, bn1_weight, bn1_bias, bn1_mean, bn1_var,
              W2, b2, bn2_weight, bn2_bias, bn2_mean, bn2_var, head_W, head_b):
    src, dst, norm = _sym_norm(edge_index)
    h = _gcn_conv(x, src, dst, norm, W1, b1)
    h = _bn_eval(h, bn1_weight, bn1_bias, bn1_mean, bn1_var)
    h = jax.nn.relu(h)
    # dropout is identity in eval mode
    h = _gcn_conv(h, src, dst, norm, W2, b2)
    h = _bn_eval(h, bn2_weight, bn2_bias, bn2_mean, bn2_var)
    h = jax.nn.relu(h)
    out = jax.nn.sigmoid(h @ head_W.T + head_b)
    return out

if __name__ == "__main__":
    import jax
    _d = setup_inputs()
    print(jax.jit(kernel)(*tuple(_d.values())))

</pallas_src>

<mosaic_0001>
#map = affine_map<(d0, d1) -> (0, 0, 0)>
#map1 = affine_map<(d0, d1) -> (0)>
#map2 = affine_map<(d0, d1) -> (0, 0)>
module attributes {stable_mosaic.version = 14 : i64} {
  func.func @k(%arg0: i32, %arg1: i32, %arg2: memref<32x80x128xi32, #tpu.memory_space<hbm>>, %arg3: memref<640xf32, #tpu.memory_space<hbm>>, %arg4: memref<128xf32, #tpu.memory_space<hbm>>, %arg5: memref<2x10240xf32, #tpu.memory_space<hbm>>, %arg6: memref<80x128xi32, #tpu.memory_space<vmem>>, %arg7: memref<128xf32, #tpu.memory_space<vmem>>, %arg8: memref<10240xf32, #tpu.memory_space<vmem_shared>>, %arg9: memref<!tpu.dma_semaphore, #tpu.memory_space<semaphore_mem>>) attributes {dimension_semantics = [#tpu.dimension_semantics<core_parallel>, #tpu.dimension_semantics<subcore_parallel>], iteration_bounds = array<i64: 2, 16>, scalar_prefetch = 0 : i64, scratch_operands = 4 : i64, tpu.core_type = #tpu.core_type<sc_vector_subcore>, window_params = [{transform_indices = #map}, {transform_indices = #map1}, {transform_indices = #map1}, {transform_indices = #map2}]} {
    %mul3A = arith.constant 16 : i32
    %mul3A_0 = arith.muli %arg0, %mul3A : i32
    %add3A = arith.addi %mul3A_0, %arg1 : i32
    %mul3A_1 = arith.constant 640 : i32
    %mul3A_2 = arith.muli %arg1, %mul3A_1 : i32
    "tpu.region"() ({
      %run_scoped3A = tpu.sem_alloc : memref<!tpu.dma_semaphore, #tpu.memory_space<semaphore_mem>>
      %dma_start3A = tpu.memref_slice %arg8[%mul3A_2] : memref<10240xf32, #tpu.memory_space<vmem_shared>> -> memref<640xf32, #tpu.memory_space<vmem_shared>>
      tpu.enqueue_dma source(%arg3 : memref<640xf32, #tpu.memory_space<hbm>>) target(%dma_start3A : memref<640xf32, #tpu.memory_space<vmem_shared>>) target_semaphore(%run_scoped3A : memref<!tpu.dma_semaphore, #tpu.memory_space<semaphore_mem>>)
      %dma_wait3A = tpu.memref_slice %arg8[%mul3A_2] : memref<10240xf32, #tpu.memory_space<vmem_shared>> -> memref<640xf32, #tpu.memory_space<vmem_shared>>
      tpu.wait_dma2 semaphore(%run_scoped3A : memref<!tpu.dma_semaphore, #tpu.memory_space<semaphore_mem>>) src(%arg3 : memref<640xf32, #tpu.memory_space<hbm>>) dst(%dma_wait3A : memref<640xf32, #tpu.memory_space<vmem_shared>>)
      tpu.yield
    }) : () -> ()
    "tpu.region"() ({
      %run_scoped3A = tpu.sem_alloc : memref<!tpu.dma_semaphore, #tpu.memory_space<semaphore_mem>>
      tpu.enqueue_dma source(%arg4 : memref<128xf32, #tpu.memory_space<hbm>>) target(%arg7 : memref<128xf32, #tpu.memory_space<vmem>>) target_semaphore(%run_scoped3A : memref<!tpu.dma_semaphore, #tpu.memory_space<semaphore_mem>>)
      tpu.wait_dma2 semaphore(%run_scoped3A : memref<!tpu.dma_semaphore, #tpu.memory_space<semaphore_mem>>) src(%arg4 : memref<128xf32, #tpu.memory_space<hbm>>) dst(%arg7 : memref<128xf32, #tpu.memory_space<vmem>>)
      tpu.yield
    }) : () -> ()
    "tpu.region"() ({
      %run_scoped3A = tpu.sem_alloc : memref<!tpu.dma_semaphore, #tpu.memory_space<semaphore_mem>>
      %dma_start3A = arith.constant 0 : i32
      %dma_start3A_13 = arith.constant 0 : i32
      %dma_start3A_14 = tpu.memref_slice %arg2[%add3A, %dma_start3A, %dma_start3A_13] : memref<32x80x128xi32, #tpu.memory_space<hbm>> -> memref<1x80x128xi32, #tpu.memory_space<hbm>>
      %dma_start3A_15 = tpu.memref_squeeze %dma_start3A_14 : memref<1x80x128xi32, #tpu.memory_space<hbm>> -> memref<80x128xi32, #tpu.memory_space<hbm>>
      %dma_start3A_16 = arith.constant 0 : i32
      %dma_start3A_17 = arith.constant 0 : i32
      %dma_start3A_18 = tpu.memref_slice %arg2[%add3A, %dma_start3A_16, %dma_start3A_17] : memref<32x80x128xi32, #tpu.memory_space<hbm>> -> memref<1x80x128xi32, #tpu.memory_space<hbm>>
      %dma_start3A_19 = tpu.memref_squeeze %dma_start3A_18 : memref<1x80x128xi32, #tpu.memory_space<hbm>> -> memref<80x128xi32, #tpu.memory_space<hbm>>
      tpu.enqueue_dma source(%dma_start3A_19 : memref<80x128xi32, #tpu.memory_space<hbm>>) target(%arg6 : memref<80x128xi32, #tpu.memory_space<vmem>>) target_semaphore(%run_scoped3A : memref<!tpu.dma_semaphore, #tpu.memory_space<semaphore_mem>>)
      %dma_wait3A = arith.constant 0 : i32
      %dma_wait3A_20 = arith.constant 0 : i32
      %dma_wait3A_21 = tpu.memref_slice %arg2[%add3A, %dma_wait3A, %dma_wait3A_20] : memref<32x80x128xi32, #tpu.memory_space<hbm>> -> memref<1x80x128xi32, #tpu.memory_space<hbm>>
      %dma_wait3A_22 = tpu.memref_squeeze %dma_wait3A_21 : memref<1x80x128xi32, #tpu.memory_space<hbm>> -> memref<80x128xi32, #tpu.memory_space<hbm>>
      %dma_wait3A_23 = arith.constant 0 : i32
      %dma_wait3A_24 = arith.constant 0 : i32
      %dma_wait3A_25 = tpu.memref_slice %arg2[%add3A, %dma_wait3A_23, %dma_wait3A_24] : memref<32x80x128xi32, #tpu.memory_space<hbm>> -> memref<1x80x128xi32, #tpu.memory_space<hbm>>
      %dma_wait3A_26 = tpu.memref_squeeze %dma_wait3A_25 : memref<1x80x128xi32, #tpu.memory_space<hbm>> -> memref<80x128xi32, #tpu.memory_space<hbm>>
      tpu.wait_dma2 semaphore(%run_scoped3A : memref<!tpu.dma_semaphore, #tpu.memory_space<semaphore_mem>>) src(%dma_wait3A_26 : memref<80x128xi32, #tpu.memory_space<hbm>>) dst(%arg6 : memref<80x128xi32, #tpu.memory_space<vmem>>)
      tpu.yield
    }) : () -> ()
    %barrier3A = arith.constant 0 : index
    tpu.barrier barrier_id(%barrier3A)
    %scan3A = arith.constant 0 : i32
    %scan3A_3 = arith.constant 0 : i32
    %scan3A_4 = arith.constant 10 : i32
    %scan3A_5 = arith.addi %scan3A_3, %scan3A_4 : i32
    %scan3A_6 = arith.constant 1 : i32
    scf.for %scan3A_13 = %scan3A_3 to %scan3A_5 step %scan3A_6  : i32 {
      %mul3A_14 = arith.constant 8 : i32
      %mul3A_15 = arith.muli %scan3A_13, %mul3A_14 : i32
      %add3A_16 = arith.constant 0 : i32
      %add3A_17 = arith.addi %mul3A_15, %add3A_16 : i32
      %dma_start3A = arith.constant 0 : i32
      %dma_start3A_18 = tpu.memref_slice %arg6[%add3A_17, %dma_start3A] : memref<80x128xi32, #tpu.memory_space<vmem>> -> memref<1x128xi32, #tpu.memory_space<vmem>>
      %dma_start3A_19 = tpu.memref_squeeze %dma_start3A_18 : memref<1x128xi32, #tpu.memory_space<vmem>> -> memref<128xi32, #tpu.memory_space<vmem>>
      %dma_start3A_20 = arith.constant 0 : i32
      %dma_start3A_21 = tpu.memref_slice %arg8[%dma_start3A_20] : memref<10240xf32, #tpu.memory_space<vmem_shared>> -> memref<10240xf32, #tpu.memory_space<vmem_shared>>
      tpu.enqueue_indirect_dma source(%arg7 : memref<128xf32, #tpu.memory_space<vmem>>) target(%dma_start3A_21 : memref<10240xf32, #tpu.memory_space<vmem_shared>>) offsets(%dma_start3A_19 : memref<128xi32, #tpu.memory_space<vmem>>) semaphore(%arg9 : memref<!tpu.dma_semaphore, #tpu.memory_space<semaphore_mem>>) {add = true}
      %add3A_22 = arith.constant 1 : i32
      %add3A_23 = arith.addi %mul3A_15, %add3A_22 : i32
      %dma_start3A_24 = arith.constant 0 : i32
      %dma_start3A_25 = tpu.memref_slice %arg6[%add3A_23, %dma_start3A_24] : memref<80x128xi32, #tpu.memory_space<vmem>> -> memref<1x128xi32, #tpu.memory_space<vmem>>
      %dma_start3A_26 = tpu.memref_squeeze %dma_start3A_25 : memref<1x128xi32, #tpu.memory_space<vmem>> -> memref<128xi32, #tpu.memory_space<vmem>>
      %dma_start3A_27 = arith.constant 0 : i32
      %dma_start3A_28 = tpu.memref_slice %arg8[%dma_start3A_27] : memref<10240xf32, #tpu.memory_space<vmem_shared>> -> memref<10240xf32, #tpu.memory_space<vmem_shared>>
      tpu.enqueue_indirect_dma source(%arg7 : memref<128xf32, #tpu.memory_space<vmem>>) target(%dma_start3A_28 : memref<10240xf32, #tpu.memory_space<vmem_shared>>) offsets(%dma_start3A_26 : memref<128xi32, #tpu.memory_space<vmem>>) semaphore(%arg9 : memref<!tpu.dma_semaphore, #tpu.memory_space<semaphore_mem>>) {add = true}
      %add3A_29 = arith.constant 2 : i32
      %add3A_30 = arith.addi %mul3A_15, %add3A_29 : i32
      %dma_start3A_31 = arith.constant 0 : i32
      %dma_start3A_32 = tpu.memref_slice %arg6[%add3A_30, %dma_start3A_31] : memref<80x128xi32, #tpu.memory_space<vmem>> -> memref<1x128xi32, #tpu.memory_space<vmem>>
      %dma_start3A_33 = tpu.memref_squeeze %dma_start3A_32 : memref<1x128xi32, #tpu.memory_space<vmem>> -> memref<128xi32, #tpu.memory_space<vmem>>
      %dma_start3A_34 = arith.constant 0 : i32
      %dma_start3A_35 = tpu.memref_slice %arg8[%dma_start3A_34] : memref<10240xf32, #tpu.memory_space<vmem_shared>> -> memref<10240xf32, #tpu.memory_space<vmem_shared>>
      tpu.enqueue_indirect_dma source(%arg7 : memref<128xf32, #tpu.memory_space<vmem>>) target(%dma_start3A_35 : memref<10240xf32, #tpu.memory_space<vmem_shared>>) offsets(%dma_start3A_33 : memref<128xi32, #tpu.memory_space<vmem>>) semaphore(%arg9 : memref<!tpu.dma_semaphore, #tpu.memory_space<semaphore_mem>>) {add = true}
      %add3A_36 = arith.constant 3 : i32
      %add3A_37 = arith.addi %mul3A_15, %add3A_36 : i32
      %dma_start3A_38 = arith.constant 0 : i32
      %dma_start3A_39 = tpu.memref_slice %arg6[%add3A_37, %dma_start3A_38] : memref<80x128xi32, #tpu.memory_space<vmem>> -> memref<1x128xi32, #tpu.memory_space<vmem>>
      %dma_start3A_40 = tpu.memref_squeeze %dma_start3A_39 : memref<1x128xi32, #tpu.memory_space<vmem>> -> memref<128xi32, #tpu.memory_space<vmem>>
      %dma_start3A_41 = arith.constant 0 : i32
      %dma_start3A_42 = tpu.memref_slice %arg8[%dma_start3A_41] : memref<10240xf32, #tpu.memory_space<vmem_shared>> -> memref<10240xf32, #tpu.memory_space<vmem_shared>>
      tpu.enqueue_indirect_dma source(%arg7 : memref<128xf32, #tpu.memory_space<vmem>>) target(%dma_start3A_42 : memref<10240xf32, #tpu.memory_space<vmem_shared>>) offsets(%dma_start3A_40 : memref<128xi32, #tpu.memory_space<vmem>>) semaphore(%arg9 : memref<!tpu.dma_semaphore, #tpu.memory_space<semaphore_mem>>) {add = true}
      %add3A_43 = arith.constant 4 : i32
      %add3A_44 = arith.addi %mul3A_15, %add3A_43 : i32
      %dma_start3A_45 = arith.constant 0 : i32
      %dma_start3A_46 = tpu.memref_slice %arg6[%add3A_44, %dma_start3A_45] : memref<80x128xi32, #tpu.memory_space<vmem>> -> memref<1x128xi32, #tpu.memory_space<vmem>>
      %dma_start3A_47 = tpu.memref_squeeze %dma_start3A_46 : memref<1x128xi32, #tpu.memory_space<vmem>> -> memref<128xi32, #tpu.memory_space<vmem>>
      %dma_start3A_48 = arith.constant 0 : i32
      %dma_start3A_49 = tpu.memref_slice %arg8[%dma_start3A_48] : memref<10240xf32, #tpu.memory_space<vmem_shared>> -> memref<10240xf32, #tpu.memory_space<vmem_shared>>
      tpu.enqueue_indirect_dma source(%arg7 : memref<128xf32, #tpu.memory_space<vmem>>) target(%dma_start3A_49 : memref<10240xf32, #tpu.memory_space<vmem_shared>>) offsets(%dma_start3A_47 : memref<128xi32, #tpu.memory_space<vmem>>) semaphore(%arg9 : memref<!tpu.dma_semaphore, #tpu.memory_space<semaphore_mem>>) {add = true}
      %add3A_50 = arith.constant 5 : i32
      %add3A_51 = arith.addi %mul3A_15, %add3A_50 : i32
      %dma_start3A_52 = arith.constant 0 : i32
      %dma_start3A_53 = tpu.memref_slice %arg6[%add3A_51, %dma_start3A_52] : memref<80x128xi32, #tpu.memory_space<vmem>> -> memref<1x128xi32, #tpu.memory_space<vmem>>
      %dma_start3A_54 = tpu.memref_squeeze %dma_start3A_53 : memref<1x128xi32, #tpu.memory_space<vmem>> -> memref<128xi32, #tpu.memory_space<vmem>>
      %dma_start3A_55 = arith.constant 0 : i32
      %dma_start3A_56 = tpu.memref_slice %arg8[%dma_start3A_55] : memref<10240xf32, #tpu.memory_space<vmem_shared>> -> memref<10240xf32, #tpu.memory_space<vmem_shared>>
      tpu.enqueue_indirect_dma source(%arg7 : memref<128xf32, #tpu.memory_space<vmem>>) target(%dma_start3A_56 : memref<10240xf32, #tpu.memory_space<vmem_shared>>) offsets(%dma_start3A_54 : memref<128xi32, #tpu.memory_space<vmem>>) semaphore(%arg9 : memref<!tpu.dma_semaphore, #tpu.memory_space<semaphore_mem>>) {add = true}
      %add3A_57 = arith.constant 6 : i32
      %add3A_58 = arith.addi %mul3A_15, %add3A_57 : i32
      %dma_start3A_59 = arith.constant 0 : i32
      %dma_start3A_60 = tpu.memref_slice %arg6[%add3A_58, %dma_start3A_59] : memref<80x128xi32, #tpu.memory_space<vmem>> -> memref<1x128xi32, #tpu.memory_space<vmem>>
      %dma_start3A_61 = tpu.memref_squeeze %dma_start3A_60 : memref<1x128xi32, #tpu.memory_space<vmem>> -> memref<128xi32, #tpu.memory_space<vmem>>
      %dma_start3A_62 = arith.constant 0 : i32
      %dma_start3A_63 = tpu.memref_slice %arg8[%dma_start3A_62] : memref<10240xf32, #tpu.memory_space<vmem_shared>> -> memref<10240xf32, #tpu.memory_space<vmem_shared>>
      tpu.enqueue_indirect_dma source(%arg7 : memref<128xf32, #tpu.memory_space<vmem>>) target(%dma_start3A_63 : memref<10240xf32, #tpu.memory_space<vmem_shared>>) offsets(%dma_start3A_61 : memref<128xi32, #tpu.memory_space<vmem>>) semaphore(%arg9 : memref<!tpu.dma_semaphore, #tpu.memory_space<semaphore_mem>>) {add = true}
      %add3A_64 = arith.constant 7 : i32
      %add3A_65 = arith.addi %mul3A_15, %add3A_64 : i32
      %dma_start3A_66 = arith.constant 0 : i32
      %dma_start3A_67 = tpu.memref_slice %arg6[%add3A_65, %dma_start3A_66] : memref<80x128xi32, #tpu.memory_space<vmem>> -> memref<1x128xi32, #tpu.memory_space<vmem>>
      %dma_start3A_68 = tpu.memref_squeeze %dma_start3A_67 : memref<1x128xi32, #tpu.memory_space<vmem>> -> memref<128xi32, #tpu.memory_space<vmem>>
      %dma_start3A_69 = arith.constant 0 : i32
      %dma_start3A_70 = tpu.memref_slice %arg8[%dma_start3A_69] : memref<10240xf32, #tpu.memory_space<vmem_shared>> -> memref<10240xf32, #tpu.memory_space<vmem_shared>>
      tpu.enqueue_indirect_dma source(%arg7 : memref<128xf32, #tpu.memory_space<vmem>>) target(%dma_start3A_70 : memref<10240xf32, #tpu.memory_space<vmem_shared>>) offsets(%dma_start3A_68 : memref<128xi32, #tpu.memory_space<vmem>>) semaphore(%arg9 : memref<!tpu.dma_semaphore, #tpu.memory_space<semaphore_mem>>) {add = true}
      %dma_wait3A = arith.constant 0 : i32
      %dma_wait3A_71 = arith.constant 0 : i32
      %dma_wait3A_72 = tpu.memref_slice %arg6[%dma_wait3A, %dma_wait3A_71] : memref<80x128xi32, #tpu.memory_space<vmem>> -> memref<1x128xi32, #tpu.memory_space<vmem>>
      %dma_wait3A_73 = tpu.memref_squeeze %dma_wait3A_72 : memref<1x128xi32, #tpu.memory_space<vmem>> -> memref<128xi32, #tpu.memory_space<vmem>>
      %dma_wait3A_74 = arith.constant 0 : i32
      %dma_wait3A_75 = tpu.memref_slice %arg8[%dma_wait3A_74] : memref<10240xf32, #tpu.memory_space<vmem_shared>> -> memref<10240xf32, #tpu.memory_space<vmem_shared>>
      tpu.wait_indirect_dma semaphore(%arg9 : memref<!tpu.dma_semaphore, #tpu.memory_space<semaphore_mem>>) src(%arg7 : memref<128xf32, #tpu.memory_space<vmem>>) dst(%dma_wait3A_75 : memref<10240xf32, #tpu.memory_space<vmem_shared>>)
      %dma_wait3A_76 = arith.constant 0 : i32
      %dma_wait3A_77 = arith.constant 0 : i32
      %dma_wait3A_78 = tpu.memref_slice %arg6[%dma_wait3A_76, %dma_wait3A_77] : memref<80x128xi32, #tpu.memory_space<vmem>> -> memref<1x128xi32, #tpu.memory_space<vmem>>
      %dma_wait3A_79 = tpu.memref_squeeze %dma_wait3A_78 : memref<1x128xi32, #tpu.memory_space<vmem>> -> memref<128xi32, #tpu.memory_space<vmem>>
      %dma_wait3A_80 = arith.constant 0 : i32
      %dma_wait3A_81 = tpu.memref_slice %arg8[%dma_wait3A_80] : memref<10240xf32, #tpu.memory_space<vmem_shared>> -> memref<10240xf32, #tpu.memory_space<vmem_shared>>
      tpu.wait_indirect_dma semaphore(%arg9 : memref<!tpu.dma_semaphore, #tpu.memory_space<semaphore_mem>>) src(%arg7 : memref<128xf32, #tpu.memory_space<vmem>>) dst(%dma_wait3A_81 : memref<10240xf32, #tpu.memory_space<vmem_shared>>)
      %dma_wait3A_82 = arith.constant 0 : i32
      %dma_wait3A_83 = arith.constant 0 : i32
      %dma_wait3A_84 = tpu.memref_slice %arg6[%dma_wait3A_82, %dma_wait3A_83] : memref<80x128xi32, #tpu.memory_space<vmem>> -> memref<1x128xi32, #tpu.memory_space<vmem>>
      %dma_wait3A_85 = tpu.memref_squeeze %dma_wait3A_84 : memref<1x128xi32, #tpu.memory_space<vmem>> -> memref<128xi32, #tpu.memory_space<vmem>>
      %dma_wait3A_86 = arith.constant 0 : i32
      %dma_wait3A_87 = tpu.memref_slice %arg8[%dma_wait3A_86] : memref<10240xf32, #tpu.memory_space<vmem_shared>> -> memref<10240xf32, #tpu.memory_space<vmem_shared>>
      tpu.wait_indirect_dma semaphore(%arg9 : memref<!tpu.dma_semaphore, #tpu.memory_space<semaphore_mem>>) src(%arg7 : memref<128xf32, #tpu.memory_space<vmem>>) dst(%dma_wait3A_87 : memref<10240xf32, #tpu.memory_space<vmem_shared>>)
      %dma_wait3A_88 = arith.constant 0 : i32
      %dma_wait3A_89 = arith.constant 0 : i32
      %dma_wait3A_90 = tpu.memref_slice %arg6[%dma_wait3A_88, %dma_wait3A_89] : memref<80x128xi32, #tpu.memory_space<vmem>> -> memref<1x128xi32, #tpu.memory_space<vmem>>
      %dma_wait3A_91 = tpu.memref_squeeze %dma_wait3A_90 : memref<1x128xi32, #tpu.memory_space<vmem>> -> memref<128xi32, #tpu.memory_space<vmem>>
      %dma_wait3A_92 = arith.constant 0 : i32
      %dma_wait3A_93 = tpu.memref_slice %arg8[%dma_wait3A_92] : memref<10240xf32, #tpu.memory_space<vmem_shared>> -> memref<10240xf32, #tpu.memory_space<vmem_shared>>
      tpu.wait_indirect_dma semaphore(%arg9 : memref<!tpu.dma_semaphore, #tpu.memory_space<semaphore_mem>>) src(%arg7 : memref<128xf32, #tpu.memory_space<vmem>>) dst(%dma_wait3A_93 : memref<10240xf32, #tpu.memory_space<vmem_shared>>)
      %dma_wait3A_94 = arith.constant 0 : i32
      %dma_wait3A_95 = arith.constant 0 : i32
      %dma_wait3A_96 = tpu.memref_slice %arg6[%dma_wait3A_94, %dma_wait3A_95] : memref<80x128xi32, #tpu.memory_space<vmem>> -> memref<1x128xi32, #tpu.memory_space<vmem>>
      %dma_wait3A_97 = tpu.memref_squeeze %dma_wait3A_96 : memref<1x128xi32, #tpu.memory_space<vmem>> -> memref<128xi32, #tpu.memory_space<vmem>>
      %dma_wait3A_98 = arith.constant 0 : i32
      %dma_wait3A_99 = tpu.memref_slice %arg8[%dma_wait3A_98] : memref<10240xf32, #tpu.memory_space<vmem_shared>> -> memref<10240xf32, #tpu.memory_space<vmem_shared>>
      tpu.wait_indirect_dma semaphore(%arg9 : memref<!tpu.dma_semaphore, #tpu.memory_space<semaphore_mem>>) src(%arg7 : memref<128xf32, #tpu.memory_space<vmem>>) dst(%dma_wait3A_99 : memref<10240xf32, #tpu.memory_space<vmem_shared>>)
      %dma_wait3A_100 = arith.constant 0 : i32
      %dma_wait3A_101 = arith.constant 0 : i32
      %dma_wait3A_102 = tpu.memref_slice %arg6[%dma_wait3A_100, %dma_wait3A_101] : memref<80x128xi32, #tpu.memory_space<vmem>> -> memref<1x128xi32, #tpu.memory_space<vmem>>
      %dma_wait3A_103 = tpu.memref_squeeze %dma_wait3A_102 : memref<1x128xi32, #tpu.memory_space<vmem>> -> memref<128xi32, #tpu.memory_space<vmem>>
      %dma_wait3A_104 = arith.constant 0 : i32
      %dma_wait3A_105 = tpu.memref_slice %arg8[%dma_wait3A_104] : memref<10240xf32, #tpu.memory_space<vmem_shared>> -> memref<10240xf32, #tpu.memory_space<vmem_shared>>
      tpu.wait_indirect_dma semaphore(%arg9 : memref<!tpu.dma_semaphore, #tpu.memory_space<semaphore_mem>>) src(%arg7 : memref<128xf32, #tpu.memory_space<vmem>>) dst(%dma_wait3A_105 : memref<10240xf32, #tpu.memory_space<vmem_shared>>)
      %dma_wait3A_106 = arith.constant 0 : i32
      %dma_wait3A_107 = arith.constant 0 : i32
      %dma_wait3A_108 = tpu.memref_slice %arg6[%dma_wait3A_106, %dma_wait3A_107] : memref<80x128xi32, #tpu.memory_space<vmem>> -> memref<1x128xi32, #tpu.memory_space<vmem>>
      %dma_wait3A_109 = tpu.memref_squeeze %dma_wait3A_108 : memref<1x128xi32, #tpu.memory_space<vmem>> -> memref<128xi32, #tpu.memory_space<vmem>>
      %dma_wait3A_110 = arith.constant 0 : i32
      %dma_wait3A_111 = tpu.memref_slice %arg8[%dma_wait3A_110] : memref<10240xf32, #tpu.memory_space<vmem_shared>> -> memref<10240xf32, #tpu.memory_space<vmem_shared>>
      tpu.wait_indirect_dma semaphore(%arg9 : memref<!tpu.dma_semaphore, #tpu.memory_space<semaphore_mem>>) src(%arg7 : memref<128xf32, #tpu.memory_space<vmem>>) dst(%dma_wait3A_111 : memref<10240xf32, #tpu.memory_space<vmem_shared>>)
      %dma_wait3A_112 = arith.constant 0 : i32
      %dma_wait3A_113 = arith.constant 0 : i32
      %dma_wait3A_114 = tpu.memref_slice %arg6[%dma_wait3A_112, %dma_wait3A_113] : memref<80x128xi32, #tpu.memory_space<vmem>> -> memref<1x128xi32, #tpu.memory_space<vmem>>
      %dma_wait3A_115 = tpu.memref_squeeze %dma_wait3A_114 : memref<1x128xi32, #tpu.memory_space<vmem>> -> memref<128xi32, #tpu.memory_space<vmem>>
      %dma_wait3A_116 = arith.constant 0 : i32
      %dma_wait3A_117 = tpu.memref_slice %arg8[%dma_wait3A_116] : memref<10240xf32, #tpu.memory_space<vmem_shared>> -> memref<10240xf32, #tpu.memory_space<vmem_shared>>
      tpu.wait_indirect_dma semaphore(%arg9 : memref<!tpu.dma_semaphore, #tpu.memory_space<semaphore_mem>>) src(%arg7 : memref<128xf32, #tpu.memory_space<vmem>>) dst(%dma_wait3A_117 : memref<10240xf32, #tpu.memory_space<vmem_shared>>)
    }
    %scan3A_7 = arith.constant 10 : i32
    %barrier3A_8 = arith.constant 0 : index
    tpu.barrier barrier_id(%barrier3A_8)
    %mul3A_9 = arith.constant 640 : i32
    %mul3A_10 = arith.muli %arg1, %mul3A_9 : i32
    %mul3A_11 = arith.constant 640 : i32
    %mul3A_12 = arith.muli %arg1, %mul3A_11 : i32
    "tpu.region"() ({
      %run_scoped3A = tpu.sem_alloc : memref<!tpu.dma_semaphore, #tpu.memory_space<semaphore_mem>>
      %dma_start3A = tpu.memref_slice %arg5[%arg0, %mul3A_12] : memref<2x10240xf32, #tpu.memory_space<hbm>> -> memref<1x640xf32, #tpu.memory_space<hbm>>
      %dma_start3A_13 = tpu.memref_squeeze %dma_start3A : memref<1x640xf32, #tpu.memory_space<hbm>> -> memref<640xf32, #tpu.memory_space<hbm>>
      %dma_start3A_14 = tpu.memref_slice %arg8[%mul3A_10] : memref<10240xf32, #tpu.memory_space<vmem_shared>> -> memref<640xf32, #tpu.memory_space<vmem_shared>>
      tpu.enqueue_dma source(%dma_start3A_14 : memref<640xf32, #tpu.memory_space<vmem_shared>>) target(%dma_start3A_13 : memref<640xf32, #tpu.memory_space<hbm>>) target_semaphore(%run_scoped3A : memref<!tpu.dma_semaphore, #tpu.memory_space<semaphore_mem>>)
      %dma_wait3A = tpu.memref_slice %arg5[%arg0, %mul3A_12] : memref<2x10240xf32, #tpu.memory_space<hbm>> -> memref<1x640xf32, #tpu.memory_space<hbm>>
      %dma_wait3A_15 = tpu.memref_squeeze %dma_wait3A : memref<1x640xf32, #tpu.memory_space<hbm>> -> memref<640xf32, #tpu.memory_space<hbm>>
      %dma_wait3A_16 = tpu.memref_slice %arg8[%mul3A_10] : memref<10240xf32, #tpu.memory_space<vmem_shared>> -> memref<640xf32, #tpu.memory_space<vmem_shared>>
      tpu.wait_dma2 semaphore(%run_scoped3A : memref<!tpu.dma_semaphore, #tpu.memory_space<semaphore_mem>>) src(%dma_wait3A_16 : memref<640xf32, #tpu.memory_space<vmem_shared>>) dst(%dma_wait3A_15 : memref<640xf32, #tpu.memory_space<hbm>>)
      tpu.yield
    }) : () -> ()
    return
  }
}

#map = affine_map<(d0, d1) -> (0, 0)>
#map1 = affine_map<(d0, d1) -> (0, 0, 0)>
module attributes {stable_mosaic.version = 14 : i64} {
  func.func @k(%arg0: i32, %arg1: i32, %arg2: memref<10240x128xf32, #tpu.memory_space<hbm>>, %arg3: memref<32x160x64xi32, #tpu.memory_space<hbm>>, %arg4: memref<32x160x64xi32, #tpu.memory_space<hbm>>, %arg5: memref<640x128xf32, #tpu.memory_space<hbm>>, %arg6: memref<2x10240x128xf32, #tpu.memory_space<hbm>>, %arg7: memref<40x64xi32, #tpu.memory_space<vmem>>, %arg8: memref<40x64xi32, #tpu.memory_space<vmem>>, %arg9: memref<2x64x128xf32, #tpu.memory_space<vmem>>, %arg10: memref<2x64x128xf32, #tpu.memory_space<vmem>>, %arg11: memref<10240x128xf32, #tpu.memory_space<vmem_shared>>, %arg12: memref<!tpu.dma_semaphore, #tpu.memory_space<semaphore_mem>>, %arg13: memref<!tpu.dma_semaphore, #tpu.memory_space<semaphore_mem>>, %arg14: memref<!tpu.dma_semaphore, #tpu.memory_space<semaphore_mem>>, %arg15: memref<!tpu.dma_semaphore, #tpu.memory_space<semaphore_mem>>) attributes {dimension_semantics = [#tpu.dimension_semantics<core_parallel>, #tpu.dimension_semantics<subcore_parallel>], iteration_bounds = array<i64: 2, 16>, scalar_prefetch = 0 : i64, scratch_operands = 9 : i64, tpu.core_type = #tpu.core_type<sc_vector_subcore>, window_params = [{transform_indices = #map}, {transform_indices = #map1}, {transform_indices = #map1}, {transform_indices = #map}, {transform_indices = #map1}]} {
    %mul3A = arith.constant 16 : i32
    %mul3A_0 = arith.muli %arg0, %mul3A : i32
    %add3A = arith.addi %mul3A_0, %arg1 : i32
    "tpu.region"() ({
      %run_scoped3A = tpu.sem_alloc : memref<!tpu.dma_semaphore, #tpu.memory_space<semaphore_mem>>
      %dma_start3A_317 = arith.constant 0 : i32
      %dma_start3A_318 = arith.constant 0 : i32
      %dma_start3A_319 = tpu.memref_slice %arg3[%add3A, %dma_start3A_317, %dma_start3A_318] : memref<32x160x64xi32, #tpu.memory_space<hbm>> -> memref<1x40x64xi32, #tpu.memory_space<hbm>>
      %dma_start3A_320 = tpu.memref_squeeze %dma_start3A_319 : memref<1x40x64xi32, #tpu.memory_space<hbm>> -> memref<40x64xi32, #tpu.memory_space<hbm>>
      %dma_start3A_321 = arith.constant 0 : i32
      %dma_start3A_322 = arith.constant 0 : i32
      %dma_start3A_323 = tpu.memref_slice %arg3[%add3A, %dma_start3A_321, %dma_start3A_322] : memref<32x160x64xi32, #tpu.memory_space<hbm>> -> memref<1x40x64xi32, #tpu.memory_space<hbm>>
      %dma_start3A_324 = tpu.memref_squeeze %dma_start3A_323 : memref<1x40x64xi32, #tpu.memory_space<hbm>> -> memref<40x64xi32, #tpu.memory_space<hbm>>
      tpu.enqueue_dma source(%dma_start3A_324 : memref<40x64xi32, #tpu.memory_space<hbm>>) target(%arg7 : memref<40x64xi32, #tpu.memory_space<vmem>>) target_semaphore(%run_scoped3A : memref<!tpu.dma_semaphore, #tpu.memory_space<semaphore_mem>>)
      %dma_wait3A_325 = arith.constant 0 : i32
      %dma_wait3A_326 = arith.constant 0 : i32
      %dma_wait3A_327 = tpu.memref_slice %arg3[%add3A, %dma_wait3A_325, %dma_wait3A_326] : memref<32x160x64xi32, #tpu.memory_space<hbm>> -> memref<1x40x64xi32, #tpu.memory_space<hbm>>
      %dma_wait3A_328 = tpu.memref_squeeze %dma_wait3A_327 : memref<1x40x64xi32, #tpu.memory_space<hbm>> -> memref<40x64xi32, #tpu.memory_space<hbm>>
      %dma_wait3A_329 = arith.constant 0 : i32
      %dma_wait3A_330 = arith.constant 0 : i32
      %dma_wait3A_331 = tpu.memref_slice %arg3[%add3A, %dma_wait3A_329, %dma_wait3A_330] : memref<32x160x64xi32, #tpu.memory_space<hbm>> -> memref<1x40x64xi32, #tpu.memory_space<hbm>>
      %dma_wait3A_332 = tpu.memref_squeeze %dma_wait3A_331 : memref<1x40x64xi32, #tpu.memory_space<hbm>> -> memref<40x64xi32, #tpu.memory_space<hbm>>
      tpu.wait_dma2 semaphore(%run_scoped3A : memref<!tpu.dma_semaphore, #tpu.memory_space<semaphore_mem>>) src(%dma_wait3A_332 : memref<40x64xi32, #tpu.memory_space<hbm>>) dst(%arg7 : memref<40x64xi32, #tpu.memory_space<vmem>>)
      tpu.yield
    }) : () -> ()
    "tpu.region"() ({
      %run_scoped3A = tpu.sem_alloc : memref<!tpu.dma_semaphore, #tpu.memory_space<semaphore_mem>>
      %dma_start3A_317 = arith.constant 0 : i32
      %dma_start3A_318 = arith.constant 0 : i32
      %dma_start3A_319 = tpu.memref_slice %arg4[%add3A, %dma_start3A_317, %dma_start3A_318] : memref<32x160x64xi32, #tpu.memory_space<hbm>> -> memref<1x40x64xi32, #tpu.memory_space<hbm>>
      %dma_start3A_320 = tpu.memref_squeeze %dma_start3A_319 : memref<1x40x64xi32, #tpu.memory_space<hbm>> -> memref<40x64xi32, #tpu.memory_space<hbm>>
      %dma_start3A_321 = arith.constant 0 : i32
      %dma_start3A_322 = arith.constant 0 : i32
      %dma_start3A_323 = tpu.memref_slice %arg4[%add3A, %dma_start3A_321, %dma_start3A_322] : memref<32x160x64xi32, #tpu.memory_space<hbm>> -> memref<1x40x64xi32, #tpu.memory_space<hbm>>
      %dma_start3A_324 = tpu.memref_squeeze %dma_start3A_323 : memref<1x40x64xi32, #tpu.memory_space<hbm>> -> memref<40x64xi32, #tpu.memory_space<hbm>>
      tpu.enqueue_dma source(%dma_start3A_324 : memref<40x64xi32, #tpu.memory_space<hbm>>) target(%arg8 : memref<40x64xi32, #tpu.memory_space<vmem>>) target_semaphore(%run_scoped3A : memref<!tpu.dma_semaphore, #tpu.memory_space<semaphore_mem>>)
      %dma_wait3A_325 = arith.constant 0 : i32
      %dma_wait3A_326 = arith.constant 0 : i32
      %dma_wait3A_327 = tpu.memref_slice %arg4[%add3A, %dma_wait3A_325, %dma_wait3A_326] : memref<32x160x64xi32, #tpu.memory_space<hbm>> -> memref<1x40x64xi32, #tpu.memory_space<hbm>>
      %dma_wait3A_328 = tpu.memref_squeeze %dma_wait3A_327 : memref<1x40x64xi32, #tpu.memory_space<hbm>> -> memref<40x64xi32, #tpu.memory_space<hbm>>
      %dma_wait3A_329 = arith.constant 0 : i32
      %dma_wait3A_330 = arith.constant 0 : i32
      %dma_wait3A_331 = tpu.memref_slice %arg4[%add3A, %dma_wait3A_329, %dma_wait3A_330] : memref<32x160x64xi32, #tpu.memory_space<hbm>> -> memref<1x40x64xi32, #tpu.memory_space<hbm>>
      %dma_wait3A_332 = tpu.memref_squeeze %dma_wait3A_331 : memref<1x40x64xi32, #tpu.memory_space<hbm>> -> memref<40x64xi32, #tpu.memory_space<hbm>>
      tpu.wait_dma2 semaphore(%run_scoped3A : memref<!tpu.dma_semaphore, #tpu.memory_space<semaphore_mem>>) src(%dma_wait3A_332 : memref<40x64xi32, #tpu.memory_space<hbm>>) dst(%arg8 : memref<40x64xi32, #tpu.memory_space<vmem>>)
      tpu.yield
    }) : () -> ()
    %dma_start3A = arith.constant 0 : i32
    %dma_start3A_1 = arith.constant 0 : i32
    %dma_start3A_2 = arith.constant 0 : i32
    %dma_start3A_3 = arith.constant 0 : i32
    %dma_start3A_4 = tpu.memref_slice %arg9[%dma_start3A_1, %dma_start3A_2, %dma_start3A_3] : memref<2x64x128xf32, #tpu.memory_space<vmem>> -> memref<1x64x128xf32, #tpu.memory_space<vmem>>
    %dma_start3A_5 = tpu.memref_squeeze %dma_start3A_4 : memref<1x64x128xf32, #tpu.memory_space<vmem>> -> memref<64x128xf32, #tpu.memory_space<vmem>>
    %dma_start3A_6 = arith.constant 0 : i32
    %dma_start3A_7 = tpu.memref_slice %arg7[%dma_start3A, %dma_start3A_6] : memref<40x64xi32, #tpu.memory_space<vmem>> -> memref<1x64xi32, #tpu.memory_space<vmem>>
    %dma_start3A_8 = tpu.memref_squeeze %dma_start3A_7 : memref<1x64xi32, #tpu.memory_space<vmem>> -> memref<64xi32, #tpu.memory_space<vmem>>
    %dma_start3A_9 = arith.constant 0 : i32
    %dma_start3A_10 = arith.constant 0 : i32
    %dma_start3A_11 = tpu.memref_slice %arg2[%dma_start3A_9, %dma_start3A_10] : memref<10240x128xf32, #tpu.memory_space<hbm>> -> memref<10240x128xf32, #tpu.memory_space<hbm>>
    tpu.enqueue_indirect_dma source(%dma_start3A_11 : memref<10240x128xf32, #tpu.memory_space<hbm>>) target(%dma_start3A_5 : memref<64x128xf32, #tpu.memory_space<vmem>>) offsets(%dma_start3A_8 : memref<64xi32, #tpu.memory_space<vmem>>) semaphore(%arg12 : memref<!tpu.dma_semaphore, #tpu.memory_space<semaphore_mem>>)
    %dma_start3A_12 = arith.constant 1 : i32
    %dma_start3A_13 = arith.constant 1 : i32
    %dma_start3A_14 = arith.constant 0 : i32
    %dma_start3A_15 = arith.constant 0 : i32
    %dma_start3A_16 = tpu.memref_slice %arg9[%dma_start3A_13, %dma_start3A_14, %dma_start3A_15] : memref<2x64x128xf32, #tpu.memory_space<vmem>> -> memref<1x64x128xf32, #tpu.memory_space<vmem>>
    %dma_start3A_17 = tpu.memref_squeeze %dma_start3A_16 : memref<1x64x128xf32, #tpu.memory_space<vmem>> -> memref<64x128xf32, #tpu.memory_space<vmem>>
    %dma_start3A_18 = arith.constant 0 : i32
    %dma_start3A_19 = tpu.memref_slice %arg7[%dma_start3A_12, %dma_start3A_18] : memref<40x64xi32, #tpu.memory_space<vmem>> -> memref<1x64xi32, #tpu.memory_space<vmem>>
    %dma_start3A_20 = tpu.memref_squeeze %dma_start3A_19 : memref<1x64xi32, #tpu.memory_space<vmem>> -> memref<64xi32, #tpu.memory_space<vmem>>
    %dma_start3A_21 = arith.constant 0 : i32
    %dma_start3A_22 = arith.constant 0 : i32
    %dma_start3A_23 = tpu.memref_slice %arg2[%dma_start3A_21, %dma_start3A_22] : memref<10240x128xf32, #tpu.memory_space<hbm>> -> memref<10240x128xf32, #tpu.memory_space<hbm>>
    tpu.enqueue_indirect_dma source(%dma_start3A_23 : memref<10240x128xf32, #tpu.memory_space<hbm>>) target(%dma_start3A_17 : memref<64x128xf32, #tpu.memory_space<vmem>>) offsets(%dma_start3A_20 : memref<64xi32, #tpu.memory_space<vmem>>) semaphore(%arg12 : memref<!tpu.dma_semaphore, #tpu.memory_space<semaphore_mem>>)
    %mul3A_24 = arith.constant 640 : i32
    %mul3A_25 = arith.muli %arg1, %mul3A_24 : i32
    "tpu.region"() ({
      %run_scoped3A = tpu.sem_alloc : memref<!tpu.dma_semaphore, #tpu.memory_space<semaphore_mem>>
      %dma_start3A_317 = arith.constant 0 : i32
      %dma_start3A_318 = tpu.memref_slice %arg11[%mul3A_25, %dma_start3A_317] : memref<10240x128xf32, #tpu.memory_space<vmem_shared>> -> memref<640x128xf32, #tpu.memory_space<vmem_shared>>
      tpu.enqueue_dma source(%arg5 : memref<640x128xf32, #tpu.memory_space<hbm>>) target(%dma_start3A_318 : memref<640x128xf32, #tpu.memory_space<vmem_shared>>) target_semaphore(%run_scoped3A : memref<!tpu.dma_semaphore, #tpu.memory_space<semaphore_mem>>)
      %dma_wait3A_319 = arith.constant 0 : i32
      %dma_wait3A_320 = tpu.memref_slice %arg11[%mul3A_25, %dma_wait3A_319] : memref<10240x128xf32, #tpu.memory_space<vmem_shared>> -> memref<640x128xf32, #tpu.memory_space<vmem_shared>>
      tpu.wait_dma2 semaphore(%run_scoped3A : memref<!tpu.dma_semaphore, #tpu.memory_space<semaphore_mem>>) src(%arg5 : memref<640x128xf32, #tpu.memory_space<hbm>>) dst(%dma_wait3A_320 : memref<640x128xf32, #tpu.memory_space<vmem_shared>>)
      tpu.yield
    }) : () -> ()
    %barrier3A = arith.constant 0 : index
    tpu.barrier barrier_id(%barrier3A)
    %scan3A = arith.constant 0 : i32
    %scan3A_26 = arith.constant 0 : i32
    %scan3A_27 = arith.constant 10 : i32
    %scan3A_28 = arith.addi %scan3A_26, %scan3A_27 : i32
    %scan3A_29 = arith.constant 1 : i32
    scf.for %scan3A_317 = %scan3A_26 to %scan3A_28 step %scan3A_29  : i32 {
      %mul3A_318 = arith.constant 4 : i32
      %mul3A_319 = arith.muli %mul3A_318, %scan3A_317 : i32
      %add3A_320 = arith.constant 2 : i32
      %add3A_321 = arith.addi %mul3A_319, %add3A_320 : i32
      %dma_wait3A_322 = arith.constant 0 : i32
      %dma_wait3A_323 = arith.constant 0 : i32
      %dma_wait3A_324 = arith.constant 0 : i32
      %dma_wait3A_325 = arith.constant 0 : i32
      %dma_wait3A_326 = tpu.memref_slice %arg9[%dma_wait3A_323, %dma_wait3A_324, %dma_wait3A_325] : memref<2x64x128xf32, #tpu.memory_space<vmem>> -> memref<1x64x128xf32, #tpu.memory_space<vmem>>
      %dma_wait3A_327 = tpu.memref_squeeze %dma_wait3A_326 : memref<1x64x128xf32, #tpu.memory_space<vmem>> -> memref<64x128xf32, #tpu.memory_space<vmem>>
      %dma_wait3A_328 = arith.constant 0 : i32
      %dma_wait3A_329 = tpu.memref_slice %arg7[%dma_wait3A_322, %dma_wait3A_328] : memref<40x64xi32, #tpu.memory_space<vmem>> -> memref<1x64xi32, #tpu.memory_space<vmem>>
      %dma_wait3A_330 = tpu.memref_squeeze %dma_wait3A_329 : memref<1x64xi32, #tpu.memory_space<vmem>> -> memref<64xi32, #tpu.memory_space<vmem>>
      %dma_wait3A_331 = arith.constant 0 : i32
      %dma_wait3A_332 = arith.constant 0 : i32
      %dma_wait3A_333 = tpu.memref_slice %arg2[%dma_wait3A_331, %dma_wait3A_332] : memref<10240x128xf32, #tpu.memory_space<hbm>> -> memref<10240x128xf32, #tpu.memory_space<hbm>>
      tpu.wait_indirect_dma semaphore(%arg12 : memref<!tpu.dma_semaphore, #tpu.memory_space<semaphore_mem>>) src(%dma_wait3A_333 : memref<10240x128xf32, #tpu.memory_space<hbm>>) dst(%dma_wait3A_327 : memref<64x128xf32, #tpu.memory_space<vmem>>)
      %dma_wait3A_334 = arith.constant 0 : i32
      %dma_wait3A_335 = arith.constant 1 : i32
      %dma_wait3A_336 = arith.constant 0 : i32
      %dma_wait3A_337 = arith.constant 0 : i32
      %dma_wait3A_338 = tpu.memref_slice %arg9[%dma_wait3A_335, %dma_wait3A_336, %dma_wait3A_337] : memref<2x64x128xf32, #tpu.memory_space<vmem>> -> memref<1x64x128xf32, #tpu.memory_space<vmem>>
      %dma_wait3A_339 = tpu.memref_squeeze %dma_wait3A_338 : memref<1x64x128xf32, #tpu.memory_space<vmem>> -> memref<64x128xf32, #tpu.memory_space<vmem>>
      %dma_wait3A_340 = arith.constant 0 : i32
      %dma_wait3A_341 = tpu.memref_slice %arg7[%dma_wait3A_334, %dma_wait3A_340] : memref<40x64xi32, #tpu.memory_space<vmem>> -> memref<1x64xi32, #tpu.memory_space<vmem>>
      %dma_wait3A_342 = tpu.memref_squeeze %dma_wait3A_341 : memref<1x64xi32, #tpu.memory_space<vmem>> -> memref<64xi32, #tpu.memory_space<vmem>>
      %dma_wait3A_343 = arith.constant 0 : i32
      %dma_wait3A_344 = arith.constant 0 : i32
      %dma_wait3A_345 = tpu.memref_slice %arg2[%dma_wait3A_343, %dma_wait3A_344] : memref<10240x128xf32, #tpu.memory_space<hbm>> -> memref<10240x128xf32, #tpu.memory_space<hbm>>
      tpu.wait_indirect_dma semaphore(%arg12 : memref<!tpu.dma_semaphore, #tpu.memory_space<semaphore_mem>>) src(%dma_wait3A_345 : memref<10240x128xf32, #tpu.memory_space<hbm>>) dst(%dma_wait3A_339 : memref<64x128xf32, #tpu.memory_space<vmem>>)
      %gt3A = arith.constant 0 : i32
      %gt3A_346 = arith.cmpi sgt, %scan3A_317, %gt3A : i32
      %convert_element_type3A = arith.extui %gt3A_346 : i1 to i32
      %cond3A = arith.constant 0 : i32
      %cond3A_347 = arith.cmpi ne, %convert_element_type3A, %cond3A : i32
      scf.if %cond3A_347 {
        %dma_wait3A_454 = arith.constant 0 : i32
        %dma_wait3A_455 = arith.constant 0 : i32
        %dma_wait3A_456 = arith.constant 0 : i32
        %dma_wait3A_457 = arith.constant 0 : i32
        %dma_wait3A_458 = tpu.memref_slice %arg10[%dma_wait3A_454, %dma_wait3A_456, %dma_wait3A_457] : memref<2x64x128xf32, #tpu.memory_space<vmem>> -> memref<1x64x128xf32, #tpu.memory_space<vmem>>
        %dma_wait3A_459 = tpu.memref_squeeze %dma_wait3A_458 : memref<1x64x128xf32, #tpu.memory_space<vmem>> -> memref<64x128xf32, #tpu.memory_space<vmem>>
        %dma_wait3A_460 = arith.constant 0 : i32
        %dma_wait3A_461 = tpu.memref_slice %arg8[%dma_wait3A_455, %dma_wait3A_460] : memref<40x64xi32, #tpu.memory_space<vmem>> -> memref<1x64xi32, #tpu.memory_space<vmem>>
        %dma_wait3A_462 = tpu.memref_squeeze %dma_wait3A_461 : memref<1x64xi32, #tpu.memory_space<vmem>> -> memref<64xi32, #tpu.memory_space<vmem>>
        %dma_wait3A_463 = arith.constant 0 : i32
        %dma_wait3A_464 = arith.constant 0 : i32
        %dma_wait3A_465 = tpu.memref_slice %arg11[%dma_wait3A_463, %dma_wait3A_464] : memref<10240x128xf32, #tpu.memory_space<vmem_shared>> -> memref<10240x128xf32, #tpu.memory_space<vmem_shared>>
        tpu.wait_indirect_dma semaphore(%arg15 : memref<!tpu.dma_semaphore, #tpu.memory_space<semaphore_mem>>) src(%dma_wait3A_459 : memref<64x128xf32, #tpu.memory_space<vmem>>) dst(%dma_wait3A_465 : memref<10240x128xf32, #tpu.memory_space<vmem_shared>>)
        %dma_wait3A_466 = arith.constant 1 : i32
        %dma_wait3A_467 = arith.constant 0 : i32
        %dma_wait3A_468 = arith.constant 0 : i32
        %dma_wait3A_469 = arith.constant 0 : i32
        %dma_wait3A_470 = tpu.memref_slice %arg10[%dma_wait3A_466, %dma_wait3A_468, %dma_wait3A_469] : memref<2x64x128xf32, #tpu.memory_space<vmem>> -> memref<1x64x128xf32, #tpu.memory_space<vmem>>
        %dma_wait3A_471 = tpu.memref_squeeze %dma_wait3A_470 : memref<1x64x128xf32, #tpu.memory_space<vmem>> -> memref<64x128xf32, #tpu.memory_space<vmem>>
        %dma_wait3A_472 = arith.constant 0 : i32
        %dma_wait3A_473 = tpu.memref_slice %arg8[%dma_wait3A_467, %dma_wait3A_472] : memref<40x64xi32, #tpu.memory_space<vmem>> -> memref<1x64xi32, #tpu.memory_space<vmem>>
        %dma_wait3A_474 = tpu.memref_squeeze %dma_wait3A_473 : memref<1x64xi32, #tpu.memory_space<vmem>> -> memref<64xi32, #tpu.memory_space<vmem>>
        %dma_wait3A_475 = arith.constant 0 : i32
        %dma_wait3A_476 = arith.constant 0 : i32
        %dma_wait3A_477 = tpu.memref_slice %arg11[%dma_wait3A_475, %dma_wait3A_476] : memref<10240x128xf32, #tpu.memory_space<vmem_shared>> -> memref<10240x128xf32, #tpu.memory_space<vmem_shared>>
        tpu.wait_indirect_dma semaphore(%arg15 : memref<!tpu.dma_semaphore, #tpu.memory_space<semaphore_mem>>) src(%dma_wait3A_471 : memref<64x128xf32, #tpu.memory_space<vmem>>) dst(%dma_wait3A_477 : memref<10240x128xf32, #tpu.memory_space<vmem_shared>>)
      } else {
      }
      %add3A_348 = arith.constant 0 : i32
      %add3A_349 = arith.addi %add3A_321, %add3A_348 : i32
      %dma_start3A_350 = arith.constant 0 : i32
      %dma_start3A_351 = arith.constant 0 : i32
      %dma_start3A_352 = arith.constant 0 : i32
      %dma_start3A_353 = tpu.memref_slice %arg10[%dma_start3A_350, %dma_start3A_351, %dma_start3A_352] : memref<2x64x128xf32, #tpu.memory_space<vmem>> -> memref<1x64x128xf32, #tpu.memory_space<vmem>>
      %dma_start3A_354 = tpu.memref_squeeze %dma_start3A_353 : memref<1x64x128xf32, #tpu.memory_space<vmem>> -> memref<64x128xf32, #tpu.memory_space<vmem>>
      %dma_start3A_355 = arith.constant 0 : i32
      %dma_start3A_356 = tpu.memref_slice %arg7[%add3A_349, %dma_start3A_355] : memref<40x64xi32, #tpu.memory_space<vmem>> -> memref<1x64xi32, #tpu.memory_space<vmem>>
      %dma_start3A_357 = tpu.memref_squeeze %dma_start3A_356 : memref<1x64xi32, #tpu.memory_space<vmem>> -> memref<64xi32, #tpu.memory_space<vmem>>
      %dma_start3A_358 = arith.constant 0 : i32
      %dma_start3A_359 = arith.constant 0 : i32
      %dma_start3A_360 = tpu.memref_slice %arg2[%dma_start3A_358, %dma_start3A_359] : memref<10240x128xf32, #tpu.memory_space<hbm>> -> memref<10240x128xf32, #tpu.memory_space<hbm>>
      tpu.enqueue_indirect_dma source(%dma_start3A_360 : memref<10240x128xf32, #tpu.memory_space<hbm>>) target(%dma_start3A_354 : memref<64x128xf32, #tpu.memory_space<vmem>>) offsets(%dma_start3A_357 : memref<64xi32, #tpu.memory_space<vmem>>) semaphore(%arg13 : memref<!tpu.dma_semaphore, #tpu.memory_space<semaphore_mem>>)
      %add3A_361 = arith.constant 1 : i32
      %add3A_362 = arith.addi %add3A_321, %add3A_361 : i32
      %dma_start3A_363 = arith.constant 1 : i32
      %dma_start3A_364 = arith.constant 0 : i32
      %dma_start3A_365 = arith.constant 0 : i32
      %dma_start3A_366 = tpu.memref_slice %arg10[%dma_start3A_363, %dma_start3A_364, %dma_start3A_365] : memref<2x64x128xf32, #tpu.memory_space<vmem>> -> memref<1x64x128xf32, #tpu.memory_space<vmem>>
      %dma_start3A_367 = tpu.memref_squeeze %dma_start3A_366 : memref<1x64x128xf32, #tpu.memory_space<vmem>> -> memref<64x128xf32, #tpu.memory_space<vmem>>
      %dma_start3A_368 = arith.constant 0 : i32
      %dma_start3A_369 = tpu.memref_slice %arg7[%add3A_362, %dma_start3A_368] : memref<40x64xi32, #tpu.memory_space<vmem>> -> memref<1x64xi32, #tpu.memory_space<vmem>>
      %dma_start3A_370 = tpu.memref_squeeze %dma_start3A_369 : memref<1x64xi32, #tpu.memory_space<vmem>> -> memref<64xi32, #tpu.memory_space<vmem>>
      %dma_start3A_371 = arith.constant 0 : i32
      %dma_start3A_372 = arith.constant 0 : i32
      %dma_start3A_373 = tpu.memref_slice %arg2[%dma_start3A_371, %dma_start3A_372] : memref<10240x128xf32, #tpu.memory_space<hbm>> -> memref<10240x128xf32, #tpu.memory_space<hbm>>
      tpu.enqueue_indirect_dma source(%dma_start3A_373 : memref<10240x128xf32, #tpu.memory_space<hbm>>) target(%dma_start3A_367 : memref<64x128xf32, #tpu.memory_space<vmem>>) offsets(%dma_start3A_370 : memref<64xi32, #tpu.memory_space<vmem>>) semaphore(%arg13 : memref<!tpu.dma_semaphore, #tpu.memory_space<semaphore_mem>>)
      %add3A_374 = arith.constant 0 : i32
      %add3A_375 = arith.addi %mul3A_319, %add3A_374 : i32
      %dma_start3A_376 = arith.constant 0 : i32
      %dma_start3A_377 = arith.constant 0 : i32
      %dma_start3A_378 = arith.constant 0 : i32
      %dma_start3A_379 = tpu.memref_slice %arg9[%dma_start3A_376, %dma_start3A_377, %dma_start3A_378] : memref<2x64x128xf32, #tpu.memory_space<vmem>> -> memref<1x64x128xf32, #tpu.memory_space<vmem>>
      %dma_start3A_380 = tpu.memref_squeeze %dma_start3A_379 : memref<1x64x128xf32, #tpu.memory_space<vmem>> -> memref<64x128xf32, #tpu.memory_space<vmem>>
      %dma_start3A_381 = arith.constant 0 : i32
      %dma_start3A_382 = tpu.memref_slice %arg8[%add3A_375, %dma_start3A_381] : memref<40x64xi32, #tpu.memory_space<vmem>> -> memref<1x64xi32, #tpu.memory_space<vmem>>
      %dma_start3A_383 = tpu.memref_squeeze %dma_start3A_382 : memref<1x64xi32, #tpu.memory_space<vmem>> -> memref<64xi32, #tpu.memory_space<vmem>>
      %dma_start3A_384 = arith.constant 0 : i32
      %dma_start3A_385 = arith.constant 0 : i32
      %dma_start3A_386 = tpu.memref_slice %arg11[%dma_start3A_384, %dma_start3A_385] : memref<10240x128xf32, #tpu.memory_space<vmem_shared>> -> memref<10240x128xf32, #tpu.memory_space<vmem_shared>>
      tpu.enqueue_indirect_dma source(%dma_start3A_380 : memref<64x128xf32, #tpu.memory_space<vmem>>) target(%dma_start3A_386 : memref<10240x128xf32, #tpu.memory_space<vmem_shared>>) offsets(%dma_start3A_383 : memref<64xi32, #tpu.memory_space<vmem>>) semaphore(%arg14 : memref<!tpu.dma_semaphore, #tpu.memory_space<semaphore_mem>>) {add = true}
      %add3A_387 = arith.constant 1 : i32
      %add3A_388 = arith.addi %mul3A_319, %add3A_387 : i32
      %dma_start3A_389 = arith.constant 1 : i32
      %dma_start3A_390 = arith.constant 0 : i32
      %dma_start3A_391 = arith.constant 0 : i32
      %dma_start3A_392 = tpu.memref_slice %arg9[%dma_start3A_389, %dma_start3A_390, %dma_start3A_391] : memref<2x64x128xf32, #tpu.memory_space<vmem>> -> memref<1x64x128xf32, #tpu.memory_space<vmem>>
      %dma_start3A_393 = tpu.memref_squeeze %dma_start3A_392 : memref<1x64x128xf32, #tpu.memory_space<vmem>> -> memref<64x128xf32, #tpu.memory_space<vmem>>
      %dma_start3A_394 = arith.constant 0 : i32
      %dma_start3A_395 = tpu.memref_slice %arg8[%add3A_388, %dma_start3A_394] : memref<40x64xi32, #tpu.memory_space<vmem>> -> memref<1x64xi32, #tpu.memory_space<vmem>>
      %dma_start3A_396 = tpu.memref_squeeze %dma_start3A_395 : memref<1x64xi32, #tpu.memory_space<vmem>> -> memref<64xi32, #tpu.memory_space<vmem>>
      %dma_start3A_397 = arith.constant 0 : i32
      %dma_start3A_398 = arith.constant 0 : i32
      %dma_start3A_399 = tpu.memref_slice %arg11[%dma_start3A_397, %dma_start3A_398] : memref<10240x128xf32, #tpu.memory_space<vmem_shared>> -> memref<10240x128xf32, #tpu.memory_space<vmem_shared>>
      tpu.enqueue_indirect_dma source(%dma_start3A_393 : memref<64x128xf32, #tpu.memory_space<vmem>>) target(%dma_start3A_399 : memref<10240x128xf32, #tpu.memory_space<vmem_shared>>) offsets(%dma_start3A_396 : memref<64xi32, #tpu.memory_space<vmem>>) semaphore(%arg14 : memref<!tpu.dma_semaphore, #tpu.memory_space<semaphore_mem>>) {add = true}
      %dma_wait3A_400 = arith.constant 0 : i32
      %dma_wait3A_401 = arith.constant 0 : i32
      %dma_wait3A_402 = arith.constant 0 : i32
      %dma_wait3A_403 = arith.constant 0 : i32
      %dma_wait3A_404 = tpu.memref_slice %arg10[%dma_wait3A_401, %dma_wait3A_402, %dma_wait3A_403] : memref<2x64x128xf32, #tpu.memory_space<vmem>> -> memref<1x64x128xf32, #tpu.memory_space<vmem>>
      %dma_wait3A_405 = tpu.memref_squeeze %dma_wait3A_404 : memref<1x64x128xf32, #tpu.memory_space<vmem>> -> memref<64x128xf32, #tpu.memory_space<vmem>>
      %dma_wait3A_406 = arith.constant 0 : i32
      %dma_wait3A_407 = tpu.memref_slice %arg7[%dma_wait3A_400, %dma_wait3A_406] : memref<40x64xi32, #tpu.memory_space<vmem>> -> memref<1x64xi32, #tpu.memory_space<vmem>>
      %dma_wait3A_408 = tpu.memref_squeeze %dma_wait3A_407 : memref<1x64xi32, #tpu.memory_space<vmem>> -> memref<64xi32, #tpu.memory_space<vmem>>
      %dma_wait3A_409 = arith.constant 0 : i32
      %dma_wait3A_410 = arith.constant 0 : i32
      %dma_wait3A_411 = tpu.memref_slice %arg2[%dma_wait3A_409, %dma_wait3A_410] : memref<10240x128xf32, #tpu.memory_space<hbm>> -> memref<10240x128xf32, #tpu.memory_space<hbm>>
      tpu.wait_indirect_dma semaphore(%arg13 : memref<!tpu.dma_semaphore, #tpu.memory_space<semaphore_mem>>) src(%dma_wait3A_411 : memref<10240x128xf32, #tpu.memory_space<hbm>>) dst(%dma_wait3A_405 : memref<64x128xf32, #tpu.memory_space<vmem>>)
      %dma_wait3A_412 = arith.constant 0 : i32
      %dma_wait3A_413 = arith.constant 1 : i32
      %dma_wait3A_414 = arith.constant 0 : i32
      %dma_wait3A_415 = arith.constant 0 : i32
      %dma_wait3A_416 = tpu.memref_slice %arg10[%dma_wait3A_413, %dma_wait3A_414, %dma_wait3A_415] : memref<2x64x128xf32, #tpu.memory_space<vmem>> -> memref<1x64x128xf32, #tpu.memory_space<vmem>>
      %dma_wait3A_417 = tpu.memref_squeeze %dma_wait3A_416 : memref<1x64x128xf32, #tpu.memory_space<vmem>> -> memref<64x128xf32, #tpu.memory_space<vmem>>
      %dma_wait3A_418 = arith.constant 0 : i32
      %dma_wait3A_419 = tpu.memref_slice %arg7[%dma_wait3A_412, %dma_wait3A_418] : memref<40x64xi32, #tpu.memory_space<vmem>> -> memref<1x64xi32, #tpu.memory_space<vmem>>
      %dma_wait3A_420 = tpu.memref_squeeze %dma_wait3A_419 : memref<1x64xi32, #tpu.memory_space<vmem>> -> memref<64xi32, #tpu.memory_space<vmem>>
      %dma_wait3A_421 = arith.constant 0 : i32
      %dma_wait3A_422 = arith.constant 0 : i32
      %dma_wait3A_423 = tpu.memref_slice %arg2[%dma_wait3A_421, %dma_wait3A_422] : memref<10240x128xf32, #tpu.memory_space<hbm>> -> memref<10240x128xf32, #tpu.memory_space<hbm>>
      tpu.wait_indirect_dma semaphore(%arg13 : memref<!tpu.dma_semaphore, #tpu.memory_space<semaphore_mem>>) src(%dma_wait3A_423 : memref<10240x128xf32, #tpu.memory_space<hbm>>) dst(%dma_wait3A_417 : memref<64x128xf32, #tpu.memory_space<vmem>>)
      %lt3A = arith.constant 9 : i32
      %lt3A_424 = arith.cmpi slt, %scan3A_317, %lt3A : i32
      %convert_element_type3A_425 = arith.extui %lt3A_424 : i1 to i32
      %cond3A_426 = arith.constant 0 : i32
      %cond3A_427 = arith.cmpi ne, %convert_element_type3A_425, %cond3A_426 : i32
      scf.if %cond3A_427 {
        %dma_wait3A_454 = arith.constant 0 : i32
        %dma_wait3A_455 = arith.constant 0 : i32
        %dma_wait3A_456 = arith.constant 0 : i32
        %dma_wait3A_457 = arith.constant 0 : i32
        %dma_wait3A_458 = tpu.memref_slice %arg9[%dma_wait3A_454, %dma_wait3A_456, %dma_wait3A_457] : memref<2x64x128xf32, #tpu.memory_space<vmem>> -> memref<1x64x128xf32, #tpu.memory_space<vmem>>
        %dma_wait3A_459 = tpu.memref_squeeze %dma_wait3A_458 : memref<1x64x128xf32, #tpu.memory_space<vmem>> -> memref<64x128xf32, #tpu.memory_space<vmem>>
        %dma_wait3A_460 = arith.constant 0 : i32
        %dma_wait3A_461 = tpu.memref_slice %arg8[%dma_wait3A_455, %dma_wait3A_460] : memref<40x64xi32, #tpu.memory_space<vmem>> -> memref<1x64xi32, #tpu.memory_space<vmem>>
        %dma_wait3A_462 = tpu.memref_squeeze %dma_wait3A_461 : memref<1x64xi32, #tpu.memory_space<vmem>> -> memref<64xi32, #tpu.memory_space<vmem>>
        %dma_wait3A_463 = arith.constant 0 : i32
        %dma_wait3A_464 = arith.constant 0 : i32
        %dma_wait3A_465 = tpu.memref_slice %arg11[%dma_wait3A_463, %dma_wait3A_464] : memref<10240x128xf32, #tpu.memory_space<vmem_shared>> -> memref<10240x128xf32, #tpu.memory_space<vmem_shared>>
        tpu.wait_indirect_dma semaphore(%arg14 : memref<!tpu.dma_semaphore, #tpu.memory_space<semaphore_mem>>) src(%dma_wait3A_459 : memref<64x128xf32, #tpu.memory_space<vmem>>) dst(%dma_wait3A_465 : memref<10240x128xf32, #tpu.memory_space<vmem_shared>>)
        %dma_wait3A_466 = arith.constant 1 : i32
        %dma_wait3A_467 = arith.constant 0 : i32
        %dma_wait3A_468 = arith.constant 0 : i32
        %dma_wait3A_469 = arith.constant 0 : i32
        %dma_wait3A_470 = tpu.memref_slice %arg9[%dma_wait3A_466, %dma_wait3A_468, %dma_wait3A_469] : memref<2x64x128xf32, #tpu.memory_space<vmem>> -> memref<1x64x128xf32, #tpu.memory_space<vmem>>
        %dma_wait3A_471 = tpu.memref_squeeze %dma_wait3A_470 : memref<1x64x128xf32, #tpu.memory_space<vmem>> -> memref<64x128xf32, #tpu.memory_space<vmem>>
        %dma_wait3A_472 = arith.constant 0 : i32
        %dma_wait3A_473 = tpu.memref_slice %arg8[%dma_wait3A_467, %dma_wait3A_472] : memref<40x64xi32, #tpu.memory_space<vmem>> -> memref<1x64xi32, #tpu.memory_space<vmem>>
        %dma_wait3A_474 = tpu.memref_squeeze %dma_wait3A_473 : memref<1x64xi32, #tpu.memory_space<vmem>> -> memref<64xi32, #tpu.memory_space<vmem>>
        %dma_wait3A_475 = arith.constant 0 : i32
        %dma_wait3A_476 = arith.constant 0 : i32
        %dma_wait3A_477 = tpu.memref_slice %arg11[%dma_wait3A_475, %dma_wait3A_476] : memref<10240x128xf32, #tpu.memory_space<vmem_shared>> -> memref<10240x128xf32, #tpu.memory_space<vmem_shared>>
        tpu.wait_indirect_dma semaphore(%arg14 : memref<!tpu.dma_semaphore, #tpu.memory_space<semaphore_mem>>) src(%dma_wait3A_471 : memref<64x128xf32, #tpu.memory_space<vmem>>) dst(%dma_wait3A_477 : memref<10240x128xf32, #tpu.memory_space<vmem_shared>>)
        %add3A_478 = arith.constant 4 : i32
        %add3A_479 = arith.addi %mul3A_319, %add3A_478 : i32
        %add3A_480 = arith.constant 0 : i32
        %add3A_481 = arith.addi %add3A_479, %add3A_480 : i32
        %dma_start3A_482 = arith.constant 0 : i32
        %dma_start3A_483 = arith.constant 0 : i32
        %dma_start3A_484 = arith.constant 0 : i32
        %dma_start3A_485 = tpu.memref_slice %arg9[%dma_start3A_482, %dma_start3A_483, %dma_start3A_484] : memref<2x64x128xf32, #tpu.memory_space<vmem>> -> memref<1x64x128xf32, #tpu.memory_space<vmem>>
        %dma_start3A_486 = tpu.memref_squeeze %dma_start3A_485 : memref<1x64x128xf32, #tpu.memory_space<vmem>> -> memref<64x128xf32, #tpu.memory_space<vmem>>
        %dma_start3A_487 = arith.constant 0 : i32
        %dma_start3A_488 = tpu.memref_slice %arg7[%add3A_481, %dma_start3A_487] : memref<40x64xi32, #tpu.memory_space<vmem>> -> memref<1x64xi32, #tpu.memory_space<vmem>>
        %dma_start3A_489 = tpu.memref_squeeze %dma_start3A_488 : memref<1x64xi32, #tpu.memory_space<vmem>> -> memref<64xi32, #tpu.memory_space<vmem>>
        %dma_start3A_490 = arith.constant 0 : i32
        %dma_start3A_491 = arith.constant 0 : i32
        %dma_start3A_492 = tpu.memref_slice %arg2[%dma_start3A_490, %dma_start3A_491] : memref<10240x128xf32, #tpu.memory_space<hbm>> -> memref<10240x128xf32, #tpu.memory_space<hbm>>
        tpu.enqueue_indirect_dma source(%dma_start3A_492 : memref<10240x128xf32, #tpu.memory_space<hbm>>) target(%dma_start3A_486 : memref<64x128xf32, #tpu.memory_space<vmem>>) offsets(%dma_start3A_489 : memref<64xi32, #tpu.memory_space<vmem>>) semaphore(%arg12 : memref<!tpu.dma_semaphore, #tpu.memory_space<semaphore_mem>>)
        %add3A_493 = arith.constant 4 : i32
        %add3A_494 = arith.addi %mul3A_319, %add3A_493 : i32
        %add3A_495 = arith.constant 1 : i32
        %add3A_496 = arith.addi %add3A_494, %add3A_495 : i32
        %dma_start3A_497 = arith.constant 1 : i32
        %dma_start3A_498 = arith.constant 0 : i32
        %dma_start3A_499 = arith.constant 0 : i32
        %dma_start3A_500 = tpu.memref_slice %arg9[%dma_start3A_497, %dma_start3A_498, %dma_start3A_499] : memref<2x64x128xf32, #tpu.memory_space<vmem>> -> memref<1x64x128xf32, #tpu.memory_space<vmem>>
        %dma_start3A_501 = tpu.memref_squeeze %dma_start3A_500 : memref<1x64x128xf32, #tpu.memory_space<vmem>> -> memref<64x128xf32, #tpu.memory_space<vmem>>
        %dma_start3A_502 = arith.constant 0 : i32
        %dma_start3A_503 = tpu.memref_slice %arg7[%add3A_496, %dma_start3A_502] : memref<40x64xi32, #tpu.memory_space<vmem>> -> memref<1x64xi32, #tpu.memory_space<vmem>>
        %dma_start3A_504 = tpu.memref_squeeze %dma_start3A_503 : memref<1x64xi32, #tpu.memory_space<vmem>> -> memref<64xi32, #tpu.memory_space<vmem>>
        %dma_start3A_505 = arith.constant 0 : i32
        %dma_start3A_506 = arith.constant 0 : i32
        %dma_start3A_507 = tpu.memref_slice %arg2[%dma_start3A_505, %dma_start3A_506] : memref<10240x128xf32, #tpu.memory_space<hbm>> -> memref<10240x128xf32, #tpu.memory_space<hbm>>
        tpu.enqueue_indirect_dma source(%dma_start3A_507 : memref<10240x128xf32, #tpu.memory_space<hbm>>) target(%dma_start3A_501 : memref<64x128xf32, #tpu.memory_space<vmem>>) offsets(%dma_start3A_504 : memref<64xi32, #tpu.memory_space<vmem>>) semaphore(%arg12 : memref<!tpu.dma_semaphore, #tpu.memory_space<semaphore_mem>>)
      } else {
      }
      %add3A_428 = arith.constant 0 : i32
      %add3A_429 = arith.addi %add3A_321, %add3A_428 : i32
      %dma_start3A_430 = arith.constant 0 : i32
      %dma_start3A_431 = arith.constant 0 : i32
      %dma_start3A_432 = arith.constant 0 : i32
      %dma_start3A_433 = tpu.memref_slice %arg10[%dma_start3A_430, %dma_start3A_431, %dma_start3A_432] : memref<2x64x128xf32, #tpu.memory_space<vmem>> -> memref<1x64x128xf32, #tpu.memory_space<vmem>>
      %dma_start3A_434 = tpu.memref_squeeze %dma_start3A_433 : memref<1x64x128xf32, #tpu.memory_space<vmem>> -> memref<64x128xf32, #tpu.memory_space<vmem>>
      %dma_start3A_435 = arith.constant 0 : i32
      %dma_start3A_436 = tpu.memref_slice %arg8[%add3A_429, %dma_start3A_435] : memref<40x64xi32, #tpu.memory_space<vmem>> -> memref<1x64xi32, #tpu.memory_space<vmem>>
      %dma_start3A_437 = tpu.memref_squeeze %dma_start3A_436 : memref<1x64xi32, #tpu.memory_space<vmem>> -> memref<64xi32, #tpu.memory_space<vmem>>
      %dma_start3A_438 = arith.constant 0 : i32
      %dma_start3A_439 = arith.constant 0 : i32
      %dma_start3A_440 = tpu.memref_slice %arg11[%dma_start3A_438, %dma_start3A_439] : memref<10240x128xf32, #tpu.memory_space<vmem_shared>> -> memref<10240x128xf32, #tpu.memory_space<vmem_shared>>
      tpu.enqueue_indirect_dma source(%dma_start3A_434 : memref<64x128xf32, #tpu.memory_space<vmem>>) target(%dma_start3A_440 : memref<10240x128xf32, #tpu.memory_space<vmem_shared>>) offsets(%dma_start3A_437 : memref<64xi32, #tpu.memory_space<vmem>>) semaphore(%arg15 : memref<!tpu.dma_semaphore, #tpu.memory_space<semaphore_mem>>) {add = true}
      %add3A_441 = arith.constant 1 : i32
      %add3A_442 = arith.addi %add3A_321, %add3A_441 : i32
      %dma_start3A_443 = arith.constant 1 : i32
      %dma_start3A_444 = arith.constant 0 : i32
      %dma_start3A_445 = arith.constant 0 : i32
      %dma_start3A_446 = tpu.memref_slice %arg10[%dma_start3A_443, %dma_start3A_444, %dma_start3A_445] : memref<2x64x128xf32, #tpu.memory_space<vmem>> -> memref<1x64x128xf32, #tpu.memory_space<vmem>>
      %dma_start3A_447 = tpu.memref_squeeze %dma_start3A_446 : memref<1x64x128xf32, #tpu.memory_space<vmem>> -> memref<64x128xf32, #tpu.memory_space<vmem>>
      %dma_start3A_448 = arith.constant 0 : i32
      %dma_start3A_449 = tpu.memref_slice %arg8[%add3A_442, %dma_start3A_448] : memref<40x64xi32, #tpu.memory_space<vmem>> -> memref<1x64xi32, #tpu.memory_space<vmem>>
      %dma_start3A_450 = tpu.memref_squeeze %dma_start3A_449 : memref<1x64xi32, #tpu.memory_space<vmem>> -> memref<64xi32, #tpu.memory_space<vmem>>
      %dma_start3A_451 = arith.constant 0 : i32
      %dma_start3A_452 = arith.constant 0 : i32
      %dma_start3A_453 = tpu.memref_slice %arg11[%dma_start3A_451, %dma_start3A_452] : memref<10240x128xf32, #tpu.memory_space<vmem_shared>> -> memref<10240x128xf32, #tpu.memory_space<vmem_shared>>
      tpu.enqueue_indirect_dma source(%dma_start3A_447 : memref<64x128xf32, #tpu.memory_space<vmem>>) target(%dma_start3A_453 : memref<10240x128xf32, #tpu.memory_space<vmem_shared>>) offsets(%dma_start3A_450 : memref<64xi32, #tpu.memory_space<vmem>>) semaphore(%arg15 : memref<!tpu.dma_semaphore, #tpu.memory_space<semaphore_mem>>) {add = true}
    }
    %scan3A_30 = arith.constant 10 : i32
    %dma_wait3A = arith.constant 0 : i32
    %dma_wait3A_31 = arith.constant 0 : i32
    %dma_wait3A_32 = arith.constant 0 : i32
    %dma_wait3A_33 = arith.constant 0 : i32
    %dma_wait3A_34 = tpu.memref_slice %arg9[%dma_wait3A, %dma_wait3A_32, %dma_wait3A_33] : memref<2x64x128xf32, #tpu.memory_space<vmem>> -> memref<1x64x128xf32, #tpu.memory_space<vmem>>
    %dma_wait3A_35 = tpu.memref_squeeze %dma_wait3A_34 : memref<1x64x128xf32, #tpu.memory_space<vmem>> -> memref<64x128xf32, #tpu.memory_space<vmem>>
    %dma_wait3A_36 = arith.constant 0 : i32
    %dma_wait3A_37 = tpu.memref_slice %arg8[%dma_wait3A_31, %dma_wait3A_36] : memref<40x64xi32, #tpu.memory_space<vmem>> -> memref<1x64xi32, #tpu.memory_space<vmem>>
    %dma_wait3A_38 = tpu.memref_squeeze %dma_wait3A_37 : memref<1x64xi32, #tpu.memory_space<vmem>> -> memref<64xi32, #tpu.memory_space<vmem>>
    %dma_wait3A_39 = arith.constant 0 : i32
    %dma_wait3A_40 = arith.constant 0 : i32
    %dma_wait3A_41 = tpu.memref_slice %arg11[%dma_wait3A_39, %dma_wait3A_40] : memref<10240x128xf32, #tpu.memory_space<vmem_shared>> -> memref<10240x128xf32, #tpu.memory_space<vmem_shared>>
    tpu.wait_indirect_dma semaphore(%arg14 : memref<!tpu.dma_semaphore, #tpu.memory_space<semaphore_mem>>) src(%dma_wait3A_35 : memref<64x128xf32, #tpu.memory_space<vmem>>) dst(%dma_wait3A_41 : memref<10240x128xf32, #tpu.memory_space<vmem_shared>>)
    %dma_wait3A_42 = arith.constant 0 : i32
    %dma_wait3A_43 = arith.constant 0 : i32
    %dma_wait3A_44 = arith.constant 0 : i32
    %dma_wait3A_45 = arith.constant 0 : i32
    %dma_wait3A_46 = tpu.memref_slice %arg10[%dma_wait3A_42, %dma_wait3A_44, %dma_wait3A_45] : memref<2x64x128xf32, #tpu.memory_space<vmem>> -> memref<1x64x128xf32, #tpu.memory_space<vmem>>
    %dma_wait3A_47 = tpu.memref_squeeze %dma_wait3A_46 : memref<1x64x128xf32, #tpu.memory_space<vmem>> -> memref<64x128xf32, #tpu.memory_space<vmem>>
    %dma_wait3A_48 = arith.constant 0 : i32
    %dma_wait3A_49 = tpu.memref_slice %arg8[%dma_wait3A_43, %dma_wait3A_48] : memref<40x64xi32, #tpu.memory_space<vmem>> -> memref<1x64xi32, #tpu.memory_space<vmem>>
    %dma_wait3A_50 = tpu.memref_squeeze %dma_wait3A_49 : memref<1x64xi32, #tpu.memory_space<vmem>> -> memref<64xi32, #tpu.memory_space<vmem>>
    %dma_wait3A_51 = arith.constant 0 : i32
    %dma_wait3A_52 = arith.constant 0 : i32
    %dma_wait3A_53 = tpu.memref_slice %arg11[%dma_wait3A_51, %dma_wait3A_52] : memref<10240x128xf32, #tpu.memory_space<vmem_shared>> -> memref<10240x128xf32, #tpu.memory_space<vmem_shared>>
    tpu.wait_indirect_dma semaphore(%arg15 : memref<!tpu.dma_semaphore, #tpu.memory_space<semaphore_mem>>) src(%dma_wait3A_47 : memref<64x128xf32, #tpu.memory_space<vmem>>) dst(%dma_wait3A_53 : memref<10240x128xf32, #tpu.memory_space<vmem_shared>>)
    %dma_wait3A_54 = arith.constant 1 : i32
    %dma_wait3A_55 = arith.constant 0 : i32
    %dma_wait3A_56 = arith.constant 0 : i32
    %dma_wait3A_57 = arith.constant 0 : i32
    %dma_wait3A_58 = tpu.memref_slice %arg9[%dma_wait3A_54, %dma_wait3A_56, %dma_wait3A_57] : memref<2x64x128xf32, #tpu.memory_space<vmem>> -> memref<1x64x128xf32, #tpu.memory_space<vmem>>
    %dma_wait3A_59 = tpu.memref_squeeze %dma_wait3A_58 : memref<1x64x128xf32, #tpu.memory_space<vmem>> -> memref<64x128xf32, #tpu.memory_space<vmem>>
    %dma_wait3A_60 = arith.constant 0 : i32
    %dma_wait3A_61 = tpu.memref_slice %arg8[%dma_wait3A_55, %dma_wait3A_60] : memref<40x64xi32, #tpu.memory_space<vmem>> -> memref<1x64xi32, #tpu.memory_space<vmem>>
    %dma_wait3A_62 = tpu.memref_squeeze %dma_wait3A_61 : memref<1x64xi32, #tpu.memory_space<vmem>> -> memref<64xi32, #tpu.memory_space<vmem>>
    %dma_wait3A_63 = arith.constant 0 : i32
    %dma_wait3A_64 = arith.constant 0 : i32
    %dma_wait3A_65 = tpu.memref_slice %arg11[%dma_wait3A_63, %dma_wait3A_64] : memref<10240x128xf32, #tpu.memory_space<vmem_shared>> -> memref<10240x128xf32, #tpu.memory_space<vmem_shared>>
    tpu.wait_indirect_dma semaphore(%arg14 : memref<!tpu.dma_semaphore, #tpu.memory_space<semaphore_mem>>) src(%dma_wait3A_59 : memref<64x128xf32, #tpu.memory_space<vmem>>) dst(%dma_wait3A_65 : memref<10240x128xf32, #tpu.memory_space<vmem_shared>>)
    %dma_wait3A_66 = arith.constant 1 : i32
    %dma_wait3A_67 = arith.constant 0 : i32
    %dma_wait3A_68 = arith.constant 0 : i32
    %dma_wait3A_69 = arith.constant 0 : i32
    %dma_wait3A_70 = tpu.memref_slice %arg10[%dma_wait3A_66, %dma_wait3A_68, %dma_wait3A_69] : memref<2x64x128xf32, #tpu.memory_space<vmem>> -> memref<1x64x128xf32, #tpu.memory_space<vmem>>
    %dma_wait3A_71 = tpu.memref_squeeze %dma_wait3A_70 : memref<1x64x128xf32, #tpu.memory_space<vmem>> -> memref<64x128xf32, #tpu.memory_space<vmem>>
    %dma_wait3A_72 = arith.constant 0 : i32
    %dma_wait3A_73 = tpu.memref_slice %arg8[%dma_wait3A_67, %dma_wait3A_72] : memref<40x64xi32, #tpu.memory_space<vmem>> -> memref<1x64xi32, #tpu.memory_space<vmem>>
    %dma_wait3A_74 = tpu.memref_squeeze %dma_wait3A_73 : memref<1x64xi32, #tpu.memory_space<vmem>> -> memref<64xi32, #tpu.memory_space<vmem>>
    %dma_wait3A_75 = arith.constant 0 : i32
    %dma_wait3A_76 = arith.constant 0 : i32
    %dma_wait3A_77 = tpu.memref_slice %arg11[%dma_wait3A_75, %dma_wait3A_76] : memref<10240x128xf32, #tpu.memory_space<vmem_shared>> -> memref<10240x128xf32, #tpu.memory_space<vmem_shared>>
    tpu.wait_indirect_dma semaphore(%arg15 : memref<!tpu.dma_semaphore, #tpu.memory_space<semaphore_mem>>) src(%dma_wait3A_71 : memref<64x128xf32, #tpu.memory_space<vmem>>) dst(%dma_wait3A_77 : memref<10240x128xf32, #tpu.memory_space<vmem_shared>>)
    "tpu.region"() ({
      %run_scoped3A = tpu.sem_alloc : memref<!tpu.dma_semaphore, #tpu.memory_space<semaphore_mem>>
      %dma_start3A_317 = arith.constant 40 : i32
      %dma_start3A_318 = arith.constant 0 : i32
      %dma_start3A_319 = tpu.memref_slice %arg3[%add3A, %dma_start3A_317, %dma_start3A_318] : memref<32x160x64xi32, #tpu.memory_space<hbm>> -> memref<1x40x64xi32, #tpu.memory_space<hbm>>
      %dma_start3A_320 = tpu.memref_squeeze %dma_start3A_319 : memref<1x40x64xi32, #tpu.memory_space<hbm>> -> memref<40x64xi32, #tpu.memory_space<hbm>>
      %dma_start3A_321 = arith.constant 40 : i32
      %dma_start3A_322 = arith.constant 0 : i32
      %dma_start3A_323 = tpu.memref_slice %arg3[%add3A, %dma_start3A_321, %dma_start3A_322] : memref<32x160x64xi32, #tpu.memory_space<hbm>> -> memref<1x40x64xi32, #tpu.memory_space<hbm>>
      %dma_start3A_324 = tpu.memref_squeeze %dma_start3A_323 : memref<1x40x64xi32, #tpu.memory_space<hbm>> -> memref<40x64xi32, #tpu.memory_space<hbm>>
      tpu.enqueue_dma source(%dma_start3A_324 : memref<40x64xi32, #tpu.memory_space<hbm>>) target(%arg7 : memref<40x64xi32, #tpu.memory_space<vmem>>) target_semaphore(%run_scoped3A : memref<!tpu.dma_semaphore, #tpu.memory_space<semaphore_mem>>)
      %dma_wait3A_325 = arith.constant 40 : i32
      %dma_wait3A_326 = arith.constant 0 : i32
      %dma_wait3A_327 = tpu.memref_slice %arg3[%add3A, %dma_wait3A_325, %dma_wait3A_326] : memref<32x160x64xi32, #tpu.memory_space<hbm>> -> memref<1x40x64xi32, #tpu.memory_space<hbm>>
      %dma_wait3A_328 = tpu.memref_squeeze %dma_wait3A_327 : memref<1x40x64xi32, #tpu.memory_space<hbm>> -> memref<40x64xi32, #tpu.memory_space<hbm>>
      %dma_wait3A_329 = arith.constant 40 : i32
      %dma_wait3A_330 = arith.constant 0 : i32
      %dma_wait3A_331 = tpu.memref_slice %arg3[%add3A, %dma_wait3A_329, %dma_wait3A_330] : memref<32x160x64xi32, #tpu.memory_space<hbm>> -> memref<1x40x64xi32, #tpu.memory_space<hbm>>
      %dma_wait3A_332 = tpu.memref_squeeze %dma_wait3A_331 : memref<1x40x64xi32, #tpu.memory_space<hbm>> -> memref<40x64xi32, #tpu.memory_space<hbm>>
      tpu.wait_dma2 semaphore(%run_scoped3A : memref<!tpu.dma_semaphore, #tpu.memory_space<semaphore_mem>>) src(%dma_wait3A_332 : memref<40x64xi32, #tpu.memory_space<hbm>>) dst(%arg7 : memref<40x64xi32, #tpu.memory_space<vmem>>)
      tpu.yield
    }) : () -> ()
    "tpu.region"() ({
      %run_scoped3A = tpu.sem_alloc : memref<!tpu.dma_semaphore, #tpu.memory_space<semaphore_mem>>
      %dma_start3A_317 = arith.constant 40 : i32
      %dma_start3A_318 = arith.constant 0 : i32
      %dma_start3A_319 = tpu.memref_slice %arg4[%add3A, %dma_start3A_317, %dma_start3A_318] : memref<32x160x64xi32, #tpu.memory_space<hbm>> -> memref<1x40x64xi32, #tpu.memory_space<hbm>>
      %dma_start3A_320 = tpu.memref_squeeze %dma_start3A_319 : memref<1x40x64xi32, #tpu.memory_space<hbm>> -> memref<40x64xi32, #tpu.memory_space<hbm>>
      %dma_start3A_321 = arith.constant 40 : i32
      %dma_start3A_322 = arith.constant 0 : i32
      %dma_start3A_323 = tpu.memref_slice %arg4[%add3A, %dma_start3A_321, %dma_start3A_322] : memref<32x160x64xi32, #tpu.memory_space<hbm>> -> memref<1x40x64xi32, #tpu.memory_space<hbm>>
      %dma_start3A_324 = tpu.memref_squeeze %dma_start3A_323 : memref<1x40x64xi32, #tpu.memory_space<hbm>> -> memref<40x64xi32, #tpu.memory_space<hbm>>
      tpu.enqueue_dma source(%dma_start3A_324 : memref<40x64xi32, #tpu.memory_space<hbm>>) target(%arg8 : memref<40x64xi32, #tpu.memory_space<vmem>>) target_semaphore(%run_scoped3A : memref<!tpu.dma_semaphore, #tpu.memory_space<semaphore_mem>>)
      %dma_wait3A_325 = arith.constant 40 : i32
      %dma_wait3A_326 = arith.constant 0 : i32
      %dma_wait3A_327 = tpu.memref_slice %arg4[%add3A, %dma_wait3A_325, %dma_wait3A_326] : memref<32x160x64xi32, #tpu.memory_space<hbm>> -> memref<1x40x64xi32, #tpu.memory_space<hbm>>
      %dma_wait3A_328 = tpu.memref_squeeze %dma_wait3A_327 : memref<1x40x64xi32, #tpu.memory_space<hbm>> -> memref<40x64xi32, #tpu.memory_space<hbm>>
      %dma_wait3A_329 = arith.constant 40 : i32
      %dma_wait3A_330 = arith.constant 0 : i32
      %dma_wait3A_331 = tpu.memref_slice %arg4[%add3A, %dma_wait3A_329, %dma_wait3A_330] : memref<32x160x64xi32, #tpu.memory_space<hbm>> -> memref<1x40x64xi32, #tpu.memory_space<hbm>>
      %dma_wait3A_332 = tpu.memref_squeeze %dma_wait3A_331 : memref<1x40x64xi32, #tpu.memory_space<hbm>> -> memref<40x64xi32, #tpu.memory_space<hbm>>
      tpu.wait_dma2 semaphore(%run_scoped3A : memref<!tpu.dma_semaphore, #tpu.memory_space<semaphore_mem>>) src(%dma_wait3A_332 : memref<40x64xi32, #tpu.memory_space<hbm>>) dst(%arg8 : memref<40x64xi32, #tpu.memory_space<vmem>>)
      tpu.yield
    }) : () -> ()
    %dma_start3A_78 = arith.constant 0 : i32
    %dma_start3A_79 = arith.constant 0 : i32
    %dma_start3A_80 = arith.constant 0 : i32
    %dma_start3A_81 = arith.constant 0 : i32
    %dma_start3A_82 = tpu.memref_slice %arg9[%dma_start3A_79, %dma_start3A_80, %dma_start3A_81] : memref<2x64x128xf32, #tpu.memory_space<vmem>> -> memref<1x64x128xf32, #tpu.memory_space<vmem>>
    %dma_start3A_83 = tpu.memref_squeeze %dma_start3A_82 : memref<1x64x128xf32, #tpu.memory_space<vmem>> -> memref<64x128xf32, #tpu.memory_space<vmem>>
    %dma_start3A_84 = arith.constant 0 : i32
    %dma_start3A_85 = tpu.memref_slice %arg7[%dma_start3A_78, %dma_start3A_84] : memref<40x64xi32, #tpu.memory_space<vmem>> -> memref<1x64xi32, #tpu.memory_space<vmem>>
    %dma_start3A_86 = tpu.memref_squeeze %dma_start3A_85 : memref<1x64xi32, #tpu.memory_space<vmem>> -> memref<64xi32, #tpu.memory_space<vmem>>
    %dma_start3A_87 = arith.constant 0 : i32
    %dma_start3A_88 = arith.constant 0 : i32
    %dma_start3A_89 = tpu.memref_slice %arg2[%dma_start3A_87, %dma_start3A_88] : memref<10240x128xf32, #tpu.memory_space<hbm>> -> memref<10240x128xf32, #tpu.memory_space<hbm>>
    tpu.enqueue_indirect_dma source(%dma_start3A_89 : memref<10240x128xf32, #tpu.memory_space<hbm>>) target(%dma_start3A_83 : memref<64x128xf32, #tpu.memory_space<vmem>>) offsets(%dma_start3A_86 : memref<64xi32, #tpu.memory_space<vmem>>) semaphore(%arg12 : memref<!tpu.dma_semaphore, #tpu.memory_space<semaphore_mem>>)
    %dma_start3A_90 = arith.constant 1 : i32
    %dma_start3A_91 = arith.constant 1 : i32
    %dma_start3A_92 = arith.constant 0 : i32
    %dma_start3A_93 = arith.constant 0 : i32
    %dma_start3A_94 = tpu.memref_slice %arg9[%dma_start3A_91, %dma_start3A_92, %dma_start3A_93] : memref<2x64x128xf32, #tpu.memory_space<vmem>> -> memref<1x64x128xf32, #tpu.memory_space<vmem>>
    %dma_start3A_95 = tpu.memref_squeeze %dma_start3A_94 : memref<1x64x128xf32, #tpu.memory_space<vmem>> -> memref<64x128xf32, #tpu.memory_space<vmem>>
    %dma_start3A_96 = arith.constant 0 : i32
    %dma_start3A_97 = tpu.memref_slice %arg7[%dma_start3A_90, %dma_start3A_96] : memref<40x64xi32, #tpu.memory_space<vmem>> -> memref<1x64xi32, #tpu.memory_space<vmem>>
    %dma_start3A_98 = tpu.memref_squeeze %dma_start3A_97 : memref<1x64xi32, #tpu.memory_space<vmem>> -> memref<64xi32, #tpu.memory_space<vmem>>
    %dma_start3A_99 = arith.constant 0 : i32
    %dma_start3A_100 = arith.constant 0 : i32
    %dma_start3A_101 = tpu.memref_slice %arg2[%dma_start3A_99, %dma_start3A_100] : memref<10240x128xf32, #tpu.memory_space<hbm>> -> memref<10240x128xf32, #tpu.memory_space<hbm>>
    tpu.enqueue_indirect_dma source(%dma_start3A_101 : memref<10240x128xf32, #tpu.memory_space<hbm>>) target(%dma_start3A_95 : memref<64x128xf32, #tpu.memory_space<vmem>>) offsets(%dma_start3A_98 : memref<64xi32, #tpu.memory_space<vmem>>) semaphore(%arg12 : memref<!tpu.dma_semaphore, #tpu.memory_space<semaphore_mem>>)
    %scan3A_102 = arith.constant 0 : i32
    %scan3A_103 = arith.constant 0 : i32
    %scan3A_104 = arith.constant 10 : i32
    %scan3A_105 = arith.addi %scan3A_103, %scan3A_104 : i32
    %scan3A_106 = arith.constant 1 : i32
    scf.for %scan3A_317 = %scan3A_103 to %scan3A_105 step %scan3A_106  : i32 {
      %mul3A_318 = arith.constant 4 : i32
      %mul3A_319 = arith.muli %mul3A_318, %scan3A_317 : i32
      %add3A_320 = arith.constant 2 : i32
      %add3A_321 = arith.addi %mul3A_319, %add3A_320 : i32
      %dma_wait3A_322 = arith.constant 0 : i32
      %dma_wait3A_323 = arith.constant 0 : i32
      %dma_wait3A_324 = arith.constant 0 : i32
      %dma_wait3A_325 = arith.constant 0 : i32
      %dma_wait3A_326 = tpu.memref_slice %arg9[%dma_wait3A_323, %dma_wait3A_324, %dma_wait3A_325] : memref<2x64x128xf32, #tpu.memory_space<vmem>> -> memref<1x64x128xf32, #tpu.memory_space<vmem>>
      %dma_wait3A_327 = tpu.memref_squeeze %dma_wait3A_326 : memref<1x64x128xf32, #tpu.memory_space<vmem>> -> memref<64x128xf32, #tpu.memory_space<vmem>>
      %dma_wait3A_328 = arith.constant 0 : i32
      %dma_wait3A_329 = tpu.memref_slice %arg7[%dma_wait3A_322, %dma_wait3A_328] : memref<40x64xi32, #tpu.memory_space<vmem>> -> memref<1x64xi32, #tpu.memory_space<vmem>>
      %dma_wait3A_330 = tpu.memref_squeeze %dma_wait3A_329 : memref<1x64xi32, #tpu.memory_space<vmem>> -> memref<64xi32, #tpu.memory_space<vmem>>
      %dma_wait3A_331 = arith.constant 0 : i32
      %dma_wait3A_332 = arith.constant 0 : i32
      %dma_wait3A_333 = tpu.memref_slice %arg2[%dma_wait3A_331, %dma_wait3A_332] : memref<10240x128xf32, #tpu.memory_space<hbm>> -> memref<10240x128xf32, #tpu.memory_space<hbm>>
      tpu.wait_indirect_dma semaphore(%arg12 : memref<!tpu.dma_semaphore, #tpu.memory_space<semaphore_mem>>) src(%dma_wait3A_333 : memref<10240x128xf32, #tpu.memory_space<hbm>>) dst(%dma_wait3A_327 : memref<64x128xf32, #tpu.memory_space<vmem>>)
      %dma_wait3A_334 = arith.constant 0 : i32
      %dma_wait3A_335 = arith.constant 1 : i32
      %dma_wait3A_336 = arith.constant 0 : i32
      %dma_wait3A_337 = arith.constant 0 : i32
      %dma_wait3A_338 = tpu.memref_slice %arg9[%dma_wait3A_335, %dma_wait3A_336, %dma_wait3A_337] : memref<2x64x128xf32, #tpu.memory_space<vmem>> -> memref<1x64x128xf32, #tpu.memory_space<vmem>>
      %dma_wait3A_339 = tpu.memref_squeeze %dma_wait3A_338 : memref<1x64x128xf32, #tpu.memory_space<vmem>> -> memref<64x128xf32, #tpu.memory_space<vmem>>
      %dma_wait3A_340 = arith.constant 0 : i32
      %dma_wait3A_341 = tpu.memref_slice %arg7[%dma_wait3A_334, %dma_wait3A_340] : memref<40x64xi32, #tpu.memory_space<vmem>> -> memref<1x64xi32, #tpu.memory_space<vmem>>
      %dma_wait3A_342 = tpu.memref_squeeze %dma_wait3A_341 : memref<1x64xi32, #tpu.memory_space<vmem>> -> memref<64xi32, #tpu.memory_space<vmem>>
      %dma_wait3A_343 = arith.constant 0 : i32
      %dma_wait3A_344 = arith.constant 0 : i32
      %dma_wait3A_345 = tpu.memref_slice %arg2[%dma_wait3A_343, %dma_wait3A_344] : memref<10240x128xf32, #tpu.memory_space<hbm>> -> memref<10240x128xf32, #tpu.memory_space<hbm>>
      tpu.wait_indirect_dma semaphore(%arg12 : memref<!tpu.dma_semaphore, #tpu.memory_space<semaphore_mem>>) src(%dma_wait3A_345 : memref<10240x128xf32, #tpu.memory_space<hbm>>) dst(%dma_wait3A_339 : memref<64x128xf32, #tpu.memory_space<vmem>>)
      %gt3A = arith.constant 0 : i32
      %gt3A_346 = arith.cmpi sgt, %scan3A_317, %gt3A : i32
      %convert_element_type3A = arith.extui %gt3A_346 : i1 to i32
      %cond3A = arith.constant 0 : i32
      %cond3A_347 = arith.cmpi ne, %convert_element_type3A, %cond3A : i32
      scf.if %cond3A_347 {
        %dma_wait3A_454 = arith.constant 0 : i32
        %dma_wait3A_455 = arith.constant 0 : i32
        %dma_wait3A_456 = arith.constant 0 : i32
        %dma_wait3A_457 = arith.constant 0 : i32
        %dma_wait3A_458 = tpu.memref_slice %arg10[%dma_wait3A_454, %dma_wait3A_456, %dma_wait3A_457] : memref<2x64x128xf32, #tpu.memory_space<vmem>> -> memref<1x64x128xf32, #tpu.memory_space<vmem>>
        %dma_wait3A_459 = tpu.memref_squeeze %dma_wait3A_458 : memref<1x64x128xf32, #tpu.memory_space<vmem>> -> memref<64x128xf32, #tpu.memory_space<vmem>>
        %dma_wait3A_460 = arith.constant 0 : i32
        %dma_wait3A_461 = tpu.memref_slice %arg8[%dma_wait3A_455, %dma_wait3A_460] : memref<40x64xi32, #tpu.memory_space<vmem>> -> memref<1x64xi32, #tpu.memory_space<vmem>>
        %dma_wait3A_462 = tpu.memref_squeeze %dma_wait3A_461 : memref<1x64xi32, #tpu.memory_space<vmem>> -> memref<64xi32, #tpu.memory_space<vmem>>
        %dma_wait3A_463 = arith.constant 0 : i32
        %dma_wait3A_464 = arith.constant 0 : i32
        %dma_wait3A_465 = tpu.memref_slice %arg11[%dma_wait3A_463, %dma_wait3A_464] : memref<10240x128xf32, #tpu.memory_space<vmem_shared>> -> memref<10240x128xf32, #tpu.memory_space<vmem_shared>>
        tpu.wait_indirect_dma semaphore(%arg15 : memref<!tpu.dma_semaphore, #tpu.memory_space<semaphore_mem>>) src(%dma_wait3A_459 : memref<64x128xf32, #tpu.memory_space<vmem>>) dst(%dma_wait3A_465 : memref<10240x128xf32, #tpu.memory_space<vmem_shared>>)
        %dma_wait3A_466 = arith.constant 1 : i32
        %dma_wait3A_467 = arith.constant 0 : i32
        %dma_wait3A_468 = arith.constant 0 : i32
        %dma_wait3A_469 = arith.constant 0 : i32
        %dma_wait3A_470 = tpu.memref_slice %arg10[%dma_wait3A_466, %dma_wait3A_468, %dma_wait3A_469] : memref<2x64x128xf32, #tpu.memory_space<vmem>> -> memref<1x64x128xf32, #tpu.memory_space<vmem>>
        %dma_wait3A_471 = tpu.memref_squeeze %dma_wait3A_470 : memref<1x64x128xf32, #tpu.memory_space<vmem>> -> memref<64x128xf32, #tpu.memory_space<vmem>>
        %dma_wait3A_472 = arith.constant 0 : i32
        %dma_wait3A_473 = tpu.memref_slice %arg8[%dma_wait3A_467, %dma_wait3A_472] : memref<40x64xi32, #tpu.memory_space<vmem>> -> memref<1x64xi32, #tpu.memory_space<vmem>>
        %dma_wait3A_474 = tpu.memref_squeeze %dma_wait3A_473 : memref<1x64xi32, #tpu.memory_space<vmem>> -> memref<64xi32, #tpu.memory_space<vmem>>
        %dma_wait3A_475 = arith.constant 0 : i32
        %dma_wait3A_476 = arith.constant 0 : i32
        %dma_wait3A_477 = tpu.memref_slice %arg11[%dma_wait3A_475, %dma_wait3A_476] : memref<10240x128xf32, #tpu.memory_space<vmem_shared>> -> memref<10240x128xf32, #tpu.memory_space<vmem_shared>>
        tpu.wait_indirect_dma semaphore(%arg15 : memref<!tpu.dma_semaphore, #tpu.memory_space<semaphore_mem>>) src(%dma_wait3A_471 : memref<64x128xf32, #tpu.memory_space<vmem>>) dst(%dma_wait3A_477 : memref<10240x128xf32, #tpu.memory_space<vmem_shared>>)
      } else {
      }
      %add3A_348 = arith.constant 0 : i32
      %add3A_349 = arith.addi %add3A_321, %add3A_348 : i32
      %dma_start3A_350 = arith.constant 0 : i32
      %dma_start3A_351 = arith.constant 0 : i32
      %dma_start3A_352 = arith.constant 0 : i32
      %dma_start3A_353 = tpu.memref_slice %arg10[%dma_start3A_350, %dma_start3A_351, %dma_start3A_352] : memref<2x64x128xf32, #tpu.memory_space<vmem>> -> memref<1x64x128xf32, #tpu.memory_space<vmem>>
      %dma_start3A_354 = tpu.memref_squeeze %dma_start3A_353 : memref<1x64x128xf32, #tpu.memory_space<vmem>> -> memref<64x128xf32, #tpu.memory_space<vmem>>
      %dma_start3A_355 = arith.constant 0 : i32
      %dma_start3A_356 = tpu.memref_slice %arg7[%add3A_349, %dma_start3A_355] : memref<40x64xi32, #tpu.memory_space<vmem>> -> memref<1x64xi32, #tpu.memory_space<vmem>>
      %dma_start3A_357 = tpu.memref_squeeze %dma_start3A_356 : memref<1x64xi32, #tpu.memory_space<vmem>> -> memref<64xi32, #tpu.memory_space<vmem>>
      %dma_start3A_358 = arith.constant 0 : i32
      %dma_start3A_359 = arith.constant 0 : i32
      %dma_start3A_360 = tpu.memref_slice %arg2[%dma_start3A_358, %dma_start3A_359] : memref<10240x128xf32, #tpu.memory_space<hbm>> -> memref<10240x128xf32, #tpu.memory_space<hbm>>
      tpu.enqueue_indirect_dma source(%dma_start3A_360 : memref<10240x128xf32, #tpu.memory_space<hbm>>) target(%dma_start3A_354 : memref<64x128xf32, #tpu.memory_space<vmem>>) offsets(%dma_start3A_357 : memref<64xi32, #tpu.memory_space<vmem>>) semaphore(%arg13 : memref<!tpu.dma_semaphore, #tpu.memory_space<semaphore_mem>>)
      %add3A_361 = arith.constant 1 : i32
      %add3A_362 = arith.addi %add3A_321, %add3A_361 : i32
      %dma_start3A_363 = arith.constant 1 : i32
      %dma_start3A_364 = arith.constant 0 : i32
      %dma_start3A_365 = arith.constant 0 : i32
      %dma_start3A_366 = tpu.memref_slice %arg10[%dma_start3A_363, %dma_start3A_364, %dma_start3A_365] : memref<2x64x128xf32, #tpu.memory_space<vmem>> -> memref<1x64x128xf32, #tpu.memory_space<vmem>>
      %dma_start3A_367 = tpu.memref_squeeze %dma_start3A_366 : memref<1x64x128xf32, #tpu.memory_space<vmem>> -> memref<64x128xf32, #tpu.memory_space<vmem>>
      %dma_start3A_368 = arith.constant 0 : i32
      %dma_start3A_369 = tpu.memref_slice %arg7[%add3A_362, %dma_start3A_368] : memref<40x64xi32, #tpu.memory_space<vmem>> -> memref<1x64xi32, #tpu.memory_space<vmem>>
      %dma_start3A_370 = tpu.memref_squeeze %dma_start3A_369 : memref<1x64xi32, #tpu.memory_space<vmem>> -> memref<64xi32, #tpu.memory_space<vmem>>
      %dma_start3A_371 = arith.constant 0 : i32
      %dma_start3A_372 = arith.constant 0 : i32
      %dma_start3A_373 = tpu.memref_slice %arg2[%dma_start3A_371, %dma_start3A_372] : memref<10240x128xf32, #tpu.memory_space<hbm>> -> memref<10240x128xf32, #tpu.memory_space<hbm>>
      tpu.enqueue_indirect_dma source(%dma_start3A_373 : memref<10240x128xf32, #tpu.memory_space<hbm>>) target(%dma_start3A_367 : memref<64x128xf32, #tpu.memory_space<vmem>>) offsets(%dma_start3A_370 : memref<64xi32, #tpu.memory_space<vmem>>) semaphore(%arg13 : memref<!tpu.dma_semaphore, #tpu.memory_space<semaphore_mem>>)
      %add3A_374 = arith.constant 0 : i32
      %add3A_375 = arith.addi %mul3A_319, %add3A_374 : i32
      %dma_start3A_376 = arith.constant 0 : i32
      %dma_start3A_377 = arith.constant 0 : i32
      %dma_start3A_378 = arith.constant 0 : i32
      %dma_start3A_379 = tpu.memref_slice %arg9[%dma_start3A_376, %dma_start3A_377, %dma_start3A_378] : memref<2x64x128xf32, #tpu.memory_space<vmem>> -> memref<1x64x128xf32, #tpu.memory_space<vmem>>
      %dma_start3A_380 = tpu.memref_squeeze %dma_start3A_379 : memref<1x64x128xf32, #tpu.memory_space<vmem>> -> memref<64x128xf32, #tpu.memory_space<vmem>>
      %dma_start3A_381 = arith.constant 0 : i32
      %dma_start3A_382 = tpu.memref_slice %arg8[%add3A_375, %dma_start3A_381] : memref<40x64xi32, #tpu.memory_space<vmem>> -> memref<1x64xi32, #tpu.memory_space<vmem>>
      %dma_start3A_383 = tpu.memref_squeeze %dma_start3A_382 : memref<1x64xi32, #tpu.memory_space<vmem>> -> memref<64xi32, #tpu.memory_space<vmem>>
      %dma_start3A_384 = arith.constant 0 : i32
      %dma_start3A_385 = arith.constant 0 : i32
      %dma_start3A_386 = tpu.memref_slice %arg11[%dma_start3A_384, %dma_start3A_385] : memref<10240x128xf32, #tpu.memory_space<vmem_shared>> -> memref<10240x128xf32, #tpu.memory_space<vmem_shared>>
      tpu.enqueue_indirect_dma source(%dma_start3A_380 : memref<64x128xf32, #tpu.memory_space<vmem>>) target(%dma_start3A_386 : memref<10240x128xf32, #tpu.memory_space<vmem_shared>>) offsets(%dma_start3A_383 : memref<64xi32, #tpu.memory_space<vmem>>) semaphore(%arg14 : memref<!tpu.dma_semaphore, #tpu.memory_space<semaphore_mem>>) {add = true}
      %add3A_387 = arith.constant 1 : i32
      %add3A_388 = arith.addi %mul3A_319, %add3A_387 : i32
      %dma_start3A_389 = arith.constant 1 : i32
      %dma_start3A_390 = arith.constant 0 : i32
      %dma_start3A_391 = arith.constant 0 : i32
      %dma_start3A_392 = tpu.memref_slice %arg9[%dma_start3A_389, %dma_start3A_390, %dma_start3A_391] : memref<2x64x128xf32, #tpu.memory_space<vmem>> -> memref<1x64x128xf32, #tpu.memory_space<vmem>>
      %dma_start3A_393 = tpu.memref_squeeze %dma_start3A_392 : memref<1x64x128xf32, #tpu.memory_space<vmem>> -> memref<64x128xf32, #tpu.memory_space<vmem>>
      %dma_start3A_394 = arith.constant 0 : i32
      %dma_start3A_395 = tpu.memref_slice %arg8[%add3A_388, %dma_start3A_394] : memref<40x64xi32, #tpu.memory_space<vmem>> -> memref<1x64xi32, #tpu.memory_space<vmem>>
      %dma_start3A_396 = tpu.memref_squeeze %dma_start3A_395 : memref<1x64xi32, #tpu.memory_space<vmem>> -> memref<64xi32, #tpu.memory_space<vmem>>
      %dma_start3A_397 = arith.constant 0 : i32
      %dma_start3A_398 = arith.constant 0 : i32
      %dma_start3A_399 = tpu.memref_slice %arg11[%dma_start3A_397, %dma_start3A_398] : memref<10240x128xf32, #tpu.memory_space<vmem_shared>> -> memref<10240x128xf32, #tpu.memory_space<vmem_shared>>
      tpu.enqueue_indirect_dma source(%dma_start3A_393 : memref<64x128xf32, #tpu.memory_space<vmem>>) target(%dma_start3A_399 : memref<10240x128xf32, #tpu.memory_space<vmem_shared>>) offsets(%dma_start3A_396 : memref<64xi32, #tpu.memory_space<vmem>>) semaphore(%arg14 : memref<!tpu.dma_semaphore, #tpu.memory_space<semaphore_mem>>) {add = true}
      %dma_wait3A_400 = arith.constant 0 : i32
      %dma_wait3A_401 = arith.constant 0 : i32
      %dma_wait3A_402 = arith.constant 0 : i32
      %dma_wait3A_403 = arith.constant 0 : i32
      %dma_wait3A_404 = tpu.memref_slice %arg10[%dma_wait3A_401, %dma_wait3A_402, %dma_wait3A_403] : memref<2x64x128xf32, #tpu.memory_space<vmem>> -> memref<1x64x128xf32, #tpu.memory_space<vmem>>
      %dma_wait3A_405 = tpu.memref_squeeze %dma_wait3A_404 : memref<1x64x128xf32, #tpu.memory_space<vmem>> -> memref<64x128xf32, #tpu.memory_space<vmem>>
      %dma_wait3A_406 = arith.constant 0 : i32
      %dma_wait3A_407 = tpu.memref_slice %arg7[%dma_wait3A_400, %dma_wait3A_406] : memref<40x64xi32, #tpu.memory_space<vmem>> -> memref<1x64xi32, #tpu.memory_space<vmem>>
      %dma_wait3A_408 = tpu.memref_squeeze %dma_wait3A_407 : memref<1x64xi32, #tpu.memory_space<vmem>> -> memref<64xi32, #tpu.memory_space<vmem>>
      %dma_wait3A_409 = arith.constant 0 : i32
      %dma_wait3A_410 = arith.constant 0 : i32
      %dma_wait3A_411 = tpu.memref_slice %arg2[%dma_wait3A_409, %dma_wait3A_410] : memref<10240x128xf32, #tpu.memory_space<hbm>> -> memref<10240x128xf32, #tpu.memory_space<hbm>>
      tpu.wait_indirect_dma semaphore(%arg13 : memref<!tpu.dma_semaphore, #tpu.memory_space<semaphore_mem>>) src(%dma_wait3A_411 : memref<10240x128xf32, #tpu.memory_space<hbm>>) dst(%dma_wait3A_405 : memref<64x128xf32, #tpu.memory_space<vmem>>)
      %dma_wait3A_412 = arith.constant 0 : i32
      %dma_wait3A_413 = arith.constant 1 : i32
      %dma_wait3A_414 = arith.constant 0 : i32
      %dma_wait3A_415 = arith.constant 0 : i32
      %dma_wait3A_416 = tpu.memref_slice %arg10[%dma_wait3A_413, %dma_wait3A_414, %dma_wait3A_415] : memref<2x64x128xf32, #tpu.memory_space<vmem>> -> memref<1x64x128xf32, #tpu.memory_space<vmem>>
      %dma_wait3A_417 = tpu.memref_squeeze %dma_wait3A_416 : memref<1x64x128xf32, #tpu.memory_space<vmem>> -> memref<64x128xf32, #tpu.memory_space<vmem>>
      %dma_wait3A_418 = arith.constant 0 : i32
      %dma_wait3A_419 = tpu.memref_slice %arg7[%dma_wait3A_412, %dma_wait3A_418] : memref<40x64xi32, #tpu.memory_space<vmem>> -> memref<1x64xi32, #tpu.memory_space<vmem>>
      %dma_wait3A_420 = tpu.memref_squeeze %dma_wait3A_419 : memref<1x64xi32, #tpu.memory_space<vmem>> -> memref<64xi32, #tpu.memory_space<vmem>>
      %dma_wait3A_421 = arith.constant 0 : i32
      %dma_wait3A_422 = arith.constant 0 : i32
      %dma_wait3A_423 = tpu.memref_slice %arg2[%dma_wait3A_421, %dma_wait3A_422] : memref<10240x128xf32, #tpu.memory_space<hbm>> -> memref<10240x128xf32, #tpu.memory_space<hbm>>
      tpu.wait_indirect_dma semaphore(%arg13 : memref<!tpu.dma_semaphore, #tpu.memory_space<semaphore_mem>>) src(%dma_wait3A_423 : memref<10240x128xf32, #tpu.memory_space<hbm>>) dst(%dma_wait3A_417 : memref<64x128xf32, #tpu.memory_space<vmem>>)
      %lt3A = arith.constant 9 : i32
      %lt3A_424 = arith.cmpi slt, %scan3A_317, %lt3A : i32
      %convert_element_type3A_425 = arith.extui %lt3A_424 : i1 to i32
      %cond3A_426 = arith.constant 0 : i32
      %cond3A_427 = arith.cmpi ne, %convert_element_type3A_425, %cond3A_426 : i32
      scf.if %cond3A_427 {
        %dma_wait3A_454 = arith.constant 0 : i32
        %dma_wait3A_455 = arith.constant 0 : i32
        %dma_wait3A_456 = arith.constant 0 : i32
        %dma_wait3A_457 = arith.constant 0 : i32
        %dma_wait3A_458 = tpu.memref_slice %arg9[%dma_wait3A_454, %dma_wait3A_456, %dma_wait3A_457] : memref<2x64x128xf32, #tpu.memory_space<vmem>> -> memref<1x64x128xf32, #tpu.memory_space<vmem>>
        %dma_wait3A_459 = tpu.memref_squeeze %dma_wait3A_458 : memref<1x64x128xf32, #tpu.memory_space<vmem>> -> memref<64x128xf32, #tpu.memory_space<vmem>>
        %dma_wait3A_460 = arith.constant 0 : i32
        %dma_wait3A_461 = tpu.memref_slice %arg8[%dma_wait3A_455, %dma_wait3A_460] : memref<40x64xi32, #tpu.memory_space<vmem>> -> memref<1x64xi32, #tpu.memory_space<vmem>>
        %dma_wait3A_462 = tpu.memref_squeeze %dma_wait3A_461 : memref<1x64xi32, #tpu.memory_space<vmem>> -> memref<64xi32, #tpu.memory_space<vmem>>
        %dma_wait3A_463 = arith.constant 0 : i32
        %dma_wait3A_464 = arith.constant 0 : i32
        %dma_wait3A_465 = tpu.memref_slice %arg11[%dma_wait3A_463, %dma_wait3A_464] : memref<10240x128xf32, #tpu.memory_space<vmem_shared>> -> memref<10240x128xf32, #tpu.memory_space<vmem_shared>>
        tpu.wait_indirect_dma semaphore(%arg14 : memref<!tpu.dma_semaphore, #tpu.memory_space<semaphore_mem>>) src(%dma_wait3A_459 : memref<64x128xf32, #tpu.memory_space<vmem>>) dst(%dma_wait3A_465 : memref<10240x128xf32, #tpu.memory_space<vmem_shared>>)
        %dma_wait3A_466 = arith.constant 1 : i32
        %dma_wait3A_467 = arith.constant 0 : i32
        %dma_wait3A_468 = arith.constant 0 : i32
        %dma_wait3A_469 = arith.constant 0 : i32
        %dma_wait3A_470 = tpu.memref_slice %arg9[%dma_wait3A_466, %dma_wait3A_468, %dma_wait3A_469] : memref<2x64x128xf32, #tpu.memory_space<vmem>> -> memref<1x64x128xf32, #tpu.memory_space<vmem>>
        %dma_wait3A_471 = tpu.memref_squeeze %dma_wait3A_470 : memref<1x64x128xf32, #tpu.memory_space<vmem>> -> memref<64x128xf32, #tpu.memory_space<vmem>>
        %dma_wait3A_472 = arith.constant 0 : i32
        %dma_wait3A_473 = tpu.memref_slice %arg8[%dma_wait3A_467, %dma_wait3A_472] : memref<40x64xi32, #tpu.memory_space<vmem>> -> memref<1x64xi32, #tpu.memory_space<vmem>>
        %dma_wait3A_474 = tpu.memref_squeeze %dma_wait3A_473 : memref<1x64xi32, #tpu.memory_space<vmem>> -> memref<64xi32, #tpu.memory_space<vmem>>
        %dma_wait3A_475 = arith.constant 0 : i32
        %dma_wait3A_476 = arith.constant 0 : i32
        %dma_wait3A_477 = tpu.memref_slice %arg11[%dma_wait3A_475, %dma_wait3A_476] : memref<10240x128xf32, #tpu.memory_space<vmem_shared>> -> memref<10240x128xf32, #tpu.memory_space<vmem_shared>>
        tpu.wait_indirect_dma semaphore(%arg14 : memref<!tpu.dma_semaphore, #tpu.memory_space<semaphore_mem>>) src(%dma_wait3A_471 : memref<64x128xf32, #tpu.memory_space<vmem>>) dst(%dma_wait3A_477 : memref<10240x128xf32, #tpu.memory_space<vmem_shared>>)
        %add3A_478 = arith.constant 4 : i32
        %add3A_479 = arith.addi %mul3A_319, %add3A_478 : i32
        %add3A_480 = arith.constant 0 : i32
        %add3A_481 = arith.addi %add3A_479, %add3A_480 : i32
        %dma_start3A_482 = arith.constant 0 : i32
        %dma_start3A_483 = arith.constant 0 : i32
        %dma_start3A_484 = arith.constant 0 : i32
        %dma_start3A_485 = tpu.memref_slice %arg9[%dma_start3A_482, %dma_start3A_483, %dma_start3A_484] : memref<2x64x128xf32, #tpu.memory_space<vmem>> -> memref<1x64x128xf32, #tpu.memory_space<vmem>>
        %dma_start3A_486 = tpu.memref_squeeze %dma_start3A_485 : memref<1x64x128xf32, #tpu.memory_space<vmem>> -> memref<64x128xf32, #tpu.memory_space<vmem>>
        %dma_start3A_487 = arith.constant 0 : i32
        %dma_start3A_488 = tpu.memref_slice %arg7[%add3A_481, %dma_start3A_487] : memref<40x64xi32, #tpu.memory_space<vmem>> -> memref<1x64xi32, #tpu.memory_space<vmem>>
        %dma_start3A_489 = tpu.memref_squeeze %dma_start3A_488 : memref<1x64xi32, #tpu.memory_space<vmem>> -> memref<64xi32, #tpu.memory_space<vmem>>
        %dma_start3A_490 = arith.constant 0 : i32
        %dma_start3A_491 = arith.constant 0 : i32
        %dma_start3A_492 = tpu.memref_slice %arg2[%dma_start3A_490, %dma_start3A_491] : memref<10240x128xf32, #tpu.memory_space<hbm>> -> memref<10240x128xf32, #tpu.memory_space<hbm>>
        tpu.enqueue_indirect_dma source(%dma_start3A_492 : memref<10240x128xf32, #tpu.memory_space<hbm>>) target(%dma_start3A_486 : memref<64x128xf32, #tpu.memory_space<vmem>>) offsets(%dma_start3A_489 : memref<64xi32, #tpu.memory_space<vmem>>) semaphore(%arg12 : memref<!tpu.dma_semaphore, #tpu.memory_space<semaphore_mem>>)
        %add3A_493 = arith.constant 4 : i32
        %add3A_494 = arith.addi %mul3A_319, %add3A_493 : i32
        %add3A_495 = arith.constant 1 : i32
        %add3A_496 = arith.addi %add3A_494, %add3A_495 : i32
        %dma_start3A_497 = arith.constant 1 : i32
        %dma_start3A_498 = arith.constant 0 : i32
        %dma_start3A_499 = arith.constant 0 : i32
        %dma_start3A_500 = tpu.memref_slice %arg9[%dma_start3A_497, %dma_start3A_498, %dma_start3A_499] : memref<2x64x128xf32, #tpu.memory_space<vmem>> -> memref<1x64x128xf32, #tpu.memory_space<vmem>>
        %dma_start3A_501 = tpu.memref_squeeze %dma_start3A_500 : memref<1x64x128xf32, #tpu.memory_space<vmem>> -> memref<64x128xf32, #tpu.memory_space<vmem>>
        %dma_start3A_502 = arith.constant 0 : i32
        %dma_start3A_503 = tpu.memref_slice %arg7[%add3A_496, %dma_start3A_502] : memref<40x64xi32, #tpu.memory_space<vmem>> -> memref<1x64xi32, #tpu.memory_space<vmem>>
        %dma_start3A_504 = tpu.memref_squeeze %dma_start3A_503 : memref<1x64xi32, #tpu.memory_space<vmem>> -> memref<64xi32, #tpu.memory_space<vmem>>
        %dma_start3A_505 = arith.constant 0 : i32
        %dma_start3A_506 = arith.constant 0 : i32
        %dma_start3A_507 = tpu.memref_slice %arg2[%dma_start3A_505, %dma_start3A_506] : memref<10240x128xf32, #tpu.memory_space<hbm>> -> memref<10240x128xf32, #tpu.memory_space<hbm>>
        tpu.enqueue_indirect_dma source(%dma_start3A_507 : memref<10240x128xf32, #tpu.memory_space<hbm>>) target(%dma_start3A_501 : memref<64x128xf32, #tpu.memory_space<vmem>>) offsets(%dma_start3A_504 : memref<64xi32, #tpu.memory_space<vmem>>) semaphore(%arg12 : memref<!tpu.dma_semaphore, #tpu.memory_space<semaphore_mem>>)
      } else {
      }
      %add3A_428 = arith.constant 0 : i32
      %add3A_429 = arith.addi %add3A_321, %add3A_428 : i32
      %dma_start3A_430 = arith.constant 0 : i32
      %dma_start3A_431 = arith.constant 0 : i32
      %dma_start3A_432 = arith.constant 0 : i32
      %dma_start3A_433 = tpu.memref_slice %arg10[%dma_start3A_430, %dma_start3A_431, %dma_start3A_432] : memref<2x64x128xf32, #tpu.memory_space<vmem>> -> memref<1x64x128xf32, #tpu.memory_space<vmem>>
      %dma_start3A_434 = tpu.memref_squeeze %dma_start3A_433 : memref<1x64x128xf32, #tpu.memory_space<vmem>> -> memref<64x128xf32, #tpu.memory_space<vmem>>
      %dma_start3A_435 = arith.constant 0 : i32
      %dma_start3A_436 = tpu.memref_slice %arg8[%add3A_429, %dma_start3A_435] : memref<40x64xi32, #tpu.memory_space<vmem>> -> memref<1x64xi32, #tpu.memory_space<vmem>>
      %dma_start3A_437 = tpu.memref_squeeze %dma_start3A_436 : memref<1x64xi32, #tpu.memory_space<vmem>> -> memref<64xi32, #tpu.memory_space<vmem>>
      %dma_start3A_438 = arith.constant 0 : i32
      %dma_start3A_439 = arith.constant 0 : i32
      %dma_start3A_440 = tpu.memref_slice %arg11[%dma_start3A_438, %dma_start3A_439] : memref<10240x128xf32, #tpu.memory_space<vmem_shared>> -> memref<10240x128xf32, #tpu.memory_space<vmem_shared>>
      tpu.enqueue_indirect_dma source(%dma_start3A_434 : memref<64x128xf32, #tpu.memory_space<vmem>>) target(%dma_start3A_440 : memref<10240x128xf32, #tpu.memory_space<vmem_shared>>) offsets(%dma_start3A_437 : memref<64xi32, #tpu.memory_space<vmem>>) semaphore(%arg15 : memref<!tpu.dma_semaphore, #tpu.memory_space<semaphore_mem>>) {add = true}
      %add3A_441 = arith.constant 1 : i32
      %add3A_442 = arith.addi %add3A_321, %add3A_441 : i32
      %dma_start3A_443 = arith.constant 1 : i32
      %dma_start3A_444 = arith.constant 0 : i32
      %dma_start3A_445 = arith.constant 0 : i32
      %dma_start3A_446 = tpu.memref_slice %arg10[%dma_start3A_443, %dma_start3A_444, %dma_start3A_445] : memref<2x64x128xf32, #tpu.memory_space<vmem>> -> memref<1x64x128xf32, #tpu.memory_space<vmem>>
      %dma_start3A_447 = tpu.memref_squeeze %dma_start3A_446 : memref<1x64x128xf32, #tpu.memory_space<vmem>> -> memref<64x128xf32, #tpu.memory_space<vmem>>
      %dma_start3A_448 = arith.constant 0 : i32
      %dma_start3A_449 = tpu.memref_slice %arg8[%add3A_442, %dma_start3A_448] : memref<40x64xi32, #tpu.memory_space<vmem>> -> memref<1x64xi32, #tpu.memory_space<vmem>>
      %dma_start3A_450 = tpu.memref_squeeze %dma_start3A_449 : memref<1x64xi32, #tpu.memory_space<vmem>> -> memref<64xi32, #tpu.memory_space<vmem>>
      %dma_start3A_451 = arith.constant 0 : i32
      %dma_start3A_452 = arith.constant 0 : i32
      %dma_start3A_453 = tpu.memref_slice %arg11[%dma_start3A_451, %dma_start3A_452] : memref<10240x128xf32, #tpu.memory_space<vmem_shared>> -> memref<10240x128xf32, #tpu.memory_space<vmem_shared>>
      tpu.enqueue_indirect_dma source(%dma_start3A_447 : memref<64x128xf32, #tpu.memory_space<vmem>>) target(%dma_start3A_453 : memref<10240x128xf32, #tpu.memory_space<vmem_shared>>) offsets(%dma_start3A_450 : memref<64xi32, #tpu.memory_space<vmem>>) semaphore(%arg15 : memref<!tpu.dma_semaphore, #tpu.memory_space<semaphore_mem>>) {add = true}
    }
    %scan3A_107 = arith.constant 10 : i32
    %dma_wait3A_108 = arith.constant 0 : i32
    %dma_wait3A_109 = arith.constant 0 : i32
    %dma_wait3A_110 = arith.constant 0 : i32
    %dma_wait3A_111 = arith.constant 0 : i32
    %dma_wait3A_112 = tpu.memref_slice %arg9[%dma_wait3A_108, %dma_wait3A_110, %dma_wait3A_111] : memref<2x64x128xf32, #tpu.memory_space<vmem>> -> memref<1x64x128xf32, #tpu.memory_space<vmem>>
    %dma_wait3A_113 = tpu.memref_squeeze %dma_wait3A_112 : memref<1x64x128xf32, #tpu.memory_space<vmem>> -> memref<64x128xf32, #tpu.memory_space<vmem>>
    %dma_wait3A_114 = arith.constant 0 : i32
    %dma_wait3A_115 = tpu.memref_slice %arg8[%dma_wait3A_109, %dma_wait3A_114] : memref<40x64xi32, #tpu.memory_space<vmem>> -> memref<1x64xi32, #tpu.memory_space<vmem>>
    %dma_wait3A_116 = tpu.memref_squeeze %dma_wait3A_115 : memref<1x64xi32, #tpu.memory_space<vmem>> -> memref<64xi32, #tpu.memory_space<vmem>>
    %dma_wait3A_117 = arith.constant 0 : i32
    %dma_wait3A_118 = arith.constant 0 : i32
    %dma_wait3A_119 = tpu.memref_slice %arg11[%dma_wait3A_117, %dma_wait3A_118] : memref<10240x128xf32, #tpu.memory_space<vmem_shared>> -> memref<10240x128xf32, #tpu.memory_space<vmem_shared>>
    tpu.wait_indirect_dma semaphore(%arg14 : memref<!tpu.dma_semaphore, #tpu.memory_space<semaphore_mem>>) src(%dma_wait3A_113 : memref<64x128xf32, #tpu.memory_space<vmem>>) dst(%dma_wait3A_119 : memref<10240x128xf32, #tpu.memory_space<vmem_shared>>)
    %dma_wait3A_120 = arith.constant 0 : i32
    %dma_wait3A_121 = arith.constant 0 : i32
    %dma_wait3A_122 = arith.constant 0 : i32
    %dma_wait3A_123 = arith.constant 0 : i32
    %dma_wait3A_124 = tpu.memref_slice %arg10[%dma_wait3A_120, %dma_wait3A_122, %dma_wait3A_123] : memref<2x64x128xf32, #tpu.memory_space<vmem>> -> memref<1x64x128xf32, #tpu.memory_space<vmem>>
    %dma_wait3A_125 = tpu.memref_squeeze %dma_wait3A_124 : memref<1x64x128xf32, #tpu.memory_space<vmem>> -> memref<64x128xf32, #tpu.memory_space<vmem>>
    %dma_wait3A_126 = arith.constant 0 : i32
    %dma_wait3A_127 = tpu.memref_slice %arg8[%dma_wait3A_121, %dma_wait3A_126] : memref<40x64xi32, #tpu.memory_space<vmem>> -> memref<1x64xi32, #tpu.memory_space<vmem>>
    %dma_wait3A_128 = tpu.memref_squeeze %dma_wait3A_127 : memref<1x64xi32, #tpu.memory_space<vmem>> -> memref<64xi32, #tpu.memory_space<vmem>>
    %dma_wait3A_129 = arith.constant 0 : i32
    %dma_wait3A_130 = arith.constant 0 : i32
    %dma_wait3A_131 = tpu.memref_slice %arg11[%dma_wait3A_129, %dma_wait3A_130] : memref<10240x128xf32, #tpu.memory_space<vmem_shared>> -> memref<10240x128xf32, #tpu.memory_space<vmem_shared>>
    tpu.wait_indirect_dma semaphore(%arg15 : memref<!tpu.dma_semaphore, #tpu.memory_space<semaphore_mem>>) src(%dma_wait3A_125 : memref<64x128xf32, #tpu.memory_space<vmem>>) dst(%dma_wait3A_131 : memref<10240x128xf32, #tpu.memory_space<vmem_shared>>)
    %dma_wait3A_132 = arith.constant 1 : i32
    %dma_wait3A_133 = arith.constant 0 : i32
    %dma_wait3A_134 = arith.constant 0 : i32
    %dma_wait3A_135 = arith.constant 0 : i32
    %dma_wait3A_136 = tpu.memref_slice %arg9[%dma_wait3A_132, %dma_wait3A_134, %dma_wait3A_135] : memref<2x64x128xf32, #tpu.memory_space<vmem>> -> memref<1x64x128xf32, #tpu.memory_space<vmem>>
    %dma_wait3A_137 = tpu.memref_squeeze %dma_wait3A_136 : memref<1x64x128xf32, #tpu.memory_space<vmem>> -> memref<64x128xf32, #tpu.memory_space<vmem>>
    %dma_wait3A_138 = arith.constant 0 : i32
    %dma_wait3A_139 = tpu.memref_slice %arg8[%dma_wait3A_133, %dma_wait3A_138] : memref<40x64xi32, #tpu.memory_space<vmem>> -> memref<1x64xi32, #tpu.memory_space<vmem>>
    %dma_wait3A_140 = tpu.memref_squeeze %dma_wait3A_139 : memref<1x64xi32, #tpu.memory_space<vmem>> -> memref<64xi32, #tpu.memory_space<vmem>>
    %dma_wait3A_141 = arith.constant 0 : i32
    %dma_wait3A_142 = arith.constant 0 : i32
    %dma_wait3A_143 = tpu.memref_slice %arg11[%dma_wait3A_141, %dma_wait3A_142] : memref<10240x128xf32, #tpu.memory_space<vmem_shared>> -> memref<10240x128xf32, #tpu.memory_space<vmem_shared>>
    tpu.wait_indirect_dma semaphore(%arg14 : memref<!tpu.dma_semaphore, #tpu.memory_space<semaphore_mem>>) src(%dma_wait3A_137 : memref<64x128xf32, #tpu.memory_space<vmem>>) dst(%dma_wait3A_143 : memref<10240x128xf32, #tpu.memory_space<vmem_shared>>)
    %dma_wait3A_144 = arith.constant 1 : i32
    %dma_wait3A_145 = arith.constant 0 : i32
    %dma_wait3A_146 = arith.constant 0 : i32
    %dma_wait3A_147 = arith.constant 0 : i32
    %dma_wait3A_148 = tpu.memref_slice %arg10[%dma_wait3A_144, %dma_wait3A_146, %dma_wait3A_147] : memref<2x64x128xf32, #tpu.memory_space<vmem>> -> memref<1x64x128xf32, #tpu.memory_space<vmem>>
    %dma_wait3A_149 = tpu.memref_squeeze %dma_wait3A_148 : memref<1x64x128xf32, #tpu.memory_space<vmem>> -> memref<64x128xf32, #tpu.memory_space<vmem>>
    %dma_wait3A_150 = arith.constant 0 : i32
    %dma_wait3A_151 = tpu.memref_slice %arg8[%dma_wait3A_145, %dma_wait3A_150] : memref<40x64xi32, #tpu.memory_space<vmem>> -> memref<1x64xi32, #tpu.memory_space<vmem>>
    %dma_wait3A_152 = tpu.memref_squeeze %dma_wait3A_151 : memref<1x64xi32, #tpu.memory_space<vmem>> -> memref<64xi32, #tpu.memory_space<vmem>>
    %dma_wait3A_153 = arith.constant 0 : i32
    %dma_wait3A_154 = arith.constant 0 : i32
    %dma_wait3A_155 = tpu.memref_slice %arg11[%dma_wait3A_153, %dma_wait3A_154] : memref<10240x128xf32, #tpu.memory_space<vmem_shared>> -> memref<10240x128xf32, #tpu.memory_space<vmem_shared>>
    tpu.wait_indirect_dma semaphore(%arg15 : memref<!tpu.dma_semaphore, #tpu.memory_space<semaphore_mem>>) src(%dma_wait3A_149 : memref<64x128xf32, #tpu.memory_space<vmem>>) dst(%dma_wait3A_155 : memref<10240x128xf32, #tpu.memory_space<vmem_shared>>)
    "tpu.region"() ({
      %run_scoped3A = tpu.sem_alloc : memref<!tpu.dma_semaphore, #tpu.memory_space<semaphore_mem>>
      %dma_start3A_317 = arith.constant 80 : i32
      %dma_start3A_318 = arith.constant 0 : i32
      %dma_start3A_319 = tpu.memref_slice %arg3[%add3A, %dma_start3A_317, %dma_start3A_318] : memref<32x160x64xi32, #tpu.memory_space<hbm>> -> memref<1x40x64xi32, #tpu.memory_space<hbm>>
      %dma_start3A_320 = tpu.memref_squeeze %dma_start3A_319 : memref<1x40x64xi32, #tpu.memory_space<hbm>> -> memref<40x64xi32, #tpu.memory_space<hbm>>
      %dma_start3A_321 = arith.constant 80 : i32
      %dma_start3A_322 = arith.constant 0 : i32
      %dma_start3A_323 = tpu.memref_slice %arg3[%add3A, %dma_start3A_321, %dma_start3A_322] : memref<32x160x64xi32, #tpu.memory_space<hbm>> -> memref<1x40x64xi32, #tpu.memory_space<hbm>>
      %dma_start3A_324 = tpu.memref_squeeze %dma_start3A_323 : memref<1x40x64xi32, #tpu.memory_space<hbm>> -> memref<40x64xi32, #tpu.memory_space<hbm>>
      tpu.enqueue_dma source(%dma_start3A_324 : memref<40x64xi32, #tpu.memory_space<hbm>>) target(%arg7 : memref<40x64xi32, #tpu.memory_space<vmem>>) target_semaphore(%run_scoped3A : memref<!tpu.dma_semaphore, #tpu.memory_space<semaphore_mem>>)
      %dma_wait3A_325 = arith.constant 80 : i32
      %dma_wait3A_326 = arith.constant 0 : i32
      %dma_wait3A_327 = tpu.memref_slice %arg3[%add3A, %dma_wait3A_325, %dma_wait3A_326] : memref<32x160x64xi32, #tpu.memory_space<hbm>> -> memref<1x40x64xi32, #tpu.memory_space<hbm>>
      %dma_wait3A_328 = tpu.memref_squeeze %dma_wait3A_327 : memref<1x40x64xi32, #tpu.memory_space<hbm>> -> memref<40x64xi32, #tpu.memory_space<hbm>>
      %dma_wait3A_329 = arith.constant 80 : i32
      %dma_wait3A_330 = arith.constant 0 : i32
      %dma_wait3A_331 = tpu.memref_slice %arg3[%add3A, %dma_wait3A_329, %dma_wait3A_330] : memref<32x160x64xi32, #tpu.memory_space<hbm>> -> memref<1x40x64xi32, #tpu.memory_space<hbm>>
      %dma_wait3A_332 = tpu.memref_squeeze %dma_wait3A_331 : memref<1x40x64xi32, #tpu.memory_space<hbm>> -> memref<40x64xi32, #tpu.memory_space<hbm>>
      tpu.wait_dma2 semaphore(%run_scoped3A : memref<!tpu.dma_semaphore, #tpu.memory_space<semaphore_mem>>) src(%dma_wait3A_332 : memref<40x64xi32, #tpu.memory_space<hbm>>) dst(%arg7 : memref<40x64xi32, #tpu.memory_space<vmem>>)
      tpu.yield
    }) : () -> ()
    "tpu.region"() ({
      %run_scoped3A = tpu.sem_alloc : memref<!tpu.dma_semaphore, #tpu.memory_space<semaphore_mem>>
      %dma_start3A_317 = arith.constant 80 : i32
      %dma_start3A_318 = arith.constant 0 : i32
      %dma_start3A_319 = tpu.memref_slice %arg4[%add3A, %dma_start3A_317, %dma_start3A_318] : memref<32x160x64xi32, #tpu.memory_space<hbm>> -> memref<1x40x64xi32, #tpu.memory_space<hbm>>
      %dma_start3A_320 = tpu.memref_squeeze %dma_start3A_319 : memref<1x40x64xi32, #tpu.memory_space<hbm>> -> memref<40x64xi32, #tpu.memory_space<hbm>>
      %dma_start3A_321 = arith.constant 80 : i32
      %dma_start3A_322 = arith.constant 0 : i32
      %dma_start3A_323 = tpu.memref_slice %arg4[%add3A, %dma_start3A_321, %dma_start3A_322] : memref<32x160x64xi32, #tpu.memory_space<hbm>> -> memref<1x40x64xi32, #tpu.memory_space<hbm>>
      %dma_start3A_324 = tpu.memref_squeeze %dma_start3A_323 : memref<1x40x64xi32, #tpu.memory_space<hbm>> -> memref<40x64xi32, #tpu.memory_space<hbm>>
      tpu.enqueue_dma source(%dma_start3A_324 : memref<40x64xi32, #tpu.memory_space<hbm>>) target(%arg8 : memref<40x64xi32, #tpu.memory_space<vmem>>) target_semaphore(%run_scoped3A : memref<!tpu.dma_semaphore, #tpu.memory_space<semaphore_mem>>)
      %dma_wait3A_325 = arith.constant 80 : i32
      %dma_wait3A_326 = arith.constant 0 : i32
      %dma_wait3A_327 = tpu.memref_slice %arg4[%add3A, %dma_wait3A_325, %dma_wait3A_326] : memref<32x160x64xi32, #tpu.memory_space<hbm>> -> memref<1x40x64xi32, #tpu.memory_space<hbm>>
      %dma_wait3A_328 = tpu.memref_squeeze %dma_wait3A_327 : memref<1x40x64xi32, #tpu.memory_space<hbm>> -> memref<40x64xi32, #tpu.memory_space<hbm>>
      %dma_wait3A_329 = arith.constant 80 : i32
      %dma_wait3A_330 = arith.constant 0 : i32
      %dma_wait3A_331 = tpu.memref_slice %arg4[%add3A, %dma_wait3A_329, %dma_wait3A_330] : memref<32x160x64xi32, #tpu.memory_space<hbm>> -> memref<1x40x64xi32, #tpu.memory_space<hbm>>
      %dma_wait3A_332 = tpu.memref_squeeze %dma_wait3A_331 : memref<1x40x64xi32, #tpu.memory_space<hbm>> -> memref<40x64xi32, #tpu.memory_space<hbm>>
      tpu.wait_dma2 semaphore(%run_scoped3A : memref<!tpu.dma_semaphore, #tpu.memory_space<semaphore_mem>>) src(%dma_wait3A_332 : memref<40x64xi32, #tpu.memory_space<hbm>>) dst(%arg8 : memref<40x64xi32, #tpu.memory_space<vmem>>)
      tpu.yield
    }) : () -> ()
    %dma_start3A_156 = arith.constant 0 : i32
    %dma_start3A_157 = arith.constant 0 : i32
    %dma_start3A_158 = arith.constant 0 : i32
    %dma_start3A_159 = arith.constant 0 : i32
    %dma_start3A_160 = tpu.memref_slice %arg9[%dma_start3A_157, %dma_start3A_158, %dma_start3A_159] : memref<2x64x128xf32, #tpu.memory_space<vmem>> -> memref<1x64x128xf32, #tpu.memory_space<vmem>>
    %dma_start3A_161 = tpu.memref_squeeze %dma_start3A_160 : memref<1x64x128xf32, #tpu.memory_space<vmem>> -> memref<64x128xf32, #tpu.memory_space<vmem>>
    %dma_start3A_162 = arith.constant 0 : i32
    %dma_start3A_163 = tpu.memref_slice %arg7[%dma_start3A_156, %dma_start3A_162] : memref<40x64xi32, #tpu.memory_space<vmem>> -> memref<1x64xi32, #tpu.memory_space<vmem>>
    %dma_start3A_164 = tpu.memref_squeeze %dma_start3A_163 : memref<1x64xi32, #tpu.memory_space<vmem>> -> memref<64xi32, #tpu.memory_space<vmem>>
    %dma_start3A_165 = arith.constant 0 : i32
    %dma_start3A_166 = arith.constant 0 : i32
    %dma_start3A_167 = tpu.memref_slice %arg2[%dma_start3A_165, %dma_start3A_166] : memref<10240x128xf32, #tpu.memory_space<hbm>> -> memref<10240x128xf32, #tpu.memory_space<hbm>>
    tpu.enqueue_indirect_dma source(%dma_start3A_167 : memref<10240x128xf32, #tpu.memory_space<hbm>>) target(%dma_start3A_161 : memref<64x128xf32, #tpu.memory_space<vmem>>) offsets(%dma_start3A_164 : memref<64xi32, #tpu.memory_space<vmem>>) semaphore(%arg12 : memref<!tpu.dma_semaphore, #tpu.memory_space<semaphore_mem>>)
    %dma_start3A_168 = arith.constant 1 : i32
    %dma_start3A_169 = arith.constant 1 : i32
    %dma_start3A_170 = arith.constant 0 : i32
    %dma_start3A_171 = arith.constant 0 : i32
    %dma_start3A_172 = tpu.memref_slice %arg9[%dma_start3A_169, %dma_start3A_170, %dma_start3A_171] : memref<2x64x128xf32, #tpu.memory_space<vmem>> -> memref<1x64x128xf32, #tpu.memory_space<vmem>>
    %dma_start3A_173 = tpu.memref_squeeze %dma_start3A_172 : memref<1x64x128xf32, #tpu.memory_space<vmem>> -> memref<64x128xf32, #tpu.memory_space<vmem>>
    %dma_start3A_174 = arith.constant 0 : i32
    %dma_start3A_175 = tpu.memref_slice %arg7[%dma_start3A_168, %dma_start3A_174] : memref<40x64xi32, #tpu.memory_space<vmem>> -> memref<1x64xi32, #tpu.memory_space<vmem>>
    %dma_start3A_176 = tpu.memref_squeeze %dma_start3A_175 : memref<1x64xi32, #tpu.memory_space<vmem>> -> memref<64xi32, #tpu.memory_space<vmem>>
    %dma_start3A_177 = arith.constant 0 : i32
    %dma_start3A_178 = arith.constant 0 : i32
    %dma_start3A_179 = tpu.memref_slice %arg2[%dma_start3A_177, %dma_start3A_178] : memref<10240x128xf32, #tpu.memory_space<hbm>> -> memref<10240x128xf32, #tpu.memory_space<hbm>>
    tpu.enqueue_indirect_dma source(%dma_start3A_179 : memref<10240x128xf32, #tpu.memory_space<hbm>>) target(%dma_start3A_173 : memref<64x128xf32, #tpu.memory_space<vmem>>) offsets(%dma_start3A_176 : memref<64xi32, #tpu.memory_space<vmem>>) semaphore(%arg12 : memref<!tpu.dma_semaphore, #tpu.memory_space<semaphore_mem>>)
    %scan3A_180 = arith.constant 0 : i32
    %scan3A_181 = arith.constant 0 : i32
    %scan3A_182 = arith.constant 10 : i32
    %scan3A_183 = arith.addi %scan3A_181, %scan3A_182 : i32
    %scan3A_184 = arith.constant 1 : i32
    scf.for %scan3A_317 = %scan3A_181 to %scan3A_183 step %scan3A_184  : i32 {
      %mul3A_318 = arith.constant 4 : i32
      %mul3A_319 = arith.muli %mul3A_318, %scan3A_317 : i32
      %add3A_320 = arith.constant 2 : i32
      %add3A_321 = arith.addi %mul3A_319, %add3A_320 : i32
      %dma_wait3A_322 = arith.constant 0 : i32
      %dma_wait3A_323 = arith.constant 0 : i32
      %dma_wait3A_324 = arith.constant 0 : i32
      %dma_wait3A_325 = arith.constant 0 : i32
      %dma_wait3A_326 = tpu.memref_slice %arg9[%dma_wait3A_323, %dma_wait3A_324, %dma_wait3A_325] : memref<2x64x128xf32, #tpu.memory_space<vmem>> -> memref<1x64x128xf32, #tpu.memory_space<vmem>>
      %dma_wait3A_327 = tpu.memref_squeeze %dma_wait3A_326 : memref<1x64x128xf32, #tpu.memory_space<vmem>> -> memref<64x128xf32, #tpu.memory_space<vmem>>
      %dma_wait3A_328 = arith.constant 0 : i32
      %dma_wait3A_329 = tpu.memref_slice %arg7[%dma_wait3A_322, %dma_wait3A_328] : memref<40x64xi32, #tpu.memory_space<vmem>> -> memref<1x64xi32, #tpu.memory_space<vmem>>
      %dma_wait3A_330 = tpu.memref_squeeze %dma_wait3A_329 : memref<1x64xi32, #tpu.memory_space<vmem>> -> memref<64xi32, #tpu.memory_space<vmem>>
      %dma_wait3A_331 = arith.constant 0 : i32
      %dma_wait3A_332 = arith.constant 0 : i32
      %dma_wait3A_333 = tpu.memref_slice %arg2[%dma_wait3A_331, %dma_wait3A_332] : memref<10240x128xf32, #tpu.memory_space<hbm>> -> memref<10240x128xf32, #tpu.memory_space<hbm>>
      tpu.wait_indirect_dma semaphore(%arg12 : memref<!tpu.dma_semaphore, #tpu.memory_space<semaphore_mem>>) src(%dma_wait3A_333 : memref<10240x128xf32, #tpu.memory_space<hbm>>) dst(%dma_wait3A_327 : memref<64x128xf32, #tpu.memory_space<vmem>>)
      %dma_wait3A_334 = arith.constant 0 : i32
      %dma_wait3A_335 = arith.constant 1 : i32
      %dma_wait3A_336 = arith.constant 0 : i32
      %dma_wait3A_337 = arith.constant 0 : i32
      %dma_wait3A_338 = tpu.memref_slice %arg9[%dma_wait3A_335, %dma_wait3A_336, %dma_wait3A_337] : memref<2x64x128xf32, #tpu.memory_space<vmem>> -> memref<1x64x128xf32, #tpu.memory_space<vmem>>
      %dma_wait3A_339 = tpu.memref_squeeze %dma_wait3A_338 : memref<1x64x128xf32, #tpu.memory_space<vmem>> -> memref<64x128xf32, #tpu.memory_space<vmem>>
      %dma_wait3A_340 = arith.constant 0 : i32
      %dma_wait3A_341 = tpu.memref_slice %arg7[%dma_wait3A_334, %dma_wait3A_340] : memref<40x64xi32, #tpu.memory_space<vmem>> -> memref<1x64xi32, #tpu.memory_space<vmem>>
      %dma_wait3A_342 = tpu.memref_squeeze %dma_wait3A_341 : memref<1x64xi32, #tpu.memory_space<vmem>> -> memref<64xi32, #tpu.memory_space<vmem>>
      %dma_wait3A_343 = arith.constant 0 : i32
      %dma_wait3A_344 = arith.constant 0 : i32
      %dma_wait3A_345 = tpu.memref_slice %arg2[%dma_wait3A_343, %dma_wait3A_344] : memref<10240x128xf32, #tpu.memory_space<hbm>> -> memref<10240x128xf32, #tpu.memory_space<hbm>>
      tpu.wait_indirect_dma semaphore(%arg12 : memref<!tpu.dma_semaphore, #tpu.memory_space<semaphore_mem>>) src(%dma_wait3A_345 : memref<10240x128xf32, #tpu.memory_space<hbm>>) dst(%dma_wait3A_339 : memref<64x128xf32, #tpu.memory_space<vmem>>)
      %gt3A = arith.constant 0 : i32
      %gt3A_346 = arith.cmpi sgt, %scan3A_317, %gt3A : i32
      %convert_element_type3A = arith.extui %gt3A_346 : i1 to i32
      %cond3A = arith.constant 0 : i32
      %cond3A_347 = arith.cmpi ne, %convert_element_type3A, %cond3A : i32
      scf.if %cond3A_347 {
        %dma_wait3A_454 = arith.constant 0 : i32
        %dma_wait3A_455 = arith.constant 0 : i32
        %dma_wait3A_456 = arith.constant 0 : i32
        %dma_wait3A_457 = arith.constant 0 : i32
        %dma_wait3A_458 = tpu.memref_slice %arg10[%dma_wait3A_454, %dma_wait3A_456, %dma_wait3A_457] : memref<2x64x128xf32, #tpu.memory_space<vmem>> -> memref<1x64x128xf32, #tpu.memory_space<vmem>>
        %dma_wait3A_459 = tpu.memref_squeeze %dma_wait3A_458 : memref<1x64x128xf32, #tpu.memory_space<vmem>> -> memref<64x128xf32, #tpu.memory_space<vmem>>
        %dma_wait3A_460 = arith.constant 0 : i32
        %dma_wait3A_461 = tpu.memref_slice %arg8[%dma_wait3A_455, %dma_wait3A_460] : memref<40x64xi32, #tpu.memory_space<vmem>> -> memref<1x64xi32, #tpu.memory_space<vmem>>
        %dma_wait3A_462 = tpu.memref_squeeze %dma_wait3A_461 : memref<1x64xi32, #tpu.memory_space<vmem>> -> memref<64xi32, #tpu.memory_space<vmem>>
        %dma_wait3A_463 = arith.constant 0 : i32
        %dma_wait3A_464 = arith.constant 0 : i32
        %dma_wait3A_465 = tpu.memref_slice %arg11[%dma_wait3A_463, %dma_wait3A_464] : memref<10240x128xf32, #tpu.memory_space<vmem_shared>> -> memref<10240x128xf32, #tpu.memory_space<vmem_shared>>
        tpu.wait_indirect_dma semaphore(%arg15 : memref<!tpu.dma_semaphore, #tpu.memory_space<semaphore_mem>>) src(%dma_wait3A_459 : memref<64x128xf32, #tpu.memory_space<vmem>>) dst(%dma_wait3A_465 : memref<10240x128xf32, #tpu.memory_space<vmem_shared>>)
        %dma_wait3A_466 = arith.constant 1 : i32
        %dma_wait3A_467 = arith.constant 0 : i32
        %dma_wait3A_468 = arith.constant 0 : i32
        %dma_wait3A_469 = arith.constant 0 : i32
        %dma_wait3A_470 = tpu.memref_slice %arg10[%dma_wait3A_466, %dma_wait3A_468, %dma_wait3A_469] : memref<2x64x128xf32, #tpu.memory_space<vmem>> -> memref<1x64x128xf32, #tpu.memory_space<vmem>>
        %dma_wait3A_471 = tpu.memref_squeeze %dma_wait3A_470 : memref<1x64x128xf32, #tpu.memory_space<vmem>> -> memref<64x128xf32, #tpu.memory_space<vmem>>
        %dma_wait3A_472 = arith.constant 0 : i32
        %dma_wait3A_473 = tpu.memref_slice %arg8[%dma_wait3A_467, %dma_wait3A_472] : memref<40x64xi32, #tpu.memory_space<vmem>> -> memref<1x64xi32, #tpu.memory_space<vmem>>
        %dma_wait3A_474 = tpu.memref_squeeze %dma_wait3A_473 : memref<1x64xi32, #tpu.memory_space<vmem>> -> memref<64xi32, #tpu.memory_space<vmem>>
        %dma_wait3A_475 = arith.constant 0 : i32
        %dma_wait3A_476 = arith.constant 0 : i32
        %dma_wait3A_477 = tpu.memref_slice %arg11[%dma_wait3A_475, %dma_wait3A_476] : memref<10240x128xf32, #tpu.memory_space<vmem_shared>> -> memref<10240x128xf32, #tpu.memory_space<vmem_shared>>
        tpu.wait_indirect_dma semaphore(%arg15 : memref<!tpu.dma_semaphore, #tpu.memory_space<semaphore_mem>>) src(%dma_wait3A_471 : memref<64x128xf32, #tpu.memory_space<vmem>>) dst(%dma_wait3A_477 : memref<10240x128xf32, #tpu.memory_space<vmem_shared>>)
      } else {
      }
      %add3A_348 = arith.constant 0 : i32
      %add3A_349 = arith.addi %add3A_321, %add3A_348 : i32
      %dma_start3A_350 = arith.constant 0 : i32
      %dma_start3A_351 = arith.constant 0 : i32
      %dma_start3A_352 = arith.constant 0 : i32
      %dma_start3A_353 = tpu.memref_slice %arg10[%dma_start3A_350, %dma_start3A_351, %dma_start3A_352] : memref<2x64x128xf32, #tpu.memory_space<vmem>> -> memref<1x64x128xf32, #tpu.memory_space<vmem>>
      %dma_start3A_354 = tpu.memref_squeeze %dma_start3A_353 : memref<1x64x128xf32, #tpu.memory_space<vmem>> -> memref<64x128xf32, #tpu.memory_space<vmem>>
      %dma_start3A_355 = arith.constant 0 : i32
      %dma_start3A_356 = tpu.memref_slice %arg7[%add3A_349, %dma_start3A_355] : memref<40x64xi32, #tpu.memory_space<vmem>> -> memref<1x64xi32, #tpu.memory_space<vmem>>
      %dma_start3A_357 = tpu.memref_squeeze %dma_start3A_356 : memref<1x64xi32, #tpu.memory_space<vmem>> -> memref<64xi32, #tpu.memory_space<vmem>>
      %dma_start3A_358 = arith.constant 0 : i32
      %dma_start3A_359 = arith.constant 0 : i32
      %dma_start3A_360 = tpu.memref_slice %arg2[%dma_start3A_358, %dma_start3A_359] : memref<10240x128xf32, #tpu.memory_space<hbm>> -> memref<10240x128xf32, #tpu.memory_space<hbm>>
      tpu.enqueue_indirect_dma source(%dma_start3A_360 : memref<10240x128xf32, #tpu.memory_space<hbm>>) target(%dma_start3A_354 : memref<64x128xf32, #tpu.memory_space<vmem>>) offsets(%dma_start3A_357 : memref<64xi32, #tpu.memory_space<vmem>>) semaphore(%arg13 : memref<!tpu.dma_semaphore, #tpu.memory_space<semaphore_mem>>)
      %add3A_361 = arith.constant 1 : i32
      %add3A_362 = arith.addi %add3A_321, %add3A_361 : i32
      %dma_start3A_363 = arith.constant 1 : i32
      %dma_start3A_364 = arith.constant 0 : i32
      %dma_start3A_365 = arith.constant 0 : i32
      %dma_start3A_366 = tpu.memref_slice %arg10[%dma_start3A_363, %dma_start3A_364, %dma_start3A_365] : memref<2x64x128xf32, #tpu.memory_space<vmem>> -> memref<1x64x128xf32, #tpu.memory_space<vmem>>
      %dma_start3A_367 = tpu.memref_squeeze %dma_start3A_366 : memref<1x64x128xf32, #tpu.memory_space<vmem>> -> memref<64x128xf32, #tpu.memory_space<vmem>>
      %dma_start3A_368 = arith.constant 0 : i32
      %dma_start3A_369 = tpu.memref_slice %arg7[%add3A_362, %dma_start3A_368] : memref<40x64xi32, #tpu.memory_space<vmem>> -> memref<1x64xi32, #tpu.memory_space<vmem>>
      %dma_start3A_370 = tpu.memref_squeeze %dma_start3A_369 : memref<1x64xi32, #tpu.memory_space<vmem>> -> memref<64xi32, #tpu.memory_space<vmem>>
      %dma_start3A_371 = arith.constant 0 : i32
      %dma_start3A_372 = arith.constant 0 : i32
      %dma_start3A_373 = tpu.memref_slice %arg2[%dma_start3A_371, %dma_start3A_372] : memref<10240x128xf32, #tpu.memory_space<hbm>> -> memref<10240x128xf32, #tpu.memory_space<hbm>>
      tpu.enqueue_indirect_dma source(%dma_start3A_373 : memref<10240x128xf32, #tpu.memory_space<hbm>>) target(%dma_start3A_367 : memref<64x128xf32, #tpu.memory_space<vmem>>) offsets(%dma_start3A_370 : memref<64xi32, #tpu.memory_space<vmem>>) semaphore(%arg13 : memref<!tpu.dma_semaphore, #tpu.memory_space<semaphore_mem>>)
      %add3A_374 = arith.constant 0 : i32
      %add3A_375 = arith.addi %mul3A_319, %add3A_374 : i32
      %dma_start3A_376 = arith.constant 0 : i32
      %dma_start3A_377 = arith.constant 0 : i32
      %dma_start3A_378 = arith.constant 0 : i32
      %dma_start3A_379 = tpu.memref_slice %arg9[%dma_start3A_376, %dma_start3A_377, %dma_start3A_378] : memref<2x64x128xf32, #tpu.memory_space<vmem>> -> memref<1x64x128xf32, #tpu.memory_space<vmem>>
      %dma_start3A_380 = tpu.memref_squeeze %dma_start3A_379 : memref<1x64x128xf32, #tpu.memory_space<vmem>> -> memref<64x128xf32, #tpu.memory_space<vmem>>
      %dma_start3A_381 = arith.constant 0 : i32
      %dma_start3A_382 = tpu.memref_slice %arg8[%add3A_375, %dma_start3A_381] : memref<40x64xi32, #tpu.memory_space<vmem>> -> memref<1x64xi32, #tpu.memory_space<vmem>>
      %dma_start3A_383 = tpu.memref_squeeze %dma_start3A_382 : memref<1x64xi32, #tpu.memory_space<vmem>> -> memref<64xi32, #tpu.memory_space<vmem>>
      %dma_start3A_384 = arith.constant 0 : i32
      %dma_start3A_385 = arith.constant 0 : i32
      %dma_start3A_386 = tpu.memref_slice %arg11[%dma_start3A_384, %dma_start3A_385] : memref<10240x128xf32, #tpu.memory_space<vmem_shared>> -> memref<10240x128xf32, #tpu.memory_space<vmem_shared>>
      tpu.enqueue_indirect_dma source(%dma_start3A_380 : memref<64x128xf32, #tpu.memory_space<vmem>>) target(%dma_start3A_386 : memref<10240x128xf32, #tpu.memory_space<vmem_shared>>) offsets(%dma_start3A_383 : memref<64xi32, #tpu.memory_space<vmem>>) semaphore(%arg14 : memref<!tpu.dma_semaphore, #tpu.memory_space<semaphore_mem>>) {add = true}
      %add3A_387 = arith.constant 1 : i32
      %add3A_388 = arith.addi %mul3A_319, %add3A_387 : i32
      %dma_start3A_389 = arith.constant 1 : i32
      %dma_start3A_390 = arith.constant 0 : i32
      %dma_start3A_391 = arith.constant 0 : i32
      %dma_start3A_392 = tpu.memref_slice %arg9[%dma_start3A_389, %dma_start3A_390, %dma_start3A_391] : memref<2x64x128xf32, #tpu.memory_space<vmem>> -> memref<1x64x128xf32, #tpu.memory_space<vmem>>
      %dma_start3A_393 = tpu.memref_squeeze %dma_start3A_392 : memref<1x64x128xf32, #tpu.memory_space<vmem>> -> memref<64x128xf32, #tpu.memory_space<vmem>>
      %dma_start3A_394 = arith.constant 0 : i32
      %dma_start3A_395 = tpu.memref_slice %arg8[%add3A_388, %dma_start3A_394] : memref<40x64xi32, #tpu.memory_space<vmem>> -> memref<1x64xi32, #tpu.memory_space<vmem>>
      %dma_start3A_396 = tpu.memref_squeeze %dma_start3A_395 : memref<1x64xi32, #tpu.memory_space<vmem>> -> memref<64xi32, #tpu.memory_space<vmem>>
      %dma_start3A_397 = arith.constant 0 : i32
      %dma_start3A_398 = arith.constant 0 : i32
      %dma_start3A_399 = tpu.memref_slice %arg11[%dma_start3A_397, %dma_start3A_398] : memref<10240x128xf32, #tpu.memory_space<vmem_shared>> -> memref<10240x128xf32, #tpu.memory_space<vmem_shared>>
      tpu.enqueue_indirect_dma source(%dma_start3A_393 : memref<64x128xf32, #tpu.memory_space<vmem>>) target(%dma_start3A_399 : memref<10240x128xf32, #tpu.memory_space<vmem_shared>>) offsets(%dma_start3A_396 : memref<64xi32, #tpu.memory_space<vmem>>) semaphore(%arg14 : memref<!tpu.dma_semaphore, #tpu.memory_space<semaphore_mem>>) {add = true}
      %dma_wait3A_400 = arith.constant 0 : i32
      %dma_wait3A_401 = arith.constant 0 : i32
      %dma_wait3A_402 = arith.constant 0 : i32
      %dma_wait3A_403 = arith.constant 0 : i32
      %dma_wait3A_404 = tpu.memref_slice %arg10[%dma_wait3A_401, %dma_wait3A_402, %dma_wait3A_403] : memref<2x64x128xf32, #tpu.memory_space<vmem>> -> memref<1x64x128xf32, #tpu.memory_space<vmem>>
      %dma_wait3A_405 = tpu.memref_squeeze %dma_wait3A_404 : memref<1x64x128xf32, #tpu.memory_space<vmem>> -> memref<64x128xf32, #tpu.memory_space<vmem>>
      %dma_wait3A_406 = arith.constant 0 : i32
      %dma_wait3A_407 = tpu.memref_slice %arg7[%dma_wait3A_400, %dma_wait3A_406] : memref<40x64xi32, #tpu.memory_space<vmem>> -> memref<1x64xi32, #tpu.memory_space<vmem>>
      %dma_wait3A_408 = tpu.memref_squeeze %dma_wait3A_407 : memref<1x64xi32, #tpu.memory_space<vmem>> -> memref<64xi32, #tpu.memory_space<vmem>>
      %dma_wait3A_409 = arith.constant 0 : i32
      %dma_wait3A_410 = arith.constant 0 : i32
      %dma_wait3A_411 = tpu.memref_slice %arg2[%dma_wait3A_409, %dma_wait3A_410] : memref<10240x128xf32, #tpu.memory_space<hbm>> -> memref<10240x128xf32, #tpu.memory_space<hbm>>
      tpu.wait_indirect_dma semaphore(%arg13 : memref<!tpu.dma_semaphore, #tpu.memory_space<semaphore_mem>>) src(%dma_wait3A_411 : memref<10240x128xf32, #tpu.memory_space<hbm>>) dst(%dma_wait3A_405 : memref<64x128xf32, #tpu.memory_space<vmem>>)
      %dma_wait3A_412 = arith.constant 0 : i32
      %dma_wait3A_413 = arith.constant 1 : i32
      %dma_wait3A_414 = arith.constant 0 : i32
      %dma_wait3A_415 = arith.constant 0 : i32
      %dma_wait3A_416 = tpu.memref_slice %arg10[%dma_wait3A_413, %dma_wait3A_414, %dma_wait3A_415] : memref<2x64x128xf32, #tpu.memory_space<vmem>> -> memref<1x64x128xf32, #tpu.memory_space<vmem>>
      %dma_wait3A_417 = tpu.memref_squeeze %dma_wait3A_416 : memref<1x64x128xf32, #tpu.memory_space<vmem>> -> memref<64x128xf32, #tpu.memory_space<vmem>>
      %dma_wait3A_418 = arith.constant 0 : i32
      %dma_wait3A_419 = tpu.memref_slice %arg7[%dma_wait3A_412, %dma_wait3A_418] : memref<40x64xi32, #tpu.memory_space<vmem>> -> memref<1x64xi32, #tpu.memory_space<vmem>>
      %dma_wait3A_420 = tpu.memref_squeeze %dma_wait3A_419 : memref<1x64xi32, #tpu.memory_space<vmem>> -> memref<64xi32, #tpu.memory_space<vmem>>
      %dma_wait3A_421 = arith.constant 0 : i32
      %dma_wait3A_422 = arith.constant 0 : i32
      %dma_wait3A_423 = tpu.memref_slice %arg2[%dma_wait3A_421, %dma_wait3A_422] : memref<10240x128xf32, #tpu.memory_space<hbm>> -> memref<10240x128xf32, #tpu.memory_space<hbm>>
      tpu.wait_indirect_dma semaphore(%arg13 : memref<!tpu.dma_semaphore, #tpu.memory_space<semaphore_mem>>) src(%dma_wait3A_423 : memref<10240x128xf32, #tpu.memory_space<hbm>>) dst(%dma_wait3A_417 : memref<64x128xf32, #tpu.memory_space<vmem>>)
      %lt3A = arith.constant 9 : i32
      %lt3A_424 = arith.cmpi slt, %scan3A_317, %lt3A : i32
      %convert_element_type3A_425 = arith.extui %lt3A_424 : i1 to i32
      %cond3A_426 = arith.constant 0 : i32
      %cond3A_427 = arith.cmpi ne, %convert_element_type3A_425, %cond3A_426 : i32
      scf.if %cond3A_427 {
        %dma_wait3A_454 = arith.constant 0 : i32
        %dma_wait3A_455 = arith.constant 0 : i32
        %dma_wait3A_456 = arith.constant 0 : i32
        %dma_wait3A_457 = arith.constant 0 : i32
        %dma_wait3A_458 = tpu.memref_slice %arg9[%dma_wait3A_454, %dma_wait3A_456, %dma_wait3A_457] : memref<2x64x128xf32, #tpu.memory_space<vmem>> -> memref<1x64x128xf32, #tpu.memory_space<vmem>>
        %dma_wait3A_459 = tpu.memref_squeeze %dma_wait3A_458 : memref<1x64x128xf32, #tpu.memory_space<vmem>> -> memref<64x128xf32, #tpu.memory_space<vmem>>
        %dma_wait3A_460 = arith.constant 0 : i32
        %dma_wait3A_461 = tpu.memref_slice %arg8[%dma_wait3A_455, %dma_wait3A_460] : memref<40x64xi32, #tpu.memory_space<vmem>> -> memref<1x64xi32, #tpu.memory_space<vmem>>
        %dma_wait3A_462 = tpu.memref_squeeze %dma_wait3A_461 : memref<1x64xi32, #tpu.memory_space<vmem>> -> memref<64xi32, #tpu.memory_space<vmem>>
        %dma_wait3A_463 = arith.constant 0 : i32
        %dma_wait3A_464 = arith.constant 0 : i32
        %dma_wait3A_465 = tpu.memref_slice %arg11[%dma_wait3A_463, %dma_wait3A_464] : memref<10240x128xf32, #tpu.memory_space<vmem_shared>> -> memref<10240x128xf32, #tpu.memory_space<vmem_shared>>
        tpu.wait_indirect_dma semaphore(%arg14 : memref<!tpu.dma_semaphore, #tpu.memory_space<semaphore_mem>>) src(%dma_wait3A_459 : memref<64x128xf32, #tpu.memory_space<vmem>>) dst(%dma_wait3A_465 : memref<10240x128xf32, #tpu.memory_space<vmem_shared>>)
        %dma_wait3A_466 = arith.constant 1 : i32
        %dma_wait3A_467 = arith.constant 0 : i32
        %dma_wait3A_468 = arith.constant 0 : i32
        %dma_wait3A_469 = arith.constant 0 : i32
        %dma_wait3A_470 = tpu.memref_slice %arg9[%dma_wait3A_466, %dma_wait3A_468, %dma_wait3A_469] : memref<2x64x128xf32, #tpu.memory_space<vmem>> -> memref<1x64x128xf32, #tpu.memory_space<vmem>>
        %dma_wait3A_471 = tpu.memref_squeeze %dma_wait3A_470 : memref<1x64x128xf32, #tpu.memory_space<vmem>> -> memref<64x128xf32, #tpu.memory_space<vmem>>
        %dma_wait3A_472 = arith.constant 0 : i32
        %dma_wait3A_473 = tpu.memref_slice %arg8[%dma_wait3A_467, %dma_wait3A_472] : memref<40x64xi32, #tpu.memory_space<vmem>> -> memref<1x64xi32, #tpu.memory_space<vmem>>
        %dma_wait3A_474 = tpu.memref_squeeze %dma_wait3A_473 : memref<1x64xi32, #tpu.memory_space<vmem>> -> memref<64xi32, #tpu.memory_space<vmem>>
        %dma_wait3A_475 = arith.constant 0 : i32
        %dma_wait3A_476 = arith.constant 0 : i32
        %dma_wait3A_477 = tpu.memref_slice %arg11[%dma_wait3A_475, %dma_wait3A_476] : memref<10240x128xf32, #tpu.memory_space<vmem_shared>> -> memref<10240x128xf32, #tpu.memory_space<vmem_shared>>
        tpu.wait_indirect_dma semaphore(%arg14 : memref<!tpu.dma_semaphore, #tpu.memory_space<semaphore_mem>>) src(%dma_wait3A_471 : memref<64x128xf32, #tpu.memory_space<vmem>>) dst(%dma_wait3A_477 : memref<10240x128xf32, #tpu.memory_space<vmem_shared>>)
        %add3A_478 = arith.constant 4 : i32
        %add3A_479 = arith.addi %mul3A_319, %add3A_478 : i32
        %add3A_480 = arith.constant 0 : i32
        %add3A_481 = arith.addi %add3A_479, %add3A_480 : i32
        %dma_start3A_482 = arith.constant 0 : i32
        %dma_start3A_483 = arith.constant 0 : i32
        %dma_start3A_484 = arith.constant 0 : i32
        %dma_start3A_485 = tpu.memref_slice %arg9[%dma_start3A_482, %dma_start3A_483, %dma_start3A_484] : memref<2x64x128xf32, #tpu.memory_space<vmem>> -> memref<1x64x128xf32, #tpu.memory_space<vmem>>
        %dma_start3A_486 = tpu.memref_squeeze %dma_start3A_485 : memref<1x64x128xf32, #tpu.memory_space<vmem>> -> memref<64x128xf32, #tpu.memory_space<vmem>>
        %dma_start3A_487 = arith.constant 0 : i32
        %dma_start3A_488 = tpu.memref_slice %arg7[%add3A_481, %dma_start3A_487] : memref<40x64xi32, #tpu.memory_space<vmem>> -> memref<1x64xi32, #tpu.memory_space<vmem>>
        %dma_start3A_489 = tpu.memref_squeeze %dma_start3A_488 : memref<1x64xi32, #tpu.memory_space<vmem>> -> memref<64xi32, #tpu.memory_space<vmem>>
        %dma_start3A_490 = arith.constant 0 : i32
        %dma_start3A_491 = arith.constant 0 : i32
        %dma_start3A_492 = tpu.memref_slice %arg2[%dma_start3A_490, %dma_start3A_491] : memref<10240x128xf32, #tpu.memory_space<hbm>> -> memref<10240x128xf32, #tpu.memory_space<hbm>>
        tpu.enqueue_indirect_dma source(%dma_start3A_492 : memref<10240x128xf32, #tpu.memory_space<hbm>>) target(%dma_start3A_486 : memref<64x128xf32, #tpu.memory_space<vmem>>) offsets(%dma_start3A_489 : memref<64xi32, #tpu.memory_space<vmem>>) semaphore(%arg12 : memref<!tpu.dma_semaphore, #tpu.memory_space<semaphore_mem>>)
        %add3A_493 = arith.constant 4 : i32
        %add3A_494 = arith.addi %mul3A_319, %add3A_493 : i32
        %add3A_495 = arith.constant 1 : i32
        %add3A_496 = arith.addi %add3A_494, %add3A_495 : i32
        %dma_start3A_497 = arith.constant 1 : i32
        %dma_start3A_498 = arith.constant 0 : i32
        %dma_start3A_499 = arith.constant 0 : i32
        %dma_start3A_500 = tpu.memref_slice %arg9[%dma_start3A_497, %dma_start3A_498, %dma_start3A_499] : memref<2x64x128xf32, #tpu.memory_space<vmem>> -> memref<1x64x128xf32, #tpu.memory_space<vmem>>
        %dma_start3A_501 = tpu.memref_squeeze %dma_start3A_500 : memref<1x64x128xf32, #tpu.memory_space<vmem>> -> memref<64x128xf32, #tpu.memory_space<vmem>>
        %dma_start3A_502 = arith.constant 0 : i32
        %dma_start3A_503 = tpu.memref_slice %arg7[%add3A_496, %dma_start3A_502] : memref<40x64xi32, #tpu.memory_space<vmem>> -> memref<1x64xi32, #tpu.memory_space<vmem>>
        %dma_start3A_504 = tpu.memref_squeeze %dma_start3A_503 : memref<1x64xi32, #tpu.memory_space<vmem>> -> memref<64xi32, #tpu.memory_space<vmem>>
        %dma_start3A_505 = arith.constant 0 : i32
        %dma_start3A_506 = arith.constant 0 : i32
        %dma_start3A_507 = tpu.memref_slice %arg2[%dma_start3A_505, %dma_start3A_506] : memref<10240x128xf32, #tpu.memory_space<hbm>> -> memref<10240x128xf32, #tpu.memory_space<hbm>>
        tpu.enqueue_indirect_dma source(%dma_start3A_507 : memref<10240x128xf32, #tpu.memory_space<hbm>>) target(%dma_start3A_501 : memref<64x128xf32, #tpu.memory_space<vmem>>) offsets(%dma_start3A_504 : memref<64xi32, #tpu.memory_space<vmem>>) semaphore(%arg12 : memref<!tpu.dma_semaphore, #tpu.memory_space<semaphore_mem>>)
      } else {
      }
      %add3A_428 = arith.constant 0 : i32
      %add3A_429 = arith.addi %add3A_321, %add3A_428 : i32
      %dma_start3A_430 = arith.constant 0 : i32
      %dma_start3A_431 = arith.constant 0 : i32
      %dma_start3A_432 = arith.constant 0 : i32
      %dma_start3A_433 = tpu.memref_slice %arg10[%dma_start3A_430, %dma_start3A_431, %dma_start3A_432] : memref<2x64x128xf32, #tpu.memory_space<vmem>> -> memref<1x64x128xf32, #tpu.memory_space<vmem>>
      %dma_start3A_434 = tpu.memref_squeeze %dma_start3A_433 : memref<1x64x128xf32, #tpu.memory_space<vmem>> -> memref<64x128xf32, #tpu.memory_space<vmem>>
      %dma_start3A_435 = arith.constant 0 : i32
      %dma_start3A_436 = tpu.memref_slice %arg8[%add3A_429, %dma_start3A_435] : memref<40x64xi32, #tpu.memory_space<vmem>> -> memref<1x64xi32, #tpu.memory_space<vmem>>
      %dma_start3A_437 = tpu.memref_squeeze %dma_start3A_436 : memref<1x64xi32, #tpu.memory_space<vmem>> -> memref<64xi32, #tpu.memory_space<vmem>>
      %dma_start3A_438 = arith.constant 0 : i32
      %dma_start3A_439 = arith.constant 0 : i32
      %dma_start3A_440 = tpu.memref_slice %arg11[%dma_start3A_438, %dma_start3A_439] : memref<10240x128xf32, #tpu.memory_space<vmem_shared>> -> memref<10240x128xf32, #tpu.memory_space<vmem_shared>>
      tpu.enqueue_indirect_dma source(%dma_start3A_434 : memref<64x128xf32, #tpu.memory_space<vmem>>) target(%dma_start3A_440 : memref<10240x128xf32, #tpu.memory_space<vmem_shared>>) offsets(%dma_start3A_437 : memref<64xi32, #tpu.memory_space<vmem>>) semaphore(%arg15 : memref<!tpu.dma_semaphore, #tpu.memory_space<semaphore_mem>>) {add = true}
      %add3A_441 = arith.constant 1 : i32
      %add3A_442 = arith.addi %add3A_321, %add3A_441 : i32
      %dma_start3A_443 = arith.constant 1 : i32
      %dma_start3A_444 = arith.constant 0 : i32
      %dma_start3A_445 = arith.constant 0 : i32
      %dma_start3A_446 = tpu.memref_slice %arg10[%dma_start3A_443, %dma_start3A_444, %dma_start3A_445] : memref<2x64x128xf32, #tpu.memory_space<vmem>> -> memref<1x64x128xf32, #tpu.memory_space<vmem>>
      %dma_start3A_447 = tpu.memref_squeeze %dma_start3A_446 : memref<1x64x128xf32, #tpu.memory_space<vmem>> -> memref<64x128xf32, #tpu.memory_space<vmem>>
      %dma_start3A_448 = arith.constant 0 : i32
      %dma_start3A_449 = tpu.memref_slice %arg8[%add3A_442, %dma_start3A_448] : memref<40x64xi32, #tpu.memory_space<vmem>> -> memref<1x64xi32, #tpu.memory_space<vmem>>
      %dma_start3A_450 = tpu.memref_squeeze %dma_start3A_449 : memref<1x64xi32, #tpu.memory_space<vmem>> -> memref<64xi32, #tpu.memory_space<vmem>>
      %dma_start3A_451 = arith.constant 0 : i32
      %dma_start3A_452 = arith.constant 0 : i32
      %dma_start3A_453 = tpu.memref_slice %arg11[%dma_start3A_451, %dma_start3A_452] : memref<10240x128xf32, #tpu.memory_space<vmem_shared>> -> memref<10240x128xf32, #tpu.memory_space<vmem_shared>>
      tpu.enqueue_indirect_dma source(%dma_start3A_447 : memref<64x128xf32, #tpu.memory_space<vmem>>) target(%dma_start3A_453 : memref<10240x128xf32, #tpu.memory_space<vmem_shared>>) offsets(%dma_start3A_450 : memref<64xi32, #tpu.memory_space<vmem>>) semaphore(%arg15 : memref<!tpu.dma_semaphore, #tpu.memory_space<semaphore_mem>>) {add = true}
    }
    %scan3A_185 = arith.constant 10 : i32
    %dma_wait3A_186 = arith.constant 0 : i32
    %dma_wait3A_187 = arith.constant 0 : i32
    %dma_wait3A_188 = arith.constant 0 : i32
    %dma_wait3A_189 = arith.constant 0 : i32
    %dma_wait3A_190 = tpu.memref_slice %arg9[%dma_wait3A_186, %dma_wait3A_188, %dma_wait3A_189] : memref<2x64x128xf32, #tpu.memory_space<vmem>> -> memref<1x64x128xf32, #tpu.memory_space<vmem>>
    %dma_wait3A_191 = tpu.memref_squeeze %dma_wait3A_190 : memref<1x64x128xf32, #tpu.memory_space<vmem>> -> memref<64x128xf32, #tpu.memory_space<vmem>>
    %dma_wait3A_192 = arith.constant 0 : i32
    %dma_wait3A_193 = tpu.memref_slice %arg8[%dma_wait3A_187, %dma_wait3A_192] : memref<40x64xi32, #tpu.memory_space<vmem>> -> memref<1x64xi32, #tpu.memory_space<vmem>>
    %dma_wait3A_194 = tpu.memref_squeeze %dma_wait3A_193 : memref<1x64xi32, #tpu.memory_space<vmem>> -> memref<64xi32, #tpu.memory_space<vmem>>
    %dma_wait3A_195 = arith.constant 0 : i32
    %dma_wait3A_196 = arith.constant 0 : i32
    %dma_wait3A_197 = tpu.memref_slice %arg11[%dma_wait3A_195, %dma_wait3A_196] : memref<10240x128xf32, #tpu.memory_space<vmem_shared>> -> memref<10240x128xf32, #tpu.memory_space<vmem_shared>>
    tpu.wait_indirect_dma semaphore(%arg14 : memref<!tpu.dma_semaphore, #tpu.memory_space<semaphore_mem>>) src(%dma_wait3A_191 : memref<64x128xf32, #tpu.memory_space<vmem>>) dst(%dma_wait3A_197 : memref<10240x128xf32, #tpu.memory_space<vmem_shared>>)
    %dma_wait3A_198 = arith.constant 0 : i32
    %dma_wait3A_199 = arith.constant 0 : i32
    %dma_wait3A_200 = arith.constant 0 : i32
    %dma_wait3A_201 = arith.constant 0 : i32
    %dma_wait3A_202 = tpu.memref_slice %arg10[%dma_wait3A_198, %dma_wait3A_200, %dma_wait3A_201] : memref<2x64x128xf32, #tpu.memory_space<vmem>> -> memref<1x64x128xf32, #tpu.memory_space<vmem>>
    %dma_wait3A_203 = tpu.memref_squeeze %dma_wait3A_202 : memref<1x64x128xf32, #tpu.memory_space<vmem>> -> memref<64x128xf32, #tpu.memory_space<vmem>>
    %dma_wait3A_204 = arith.constant 0 : i32
    %dma_wait3A_205 = tpu.memref_slice %arg8[%dma_wait3A_199, %dma_wait3A_204] : memref<40x64xi32, #tpu.memory_space<vmem>> -> memref<1x64xi32, #tpu.memory_space<vmem>>
    %dma_wait3A_206 = tpu.memref_squeeze %dma_wait3A_205 : memref<1x64xi32, #tpu.memory_space<vmem>> -> memref<64xi32, #tpu.memory_space<vmem>>
    %dma_wait3A_207 = arith.constant 0 : i32
    %dma_wait3A_208 = arith.constant 0 : i32
    %dma_wait3A_209 = tpu.memref_slice %arg11[%dma_wait3A_207, %dma_wait3A_208] : memref<10240x128xf32, #tpu.memory_space<vmem_shared>> -> memref<10240x128xf32, #tpu.memory_space<vmem_shared>>
    tpu.wait_indirect_dma semaphore(%arg15 : memref<!tpu.dma_semaphore, #tpu.memory_space<semaphore_mem>>) src(%dma_wait3A_203 : memref<64x128xf32, #tpu.memory_space<vmem>>) dst(%dma_wait3A_209 : memref<10240x128xf32, #tpu.memory_space<vmem_shared>>)
    %dma_wait3A_210 = arith.constant 1 : i32
    %dma_wait3A_211 = arith.constant 0 : i32
    %dma_wait3A_212 = arith.constant 0 : i32
    %dma_wait3A_213 = arith.constant 0 : i32
    %dma_wait3A_214 = tpu.memref_slice %arg9[%dma_wait3A_210, %dma_wait3A_212, %dma_wait3A_213] : memref<2x64x128xf32, #tpu.memory_space<vmem>> -> memref<1x64x128xf32, #tpu.memory_space<vmem>>
    %dma_wait3A_215 = tpu.memref_squeeze %dma_wait3A_214 : memref<1x64x128xf32, #tpu.memory_space<vmem>> -> memref<64x128xf32, #tpu.memory_space<vmem>>
    %dma_wait3A_216 = arith.constant 0 : i32
    %dma_wait3A_217 = tpu.memref_slice %arg8[%dma_wait3A_211, %dma_wait3A_216] : memref<40x64xi32, #tpu.memory_space<vmem>> -> memref<1x64xi32, #tpu.memory_space<vmem>>
    %dma_wait3A_218 = tpu.memref_squeeze %dma_wait3A_217 : memref<1x64xi32, #tpu.memory_space<vmem>> -> memref<64xi32, #tpu.memory_space<vmem>>
    %dma_wait3A_219 = arith.constant 0 : i32
    %dma_wait3A_220 = arith.constant 0 : i32
    %dma_wait3A_221 = tpu.memref_slice %arg11[%dma_wait3A_219, %dma_wait3A_220] : memref<10240x128xf32, #tpu.memory_space<vmem_shared>> -> memref<10240x128xf32, #tpu.memory_space<vmem_shared>>
    tpu.wait_indirect_dma semaphore(%arg14 : memref<!tpu.dma_semaphore, #tpu.memory_space<semaphore_mem>>) src(%dma_wait3A_215 : memref<64x128xf32, #tpu.memory_space<vmem>>) dst(%dma_wait3A_221 : memref<10240x128xf32, #tpu.memory_space<vmem_shared>>)
    %dma_wait3A_222 = arith.constant 1 : i32
    %dma_wait3A_223 = arith.constant 0 : i32
    %dma_wait3A_224 = arith.constant 0 : i32
    %dma_wait3A_225 = arith.constant 0 : i32
    %dma_wait3A_226 = tpu.memref_slice %arg10[%dma_wait3A_222, %dma_wait3A_224, %dma_wait3A_225] : memref<2x64x128xf32, #tpu.memory_space<vmem>> -> memref<1x64x128xf32, #tpu.memory_space<vmem>>
    %dma_wait3A_227 = tpu.memref_squeeze %dma_wait3A_226 : memref<1x64x128xf32, #tpu.memory_space<vmem>> -> memref<64x128xf32, #tpu.memory_space<vmem>>
    %dma_wait3A_228 = arith.constant 0 : i32
    %dma_wait3A_229 = tpu.memref_slice %arg8[%dma_wait3A_223, %dma_wait3A_228] : memref<40x64xi32, #tpu.memory_space<vmem>> -> memref<1x64xi32, #tpu.memory_space<vmem>>
    %dma_wait3A_230 = tpu.memref_squeeze %dma_wait3A_229 : memref<1x64xi32, #tpu.memory_space<vmem>> -> memref<64xi32, #tpu.memory_space<vmem>>
    %dma_wait3A_231 = arith.constant 0 : i32
    %dma_wait3A_232 = arith.constant 0 : i32
    %dma_wait3A_233 = tpu.memref_slice %arg11[%dma_wait3A_231, %dma_wait3A_232] : memref<10240x128xf32, #tpu.memory_space<vmem_shared>> -> memref<10240x128xf32, #tpu.memory_space<vmem_shared>>
    tpu.wait_indirect_dma semaphore(%arg15 : memref<!tpu.dma_semaphore, #tpu.memory_space<semaphore_mem>>) src(%dma_wait3A_227 : memref<64x128xf32, #tpu.memory_space<vmem>>) dst(%dma_wait3A_233 : memref<10240x128xf32, #tpu.memory_space<vmem_shared>>)
    "tpu.region"() ({
      %run_scoped3A = tpu.sem_alloc : memref<!tpu.dma_semaphore, #tpu.memory_space<semaphore_mem>>
      %dma_start3A_317 = arith.constant 120 : i32
      %dma_start3A_318 = arith.constant 0 : i32
      %dma_start3A_319 = tpu.memref_slice %arg3[%add3A, %dma_start3A_317, %dma_start3A_318] : memref<32x160x64xi32, #tpu.memory_space<hbm>> -> memref<1x40x64xi32, #tpu.memory_space<hbm>>
      %dma_start3A_320 = tpu.memref_squeeze %dma_start3A_319 : memref<1x40x64xi32, #tpu.memory_space<hbm>> -> memref<40x64xi32, #tpu.memory_space<hbm>>
      %dma_start3A_321 = arith.constant 120 : i32
      %dma_start3A_322 = arith.constant 0 : i32
      %dma_start3A_323 = tpu.memref_slice %arg3[%add3A, %dma_start3A_321, %dma_start3A_322] : memref<32x160x64xi32, #tpu.memory_space<hbm>> -> memref<1x40x64xi32, #tpu.memory_space<hbm>>
      %dma_start3A_324 = tpu.memref_squeeze %dma_start3A_323 : memref<1x40x64xi32, #tpu.memory_space<hbm>> -> memref<40x64xi32, #tpu.memory_space<hbm>>
      tpu.enqueue_dma source(%dma_start3A_324 : memref<40x64xi32, #tpu.memory_space<hbm>>) target(%arg7 : memref<40x64xi32, #tpu.memory_space<vmem>>) target_semaphore(%run_scoped3A : memref<!tpu.dma_semaphore, #tpu.memory_space<semaphore_mem>>)
      %dma_wait3A_325 = arith.constant 120 : i32
      %dma_wait3A_326 = arith.constant 0 : i32
      %dma_wait3A_327 = tpu.memref_slice %arg3[%add3A, %dma_wait3A_325, %dma_wait3A_326] : memref<32x160x64xi32, #tpu.memory_space<hbm>> -> memref<1x40x64xi32, #tpu.memory_space<hbm>>
      %dma_wait3A_328 = tpu.memref_squeeze %dma_wait3A_327 : memref<1x40x64xi32, #tpu.memory_space<hbm>> -> memref<40x64xi32, #tpu.memory_space<hbm>>
      %dma_wait3A_329 = arith.constant 120 : i32
      %dma_wait3A_330 = arith.constant 0 : i32
      %dma_wait3A_331 = tpu.memref_slice %arg3[%add3A, %dma_wait3A_329, %dma_wait3A_330] : memref<32x160x64xi32, #tpu.memory_space<hbm>> -> memref<1x40x64xi32, #tpu.memory_space<hbm>>
      %dma_wait3A_332 = tpu.memref_squeeze %dma_wait3A_331 : memref<1x40x64xi32, #tpu.memory_space<hbm>> -> memref<40x64xi32, #tpu.memory_space<hbm>>
      tpu.wait_dma2 semaphore(%run_scoped3A : memref<!tpu.dma_semaphore, #tpu.memory_space<semaphore_mem>>) src(%dma_wait3A_332 : memref<40x64xi32, #tpu.memory_space<hbm>>) dst(%arg7 : memref<40x64xi32, #tpu.memory_space<vmem>>)
      tpu.yield
    }) : () -> ()
    "tpu.region"() ({
      %run_scoped3A = tpu.sem_alloc : memref<!tpu.dma_semaphore, #tpu.memory_space<semaphore_mem>>
      %dma_start3A_317 = arith.constant 120 : i32
      %dma_start3A_318 = arith.constant 0 : i32
      %dma_start3A_319 = tpu.memref_slice %arg4[%add3A, %dma_start3A_317, %dma_start3A_318] : memref<32x160x64xi32, #tpu.memory_space<hbm>> -> memref<1x40x64xi32, #tpu.memory_space<hbm>>
      %dma_start3A_320 = tpu.memref_squeeze %dma_start3A_319 : memref<1x40x64xi32, #tpu.memory_space<hbm>> -> memref<40x64xi32, #tpu.memory_space<hbm>>
      %dma_start3A_321 = arith.constant 120 : i32
      %dma_start3A_322 = arith.constant 0 : i32
      %dma_start3A_323 = tpu.memref_slice %arg4[%add3A, %dma_start3A_321, %dma_start3A_322] : memref<32x160x64xi32, #tpu.memory_space<hbm>> -> memref<1x40x64xi32, #tpu.memory_space<hbm>>
      %dma_start3A_324 = tpu.memref_squeeze %dma_start3A_323 : memref<1x40x64xi32, #tpu.memory_space<hbm>> -> memref<40x64xi32, #tpu.memory_space<hbm>>
      tpu.enqueue_dma source(%dma_start3A_324 : memref<40x64xi32, #tpu.memory_space<hbm>>) target(%arg8 : memref<40x64xi32, #tpu.memory_space<vmem>>) target_semaphore(%run_scoped3A : memref<!tpu.dma_semaphore, #tpu.memory_space<semaphore_mem>>)
      %dma_wait3A_325 = arith.constant 120 : i32
      %dma_wait3A_326 = arith.constant 0 : i32
      %dma_wait3A_327 = tpu.memref_slice %arg4[%add3A, %dma_wait3A_325, %dma_wait3A_326] : memref<32x160x64xi32, #tpu.memory_space<hbm>> -> memref<1x40x64xi32, #tpu.memory_space<hbm>>
      %dma_wait3A_328 = tpu.memref_squeeze %dma_wait3A_327 : memref<1x40x64xi32, #tpu.memory_space<hbm>> -> memref<40x64xi32, #tpu.memory_space<hbm>>
      %dma_wait3A_329 = arith.constant 120 : i32
      %dma_wait3A_330 = arith.constant 0 : i32
      %dma_wait3A_331 = tpu.memref_slice %arg4[%add3A, %dma_wait3A_329, %dma_wait3A_330] : memref<32x160x64xi32, #tpu.memory_space<hbm>> -> memref<1x40x64xi32, #tpu.memory_space<hbm>>
      %dma_wait3A_332 = tpu.memref_squeeze %dma_wait3A_331 : memref<1x40x64xi32, #tpu.memory_space<hbm>> -> memref<40x64xi32, #tpu.memory_space<hbm>>
      tpu.wait_dma2 semaphore(%run_scoped3A : memref<!tpu.dma_semaphore, #tpu.memory_space<semaphore_mem>>) src(%dma_wait3A_332 : memref<40x64xi32, #tpu.memory_space<hbm>>) dst(%arg8 : memref<40x64xi32, #tpu.memory_space<vmem>>)
      tpu.yield
    }) : () -> ()
    %dma_start3A_234 = arith.constant 0 : i32
    %dma_start3A_235 = arith.constant 0 : i32
    %dma_start3A_236 = arith.constant 0 : i32
    %dma_start3A_237 = arith.constant 0 : i32
    %dma_start3A_238 = tpu.memref_slice %arg9[%dma_start3A_235, %dma_start3A_236, %dma_start3A_237] : memref<2x64x128xf32, #tpu.memory_space<vmem>> -> memref<1x64x128xf32, #tpu.memory_space<vmem>>
    %dma_start3A_239 = tpu.memref_squeeze %dma_start3A_238 : memref<1x64x128xf32, #tpu.memory_space<vmem>> -> memref<64x128xf32, #tpu.memory_space<vmem>>
    %dma_start3A_240 = arith.constant 0 : i32
    %dma_start3A_241 = tpu.memref_slice %arg7[%dma_start3A_234, %dma_start3A_240] : memref<40x64xi32, #tpu.memory_space<vmem>> -> memref<1x64xi32, #tpu.memory_space<vmem>>
    %dma_start3A_242 = tpu.memref_squeeze %dma_start3A_241 : memref<1x64xi32, #tpu.memory_space<vmem>> -> memref<64xi32, #tpu.memory_space<vmem>>
    %dma_start3A_243 = arith.constant 0 : i32
    %dma_start3A_244 = arith.constant 0 : i32
    %dma_start3A_245 = tpu.memref_slice %arg2[%dma_start3A_243, %dma_start3A_244] : memref<10240x128xf32, #tpu.memory_space<hbm>> -> memref<10240x128xf32, #tpu.memory_space<hbm>>
    tpu.enqueue_indirect_dma source(%dma_start3A_245 : memref<10240x128xf32, #tpu.memory_space<hbm>>) target(%dma_start3A_239 : memref<64x128xf32, #tpu.memory_space<vmem>>) offsets(%dma_start3A_242 : memref<64xi32, #tpu.memory_space<vmem>>) semaphore(%arg12 : memref<!tpu.dma_semaphore, #tpu.memory_space<semaphore_mem>>)
    %dma_start3A_246 = arith.constant 1 : i32
    %dma_start3A_247 = arith.constant 1 : i32
    %dma_start3A_248 = arith.constant 0 : i32
    %dma_start3A_249 = arith.constant 0 : i32
    %dma_start3A_250 = tpu.memref_slice %arg9[%dma_start3A_247, %dma_start3A_248, %dma_start3A_249] : memref<2x64x128xf32, #tpu.memory_space<vmem>> -> memref<1x64x128xf32, #tpu.memory_space<vmem>>
    %dma_start3A_251 = tpu.memref_squeeze %dma_start3A_250 : memref<1x64x128xf32, #tpu.memory_space<vmem>> -> memref<64x128xf32, #tpu.memory_space<vmem>>
    %dma_start3A_252 = arith.constant 0 : i32
    %dma_start3A_253 = tpu.memref_slice %arg7[%dma_start3A_246, %dma_start3A_252] : memref<40x64xi32, #tpu.memory_space<vmem>> -> memref<1x64xi32, #tpu.memory_space<vmem>>
    %dma_start3A_254 = tpu.memref_squeeze %dma_start3A_253 : memref<1x64xi32, #tpu.memory_space<vmem>> -> memref<64xi32, #tpu.memory_space<vmem>>
    %dma_start3A_255 = arith.constant 0 : i32
    %dma_start3A_256 = arith.constant 0 : i32
    %dma_start3A_257 = tpu.memref_slice %arg2[%dma_start3A_255, %dma_start3A_256] : memref<10240x128xf32, #tpu.memory_space<hbm>> -> memref<10240x128xf32, #tpu.memory_space<hbm>>
    tpu.enqueue_indirect_dma source(%dma_start3A_257 : memref<10240x128xf32, #tpu.memory_space<hbm>>) target(%dma_start3A_251 : memref<64x128xf32, #tpu.memory_space<vmem>>) offsets(%dma_start3A_254 : memref<64xi32, #tpu.memory_space<vmem>>) semaphore(%arg12 : memref<!tpu.dma_semaphore, #tpu.memory_space<semaphore_mem>>)
    %scan3A_258 = arith.constant 0 : i32
    %scan3A_259 = arith.constant 0 : i32
    %scan3A_260 = arith.constant 10 : i32
    %scan3A_261 = arith.addi %scan3A_259, %scan3A_260 : i32
    %scan3A_262 = arith.constant 1 : i32
    scf.for %scan3A_317 = %scan3A_259 to %scan3A_261 step %scan3A_262  : i32 {
      %mul3A_318 = arith.constant 4 : i32
      %mul3A_319 = arith.muli %mul3A_318, %scan3A_317 : i32
      %add3A_320 = arith.constant 2 : i32
      %add3A_321 = arith.addi %mul3A_319, %add3A_320 : i32
      %dma_wait3A_322 = arith.constant 0 : i32
      %dma_wait3A_323 = arith.constant 0 : i32
      %dma_wait3A_324 = arith.constant 0 : i32
      %dma_wait3A_325 = arith.constant 0 : i32
      %dma_wait3A_326 = tpu.memref_slice %arg9[%dma_wait3A_323, %dma_wait3A_324, %dma_wait3A_325] : memref<2x64x128xf32, #tpu.memory_space<vmem>> -> memref<1x64x128xf32, #tpu.memory_space<vmem>>
      %dma_wait3A_327 = tpu.memref_squeeze %dma_wait3A_326 : memref<1x64x128xf32, #tpu.memory_space<vmem>> -> memref<64x128xf32, #tpu.memory_space<vmem>>
      %dma_wait3A_328 = arith.constant 0 : i32
      %dma_wait3A_329 = tpu.memref_slice %arg7[%dma_wait3A_322, %dma_wait3A_328] : memref<40x64xi32, #tpu.memory_space<vmem>> -> memref<1x64xi32, #tpu.memory_space<vmem>>
      %dma_wait3A_330 = tpu.memref_squeeze %dma_wait3A_329 : memref<1x64xi32, #tpu.memory_space<vmem>> -> memref<64xi32, #tpu.memory_space<vmem>>
      %dma_wait3A_331 = arith.constant 0 : i32
      %dma_wait3A_332 = arith.constant 0 : i32
      %dma_wait3A_333 = tpu.memref_slice %arg2[%dma_wait3A_331, %dma_wait3A_332] : memref<10240x128xf32, #tpu.memory_space<hbm>> -> memref<10240x128xf32, #tpu.memory_space<hbm>>
      tpu.wait_indirect_dma semaphore(%arg12 : memref<!tpu.dma_semaphore, #tpu.memory_space<semaphore_mem>>) src(%dma_wait3A_333 : memref<10240x128xf32, #tpu.memory_space<hbm>>) dst(%dma_wait3A_327 : memref<64x128xf32, #tpu.memory_space<vmem>>)
      %dma_wait3A_334 = arith.constant 0 : i32
      %dma_wait3A_335 = arith.constant 1 : i32
      %dma_wait3A_336 = arith.constant 0 : i32
      %dma_wait3A_337 = arith.constant 0 : i32
      %dma_wait3A_338 = tpu.memref_slice %arg9[%dma_wait3A_335, %dma_wait3A_336, %dma_wait3A_337] : memref<2x64x128xf32, #tpu.memory_space<vmem>> -> memref<1x64x128xf32, #tpu.memory_space<vmem>>
      %dma_wait3A_339 = tpu.memref_squeeze %dma_wait3A_338 : memref<1x64x128xf32, #tpu.memory_space<vmem>> -> memref<64x128xf32, #tpu.memory_space<vmem>>
      %dma_wait3A_340 = arith.constant 0 : i32
      %dma_wait3A_341 = tpu.memref_slice %arg7[%dma_wait3A_334, %dma_wait3A_340] : memref<40x64xi32, #tpu.memory_space<vmem>> -> memref<1x64xi32, #tpu.memory_space<vmem>>
      %dma_wait3A_342 = tpu.memref_squeeze %dma_wait3A_341 : memref<1x64xi32, #tpu.memory_space<vmem>> -> memref<64xi32, #tpu.memory_space<vmem>>
      %dma_wait3A_343 = arith.constant 0 : i32
      %dma_wait3A_344 = arith.constant 0 : i32
      %dma_wait3A_345 = tpu.memref_slice %arg2[%dma_wait3A_343, %dma_wait3A_344] : memref<10240x128xf32, #tpu.memory_space<hbm>> -> memref<10240x128xf32, #tpu.memory_space<hbm>>
      tpu.wait_indirect_dma semaphore(%arg12 : memref<!tpu.dma_semaphore, #tpu.memory_space<semaphore_mem>>) src(%dma_wait3A_345 : memref<10240x128xf32, #tpu.memory_space<hbm>>) dst(%dma_wait3A_339 : memref<64x128xf32, #tpu.memory_space<vmem>>)
      %gt3A = arith.constant 0 : i32
      %gt3A_346 = arith.cmpi sgt, %scan3A_317, %gt3A : i32
      %convert_element_type3A = arith.extui %gt3A_346 : i1 to i32
      %cond3A = arith.constant 0 : i32
      %cond3A_347 = arith.cmpi ne, %convert_element_type3A, %cond3A : i32
      scf.if %cond3A_347 {
        %dma_wait3A_454 = arith.constant 0 : i32
        %dma_wait3A_455 = arith.constant 0 : i32
        %dma_wait3A_456 = arith.constant 0 : i32
        %dma_wait3A_457 = arith.constant 0 : i32
        %dma_wait3A_458 = tpu.memref_slice %arg10[%dma_wait3A_454, %dma_wait3A_456, %dma_wait3A_457] : memref<2x64x128xf32, #tpu.memory_space<vmem>> -> memref<1x64x128xf32, #tpu.memory_space<vmem>>
        %dma_wait3A_459 = tpu.memref_squeeze %dma_wait3A_458 : memref<1x64x128xf32, #tpu.memory_space<vmem>> -> memref<64x128xf32, #tpu.memory_space<vmem>>
        %dma_wait3A_460 = arith.constant 0 : i32
        %dma_wait3A_461 = tpu.memref_slice %arg8[%dma_wait3A_455, %dma_wait3A_460] : memref<40x64xi32, #tpu.memory_space<vmem>> -> memref<1x64xi32, #tpu.memory_space<vmem>>
        %dma_wait3A_462 = tpu.memref_squeeze %dma_wait3A_461 : memref<1x64xi32, #tpu.memory_space<vmem>> -> memref<64xi32, #tpu.memory_space<vmem>>
        %dma_wait3A_463 = arith.constant 0 : i32
        %dma_wait3A_464 = arith.constant 0 : i32
        %dma_wait3A_465 = tpu.memref_slice %arg11[%dma_wait3A_463, %dma_wait3A_464] : memref<10240x128xf32, #tpu.memory_space<vmem_shared>> -> memref<10240x128xf32, #tpu.memory_space<vmem_shared>>
        tpu.wait_indirect_dma semaphore(%arg15 : memref<!tpu.dma_semaphore, #tpu.memory_space<semaphore_mem>>) src(%dma_wait3A_459 : memref<64x128xf32, #tpu.memory_space<vmem>>) dst(%dma_wait3A_465 : memref<10240x128xf32, #tpu.memory_space<vmem_shared>>)
        %dma_wait3A_466 = arith.constant 1 : i32
        %dma_wait3A_467 = arith.constant 0 : i32
        %dma_wait3A_468 = arith.constant 0 : i32
        %dma_wait3A_469 = arith.constant 0 : i32
        %dma_wait3A_470 = tpu.memref_slice %arg10[%dma_wait3A_466, %dma_wait3A_468, %dma_wait3A_469] : memref<2x64x128xf32, #tpu.memory_space<vmem>> -> memref<1x64x128xf32, #tpu.memory_space<vmem>>
        %dma_wait3A_471 = tpu.memref_squeeze %dma_wait3A_470 : memref<1x64x128xf32, #tpu.memory_space<vmem>> -> memref<64x128xf32, #tpu.memory_space<vmem>>
        %dma_wait3A_472 = arith.constant 0 : i32
        %dma_wait3A_473 = tpu.memref_slice %arg8[%dma_wait3A_467, %dma_wait3A_472] : memref<40x64xi32, #tpu.memory_space<vmem>> -> memref<1x64xi32, #tpu.memory_space<vmem>>
        %dma_wait3A_474 = tpu.memref_squeeze %dma_wait3A_473 : memref<1x64xi32, #tpu.memory_space<vmem>> -> memref<64xi32, #tpu.memory_space<vmem>>
        %dma_wait3A_475 = arith.constant 0 : i32
        %dma_wait3A_476 = arith.constant 0 : i32
        %dma_wait3A_477 = tpu.memref_slice %arg11[%dma_wait3A_475, %dma_wait3A_476] : memref<10240x128xf32, #tpu.memory_space<vmem_shared>> -> memref<10240x128xf32, #tpu.memory_space<vmem_shared>>
        tpu.wait_indirect_dma semaphore(%arg15 : memref<!tpu.dma_semaphore, #tpu.memory_space<semaphore_mem>>) src(%dma_wait3A_471 : memref<64x128xf32, #tpu.memory_space<vmem>>) dst(%dma_wait3A_477 : memref<10240x128xf32, #tpu.memory_space<vmem_shared>>)
      } else {
      }
      %add3A_348 = arith.constant 0 : i32
      %add3A_349 = arith.addi %add3A_321, %add3A_348 : i32
      %dma_start3A_350 = arith.constant 0 : i32
      %dma_start3A_351 = arith.constant 0 : i32
      %dma_start3A_352 = arith.constant 0 : i32
      %dma_start3A_353 = tpu.memref_slice %arg10[%dma_start3A_350, %dma_start3A_351, %dma_start3A_352] : memref<2x64x128xf32, #tpu.memory_space<vmem>> -> memref<1x64x128xf32, #tpu.memory_space<vmem>>
      %dma_start3A_354 = tpu.memref_squeeze %dma_start3A_353 : memref<1x64x128xf32, #tpu.memory_space<vmem>> -> memref<64x128xf32, #tpu.memory_space<vmem>>
      %dma_start3A_355 = arith.constant 0 : i32
      %dma_start3A_356 = tpu.memref_slice %arg7[%add3A_349, %dma_start3A_355] : memref<40x64xi32, #tpu.memory_space<vmem>> -> memref<1x64xi32, #tpu.memory_space<vmem>>
      %dma_start3A_357 = tpu.memref_squeeze %dma_start3A_356 : memref<1x64xi32, #tpu.memory_space<vmem>> -> memref<64xi32, #tpu.memory_space<vmem>>
      %dma_start3A_358 = arith.constant 0 : i32
      %dma_start3A_359 = arith.constant 0 : i32
      %dma_start3A_360 = tpu.memref_slice %arg2[%dma_start3A_358, %dma_start3A_359] : memref<10240x128xf32, #tpu.memory_space<hbm>> -> memref<10240x128xf32, #tpu.memory_space<hbm>>
      tpu.enqueue_indirect_dma source(%dma_start3A_360 : memref<10240x128xf32, #tpu.memory_space<hbm>>) target(%dma_start3A_354 : memref<64x128xf32, #tpu.memory_space<vmem>>) offsets(%dma_start3A_357 : memref<64xi32, #tpu.memory_space<vmem>>) semaphore(%arg13 : memref<!tpu.dma_semaphore, #tpu.memory_space<semaphore_mem>>)
      %add3A_361 = arith.constant 1 : i32
      %add3A_362 = arith.addi %add3A_321, %add3A_361 : i32
      %dma_start3A_363 = arith.constant 1 : i32
      %dma_start3A_364 = arith.constant 0 : i32
      %dma_start3A_365 = arith.constant 0 : i32
      %dma_start3A_366 = tpu.memref_slice %arg10[%dma_start3A_363, %dma_start3A_364, %dma_start3A_365] : memref<2x64x128xf32, #tpu.memory_space<vmem>> -> memref<1x64x128xf32, #tpu.memory_space<vmem>>
      %dma_start3A_367 = tpu.memref_squeeze %dma_start3A_366 : memref<1x64x128xf32, #tpu.memory_space<vmem>> -> memref<64x128xf32, #tpu.memory_space<vmem>>
      %dma_start3A_368 = arith.constant 0 : i32
      %dma_start3A_369 = tpu.memref_slice %arg7[%add3A_362, %dma_start3A_368] : memref<40x64xi32, #tpu.memory_space<vmem>> -> memref<1x64xi32, #tpu.memory_space<vmem>>
      %dma_start3A_370 = tpu.memref_squeeze %dma_start3A_369 : memref<1x64xi32, #tpu.memory_space<vmem>> -> memref<64xi32, #tpu.memory_space<vmem>>
      %dma_start3A_371 = arith.constant 0 : i32
      %dma_start3A_372 = arith.constant 0 : i32
      %dma_start3A_373 = tpu.memref_slice %arg2[%dma_start3A_371, %dma_start3A_372] : memref<10240x128xf32, #tpu.memory_space<hbm>> -> memref<10240x128xf32, #tpu.memory_space<hbm>>
      tpu.enqueue_indirect_dma source(%dma_start3A_373 : memref<10240x128xf32, #tpu.memory_space<hbm>>) target(%dma_start3A_367 : memref<64x128xf32, #tpu.memory_space<vmem>>) offsets(%dma_start3A_370 : memref<64xi32, #tpu.memory_space<vmem>>) semaphore(%arg13 : memref<!tpu.dma_semaphore, #tpu.memory_space<semaphore_mem>>)
      %add3A_374 = arith.constant 0 : i32
      %add3A_375 = arith.addi %mul3A_319, %add3A_374 : i32
      %dma_start3A_376 = arith.constant 0 : i32
      %dma_start3A_377 = arith.constant 0 : i32
      %dma_start3A_378 = arith.constant 0 : i32
      %dma_start3A_379 = tpu.memref_slice %arg9[%dma_start3A_376, %dma_start3A_377, %dma_start3A_378] : memref<2x64x128xf32, #tpu.memory_space<vmem>> -> memref<1x64x128xf32, #tpu.memory_space<vmem>>
      %dma_start3A_380 = tpu.memref_squeeze %dma_start3A_379 : memref<1x64x128xf32, #tpu.memory_space<vmem>> -> memref<64x128xf32, #tpu.memory_space<vmem>>
      %dma_start3A_381 = arith.constant 0 : i32
      %dma_start3A_382 = tpu.memref_slice %arg8[%add3A_375, %dma_start3A_381] : memref<40x64xi32, #tpu.memory_space<vmem>> -> memref<1x64xi32, #tpu.memory_space<vmem>>
      %dma_start3A_383 = tpu.memref_squeeze %dma_start3A_382 : memref<1x64xi32, #tpu.memory_space<vmem>> -> memref<64xi32, #tpu.memory_space<vmem>>
      %dma_start3A_384 = arith.constant 0 : i32
      %dma_start3A_385 = arith.constant 0 : i32
      %dma_start3A_386 = tpu.memref_slice %arg11[%dma_start3A_384, %dma_start3A_385] : memref<10240x128xf32, #tpu.memory_space<vmem_shared>> -> memref<10240x128xf32, #tpu.memory_space<vmem_shared>>
      tpu.enqueue_indirect_dma source(%dma_start3A_380 : memref<64x128xf32, #tpu.memory_space<vmem>>) target(%dma_start3A_386 : memref<10240x128xf32, #tpu.memory_space<vmem_shared>>) offsets(%dma_start3A_383 : memref<64xi32, #tpu.memory_space<vmem>>) semaphore(%arg14 : memref<!tpu.dma_semaphore, #tpu.memory_space<semaphore_mem>>) {add = true}
      %add3A_387 = arith.constant 1 : i32
      %add3A_388 = arith.addi %mul3A_319, %add3A_387 : i32
      %dma_start3A_389 = arith.constant 1 : i32
      %dma_start3A_390 = arith.constant 0 : i32
      %dma_start3A_391 = arith.constant 0 : i32
      %dma_start3A_392 = tpu.memref_slice %arg9[%dma_start3A_389, %dma_start3A_390, %dma_start3A_391] : memref<2x64x128xf32, #tpu.memory_space<vmem>> -> memref<1x64x128xf32, #tpu.memory_space<vmem>>
      %dma_start3A_393 = tpu.memref_squeeze %dma_start3A_392 : memref<1x64x128xf32, #tpu.memory_space<vmem>> -> memref<64x128xf32, #tpu.memory_space<vmem>>
      %dma_start3A_394 = arith.constant 0 : i32
      %dma_start3A_395 = tpu.memref_slice %arg8[%add3A_388, %dma_start3A_394] : memref<40x64xi32, #tpu.memory_space<vmem>> -> memref<1x64xi32, #tpu.memory_space<vmem>>
      %dma_start3A_396 = tpu.memref_squeeze %dma_start3A_395 : memref<1x64xi32, #tpu.memory_space<vmem>> -> memref<64xi32, #tpu.memory_space<vmem>>
      %dma_start3A_397 = arith.constant 0 : i32
      %dma_start3A_398 = arith.constant 0 : i32
      %dma_start3A_399 = tpu.memref_slice %arg11[%dma_start3A_397, %dma_start3A_398] : memref<10240x128xf32, #tpu.memory_space<vmem_shared>> -> memref<10240x128xf32, #tpu.memory_space<vmem_shared>>
      tpu.enqueue_indirect_dma source(%dma_start3A_393 : memref<64x128xf32, #tpu.memory_space<vmem>>) target(%dma_start3A_399 : memref<10240x128xf32, #tpu.memory_space<vmem_shared>>) offsets(%dma_start3A_396 : memref<64xi32, #tpu.memory_space<vmem>>) semaphore(%arg14 : memref<!tpu.dma_semaphore, #tpu.memory_space<semaphore_mem>>) {add = true}
      %dma_wait3A_400 = arith.constant 0 : i32
      %dma_wait3A_401 = arith.constant 0 : i32
      %dma_wait3A_402 = arith.constant 0 : i32
      %dma_wait3A_403 = arith.constant 0 : i32
      %dma_wait3A_404 = tpu.memref_slice %arg10[%dma_wait3A_401, %dma_wait3A_402, %dma_wait3A_403] : memref<2x64x128xf32, #tpu.memory_space<vmem>> -> memref<1x64x128xf32, #tpu.memory_space<vmem>>
      %dma_wait3A_405 = tpu.memref_squeeze %dma_wait3A_404 : memref<1x64x128xf32, #tpu.memory_space<vmem>> -> memref<64x128xf32, #tpu.memory_space<vmem>>
      %dma_wait3A_406 = arith.constant 0 : i32
      %dma_wait3A_407 = tpu.memref_slice %arg7[%dma_wait3A_400, %dma_wait3A_406] : memref<40x64xi32, #tpu.memory_space<vmem>> -> memref<1x64xi32, #tpu.memory_space<vmem>>
      %dma_wait3A_408 = tpu.memref_squeeze %dma_wait3A_407 : memref<1x64xi32, #tpu.memory_space<vmem>> -> memref<64xi32, #tpu.memory_space<vmem>>
      %dma_wait3A_409 = arith.constant 0 : i32
      %dma_wait3A_410 = arith.constant 0 : i32
      %dma_wait3A_411 = tpu.memref_slice %arg2[%dma_wait3A_409, %dma_wait3A_410] : memref<10240x128xf32, #tpu.memory_space<hbm>> -> memref<10240x128xf32, #tpu.memory_space<hbm>>
      tpu.wait_indirect_dma semaphore(%arg13 : memref<!tpu.dma_semaphore, #tpu.memory_space<semaphore_mem>>) src(%dma_wait3A_411 : memref<10240x128xf32, #tpu.memory_space<hbm>>) dst(%dma_wait3A_405 : memref<64x128xf32, #tpu.memory_space<vmem>>)
      %dma_wait3A_412 = arith.constant 0 : i32
      %dma_wait3A_413 = arith.constant 1 : i32
      %dma_wait3A_414 = arith.constant 0 : i32
      %dma_wait3A_415 = arith.constant 0 : i32
      %dma_wait3A_416 = tpu.memref_slice %arg10[%dma_wait3A_413, %dma_wait3A_414, %dma_wait3A_415] : memref<2x64x128xf32, #tpu.memory_space<vmem>> -> memref<1x64x128xf32, #tpu.memory_space<vmem>>
      %dma_wait3A_417 = tpu.memref_squeeze %dma_wait3A_416 : memref<1x64x128xf32, #tpu.memory_space<vmem>> -> memref<64x128xf32, #tpu.memory_space<vmem>>
      %dma_wait3A_418 = arith.constant 0 : i32
      %dma_wait3A_419 = tpu.memref_slice %arg7[%dma_wait3A_412, %dma_wait3A_418] : memref<40x64xi32, #tpu.memory_space<vmem>> -> memref<1x64xi32, #tpu.memory_space<vmem>>
      %dma_wait3A_420 = tpu.memref_squeeze %dma_wait3A_419 : memref<1x64xi32, #tpu.memory_space<vmem>> -> memref<64xi32, #tpu.memory_space<vmem>>
      %dma_wait3A_421 = arith.constant 0 : i32
      %dma_wait3A_422 = arith.constant 0 : i32
      %dma_wait3A_423 = tpu.memref_slice %arg2[%dma_wait3A_421, %dma_wait3A_422] : memref<10240x128xf32, #tpu.memory_space<hbm>> -> memref<10240x128xf32, #tpu.memory_space<hbm>>
      tpu.wait_indirect_dma semaphore(%arg13 : memref<!tpu.dma_semaphore, #tpu.memory_space<semaphore_mem>>) src(%dma_wait3A_423 : memref<10240x128xf32, #tpu.memory_space<hbm>>) dst(%dma_wait3A_417 : memref<64x128xf32, #tpu.memory_space<vmem>>)
      %lt3A = arith.constant 9 : i32
      %lt3A_424 = arith.cmpi slt, %scan3A_317, %lt3A : i32
      %convert_element_type3A_425 = arith.extui %lt3A_424 : i1 to i32
      %cond3A_426 = arith.constant 0 : i32
      %cond3A_427 = arith.cmpi ne, %convert_element_type3A_425, %cond3A_426 : i32
      scf.if %cond3A_427 {
        %dma_wait3A_454 = arith.constant 0 : i32
        %dma_wait3A_455 = arith.constant 0 : i32
        %dma_wait3A_456 = arith.constant 0 : i32
        %dma_wait3A_457 = arith.constant 0 : i32
        %dma_wait3A_458 = tpu.memref_slice %arg9[%dma_wait3A_454, %dma_wait3A_456, %dma_wait3A_457] : memref<2x64x128xf32, #tpu.memory_space<vmem>> -> memref<1x64x128xf32, #tpu.memory_space<vmem>>
        %dma_wait3A_459 = tpu.memref_squeeze %dma_wait3A_458 : memref<1x64x128xf32, #tpu.memory_space<vmem>> -> memref<64x128xf32, #tpu.memory_space<vmem>>
        %dma_wait3A_460 = arith.constant 0 : i32
        %dma_wait3A_461 = tpu.memref_slice %arg8[%dma_wait3A_455, %dma_wait3A_460] : memref<40x64xi32, #tpu.memory_space<vmem>> -> memref<1x64xi32, #tpu.memory_space<vmem>>
        %dma_wait3A_462 = tpu.memref_squeeze %dma_wait3A_461 : memref<1x64xi32, #tpu.memory_space<vmem>> -> memref<64xi32, #tpu.memory_space<vmem>>
        %dma_wait3A_463 = arith.constant 0 : i32
        %dma_wait3A_464 = arith.constant 0 : i32
        %dma_wait3A_465 = tpu.memref_slice %arg11[%dma_wait3A_463, %dma_wait3A_464] : memref<10240x128xf32, #tpu.memory_space<vmem_shared>> -> memref<10240x128xf32, #tpu.memory_space<vmem_shared>>
        tpu.wait_indirect_dma semaphore(%arg14 : memref<!tpu.dma_semaphore, #tpu.memory_space<semaphore_mem>>) src(%dma_wait3A_459 : memref<64x128xf32, #tpu.memory_space<vmem>>) dst(%dma_wait3A_465 : memref<10240x128xf32, #tpu.memory_space<vmem_shared>>)
        %dma_wait3A_466 = arith.constant 1 : i32
        %dma_wait3A_467 = arith.constant 0 : i32
        %dma_wait3A_468 = arith.constant 0 : i32
        %dma_wait3A_469 = arith.constant 0 : i32
        %dma_wait3A_470 = tpu.memref_slice %arg9[%dma_wait3A_466, %dma_wait3A_468, %dma_wait3A_469] : memref<2x64x128xf32, #tpu.memory_space<vmem>> -> memref<1x64x128xf32, #tpu.memory_space<vmem>>
        %dma_wait3A_471 = tpu.memref_squeeze %dma_wait3A_470 : memref<1x64x128xf32, #tpu.memory_space<vmem>> -> memref<64x128xf32, #tpu.memory_space<vmem>>
        %dma_wait3A_472 = arith.constant 0 : i32
        %dma_wait3A_473 = tpu.memref_slice %arg8[%dma_wait3A_467, %dma_wait3A_472] : memref<40x64xi32, #tpu.memory_space<vmem>> -> memref<1x64xi32, #tpu.memory_space<vmem>>
        %dma_wait3A_474 = tpu.memref_squeeze %dma_wait3A_473 : memref<1x64xi32, #tpu.memory_space<vmem>> -> memref<64xi32, #tpu.memory_space<vmem>>
        %dma_wait3A_475 = arith.constant 0 : i32
        %dma_wait3A_476 = arith.constant 0 : i32
        %dma_wait3A_477 = tpu.memref_slice %arg11[%dma_wait3A_475, %dma_wait3A_476] : memref<10240x128xf32, #tpu.memory_space<vmem_shared>> -> memref<10240x128xf32, #tpu.memory_space<vmem_shared>>
        tpu.wait_indirect_dma semaphore(%arg14 : memref<!tpu.dma_semaphore, #tpu.memory_space<semaphore_mem>>) src(%dma_wait3A_471 : memref<64x128xf32, #tpu.memory_space<vmem>>) dst(%dma_wait3A_477 : memref<10240x128xf32, #tpu.memory_space<vmem_shared>>)
        %add3A_478 = arith.constant 4 : i32
        %add3A_479 = arith.addi %mul3A_319, %add3A_478 : i32
        %add3A_480 = arith.constant 0 : i32
        %add3A_481 = arith.addi %add3A_479, %add3A_480 : i32
        %dma_start3A_482 = arith.constant 0 : i32
        %dma_start3A_483 = arith.constant 0 : i32
        %dma_start3A_484 = arith.constant 0 : i32
        %dma_start3A_485 = tpu.memref_slice %arg9[%dma_start3A_482, %dma_start3A_483, %dma_start3A_484] : memref<2x64x128xf32, #tpu.memory_space<vmem>> -> memref<1x64x128xf32, #tpu.memory_space<vmem>>
        %dma_start3A_486 = tpu.memref_squeeze %dma_start3A_485 : memref<1x64x128xf32, #tpu.memory_space<vmem>> -> memref<64x128xf32, #tpu.memory_space<vmem>>
        %dma_start3A_487 = arith.constant 0 : i32
        %dma_start3A_488 = tpu.memref_slice %arg7[%add3A_481, %dma_start3A_487] : memref<40x64xi32, #tpu.memory_space<vmem>> -> memref<1x64xi32, #tpu.memory_space<vmem>>
        %dma_start3A_489 = tpu.memref_squeeze %dma_start3A_488 : memref<1x64xi32, #tpu.memory_space<vmem>> -> memref<64xi32, #tpu.memory_space<vmem>>
        %dma_start3A_490 = arith.constant 0 : i32
        %dma_start3A_491 = arith.constant 0 : i32
        %dma_start3A_492 = tpu.memref_slice %arg2[%dma_start3A_490, %dma_start3A_491] : memref<10240x128xf32, #tpu.memory_space<hbm>> -> memref<10240x128xf32, #tpu.memory_space<hbm>>
        tpu.enqueue_indirect_dma source(%dma_start3A_492 : memref<10240x128xf32, #tpu.memory_space<hbm>>) target(%dma_start3A_486 : memref<64x128xf32, #tpu.memory_space<vmem>>) offsets(%dma_start3A_489 : memref<64xi32, #tpu.memory_space<vmem>>) semaphore(%arg12 : memref<!tpu.dma_semaphore, #tpu.memory_space<semaphore_mem>>)
        %add3A_493 = arith.constant 4 : i32
        %add3A_494 = arith.addi %mul3A_319, %add3A_493 : i32
        %add3A_495 = arith.constant 1 : i32
        %add3A_496 = arith.addi %add3A_494, %add3A_495 : i32
        %dma_start3A_497 = arith.constant 1 : i32
        %dma_start3A_498 = arith.constant 0 : i32
        %dma_start3A_499 = arith.constant 0 : i32
        %dma_start3A_500 = tpu.memref_slice %arg9[%dma_start3A_497, %dma_start3A_498, %dma_start3A_499] : memref<2x64x128xf32, #tpu.memory_space<vmem>> -> memref<1x64x128xf32, #tpu.memory_space<vmem>>
        %dma_start3A_501 = tpu.memref_squeeze %dma_start3A_500 : memref<1x64x128xf32, #tpu.memory_space<vmem>> -> memref<64x128xf32, #tpu.memory_space<vmem>>
        %dma_start3A_502 = arith.constant 0 : i32
        %dma_start3A_503 = tpu.memref_slice %arg7[%add3A_496, %dma_start3A_502] : memref<40x64xi32, #tpu.memory_space<vmem>> -> memref<1x64xi32, #tpu.memory_space<vmem>>
        %dma_start3A_504 = tpu.memref_squeeze %dma_start3A_503 : memref<1x64xi32, #tpu.memory_space<vmem>> -> memref<64xi32, #tpu.memory_space<vmem>>
        %dma_start3A_505 = arith.constant 0 : i32
        %dma_start3A_506 = arith.constant 0 : i32
        %dma_start3A_507 = tpu.memref_slice %arg2[%dma_start3A_505, %dma_start3A_506] : memref<10240x128xf32, #tpu.memory_space<hbm>> -> memref<10240x128xf32, #tpu.memory_space<hbm>>
        tpu.enqueue_indirect_dma source(%dma_start3A_507 : memref<10240x128xf32, #tpu.memory_space<hbm>>) target(%dma_start3A_501 : memref<64x128xf32, #tpu.memory_space<vmem>>) offsets(%dma_start3A_504 : memref<64xi32, #tpu.memory_space<vmem>>) semaphore(%arg12 : memref<!tpu.dma_semaphore, #tpu.memory_space<semaphore_mem>>)
      } else {
      }
      %add3A_428 = arith.constant 0 : i32
      %add3A_429 = arith.addi %add3A_321, %add3A_428 : i32
      %dma_start3A_430 = arith.constant 0 : i32
      %dma_start3A_431 = arith.constant 0 : i32
      %dma_start3A_432 = arith.constant 0 : i32
      %dma_start3A_433 = tpu.memref_slice %arg10[%dma_start3A_430, %dma_start3A_431, %dma_start3A_432] : memref<2x64x128xf32, #tpu.memory_space<vmem>> -> memref<1x64x128xf32, #tpu.memory_space<vmem>>
      %dma_start3A_434 = tpu.memref_squeeze %dma_start3A_433 : memref<1x64x128xf32, #tpu.memory_space<vmem>> -> memref<64x128xf32, #tpu.memory_space<vmem>>
      %dma_start3A_435 = arith.constant 0 : i32
      %dma_start3A_436 = tpu.memref_slice %arg8[%add3A_429, %dma_start3A_435] : memref<40x64xi32, #tpu.memory_space<vmem>> -> memref<1x64xi32, #tpu.memory_space<vmem>>
      %dma_start3A_437 = tpu.memref_squeeze %dma_start3A_436 : memref<1x64xi32, #tpu.memory_space<vmem>> -> memref<64xi32, #tpu.memory_space<vmem>>
      %dma_start3A_438 = arith.constant 0 : i32
      %dma_start3A_439 = arith.constant 0 : i32
      %dma_start3A_440 = tpu.memref_slice %arg11[%dma_start3A_438, %dma_start3A_439] : memref<10240x128xf32, #tpu.memory_space<vmem_shared>> -> memref<10240x128xf32, #tpu.memory_space<vmem_shared>>
      tpu.enqueue_indirect_dma source(%dma_start3A_434 : memref<64x128xf32, #tpu.memory_space<vmem>>) target(%dma_start3A_440 : memref<10240x128xf32, #tpu.memory_space<vmem_shared>>) offsets(%dma_start3A_437 : memref<64xi32, #tpu.memory_space<vmem>>) semaphore(%arg15 : memref<!tpu.dma_semaphore, #tpu.memory_space<semaphore_mem>>) {add = true}
      %add3A_441 = arith.constant 1 : i32
      %add3A_442 = arith.addi %add3A_321, %add3A_441 : i32
      %dma_start3A_443 = arith.constant 1 : i32
      %dma_start3A_444 = arith.constant 0 : i32
      %dma_start3A_445 = arith.constant 0 : i32
      %dma_start3A_446 = tpu.memref_slice %arg10[%dma_start3A_443, %dma_start3A_444, %dma_start3A_445] : memref<2x64x128xf32, #tpu.memory_space<vmem>> -> memref<1x64x128xf32, #tpu.memory_space<vmem>>
      %dma_start3A_447 = tpu.memref_squeeze %dma_start3A_446 : memref<1x64x128xf32, #tpu.memory_space<vmem>> -> memref<64x128xf32, #tpu.memory_space<vmem>>
      %dma_start3A_448 = arith.constant 0 : i32
      %dma_start3A_449 = tpu.memref_slice %arg8[%add3A_442, %dma_start3A_448] : memref<40x64xi32, #tpu.memory_space<vmem>> -> memref<1x64xi32, #tpu.memory_space<vmem>>
      %dma_start3A_450 = tpu.memref_squeeze %dma_start3A_449 : memref<1x64xi32, #tpu.memory_space<vmem>> -> memref<64xi32, #tpu.memory_space<vmem>>
      %dma_start3A_451 = arith.constant 0 : i32
      %dma_start3A_452 = arith.constant 0 : i32
      %dma_start3A_453 = tpu.memref_slice %arg11[%dma_start3A_451, %dma_start3A_452] : memref<10240x128xf32, #tpu.memory_space<vmem_shared>> -> memref<10240x128xf32, #tpu.memory_space<vmem_shared>>
      tpu.enqueue_indirect_dma source(%dma_start3A_447 : memref<64x128xf32, #tpu.memory_space<vmem>>) target(%dma_start3A_453 : memref<10240x128xf32, #tpu.memory_space<vmem_shared>>) offsets(%dma_start3A_450 : memref<64xi32, #tpu.memory_space<vmem>>) semaphore(%arg15 : memref<!tpu.dma_semaphore, #tpu.memory_space<semaphore_mem>>) {add = true}
    }
    %scan3A_263 = arith.constant 10 : i32
    %dma_wait3A_264 = arith.constant 0 : i32
    %dma_wait3A_265 = arith.constant 0 : i32
    %dma_wait3A_266 = arith.constant 0 : i32
    %dma_wait3A_267 = arith.constant 0 : i32
    %dma_wait3A_268 = tpu.memref_slice %arg9[%dma_wait3A_264, %dma_wait3A_266, %dma_wait3A_267] : memref<2x64x128xf32, #tpu.memory_space<vmem>> -> memref<1x64x128xf32, #tpu.memory_space<vmem>>
    %dma_wait3A_269 = tpu.memref_squeeze %dma_wait3A_268 : memref<1x64x128xf32, #tpu.memory_space<vmem>> -> memref<64x128xf32, #tpu.memory_space<vmem>>
    %dma_wait3A_270 = arith.constant 0 : i32
    %dma_wait3A_271 = tpu.memref_slice %arg8[%dma_wait3A_265, %dma_wait3A_270] : memref<40x64xi32, #tpu.memory_space<vmem>> -> memref<1x64xi32, #tpu.memory_space<vmem>>
    %dma_wait3A_272 = tpu.memref_squeeze %dma_wait3A_271 : memref<1x64xi32, #tpu.memory_space<vmem>> -> memref<64xi32, #tpu.memory_space<vmem>>
    %dma_wait3A_273 = arith.constant 0 : i32
    %dma_wait3A_274 = arith.constant 0 : i32
    %dma_wait3A_275 = tpu.memref_slice %arg11[%dma_wait3A_273, %dma_wait3A_274] : memref<10240x128xf32, #tpu.memory_space<vmem_shared>> -> memref<10240x128xf32, #tpu.memory_space<vmem_shared>>
    tpu.wait_indirect_dma semaphore(%arg14 : memref<!tpu.dma_semaphore, #tpu.memory_space<semaphore_mem>>) src(%dma_wait3A_269 : memref<64x128xf32, #tpu.memory_space<vmem>>) dst(%dma_wait3A_275 : memref<10240x128xf32, #tpu.memory_space<vmem_shared>>)
    %dma_wait3A_276 = arith.constant 0 : i32
    %dma_wait3A_277 = arith.constant 0 : i32
    %dma_wait3A_278 = arith.constant 0 : i32
    %dma_wait3A_279 = arith.constant 0 : i32
    %dma_wait3A_280 = tpu.memref_slice %arg10[%dma_wait3A_276, %dma_wait3A_278, %dma_wait3A_279] : memref<2x64x128xf32, #tpu.memory_space<vmem>> -> memref<1x64x128xf32, #tpu.memory_space<vmem>>
    %dma_wait3A_281 = tpu.memref_squeeze %dma_wait3A_280 : memref<1x64x128xf32, #tpu.memory_space<vmem>> -> memref<64x128xf32, #tpu.memory_space<vmem>>
    %dma_wait3A_282 = arith.constant 0 : i32
    %dma_wait3A_283 = tpu.memref_slice %arg8[%dma_wait3A_277, %dma_wait3A_282] : memref<40x64xi32, #tpu.memory_space<vmem>> -> memref<1x64xi32, #tpu.memory_space<vmem>>
    %dma_wait3A_284 = tpu.memref_squeeze %dma_wait3A_283 : memref<1x64xi32, #tpu.memory_space<vmem>> -> memref<64xi32, #tpu.memory_space<vmem>>
    %dma_wait3A_285 = arith.constant 0 : i32
    %dma_wait3A_286 = arith.constant 0 : i32
    %dma_wait3A_287 = tpu.memref_slice %arg11[%dma_wait3A_285, %dma_wait3A_286] : memref<10240x128xf32, #tpu.memory_space<vmem_shared>> -> memref<10240x128xf32, #tpu.memory_space<vmem_shared>>
    tpu.wait_indirect_dma semaphore(%arg15 : memref<!tpu.dma_semaphore, #tpu.memory_space<semaphore_mem>>) src(%dma_wait3A_281 : memref<64x128xf32, #tpu.memory_space<vmem>>) dst(%dma_wait3A_287 : memref<10240x128xf32, #tpu.memory_space<vmem_shared>>)
    %dma_wait3A_288 = arith.constant 1 : i32
    %dma_wait3A_289 = arith.constant 0 : i32
    %dma_wait3A_290 = arith.constant 0 : i32
    %dma_wait3A_291 = arith.constant 0 : i32
    %dma_wait3A_292 = tpu.memref_slice %arg9[%dma_wait3A_288, %dma_wait3A_290, %dma_wait3A_291] : memref<2x64x128xf32, #tpu.memory_space<vmem>> -> memref<1x64x128xf32, #tpu.memory_space<vmem>>
    %dma_wait3A_293 = tpu.memref_squeeze %dma_wait3A_292 : memref<1x64x128xf32, #tpu.memory_space<vmem>> -> memref<64x128xf32, #tpu.memory_space<vmem>>
    %dma_wait3A_294 = arith.constant 0 : i32
    %dma_wait3A_295 = tpu.memref_slice %arg8[%dma_wait3A_289, %dma_wait3A_294] : memref<40x64xi32, #tpu.memory_space<vmem>> -> memref<1x64xi32, #tpu.memory_space<vmem>>
    %dma_wait3A_296 = tpu.memref_squeeze %dma_wait3A_295 : memref<1x64xi32, #tpu.memory_space<vmem>> -> memref<64xi32, #tpu.memory_space<vmem>>
    %dma_wait3A_297 = arith.constant 0 : i32
    %dma_wait3A_298 = arith.constant 0 : i32
    %dma_wait3A_299 = tpu.memref_slice %arg11[%dma_wait3A_297, %dma_wait3A_298] : memref<10240x128xf32, #tpu.memory_space<vmem_shared>> -> memref<10240x128xf32, #tpu.memory_space<vmem_shared>>
    tpu.wait_indirect_dma semaphore(%arg14 : memref<!tpu.dma_semaphore, #tpu.memory_space<semaphore_mem>>) src(%dma_wait3A_293 : memref<64x128xf32, #tpu.memory_space<vmem>>) dst(%dma_wait3A_299 : memref<10240x128xf32, #tpu.memory_space<vmem_shared>>)
    %dma_wait3A_300 = arith.constant 1 : i32
    %dma_wait3A_301 = arith.constant 0 : i32
    %dma_wait3A_302 = arith.constant 0 : i32
    %dma_wait3A_303 = arith.constant 0 : i32
    %dma_wait3A_304 = tpu.memref_slice %arg10[%dma_wait3A_300, %dma_wait3A_302, %dma_wait3A_303] : memref<2x64x128xf32, #tpu.memory_space<vmem>> -> memref<1x64x128xf32, #tpu.memory_space<vmem>>
    %dma_wait3A_305 = tpu.memref_squeeze %dma_wait3A_304 : memref<1x64x128xf32, #tpu.memory_space<vmem>> -> memref<64x128xf32, #tpu.memory_space<vmem>>
    %dma_wait3A_306 = arith.constant 0 : i32
    %dma_wait3A_307 = tpu.memref_slice %arg8[%dma_wait3A_301, %dma_wait3A_306] : memref<40x64xi32, #tpu.memory_space<vmem>> -> memref<1x64xi32, #tpu.memory_space<vmem>>
    %dma_wait3A_308 = tpu.memref_squeeze %dma_wait3A_307 : memref<1x64xi32, #tpu.memory_space<vmem>> -> memref<64xi32, #tpu.memory_space<vmem>>
    %dma_wait3A_309 = arith.constant 0 : i32
    %dma_wait3A_310 = arith.constant 0 : i32
    %dma_wait3A_311 = tpu.memref_slice %arg11[%dma_wait3A_309, %dma_wait3A_310] : memref<10240x128xf32, #tpu.memory_space<vmem_shared>> -> memref<10240x128xf32, #tpu.memory_space<vmem_shared>>
    tpu.wait_indirect_dma semaphore(%arg15 : memref<!tpu.dma_semaphore, #tpu.memory_space<semaphore_mem>>) src(%dma_wait3A_305 : memref<64x128xf32, #tpu.memory_space<vmem>>) dst(%dma_wait3A_311 : memref<10240x128xf32, #tpu.memory_space<vmem_shared>>)
    %barrier3A_312 = arith.constant 0 : index
    tpu.barrier barrier_id(%barrier3A_312)
    %mul3A_313 = arith.constant 640 : i32
    %mul3A_314 = arith.muli %arg1, %mul3A_313 : i32
    %mul3A_315 = arith.constant 640 : i32
    %mul3A_316 = arith.muli %arg1, %mul3A_315 : i32
    "tpu.region"() ({
      %run_scoped3A = tpu.sem_alloc : memref<!tpu.dma_semaphore, #tpu.memory_space<semaphore_mem>>
      %dma_start3A_317 = arith.constant 0 : i32
      %dma_start3A_318 = tpu.memref_slice %arg6[%arg0, %mul3A_316, %dma_start3A_317] : memref<2x10240x128xf32, #tpu.memory_space<hbm>> -> memref<1x640x128xf32, #tpu.memory_space<hbm>>
      %dma_start3A_319 = tpu.memref_squeeze %dma_start3A_318 : memref<1x640x128xf32, #tpu.memory_space<hbm>> -> memref<640x128xf32, #tpu.memory_space<hbm>>
      %dma_start3A_320 = arith.constant 0 : i32
      %dma_start3A_321 = tpu.memref_slice %arg11[%mul3A_314, %dma_start3A_320] : memref<10240x128xf32, #tpu.memory_space<vmem_shared>> -> memref<640x128xf32, #tpu.memory_space<vmem_shared>>
      tpu.enqueue_dma source(%dma_start3A_321 : memref<640x128xf32, #tpu.memory_space<vmem_shared>>) target(%dma_start3A_319 : memref<640x128xf32, #tpu.memory_space<hbm>>) target_semaphore(%run_scoped3A : memref<!tpu.dma_semaphore, #tpu.memory_space<semaphore_mem>>)
      %dma_wait3A_322 = arith.constant 0 : i32
      %dma_wait3A_323 = tpu.memref_slice %arg6[%arg0, %mul3A_316, %dma_wait3A_322] : memref<2x10240x128xf32, #tpu.memory_space<hbm>> -> memref<1x640x128xf32, #tpu.memory_space<hbm>>
      %dma_wait3A_324 = tpu.memref_squeeze %dma_wait3A_323 : memref<1x640x128xf32, #tpu.memory_space<hbm>> -> memref<640x128xf32, #tpu.memory_space<hbm>>
      %dma_wait3A_325 = arith.constant 0 : i32
      %dma_wait3A_326 = tpu.memref_slice %arg11[%mul3A_314, %dma_wait3A_325] : memref<10240x128xf32, #tpu.memory_space<vmem_shared>> -> memref<640x128xf32, #tpu.memory_space<vmem_shared>>
      tpu.wait_dma2 semaphore(%run_scoped3A : memref<!tpu.dma_semaphore, #tpu.memory_space<semaphore_mem>>) src(%dma_wait3A_326 : memref<640x128xf32, #tpu.memory_space<vmem_shared>>) dst(%dma_wait3A_324 : memref<640x128xf32, #tpu.memory_space<hbm>>)
      tpu.yield
    }) : () -> ()
    return
  }
}

#map = affine_map<(d0, d1) -> (0, 0)>
#map1 = affine_map<(d0, d1) -> (0, 0, 0)>
module attributes {stable_mosaic.version = 14 : i64} {
  func.func @k(%arg0: i32, %arg1: i32, %arg2: memref<10240x128xf32, #tpu.memory_space<hbm>>, %arg3: memref<32x160x64xi32, #tpu.memory_space<hbm>>, %arg4: memref<32x160x64xi32, #tpu.memory_space<hbm>>, %arg5: memref<640x128xf32, #tpu.memory_space<hbm>>, %arg6: memref<2x10240x128xf32, #tpu.memory_space<hbm>>, %arg7: memref<40x64xi32, #tpu.memory_space<vmem>>, %arg8: memref<40x64xi32, #tpu.memory_space<vmem>>, %arg9: memref<2x64x128xf32, #tpu.memory_space<vmem>>, %arg10: memref<2x64x128xf32, #tpu.memory_space<vmem>>, %arg11: memref<10240x128xf32, #tpu.memory_space<vmem_shared>>, %arg12: memref<!tpu.dma_semaphore, #tpu.memory_space<semaphore_mem>>, %arg13: memref<!tpu.dma_semaphore, #tpu.memory_space<semaphore_mem>>, %arg14: memref<!tpu.dma_semaphore, #tpu.memory_space<semaphore_mem>>, %arg15: memref<!tpu.dma_semaphore, #tpu.memory_space<semaphore_mem>>) attributes {dimension_semantics = [#tpu.dimension_semantics<core_parallel>, #tpu.dimension_semantics<subcore_parallel>], iteration_bounds = array<i64: 2, 16>, scalar_prefetch = 0 : i64, scratch_operands = 9 : i64, tpu.core_type = #tpu.core_type<sc_vector_subcore>, window_params = [{transform_indices = #map}, {transform_indices = #map1}, {transform_indices = #map1}, {transform_indices = #map}, {transform_indices = #map1}]} {
    %mul3A = arith.constant 16 : i32
    %mul3A_0 = arith.muli %arg0, %mul3A : i32
    %add3A = arith.addi %mul3A_0, %arg1 : i32
    "tpu.region"() ({
      %run_scoped3A = tpu.sem_alloc : memref<!tpu.dma_semaphore, #tpu.memory_space<semaphore_mem>>
      %dma_start3A_317 = arith.constant 0 : i32
      %dma_start3A_318 = arith.constant 0 : i32
      %dma_start3A_319 = tpu.memref_slice %arg3[%add3A, %dma_start3A_317, %dma_start3A_318] : memref<32x160x64xi32, #tpu.memory_space<hbm>> -> memref<1x40x64xi32, #tpu.memory_space<hbm>>
      %dma_start3A_320 = tpu.memref_squeeze %dma_start3A_319 : memref<1x40x64xi32, #tpu.memory_space<hbm>> -> memref<40x64xi32, #tpu.memory_space<hbm>>
      %dma_start3A_321 = arith.constant 0 : i32
      %dma_start3A_322 = arith.constant 0 : i32
      %dma_start3A_323 = tpu.memref_slice %arg3[%add3A, %dma_start3A_321, %dma_start3A_322] : memref<32x160x64xi32, #tpu.memory_space<hbm>> -> memref<1x40x64xi32, #tpu.memory_space<hbm>>
      %dma_start3A_324 = tpu.memref_squeeze %dma_start3A_323 : memref<1x40x64xi32, #tpu.memory_space<hbm>> -> memref<40x64xi32, #tpu.memory_space<hbm>>
      tpu.enqueue_dma source(%dma_start3A_324 : memref<40x64xi32, #tpu.memory_space<hbm>>) target(%arg7 : memref<40x64xi32, #tpu.memory_space<vmem>>) target_semaphore(%run_scoped3A : memref<!tpu.dma_semaphore, #tpu.memory_space<semaphore_mem>>)
      %dma_wait3A_325 = arith.constant 0 : i32
      %dma_wait3A_326 = arith.constant 0 : i32
      %dma_wait3A_327 = tpu.memref_slice %arg3[%add3A, %dma_wait3A_325, %dma_wait3A_326] : memref<32x160x64xi32, #tpu.memory_space<hbm>> -> memref<1x40x64xi32, #tpu.memory_space<hbm>>
      %dma_wait3A_328 = tpu.memref_squeeze %dma_wait3A_327 : memref<1x40x64xi32, #tpu.memory_space<hbm>> -> memref<40x64xi32, #tpu.memory_space<hbm>>
      %dma_wait3A_329 = arith.constant 0 : i32
      %dma_wait3A_330 = arith.constant 0 : i32
      %dma_wait3A_331 = tpu.memref_slice %arg3[%add3A, %dma_wait3A_329, %dma_wait3A_330] : memref<32x160x64xi32, #tpu.memory_space<hbm>> -> memref<1x40x64xi32, #tpu.memory_space<hbm>>
      %dma_wait3A_332 = tpu.memref_squeeze %dma_wait3A_331 : memref<1x40x64xi32, #tpu.memory_space<hbm>> -> memref<40x64xi32, #tpu.memory_space<hbm>>
      tpu.wait_dma2 semaphore(%run_scoped3A : memref<!tpu.dma_semaphore, #tpu.memory_space<semaphore_mem>>) src(%dma_wait3A_332 : memref<40x64xi32, #tpu.memory_space<hbm>>) dst(%arg7 : memref<40x64xi32, #tpu.memory_space<vmem>>)
      tpu.yield
    }) : () -> ()
    "tpu.region"() ({
      %run_scoped3A = tpu.sem_alloc : memref<!tpu.dma_semaphore, #tpu.memory_space<semaphore_mem>>
      %dma_start3A_317 = arith.constant 0 : i32
      %dma_start3A_318 = arith.constant 0 : i32
      %dma_start3A_319 = tpu.memref_slice %arg4[%add3A, %dma_start3A_317, %dma_start3A_318] : memref<32x160x64xi32, #tpu.memory_space<hbm>> -> memref<1x40x64xi32, #tpu.memory_space<hbm>>
      %dma_start3A_320 = tpu.memref_squeeze %dma_start3A_319 : memref<1x40x64xi32, #tpu.memory_space<hbm>> -> memref<40x64xi32, #tpu.memory_space<hbm>>
      %dma_start3A_321 = arith.constant 0 : i32
      %dma_start3A_322 = arith.constant 0 : i32
      %dma_start3A_323 = tpu.memref_slice %arg4[%add3A, %dma_start3A_321, %dma_start3A_322] : memref<32x160x64xi32, #tpu.memory_space<hbm>> -> memref<1x40x64xi32, #tpu.memory_space<hbm>>
      %dma_start3A_324 = tpu.memref_squeeze %dma_start3A_323 : memref<1x40x64xi32, #tpu.memory_space<hbm>> -> memref<40x64xi32, #tpu.memory_space<hbm>>
      tpu.enqueue_dma source(%dma_start3A_324 : memref<40x64xi32, #tpu.memory_space<hbm>>) target(%arg8 : memref<40x64xi32, #tpu.memory_space<vmem>>) target_semaphore(%run_scoped3A : memref<!tpu.dma_semaphore, #tpu.memory_space<semaphore_mem>>)
      %dma_wait3A_325 = arith.constant 0 : i32
      %dma_wait3A_326 = arith.constant 0 : i32
      %dma_wait3A_327 = tpu.memref_slice %arg4[%add3A, %dma_wait3A_325, %dma_wait3A_326] : memref<32x160x64xi32, #tpu.memory_space<hbm>> -> memref<1x40x64xi32, #tpu.memory_space<hbm>>
      %dma_wait3A_328 = tpu.memref_squeeze %dma_wait3A_327 : memref<1x40x64xi32, #tpu.memory_space<hbm>> -> memref<40x64xi32, #tpu.memory_space<hbm>>
      %dma_wait3A_329 = arith.constant 0 : i32
      %dma_wait3A_330 = arith.constant 0 : i32
      %dma_wait3A_331 = tpu.memref_slice %arg4[%add3A, %dma_wait3A_329, %dma_wait3A_330] : memref<32x160x64xi32, #tpu.memory_space<hbm>> -> memref<1x40x64xi32, #tpu.memory_space<hbm>>
      %dma_wait3A_332 = tpu.memref_squeeze %dma_wait3A_331 : memref<1x40x64xi32, #tpu.memory_space<hbm>> -> memref<40x64xi32, #tpu.memory_space<hbm>>
      tpu.wait_dma2 semaphore(%run_scoped3A : memref<!tpu.dma_semaphore, #tpu.memory_space<semaphore_mem>>) src(%dma_wait3A_332 : memref<40x64xi32, #tpu.memory_space<hbm>>) dst(%arg8 : memref<40x64xi32, #tpu.memory_space<vmem>>)
      tpu.yield
    }) : () -> ()
    %dma_start3A = arith.constant 0 : i32
    %dma_start3A_1 = arith.constant 0 : i32
    %dma_start3A_2 = arith.constant 0 : i32
    %dma_start3A_3 = arith.constant 0 : i32
    %dma_start3A_4 = tpu.memref_slice %arg9[%dma_start3A_1, %dma_start3A_2, %dma_start3A_3] : memref<2x64x128xf32, #tpu.memory_space<vmem>> -> memref<1x64x128xf32, #tpu.memory_space<vmem>>
    %dma_start3A_5 = tpu.memref_squeeze %dma_start3A_4 : memref<1x64x128xf32, #tpu.memory_space<vmem>> -> memref<64x128xf32, #tpu.memory_space<vmem>>
    %dma_start3A_6 = arith.constant 0 : i32
    %dma_start3A_7 = tpu.memref_slice %arg7[%dma_start3A, %dma_start3A_6] : memref<40x64xi32, #tpu.memory_space<vmem>> -> memref<1x64xi32, #tpu.memory_space<vmem>>
    %dma_start3A_8 = tpu.memref_squeeze %dma_start3A_7 : memref<1x64xi32, #tpu.memory_space<vmem>> -> memref<64xi32, #tpu.memory_space<vmem>>
    %dma_start3A_9 = arith.constant 0 : i32
    %dma_start3A_10 = arith.constant 0 : i32
    %dma_start3A_11 = tpu.memref_slice %arg2[%dma_start3A_9, %dma_start3A_10] : memref<10240x128xf32, #tpu.memory_space<hbm>> -> memref<10240x128xf32, #tpu.memory_space<hbm>>
    tpu.enqueue_indirect_dma source(%dma_start3A_11 : memref<10240x128xf32, #tpu.memory_space<hbm>>) target(%dma_start3A_5 : memref<64x128xf32, #tpu.memory_space<vmem>>) offsets(%dma_start3A_8 : memref<64xi32, #tpu.memory_space<vmem>>) semaphore(%arg12 : memref<!tpu.dma_semaphore, #tpu.memory_space<semaphore_mem>>)
    %dma_start3A_12 = arith.constant 1 : i32
    %dma_start3A_13 = arith.constant 1 : i32
    %dma_start3A_14 = arith.constant 0 : i32
    %dma_start3A_15 = arith.constant 0 : i32
    %dma_start3A_16 = tpu.memref_slice %arg9[%dma_start3A_13, %dma_start3A_14, %dma_start3A_15] : memref<2x64x128xf32, #tpu.memory_space<vmem>> -> memref<1x64x128xf32, #tpu.memory_space<vmem>>
    %dma_start3A_17 = tpu.memref_squeeze %dma_start3A_16 : memref<1x64x128xf32, #tpu.memory_space<vmem>> -> memref<64x128xf32, #tpu.memory_space<vmem>>
    %dma_start3A_18 = arith.constant 0 : i32
    %dma_start3A_19 = tpu.memref_slice %arg7[%dma_start3A_12, %dma_start3A_18] : memref<40x64xi32, #tpu.memory_space<vmem>> -> memref<1x64xi32, #tpu.memory_space<vmem>>
    %dma_start3A_20 = tpu.memref_squeeze %dma_start3A_19 : memref<1x64xi32, #tpu.memory_space<vmem>> -> memref<64xi32, #tpu.memory_space<vmem>>
    %dma_start3A_21 = arith.constant 0 : i32
    %dma_start3A_22 = arith.constant 0 : i32
    %dma_start3A_23 = tpu.memref_slice %arg2[%dma_start3A_21, %dma_start3A_22] : memref<10240x128xf32, #tpu.memory_space<hbm>> -> memref<10240x128xf32, #tpu.memory_space<hbm>>
    tpu.enqueue_indirect_dma source(%dma_start3A_23 : memref<10240x128xf32, #tpu.memory_space<hbm>>) target(%dma_start3A_17 : memref<64x128xf32, #tpu.memory_space<vmem>>) offsets(%dma_start3A_20 : memref<64xi32, #tpu.memory_space<vmem>>) semaphore(%arg12 : memref<!tpu.dma_semaphore, #tpu.memory_space<semaphore_mem>>)
    %mul3A_24 = arith.constant 640 : i32
    %mul3A_25 = arith.muli %arg1, %mul3A_24 : i32
    "tpu.region"() ({
      %run_scoped3A = tpu.sem_alloc : memref<!tpu.dma_semaphore, #tpu.memory_space<semaphore_mem>>
      %dma_start3A_317 = arith.constant 0 : i32
      %dma_start3A_318 = tpu.memref_slice %arg11[%mul3A_25, %dma_start3A_317] : memref<10240x128xf32, #tpu.memory_space<vmem_shared>> -> memref<640x128xf32, #tpu.memory_space<vmem_shared>>
      tpu.enqueue_dma source(%arg5 : memref<640x128xf32, #tpu.memory_space<hbm>>) target(%dma_start3A_318 : memref<640x128xf32, #tpu.memory_space<vmem_shared>>) target_semaphore(%run_scoped3A : memref<!tpu.dma_semaphore, #tpu.memory_space<semaphore_mem>>)
      %dma_wait3A_319 = arith.constant 0 : i32
      %dma_wait3A_320 = tpu.memref_slice %arg11[%mul3A_25, %dma_wait3A_319] : memref<10240x128xf32, #tpu.memory_space<vmem_shared>> -> memref<640x128xf32, #tpu.memory_space<vmem_shared>>
      tpu.wait_dma2 semaphore(%run_scoped3A : memref<!tpu.dma_semaphore, #tpu.memory_space<semaphore_mem>>) src(%arg5 : memref<640x128xf32, #tpu.memory_space<hbm>>) dst(%dma_wait3A_320 : memref<640x128xf32, #tpu.memory_space<vmem_shared>>)
      tpu.yield
    }) : () -> ()
    %barrier3A = arith.constant 0 : index
    tpu.barrier barrier_id(%barrier3A)
    %scan3A = arith.constant 0 : i32
    %scan3A_26 = arith.constant 0 : i32
    %scan3A_27 = arith.constant 10 : i32
    %scan3A_28 = arith.addi %scan3A_26, %scan3A_27 : i32
    %scan3A_29 = arith.constant 1 : i32
    scf.for %scan3A_317 = %scan3A_26 to %scan3A_28 step %scan3A_29  : i32 {
      %mul3A_318 = arith.constant 4 : i32
      %mul3A_319 = arith.muli %mul3A_318, %scan3A_317 : i32
      %add3A_320 = arith.constant 2 : i32
      %add3A_321 = arith.addi %mul3A_319, %add3A_320 : i32
      %dma_wait3A_322 = arith.constant 0 : i32
      %dma_wait3A_323 = arith.constant 0 : i32
      %dma_wait3A_324 = arith.constant 0 : i32
      %dma_wait3A_325 = arith.constant 0 : i32
      %dma_wait3A_326 = tpu.memref_slice %arg9[%dma_wait3A_323, %dma_wait3A_324, %dma_wait3A_325] : memref<2x64x128xf32, #tpu.memory_space<vmem>> -> memref<1x64x128xf32, #tpu.memory_space<vmem>>
      %dma_wait3A_327 = tpu.memref_squeeze %dma_wait3A_326 : memref<1x64x128xf32, #tpu.memory_space<vmem>> -> memref<64x128xf32, #tpu.memory_space<vmem>>
      %dma_wait3A_328 = arith.constant 0 : i32
      %dma_wait3A_329 = tpu.memref_slice %arg7[%dma_wait3A_322, %dma_wait3A_328] : memref<40x64xi32, #tpu.memory_space<vmem>> -> memref<1x64xi32, #tpu.memory_space<vmem>>
      %dma_wait3A_330 = tpu.memref_squeeze %dma_wait3A_329 : memref<1x64xi32, #tpu.memory_space<vmem>> -> memref<64xi32, #tpu.memory_space<vmem>>
      %dma_wait3A_331 = arith.constant 0 : i32
      %dma_wait3A_332 = arith.constant 0 : i32
      %dma_wait3A_333 = tpu.memref_slice %arg2[%dma_wait3A_331, %dma_wait3A_332] : memref<10240x128xf32, #tpu.memory_space<hbm>> -> memref<10240x128xf32, #tpu.memory_space<hbm>>
      tpu.wait_indirect_dma semaphore(%arg12 : memref<!tpu.dma_semaphore, #tpu.memory_space<semaphore_mem>>) src(%dma_wait3A_333 : memref<10240x128xf32, #tpu.memory_space<hbm>>) dst(%dma_wait3A_327 : memref<64x128xf32, #tpu.memory_space<vmem>>)
      %dma_wait3A_334 = arith.constant 0 : i32
      %dma_wait3A_335 = arith.constant 1 : i32
      %dma_wait3A_336 = arith.constant 0 : i32
      %dma_wait3A_337 = arith.constant 0 : i32
      %dma_wait3A_338 = tpu.memref_slice %arg9[%dma_wait3A_335, %dma_wait3A_336, %dma_wait3A_337] : memref<2x64x128xf32, #tpu.memory_space<vmem>> -> memref<1x64x128xf32, #tpu.memory_space<vmem>>
      %dma_wait3A_339 = tpu.memref_squeeze %dma_wait3A_338 : memref<1x64x128xf32, #tpu.memory_space<vmem>> -> memref<64x128xf32, #tpu.memory_space<vmem>>
      %dma_wait3A_340 = arith.constant 0 : i32
      %dma_wait3A_341 = tpu.memref_slice %arg7[%dma_wait3A_334, %dma_wait3A_340] : memref<40x64xi32, #tpu.memory_space<vmem>> -> memref<1x64xi32, #tpu.memory_space<vmem>>
      %dma_wait3A_342 = tpu.memref_squeeze %dma_wait3A_341 : memref<1x64xi32, #tpu.memory_space<vmem>> -> memref<64xi32, #tpu.memory_space<vmem>>
      %dma_wait3A_343 = arith.constant 0 : i32
      %dma_wait3A_344 = arith.constant 0 : i32
      %dma_wait3A_345 = tpu.memref_slice %arg2[%dma_wait3A_343, %dma_wait3A_344] : memref<10240x128xf32, #tpu.memory_space<hbm>> -> memref<10240x128xf32, #tpu.memory_space<hbm>>
      tpu.wait_indirect_dma semaphore(%arg12 : memref<!tpu.dma_semaphore, #tpu.memory_space<semaphore_mem>>) src(%dma_wait3A_345 : memref<10240x128xf32, #tpu.memory_space<hbm>>) dst(%dma_wait3A_339 : memref<64x128xf32, #tpu.memory_space<vmem>>)
      %gt3A = arith.constant 0 : i32
      %gt3A_346 = arith.cmpi sgt, %scan3A_317, %gt3A : i32
      %convert_element_type3A = arith.extui %gt3A_346 : i1 to i32
      %cond3A = arith.constant 0 : i32
      %cond3A_347 = arith.cmpi ne, %convert_element_type3A, %cond3A : i32
      scf.if %cond3A_347 {
        %dma_wait3A_454 = arith.constant 0 : i32
        %dma_wait3A_455 = arith.constant 0 : i32
        %dma_wait3A_456 = arith.constant 0 : i32
        %dma_wait3A_457 = arith.constant 0 : i32
        %dma_wait3A_458 = tpu.memref_slice %arg10[%dma_wait3A_454, %dma_wait3A_456, %dma_wait3A_457] : memref<2x64x128xf32, #tpu.memory_space<vmem>> -> memref<1x64x128xf32, #tpu.memory_space<vmem>>
        %dma_wait3A_459 = tpu.memref_squeeze %dma_wait3A_458 : memref<1x64x128xf32, #tpu.memory_space<vmem>> -> memref<64x128xf32, #tpu.memory_space<vmem>>
        %dma_wait3A_460 = arith.constant 0 : i32
        %dma_wait3A_461 = tpu.memref_slice %arg8[%dma_wait3A_455, %dma_wait3A_460] : memref<40x64xi32, #tpu.memory_space<vmem>> -> memref<1x64xi32, #tpu.memory_space<vmem>>
        %dma_wait3A_462 = tpu.memref_squeeze %dma_wait3A_461 : memref<1x64xi32, #tpu.memory_space<vmem>> -> memref<64xi32, #tpu.memory_space<vmem>>
        %dma_wait3A_463 = arith.constant 0 : i32
        %dma_wait3A_464 = arith.constant 0 : i32
        %dma_wait3A_465 = tpu.memref_slice %arg11[%dma_wait3A_463, %dma_wait3A_464] : memref<10240x128xf32, #tpu.memory_space<vmem_shared>> -> memref<10240x128xf32, #tpu.memory_space<vmem_shared>>
        tpu.wait_indirect_dma semaphore(%arg15 : memref<!tpu.dma_semaphore, #tpu.memory_space<semaphore_mem>>) src(%dma_wait3A_459 : memref<64x128xf32, #tpu.memory_space<vmem>>) dst(%dma_wait3A_465 : memref<10240x128xf32, #tpu.memory_space<vmem_shared>>)
        %dma_wait3A_466 = arith.constant 1 : i32
        %dma_wait3A_467 = arith.constant 0 : i32
        %dma_wait3A_468 = arith.constant 0 : i32
        %dma_wait3A_469 = arith.constant 0 : i32
        %dma_wait3A_470 = tpu.memref_slice %arg10[%dma_wait3A_466, %dma_wait3A_468, %dma_wait3A_469] : memref<2x64x128xf32, #tpu.memory_space<vmem>> -> memref<1x64x128xf32, #tpu.memory_space<vmem>>
        %dma_wait3A_471 = tpu.memref_squeeze %dma_wait3A_470 : memref<1x64x128xf32, #tpu.memory_space<vmem>> -> memref<64x128xf32, #tpu.memory_space<vmem>>
        %dma_wait3A_472 = arith.constant 0 : i32
        %dma_wait3A_473 = tpu.memref_slice %arg8[%dma_wait3A_467, %dma_wait3A_472] : memref<40x64xi32, #tpu.memory_space<vmem>> -> memref<1x64xi32, #tpu.memory_space<vmem>>
        %dma_wait3A_474 = tpu.memref_squeeze %dma_wait3A_473 : memref<1x64xi32, #tpu.memory_space<vmem>> -> memref<64xi32, #tpu.memory_space<vmem>>
        %dma_wait3A_475 = arith.constant 0 : i32
        %dma_wait3A_476 = arith.constant 0 : i32
        %dma_wait3A_477 = tpu.memref_slice %arg11[%dma_wait3A_475, %dma_wait3A_476] : memref<10240x128xf32, #tpu.memory_space<vmem_shared>> -> memref<10240x128xf32, #tpu.memory_space<vmem_shared>>
        tpu.wait_indirect_dma semaphore(%arg15 : memref<!tpu.dma_semaphore, #tpu.memory_space<semaphore_mem>>) src(%dma_wait3A_471 : memref<64x128xf32, #tpu.memory_space<vmem>>) dst(%dma_wait3A_477 : memref<10240x128xf32, #tpu.memory_space<vmem_shared>>)
      } else {
      }
      %add3A_348 = arith.constant 0 : i32
      %add3A_349 = arith.addi %add3A_321, %add3A_348 : i32
      %dma_start3A_350 = arith.constant 0 : i32
      %dma_start3A_351 = arith.constant 0 : i32
      %dma_start3A_352 = arith.constant 0 : i32
      %dma_start3A_353 = tpu.memref_slice %arg10[%dma_start3A_350, %dma_start3A_351, %dma_start3A_352] : memref<2x64x128xf32, #tpu.memory_space<vmem>> -> memref<1x64x128xf32, #tpu.memory_space<vmem>>
      %dma_start3A_354 = tpu.memref_squeeze %dma_start3A_353 : memref<1x64x128xf32, #tpu.memory_space<vmem>> -> memref<64x128xf32, #tpu.memory_space<vmem>>
      %dma_start3A_355 = arith.constant 0 : i32
      %dma_start3A_356 = tpu.memref_slice %arg7[%add3A_349, %dma_start3A_355] : memref<40x64xi32, #tpu.memory_space<vmem>> -> memref<1x64xi32, #tpu.memory_space<vmem>>
      %dma_start3A_357 = tpu.memref_squeeze %dma_start3A_356 : memref<1x64xi32, #tpu.memory_space<vmem>> -> memref<64xi32, #tpu.memory_space<vmem>>
      %dma_start3A_358 = arith.constant 0 : i32
      %dma_start3A_359 = arith.constant 0 : i32
      %dma_start3A_360 = tpu.memref_slice %arg2[%dma_start3A_358, %dma_start3A_359] : memref<10240x128xf32, #tpu.memory_space<hbm>> -> memref<10240x128xf32, #tpu.memory_space<hbm>>
      tpu.enqueue_indirect_dma source(%dma_start3A_360 : memref<10240x128xf32, #tpu.memory_space<hbm>>) target(%dma_start3A_354 : memref<64x128xf32, #tpu.memory_space<vmem>>) offsets(%dma_start3A_357 : memref<64xi32, #tpu.memory_space<vmem>>) semaphore(%arg13 : memref<!tpu.dma_semaphore, #tpu.memory_space<semaphore_mem>>)
      %add3A_361 = arith.constant 1 : i32
      %add3A_362 = arith.addi %add3A_321, %add3A_361 : i32
      %dma_start3A_363 = arith.constant 1 : i32
      %dma_start3A_364 = arith.constant 0 : i32
      %dma_start3A_365 = arith.constant 0 : i32
      %dma_start3A_366 = tpu.memref_slice %arg10[%dma_start3A_363, %dma_start3A_364, %dma_start3A_365] : memref<2x64x128xf32, #tpu.memory_space<vmem>> -> memref<1x64x128xf32, #tpu.memory_space<vmem>>
      %dma_start3A_367 = tpu.memref_squeeze %dma_start3A_366 : memref<1x64x128xf32, #tpu.memory_space<vmem>> -> memref<64x128xf32, #tpu.memory_space<vmem>>
      %dma_start3A_368 = arith.constant 0 : i32
      %dma_start3A_369 = tpu.memref_slice %arg7[%add3A_362, %dma_start3A_368] : memref<40x64xi32, #tpu.memory_space<vmem>> -> memref<1x64xi32, #tpu.memory_space<vmem>>
      %dma_start3A_370 = tpu.memref_squeeze %dma_start3A_369 : memref<1x64xi32, #tpu.memory_space<vmem>> -> memref<64xi32, #tpu.memory_space<vmem>>
      %dma_start3A_371 = arith.constant 0 : i32
      %dma_start3A_372 = arith.constant 0 : i32
      %dma_start3A_373 = tpu.memref_slice %arg2[%dma_start3A_371, %dma_start3A_372] : memref<10240x128xf32, #tpu.memory_space<hbm>> -> memref<10240x128xf32, #tpu.memory_space<hbm>>
      tpu.enqueue_indirect_dma source(%dma_start3A_373 : memref<10240x128xf32, #tpu.memory_space<hbm>>) target(%dma_start3A_367 : memref<64x128xf32, #tpu.memory_space<vmem>>) offsets(%dma_start3A_370 : memref<64xi32, #tpu.memory_space<vmem>>) semaphore(%arg13 : memref<!tpu.dma_semaphore, #tpu.memory_space<semaphore_mem>>)
      %add3A_374 = arith.constant 0 : i32
      %add3A_375 = arith.addi %mul3A_319, %add3A_374 : i32
      %dma_start3A_376 = arith.constant 0 : i32
      %dma_start3A_377 = arith.constant 0 : i32
      %dma_start3A_378 = arith.constant 0 : i32
      %dma_start3A_379 = tpu.memref_slice %arg9[%dma_start3A_376, %dma_start3A_377, %dma_start3A_378] : memref<2x64x128xf32, #tpu.memory_space<vmem>> -> memref<1x64x128xf32, #tpu.memory_space<vmem>>
      %dma_start3A_380 = tpu.memref_squeeze %dma_start3A_379 : memref<1x64x128xf32, #tpu.memory_space<vmem>> -> memref<64x128xf32, #tpu.memory_space<vmem>>
      %dma_start3A_381 = arith.constant 0 : i32
      %dma_start3A_382 = tpu.memref_slice %arg8[%add3A_375, %dma_start3A_381] : memref<40x64xi32, #tpu.memory_space<vmem>> -> memref<1x64xi32, #tpu.memory_space<vmem>>
      %dma_start3A_383 = tpu.memref_squeeze %dma_start3A_382 : memref<1x64xi32, #tpu.memory_space<vmem>> -> memref<64xi32, #tpu.memory_space<vmem>>
      %dma_start3A_384 = arith.constant 0 : i32
      %dma_start3A_385 = arith.constant 0 : i32
      %dma_start3A_386 = tpu.memref_slice %arg11[%dma_start3A_384, %dma_start3A_385] : memref<10240x128xf32, #tpu.memory_space<vmem_shared>> -> memref<10240x128xf32, #tpu.memory_space<vmem_shared>>
      tpu.enqueue_indirect_dma source(%dma_start3A_380 : memref<64x128xf32, #tpu.memory_space<vmem>>) target(%dma_start3A_386 : memref<10240x128xf32, #tpu.memory_space<vmem_shared>>) offsets(%dma_start3A_383 : memref<64xi32, #tpu.memory_space<vmem>>) semaphore(%arg14 : memref<!tpu.dma_semaphore, #tpu.memory_space<semaphore_mem>>) {add = true}
      %add3A_387 = arith.constant 1 : i32
      %add3A_388 = arith.addi %mul3A_319, %add3A_387 : i32
      %dma_start3A_389 = arith.constant 1 : i32
      %dma_start3A_390 = arith.constant 0 : i32
      %dma_start3A_391 = arith.constant 0 : i32
      %dma_start3A_392 = tpu.memref_slice %arg9[%dma_start3A_389, %dma_start3A_390, %dma_start3A_391] : memref<2x64x128xf32, #tpu.memory_space<vmem>> -> memref<1x64x128xf32, #tpu.memory_space<vmem>>
      %dma_start3A_393 = tpu.memref_squeeze %dma_start3A_392 : memref<1x64x128xf32, #tpu.memory_space<vmem>> -> memref<64x128xf32, #tpu.memory_space<vmem>>
      %dma_start3A_394 = arith.constant 0 : i32
      %dma_start3A_395 = tpu.memref_slice %arg8[%add3A_388, %dma_start3A_394] : memref<40x64xi32, #tpu.memory_space<vmem>> -> memref<1x64xi32, #tpu.memory_space<vmem>>
      %dma_start3A_396 = tpu.memref_squeeze %dma_start3A_395 : memref<1x64xi32, #tpu.memory_space<vmem>> -> memref<64xi32, #tpu.memory_space<vmem>>
      %dma_start3A_397 = arith.constant 0 : i32
      %dma_start3A_398 = arith.constant 0 : i32
      %dma_start3A_399 = tpu.memref_slice %arg11[%dma_start3A_397, %dma_start3A_398] : memref<10240x128xf32, #tpu.memory_space<vmem_shared>> -> memref<10240x128xf32, #tpu.memory_space<vmem_shared>>
      tpu.enqueue_indirect_dma source(%dma_start3A_393 : memref<64x128xf32, #tpu.memory_space<vmem>>) target(%dma_start3A_399 : memref<10240x128xf32, #tpu.memory_space<vmem_shared>>) offsets(%dma_start3A_396 : memref<64xi32, #tpu.memory_space<vmem>>) semaphore(%arg14 : memref<!tpu.dma_semaphore, #tpu.memory_space<semaphore_mem>>) {add = true}
      %dma_wait3A_400 = arith.constant 0 : i32
      %dma_wait3A_401 = arith.constant 0 : i32
      %dma_wait3A_402 = arith.constant 0 : i32
      %dma_wait3A_403 = arith.constant 0 : i32
      %dma_wait3A_404 = tpu.memref_slice %arg10[%dma_wait3A_401, %dma_wait3A_402, %dma_wait3A_403] : memref<2x64x128xf32, #tpu.memory_space<vmem>> -> memref<1x64x128xf32, #tpu.memory_space<vmem>>
      %dma_wait3A_405 = tpu.memref_squeeze %dma_wait3A_404 : memref<1x64x128xf32, #tpu.memory_space<vmem>> -> memref<64x128xf32, #tpu.memory_space<vmem>>
      %dma_wait3A_406 = arith.constant 0 : i32
      %dma_wait3A_407 = tpu.memref_slice %arg7[%dma_wait3A_400, %dma_wait3A_406] : memref<40x64xi32, #tpu.memory_space<vmem>> -> memref<1x64xi32, #tpu.memory_space<vmem>>
      %dma_wait3A_408 = tpu.memref_squeeze %dma_wait3A_407 : memref<1x64xi32, #tpu.memory_space<vmem>> -> memref<64xi32, #tpu.memory_space<vmem>>
      %dma_wait3A_409 = arith.constant 0 : i32
      %dma_wait3A_410 = arith.constant 0 : i32
      %dma_wait3A_411 = tpu.memref_slice %arg2[%dma_wait3A_409, %dma_wait3A_410] : memref<10240x128xf32, #tpu.memory_space<hbm>> -> memref<10240x128xf32, #tpu.memory_space<hbm>>
      tpu.wait_indirect_dma semaphore(%arg13 : memref<!tpu.dma_semaphore, #tpu.memory_space<semaphore_mem>>) src(%dma_wait3A_411 : memref<10240x128xf32, #tpu.memory_space<hbm>>) dst(%dma_wait3A_405 : memref<64x128xf32, #tpu.memory_space<vmem>>)
      %dma_wait3A_412 = arith.constant 0 : i32
      %dma_wait3A_413 = arith.constant 1 : i32
      %dma_wait3A_414 = arith.constant 0 : i32
      %dma_wait3A_415 = arith.constant 0 : i32
      %dma_wait3A_416 = tpu.memref_slice %arg10[%dma_wait3A_413, %dma_wait3A_414, %dma_wait3A_415] : memref<2x64x128xf32, #tpu.memory_space<vmem>> -> memref<1x64x128xf32, #tpu.memory_space<vmem>>
      %dma_wait3A_417 = tpu.memref_squeeze %dma_wait3A_416 : memref<1x64x128xf32, #tpu.memory_space<vmem>> -> memref<64x128xf32, #tpu.memory_space<vmem>>
      %dma_wait3A_418 = arith.constant 0 : i32
      %dma_wait3A_419 = tpu.memref_slice %arg7[%dma_wait3A_412, %dma_wait3A_418] : memref<40x64xi32, #tpu.memory_space<vmem>> -> memref<1x64xi32, #tpu.memory_space<vmem>>
      %dma_wait3A_420 = tpu.memref_squeeze %dma_wait3A_419 : memref<1x64xi32, #tpu.memory_space<vmem>> -> memref<64xi32, #tpu.memory_space<vmem>>
      %dma_wait3A_421 = arith.constant 0 : i32
      %dma_wait3A_422 = arith.constant 0 : i32
      %dma_wait3A_423 = tpu.memref_slice %arg2[%dma_wait3A_421, %dma_wait3A_422] : memref<10240x128xf32, #tpu.memory_space<hbm>> -> memref<10240x128xf32, #tpu.memory_space<hbm>>
      tpu.wait_indirect_dma semaphore(%arg13 : memref<!tpu.dma_semaphore, #tpu.memory_space<semaphore_mem>>) src(%dma_wait3A_423 : memref<10240x128xf32, #tpu.memory_space<hbm>>) dst(%dma_wait3A_417 : memref<64x128xf32, #tpu.memory_space<vmem>>)
      %lt3A = arith.constant 9 : i32
      %lt3A_424 = arith.cmpi slt, %scan3A_317, %lt3A : i32
      %convert_element_type3A_425 = arith.extui %lt3A_424 : i1 to i32
      %cond3A_426 = arith.constant 0 : i32
      %cond3A_427 = arith.cmpi ne, %convert_element_type3A_425, %cond3A_426 : i32
      scf.if %cond3A_427 {
        %dma_wait3A_454 = arith.constant 0 : i32
        %dma_wait3A_455 = arith.constant 0 : i32
        %dma_wait3A_456 = arith.constant 0 : i32
        %dma_wait3A_457 = arith.constant 0 : i32
        %dma_wait3A_458 = tpu.memref_slice %arg9[%dma_wait3A_454, %dma_wait3A_456, %dma_wait3A_457] : memref<2x64x128xf32, #tpu.memory_space<vmem>> -> memref<1x64x128xf32, #tpu.memory_space<vmem>>
        %dma_wait3A_459 = tpu.memref_squeeze %dma_wait3A_458 : memref<1x64x128xf32, #tpu.memory_space<vmem>> -> memref<64x128xf32, #tpu.memory_space<vmem>>
        %dma_wait3A_460 = arith.constant 0 : i32
        %dma_wait3A_461 = tpu.memref_slice %arg8[%dma_wait3A_455, %dma_wait3A_460] : memref<40x64xi32, #tpu.memory_space<vmem>> -> memref<1x64xi32, #tpu.memory_space<vmem>>
        %dma_wait3A_462 = tpu.memref_squeeze %dma_wait3A_461 : memref<1x64xi32, #tpu.memory_space<vmem>> -> memref<64xi32, #tpu.memory_space<vmem>>
        %dma_wait3A_463 = arith.constant 0 : i32
        %dma_wait3A_464 = arith.constant 0 : i32
        %dma_wait3A_465 = tpu.memref_slice %arg11[%dma_wait3A_463, %dma_wait3A_464] : memref<10240x128xf32, #tpu.memory_space<vmem_shared>> -> memref<10240x128xf32, #tpu.memory_space<vmem_shared>>
        tpu.wait_indirect_dma semaphore(%arg14 : memref<!tpu.dma_semaphore, #tpu.memory_space<semaphore_mem>>) src(%dma_wait3A_459 : memref<64x128xf32, #tpu.memory_space<vmem>>) dst(%dma_wait3A_465 : memref<10240x128xf32, #tpu.memory_space<vmem_shared>>)
        %dma_wait3A_466 = arith.constant 1 : i32
        %dma_wait3A_467 = arith.constant 0 : i32
        %dma_wait3A_468 = arith.constant 0 : i32
        %dma_wait3A_469 = arith.constant 0 : i32
        %dma_wait3A_470 = tpu.memref_slice %arg9[%dma_wait3A_466, %dma_wait3A_468, %dma_wait3A_469] : memref<2x64x128xf32, #tpu.memory_space<vmem>> -> memref<1x64x128xf32, #tpu.memory_space<vmem>>
        %dma_wait3A_471 = tpu.memref_squeeze %dma_wait3A_470 : memref<1x64x128xf32, #tpu.memory_space<vmem>> -> memref<64x128xf32, #tpu.memory_space<vmem>>
        %dma_wait3A_472 = arith.constant 0 : i32
        %dma_wait3A_473 = tpu.memref_slice %arg8[%dma_wait3A_467, %dma_wait3A_472] : memref<40x64xi32, #tpu.memory_space<vmem>> -> memref<1x64xi32, #tpu.memory_space<vmem>>
        %dma_wait3A_474 = tpu.memref_squeeze %dma_wait3A_473 : memref<1x64xi32, #tpu.memory_space<vmem>> -> memref<64xi32, #tpu.memory_space<vmem>>
        %dma_wait3A_475 = arith.constant 0 : i32
        %dma_wait3A_476 = arith.constant 0 : i32
        %dma_wait3A_477 = tpu.memref_slice %arg11[%dma_wait3A_475, %dma_wait3A_476] : memref<10240x128xf32, #tpu.memory_space<vmem_shared>> -> memref<10240x128xf32, #tpu.memory_space<vmem_shared>>
        tpu.wait_indirect_dma semaphore(%arg14 : memref<!tpu.dma_semaphore, #tpu.memory_space<semaphore_mem>>) src(%dma_wait3A_471 : memref<64x128xf32, #tpu.memory_space<vmem>>) dst(%dma_wait3A_477 : memref<10240x128xf32, #tpu.memory_space<vmem_shared>>)
        %add3A_478 = arith.constant 4 : i32
        %add3A_479 = arith.addi %mul3A_319, %add3A_478 : i32
        %add3A_480 = arith.constant 0 : i32
        %add3A_481 = arith.addi %add3A_479, %add3A_480 : i32
        %dma_start3A_482 = arith.constant 0 : i32
        %dma_start3A_483 = arith.constant 0 : i32
        %dma_start3A_484 = arith.constant 0 : i32
        %dma_start3A_485 = tpu.memref_slice %arg9[%dma_start3A_482, %dma_start3A_483, %dma_start3A_484] : memref<2x64x128xf32, #tpu.memory_space<vmem>> -> memref<1x64x128xf32, #tpu.memory_space<vmem>>
        %dma_start3A_486 = tpu.memref_squeeze %dma_start3A_485 : memref<1x64x128xf32, #tpu.memory_space<vmem>> -> memref<64x128xf32, #tpu.memory_space<vmem>>
        %dma_start3A_487 = arith.constant 0 : i32
        %dma_start3A_488 = tpu.memref_slice %arg7[%add3A_481, %dma_start3A_487] : memref<40x64xi32, #tpu.memory_space<vmem>> -> memref<1x64xi32, #tpu.memory_space<vmem>>
        %dma_start3A_489 = tpu.memref_squeeze %dma_start3A_488 : memref<1x64xi32, #tpu.memory_space<vmem>> -> memref<64xi32, #tpu.memory_space<vmem>>
        %dma_start3A_490 = arith.constant 0 : i32
        %dma_start3A_491 = arith.constant 0 : i32
        %dma_start3A_492 = tpu.memref_slice %arg2[%dma_start3A_490, %dma_start3A_491] : memref<10240x128xf32, #tpu.memory_space<hbm>> -> memref<10240x128xf32, #tpu.memory_space<hbm>>
        tpu.enqueue_indirect_dma source(%dma_start3A_492 : memref<10240x128xf32, #tpu.memory_space<hbm>>) target(%dma_start3A_486 : memref<64x128xf32, #tpu.memory_space<vmem>>) offsets(%dma_start3A_489 : memref<64xi32, #tpu.memory_space<vmem>>) semaphore(%arg12 : memref<!tpu.dma_semaphore, #tpu.memory_space<semaphore_mem>>)
        %add3A_493 = arith.constant 4 : i32
        %add3A_494 = arith.addi %mul3A_319, %add3A_493 : i32
        %add3A_495 = arith.constant 1 : i32
        %add3A_496 = arith.addi %add3A_494, %add3A_495 : i32
        %dma_start3A_497 = arith.constant 1 : i32
        %dma_start3A_498 = arith.constant 0 : i32
        %dma_start3A_499 = arith.constant 0 : i32
        %dma_start3A_500 = tpu.memref_slice %arg9[%dma_start3A_497, %dma_start3A_498, %dma_start3A_499] : memref<2x64x128xf32, #tpu.memory_space<vmem>> -> memref<1x64x128xf32, #tpu.memory_space<vmem>>
        %dma_start3A_501 = tpu.memref_squeeze %dma_start3A_500 : memref<1x64x128xf32, #tpu.memory_space<vmem>> -> memref<64x128xf32, #tpu.memory_space<vmem>>
        %dma_start3A_502 = arith.constant 0 : i32
        %dma_start3A_503 = tpu.memref_slice %arg7[%add3A_496, %dma_start3A_502] : memref<40x64xi32, #tpu.memory_space<vmem>> -> memref<1x64xi32, #tpu.memory_space<vmem>>
        %dma_start3A_504 = tpu.memref_squeeze %dma_start3A_503 : memref<1x64xi32, #tpu.memory_space<vmem>> -> memref<64xi32, #tpu.memory_space<vmem>>
        %dma_start3A_505 = arith.constant 0 : i32
        %dma_start3A_506 = arith.constant 0 : i32
        %dma_start3A_507 = tpu.memref_slice %arg2[%dma_start3A_505, %dma_start3A_506] : memref<10240x128xf32, #tpu.memory_space<hbm>> -> memref<10240x128xf32, #tpu.memory_space<hbm>>
        tpu.enqueue_indirect_dma source(%dma_start3A_507 : memref<10240x128xf32, #tpu.memory_space<hbm>>) target(%dma_start3A_501 : memref<64x128xf32, #tpu.memory_space<vmem>>) offsets(%dma_start3A_504 : memref<64xi32, #tpu.memory_space<vmem>>) semaphore(%arg12 : memref<!tpu.dma_semaphore, #tpu.memory_space<semaphore_mem>>)
      } else {
      }
      %add3A_428 = arith.constant 0 : i32
      %add3A_429 = arith.addi %add3A_321, %add3A_428 : i32
      %dma_start3A_430 = arith.constant 0 : i32
      %dma_start3A_431 = arith.constant 0 : i32
      %dma_start3A_432 = arith.constant 0 : i32
      %dma_start3A_433 = tpu.memref_slice %arg10[%dma_start3A_430, %dma_start3A_431, %dma_start3A_432] : memref<2x64x128xf32, #tpu.memory_space<vmem>> -> memref<1x64x128xf32, #tpu.memory_space<vmem>>
      %dma_start3A_434 = tpu.memref_squeeze %dma_start3A_433 : memref<1x64x128xf32, #tpu.memory_space<vmem>> -> memref<64x128xf32, #tpu.memory_space<vmem>>
      %dma_start3A_435 = arith.constant 0 : i32
      %dma_start3A_436 = tpu.memref_slice %arg8[%add3A_429, %dma_start3A_435] : memref<40x64xi32, #tpu.memory_space<vmem>> -> memref<1x64xi32, #tpu.memory_space<vmem>>
      %dma_start3A_437 = tpu.memref_squeeze %dma_start3A_436 : memref<1x64xi32, #tpu.memory_space<vmem>> -> memref<64xi32, #tpu.memory_space<vmem>>
      %dma_start3A_438 = arith.constant 0 : i32
      %dma_start3A_439 = arith.constant 0 : i32
      %dma_start3A_440 = tpu.memref_slice %arg11[%dma_start3A_438, %dma_start3A_439] : memref<10240x128xf32, #tpu.memory_space<vmem_shared>> -> memref<10240x128xf32, #tpu.memory_space<vmem_shared>>
      tpu.enqueue_indirect_dma source(%dma_start3A_434 : memref<64x128xf32, #tpu.memory_space<vmem>>) target(%dma_start3A_440 : memref<10240x128xf32, #tpu.memory_space<vmem_shared>>) offsets(%dma_start3A_437 : memref<64xi32, #tpu.memory_space<vmem>>) semaphore(%arg15 : memref<!tpu.dma_semaphore, #tpu.memory_space<semaphore_mem>>) {add = true}
      %add3A_441 = arith.constant 1 : i32
      %add3A_442 = arith.addi %add3A_321, %add3A_441 : i32
      %dma_start3A_443 = arith.constant 1 : i32
      %dma_start3A_444 = arith.constant 0 : i32
      %dma_start3A_445 = arith.constant 0 : i32
      %dma_start3A_446 = tpu.memref_slice %arg10[%dma_start3A_443, %dma_start3A_444, %dma_start3A_445] : memref<2x64x128xf32, #tpu.memory_space<vmem>> -> memref<1x64x128xf32, #tpu.memory_space<vmem>>
      %dma_start3A_447 = tpu.memref_squeeze %dma_start3A_446 : memref<1x64x128xf32, #tpu.memory_space<vmem>> -> memref<64x128xf32, #tpu.memory_space<vmem>>
      %dma_start3A_448 = arith.constant 0 : i32
      %dma_start3A_449 = tpu.memref_slice %arg8[%add3A_442, %dma_start3A_448] : memref<40x64xi32, #tpu.memory_space<vmem>> -> memref<1x64xi32, #tpu.memory_space<vmem>>
      %dma_start3A_450 = tpu.memref_squeeze %dma_start3A_449 : memref<1x64xi32, #tpu.memory_space<vmem>> -> memref<64xi32, #tpu.memory_space<vmem>>
      %dma_start3A_451 = arith.constant 0 : i32
      %dma_start3A_452 = arith.constant 0 : i32
      %dma_start3A_453 = tpu.memref_slice %arg11[%dma_start3A_451, %dma_start3A_452] : memref<10240x128xf32, #tpu.memory_space<vmem_shared>> -> memref<10240x128xf32, #tpu.memory_space<vmem_shared>>
      tpu.enqueue_indirect_dma source(%dma_start3A_447 : memref<64x128xf32, #tpu.memory_space<vmem>>) target(%dma_start3A_453 : memref<10240x128xf32, #tpu.memory_space<vmem_shared>>) offsets(%dma_start3A_450 : memref<64xi32, #tpu.memory_space<vmem>>) semaphore(%arg15 : memref<!tpu.dma_semaphore, #tpu.memory_space<semaphore_mem>>) {add = true}
    }
    %scan3A_30 = arith.constant 10 : i32
    %dma_wait3A = arith.constant 0 : i32
    %dma_wait3A_31 = arith.constant 0 : i32
    %dma_wait3A_32 = arith.constant 0 : i32
    %dma_wait3A_33 = arith.constant 0 : i32
    %dma_wait3A_34 = tpu.memref_slice %arg9[%dma_wait3A, %dma_wait3A_32, %dma_wait3A_33] : memref<2x64x128xf32, #tpu.memory_space<vmem>> -> memref<1x64x128xf32, #tpu.memory_space<vmem>>
    %dma_wait3A_35 = tpu.memref_squeeze %dma_wait3A_34 : memref<1x64x128xf32, #tpu.memory_space<vmem>> -> memref<64x128xf32, #tpu.memory_space<vmem>>
    %dma_wait3A_36 = arith.constant 0 : i32
    %dma_wait3A_37 = tpu.memref_slice %arg8[%dma_wait3A_31, %dma_wait3A_36] : memref<40x64xi32, #tpu.memory_space<vmem>> -> memref<1x64xi32, #tpu.memory_space<vmem>>
    %dma_wait3A_38 = tpu.memref_squeeze %dma_wait3A_37 : memref<1x64xi32, #tpu.memory_space<vmem>> -> memref<64xi32, #tpu.memory_space<vmem>>
    %dma_wait3A_39 = arith.constant 0 : i32
    %dma_wait3A_40 = arith.constant 0 : i32
    %dma_wait3A_41 = tpu.memref_slice %arg11[%dma_wait3A_39, %dma_wait3A_40] : memref<10240x128xf32, #tpu.memory_space<vmem_shared>> -> memref<10240x128xf32, #tpu.memory_space<vmem_shared>>
    tpu.wait_indirect_dma semaphore(%arg14 : memref<!tpu.dma_semaphore, #tpu.memory_space<semaphore_mem>>) src(%dma_wait3A_35 : memref<64x128xf32, #tpu.memory_space<vmem>>) dst(%dma_wait3A_41 : memref<10240x128xf32, #tpu.memory_space<vmem_shared>>)
    %dma_wait3A_42 = arith.constant 0 : i32
    %dma_wait3A_43 = arith.constant 0 : i32
    %dma_wait3A_44 = arith.constant 0 : i32
    %dma_wait3A_45 = arith.constant 0 : i32
    %dma_wait3A_46 = tpu.memref_slice %arg10[%dma_wait3A_42, %dma_wait3A_44, %dma_wait3A_45] : memref<2x64x128xf32, #tpu.memory_space<vmem>> -> memref<1x64x128xf32, #tpu.memory_space<vmem>>
    %dma_wait3A_47 = tpu.memref_squeeze %dma_wait3A_46 : memref<1x64x128xf32, #tpu.memory_space<vmem>> -> memref<64x128xf32, #tpu.memory_space<vmem>>
    %dma_wait3A_48 = arith.constant 0 : i32
    %dma_wait3A_49 = tpu.memref_slice %arg8[%dma_wait3A_43, %dma_wait3A_48] : memref<40x64xi32, #tpu.memory_space<vmem>> -> memref<1x64xi32, #tpu.memory_space<vmem>>
    %dma_wait3A_50 = tpu.memref_squeeze %dma_wait3A_49 : memref<1x64xi32, #tpu.memory_space<vmem>> -> memref<64xi32, #tpu.memory_space<vmem>>
    %dma_wait3A_51 = arith.constant 0 : i32
    %dma_wait3A_52 = arith.constant 0 : i32
    %dma_wait3A_53 = tpu.memref_slice %arg11[%dma_wait3A_51, %dma_wait3A_52] : memref<10240x128xf32, #tpu.memory_space<vmem_shared>> -> memref<10240x128xf32, #tpu.memory_space<vmem_shared>>
    tpu.wait_indirect_dma semaphore(%arg15 : memref<!tpu.dma_semaphore, #tpu.memory_space<semaphore_mem>>) src(%dma_wait3A_47 : memref<64x128xf32, #tpu.memory_space<vmem>>) dst(%dma_wait3A_53 : memref<10240x128xf32, #tpu.memory_space<vmem_shared>>)
    %dma_wait3A_54 = arith.constant 1 : i32
    %dma_wait3A_55 = arith.constant 0 : i32
    %dma_wait3A_56 = arith.constant 0 : i32
    %dma_wait3A_57 = arith.constant 0 : i32
    %dma_wait3A_58 = tpu.memref_slice %arg9[%dma_wait3A_54, %dma_wait3A_56, %dma_wait3A_57] : memref<2x64x128xf32, #tpu.memory_space<vmem>> -> memref<1x64x128xf32, #tpu.memory_space<vmem>>
    %dma_wait3A_59 = tpu.memref_squeeze %dma_wait3A_58 : memref<1x64x128xf32, #tpu.memory_space<vmem>> -> memref<64x128xf32, #tpu.memory_space<vmem>>
    %dma_wait3A_60 = arith.constant 0 : i32
    %dma_wait3A_61 = tpu.memref_slice %arg8[%dma_wait3A_55, %dma_wait3A_60] : memref<40x64xi32, #tpu.memory_space<vmem>> -> memref<1x64xi32, #tpu.memory_space<vmem>>
    %dma_wait3A_62 = tpu.memref_squeeze %dma_wait3A_61 : memref<1x64xi32, #tpu.memory_space<vmem>> -> memref<64xi32, #tpu.memory_space<vmem>>
    %dma_wait3A_63 = arith.constant 0 : i32
    %dma_wait3A_64 = arith.constant 0 : i32
    %dma_wait3A_65 = tpu.memref_slice %arg11[%dma_wait3A_63, %dma_wait3A_64] : memref<10240x128xf32, #tpu.memory_space<vmem_shared>> -> memref<10240x128xf32, #tpu.memory_space<vmem_shared>>
    tpu.wait_indirect_dma semaphore(%arg14 : memref<!tpu.dma_semaphore, #tpu.memory_space<semaphore_mem>>) src(%dma_wait3A_59 : memref<64x128xf32, #tpu.memory_space<vmem>>) dst(%dma_wait3A_65 : memref<10240x128xf32, #tpu.memory_space<vmem_shared>>)
    %dma_wait3A_66 = arith.constant 1 : i32
    %dma_wait3A_67 = arith.constant 0 : i32
    %dma_wait3A_68 = arith.constant 0 : i32
    %dma_wait3A_69 = arith.constant 0 : i32
    %dma_wait3A_70 = tpu.memref_slice %arg10[%dma_wait3A_66, %dma_wait3A_68, %dma_wait3A_69] : memref<2x64x128xf32, #tpu.memory_space<vmem>> -> memref<1x64x128xf32, #tpu.memory_space<vmem>>
    %dma_wait3A_71 = tpu.memref_squeeze %dma_wait3A_70 : memref<1x64x128xf32, #tpu.memory_space<vmem>> -> memref<64x128xf32, #tpu.memory_space<vmem>>
    %dma_wait3A_72 = arith.constant 0 : i32
    %dma_wait3A_73 = tpu.memref_slice %arg8[%dma_wait3A_67, %dma_wait3A_72] : memref<40x64xi32, #tpu.memory_space<vmem>> -> memref<1x64xi32, #tpu.memory_space<vmem>>
    %dma_wait3A_74 = tpu.memref_squeeze %dma_wait3A_73 : memref<1x64xi32, #tpu.memory_space<vmem>> -> memref<64xi32, #tpu.memory_space<vmem>>
    %dma_wait3A_75 = arith.constant 0 : i32
    %dma_wait3A_76 = arith.constant 0 : i32
    %dma_wait3A_77 = tpu.memref_slice %arg11[%dma_wait3A_75, %dma_wait3A_76] : memref<10240x128xf32, #tpu.memory_space<vmem_shared>> -> memref<10240x128xf32, #tpu.memory_space<vmem_shared>>
    tpu.wait_indirect_dma semaphore(%arg15 : memref<!tpu.dma_semaphore, #tpu.memory_space<semaphore_mem>>) src(%dma_wait3A_71 : memref<64x128xf32, #tpu.memory_space<vmem>>) dst(%dma_wait3A_77 : memref<10240x128xf32, #tpu.memory_space<vmem_shared>>)
    "tpu.region"() ({
      %run_scoped3A = tpu.sem_alloc : memref<!tpu.dma_semaphore, #tpu.memory_space<semaphore_mem>>
      %dma_start3A_317 = arith.constant 40 : i32
      %dma_start3A_318 = arith.constant 0 : i32
      %dma_start3A_319 = tpu.memref_slice %arg3[%add3A, %dma_start3A_317, %dma_start3A_318] : memref<32x160x64xi32, #tpu.memory_space<hbm>> -> memref<1x40x64xi32, #tpu.memory_space<hbm>>
      %dma_start3A_320 = tpu.memref_squeeze %dma_start3A_319 : memref<1x40x64xi32, #tpu.memory_space<hbm>> -> memref<40x64xi32, #tpu.memory_space<hbm>>
      %dma_start3A_321 = arith.constant 40 : i32
      %dma_start3A_322 = arith.constant 0 : i32
      %dma_start3A_323 = tpu.memref_slice %arg3[%add3A, %dma_start3A_321, %dma_start3A_322] : memref<32x160x64xi32, #tpu.memory_space<hbm>> -> memref<1x40x64xi32, #tpu.memory_space<hbm>>
      %dma_start3A_324 = tpu.memref_squeeze %dma_start3A_323 : memref<1x40x64xi32, #tpu.memory_space<hbm>> -> memref<40x64xi32, #tpu.memory_space<hbm>>
      tpu.enqueue_dma source(%dma_start3A_324 : memref<40x64xi32, #tpu.memory_space<hbm>>) target(%arg7 : memref<40x64xi32, #tpu.memory_space<vmem>>) target_semaphore(%run_scoped3A : memref<!tpu.dma_semaphore, #tpu.memory_space<semaphore_mem>>)
      %dma_wait3A_325 = arith.constant 40 : i32
      %dma_wait3A_326 = arith.constant 0 : i32
      %dma_wait3A_327 = tpu.memref_slice %arg3[%add3A, %dma_wait3A_325, %dma_wait3A_326] : memref<32x160x64xi32, #tpu.memory_space<hbm>> -> memref<1x40x64xi32, #tpu.memory_space<hbm>>
      %dma_wait3A_328 = tpu.memref_squeeze %dma_wait3A_327 : memref<1x40x64xi32, #tpu.memory_space<hbm>> -> memref<40x64xi32, #tpu.memory_space<hbm>>
      %dma_wait3A_329 = arith.constant 40 : i32
      %dma_wait3A_330 = arith.constant 0 : i32
      %dma_wait3A_331 = tpu.memref_slice %arg3[%add3A, %dma_wait3A_329, %dma_wait3A_330] : memref<32x160x64xi32, #tpu.memory_space<hbm>> -> memref<1x40x64xi32, #tpu.memory_space<hbm>>
      %dma_wait3A_332 = tpu.memref_squeeze %dma_wait3A_331 : memref<1x40x64xi32, #tpu.memory_space<hbm>> -> memref<40x64xi32, #tpu.memory_space<hbm>>
      tpu.wait_dma2 semaphore(%run_scoped3A : memref<!tpu.dma_semaphore, #tpu.memory_space<semaphore_mem>>) src(%dma_wait3A_332 : memref<40x64xi32, #tpu.memory_space<hbm>>) dst(%arg7 : memref<40x64xi32, #tpu.memory_space<vmem>>)
      tpu.yield
    }) : () -> ()
    "tpu.region"() ({
      %run_scoped3A = tpu.sem_alloc : memref<!tpu.dma_semaphore, #tpu.memory_space<semaphore_mem>>
      %dma_start3A_317 = arith.constant 40 : i32
      %dma_start3A_318 = arith.constant 0 : i32
      %dma_start3A_319 = tpu.memref_slice %arg4[%add3A, %dma_start3A_317, %dma_start3A_318] : memref<32x160x64xi32, #tpu.memory_space<hbm>> -> memref<1x40x64xi32, #tpu.memory_space<hbm>>
      %dma_start3A_320 = tpu.memref_squeeze %dma_start3A_319 : memref<1x40x64xi32, #tpu.memory_space<hbm>> -> memref<40x64xi32, #tpu.memory_space<hbm>>
      %dma_start3A_321 = arith.constant 40 : i32
      %dma_start3A_322 = arith.constant 0 : i32
      %dma_start3A_323 = tpu.memref_slice %arg4[%add3A, %dma_start3A_321, %dma_start3A_322] : memref<32x160x64xi32, #tpu.memory_space<hbm>> -> memref<1x40x64xi32, #tpu.memory_space<hbm>>
      %dma_start3A_324 = tpu.memref_squeeze %dma_start3A_323 : memref<1x40x64xi32, #tpu.memory_space<hbm>> -> memref<40x64xi32, #tpu.memory_space<hbm>>
      tpu.enqueue_dma source(%dma_start3A_324 : memref<40x64xi32, #tpu.memory_space<hbm>>) target(%arg8 : memref<40x64xi32, #tpu.memory_space<vmem>>) target_semaphore(%run_scoped3A : memref<!tpu.dma_semaphore, #tpu.memory_space<semaphore_mem>>)
      %dma_wait3A_325 = arith.constant 40 : i32
      %dma_wait3A_326 = arith.constant 0 : i32
      %dma_wait3A_327 = tpu.memref_slice %arg4[%add3A, %dma_wait3A_325, %dma_wait3A_326] : memref<32x160x64xi32, #tpu.memory_space<hbm>> -> memref<1x40x64xi32, #tpu.memory_space<hbm>>
      %dma_wait3A_328 = tpu.memref_squeeze %dma_wait3A_327 : memref<1x40x64xi32, #tpu.memory_space<hbm>> -> memref<40x64xi32, #tpu.memory_space<hbm>>
      %dma_wait3A_329 = arith.constant 40 : i32
      %dma_wait3A_330 = arith.constant 0 : i32
      %dma_wait3A_331 = tpu.memref_slice %arg4[%add3A, %dma_wait3A_329, %dma_wait3A_330] : memref<32x160x64xi32, #tpu.memory_space<hbm>> -> memref<1x40x64xi32, #tpu.memory_space<hbm>>
      %dma_wait3A_332 = tpu.memref_squeeze %dma_wait3A_331 : memref<1x40x64xi32, #tpu.memory_space<hbm>> -> memref<40x64xi32, #tpu.memory_space<hbm>>
      tpu.wait_dma2 semaphore(%run_scoped3A : memref<!tpu.dma_semaphore, #tpu.memory_space<semaphore_mem>>) src(%dma_wait3A_332 : memref<40x64xi32, #tpu.memory_space<hbm>>) dst(%arg8 : memref<40x64xi32, #tpu.memory_space<vmem>>)
      tpu.yield
    }) : () -> ()
    %dma_start3A_78 = arith.constant 0 : i32
    %dma_start3A_79 = arith.constant 0 : i32
    %dma_start3A_80 = arith.constant 0 : i32
    %dma_start3A_81 = arith.constant 0 : i32
    %dma_start3A_82 = tpu.memref_slice %arg9[%dma_start3A_79, %dma_start3A_80, %dma_start3A_81] : memref<2x64x128xf32, #tpu.memory_space<vmem>> -> memref<1x64x128xf32, #tpu.memory_space<vmem>>
    %dma_start3A_83 = tpu.memref_squeeze %dma_start3A_82 : memref<1x64x128xf32, #tpu.memory_space<vmem>> -> memref<64x128xf32, #tpu.memory_space<vmem>>
    %dma_start3A_84 = arith.constant 0 : i32
    %dma_start3A_85 = tpu.memref_slice %arg7[%dma_start3A_78, %dma_start3A_84] : memref<40x64xi32, #tpu.memory_space<vmem>> -> memref<1x64xi32, #tpu.memory_space<vmem>>
    %dma_start3A_86 = tpu.memref_squeeze %dma_start3A_85 : memref<1x64xi32, #tpu.memory_space<vmem>> -> memref<64xi32, #tpu.memory_space<vmem>>
    %dma_start3A_87 = arith.constant 0 : i32
    %dma_start3A_88 = arith.constant 0 : i32
    %dma_start3A_89 = tpu.memref_slice %arg2[%dma_start3A_87, %dma_start3A_88] : memref<10240x128xf32, #tpu.memory_space<hbm>> -> memref<10240x128xf32, #tpu.memory_space<hbm>>
    tpu.enqueue_indirect_dma source(%dma_start3A_89 : memref<10240x128xf32, #tpu.memory_space<hbm>>) target(%dma_start3A_83 : memref<64x128xf32, #tpu.memory_space<vmem>>) offsets(%dma_start3A_86 : memref<64xi32, #tpu.memory_space<vmem>>) semaphore(%arg12 : memref<!tpu.dma_semaphore, #tpu.memory_space<semaphore_mem>>)
    %dma_start3A_90 = arith.constant 1 : i32
    %dma_start3A_91 = arith.constant 1 : i32
    %dma_start3A_92 = arith.constant 0 : i32
    %dma_start3A_93 = arith.constant 0 : i32
    %dma_start3A_94 = tpu.memref_slice %arg9[%dma_start3A_91, %dma_start3A_92, %dma_start3A_93] : memref<2x64x128xf32, #tpu.memory_space<vmem>> -> memref<1x64x128xf32, #tpu.memory_space<vmem>>
    %dma_start3A_95 = tpu.memref_squeeze %dma_start3A_94 : memref<1x64x128xf32, #tpu.memory_space<vmem>> -> memref<64x128xf32, #tpu.memory_space<vmem>>
    %dma_start3A_96 = arith.constant 0 : i32
    %dma_start3A_97 = tpu.memref_slice %arg7[%dma_start3A_90, %dma_start3A_96] : memref<40x64xi32, #tpu.memory_space<vmem>> -> memref<1x64xi32, #tpu.memory_space<vmem>>
    %dma_start3A_98 = tpu.memref_squeeze %dma_start3A_97 : memref<1x64xi32, #tpu.memory_space<vmem>> -> memref<64xi32, #tpu.memory_space<vmem>>
    %dma_start3A_99 = arith.constant 0 : i32
    %dma_start3A_100 = arith.constant 0 : i32
    %dma_start3A_101 = tpu.memref_slice %arg2[%dma_start3A_99, %dma_start3A_100] : memref<10240x128xf32, #tpu.memory_space<hbm>> -> memref<10240x128xf32, #tpu.memory_space<hbm>>
    tpu.enqueue_indirect_dma source(%dma_start3A_101 : memref<10240x128xf32, #tpu.memory_space<hbm>>) target(%dma_start3A_95 : memref<64x128xf32, #tpu.memory_space<vmem>>) offsets(%dma_start3A_98 : memref<64xi32, #tpu.memory_space<vmem>>) semaphore(%arg12 : memref<!tpu.dma_semaphore, #tpu.memory_space<semaphore_mem>>)
    %scan3A_102 = arith.constant 0 : i32
    %scan3A_103 = arith.constant 0 : i32
    %scan3A_104 = arith.constant 10 : i32
    %scan3A_105 = arith.addi %scan3A_103, %scan3A_104 : i32
    %scan3A_106 = arith.constant 1 : i32
    scf.for %scan3A_317 = %scan3A_103 to %scan3A_105 step %scan3A_106  : i32 {
      %mul3A_318 = arith.constant 4 : i32
      %mul3A_319 = arith.muli %mul3A_318, %scan3A_317 : i32
      %add3A_320 = arith.constant 2 : i32
      %add3A_321 = arith.addi %mul3A_319, %add3A_320 : i32
      %dma_wait3A_322 = arith.constant 0 : i32
      %dma_wait3A_323 = arith.constant 0 : i32
      %dma_wait3A_324 = arith.constant 0 : i32
      %dma_wait3A_325 = arith.constant 0 : i32
      %dma_wait3A_326 = tpu.memref_slice %arg9[%dma_wait3A_323, %dma_wait3A_324, %dma_wait3A_325] : memref<2x64x128xf32, #tpu.memory_space<vmem>> -> memref<1x64x128xf32, #tpu.memory_space<vmem>>
      %dma_wait3A_327 = tpu.memref_squeeze %dma_wait3A_326 : memref<1x64x128xf32, #tpu.memory_space<vmem>> -> memref<64x128xf32, #tpu.memory_space<vmem>>
      %dma_wait3A_328 = arith.constant 0 : i32
      %dma_wait3A_329 = tpu.memref_slice %arg7[%dma_wait3A_322, %dma_wait3A_328] : memref<40x64xi32, #tpu.memory_space<vmem>> -> memref<1x64xi32, #tpu.memory_space<vmem>>
      %dma_wait3A_330 = tpu.memref_squeeze %dma_wait3A_329 : memref<1x64xi32, #tpu.memory_space<vmem>> -> memref<64xi32, #tpu.memory_space<vmem>>
      %dma_wait3A_331 = arith.constant 0 : i32
      %dma_wait3A_332 = arith.constant 0 : i32
      %dma_wait3A_333 = tpu.memref_slice %arg2[%dma_wait3A_331, %dma_wait3A_332] : memref<10240x128xf32, #tpu.memory_space<hbm>> -> memref<10240x128xf32, #tpu.memory_space<hbm>>
      tpu.wait_indirect_dma semaphore(%arg12 : memref<!tpu.dma_semaphore, #tpu.memory_space<semaphore_mem>>) src(%dma_wait3A_333 : memref<10240x128xf32, #tpu.memory_space<hbm>>) dst(%dma_wait3A_327 : memref<64x128xf32, #tpu.memory_space<vmem>>)
      %dma_wait3A_334 = arith.constant 0 : i32
      %dma_wait3A_335 = arith.constant 1 : i32
      %dma_wait3A_336 = arith.constant 0 : i32
      %dma_wait3A_337 = arith.constant 0 : i32
      %dma_wait3A_338 = tpu.memref_slice %arg9[%dma_wait3A_335, %dma_wait3A_336, %dma_wait3A_337] : memref<2x64x128xf32, #tpu.memory_space<vmem>> -> memref<1x64x128xf32, #tpu.memory_space<vmem>>
      %dma_wait3A_339 = tpu.memref_squeeze %dma_wait3A_338 : memref<1x64x128xf32, #tpu.memory_space<vmem>> -> memref<64x128xf32, #tpu.memory_space<vmem>>
      %dma_wait3A_340 = arith.constant 0 : i32
      %dma_wait3A_341 = tpu.memref_slice %arg7[%dma_wait3A_334, %dma_wait3A_340] : memref<40x64xi32, #tpu.memory_space<vmem>> -> memref<1x64xi32, #tpu.memory_space<vmem>>
      %dma_wait3A_342 = tpu.memref_squeeze %dma_wait3A_341 : memref<1x64xi32, #tpu.memory_space<vmem>> -> memref<64xi32, #tpu.memory_space<vmem>>
      %dma_wait3A_343 = arith.constant 0 : i32
      %dma_wait3A_344 = arith.constant 0 : i32
      %dma_wait3A_345 = tpu.memref_slice %arg2[%dma_wait3A_343, %dma_wait3A_344] : memref<10240x128xf32, #tpu.memory_space<hbm>> -> memref<10240x128xf32, #tpu.memory_space<hbm>>
      tpu.wait_indirect_dma semaphore(%arg12 : memref<!tpu.dma_semaphore, #tpu.memory_space<semaphore_mem>>) src(%dma_wait3A_345 : memref<10240x128xf32, #tpu.memory_space<hbm>>) dst(%dma_wait3A_339 : memref<64x128xf32, #tpu.memory_space<vmem>>)
      %gt3A = arith.constant 0 : i32
      %gt3A_346 = arith.cmpi sgt, %scan3A_317, %gt3A : i32
      %convert_element_type3A = arith.extui %gt3A_346 : i1 to i32
      %cond3A = arith.constant 0 : i32
      %cond3A_347 = arith.cmpi ne, %convert_element_type3A, %cond3A : i32
      scf.if %cond3A_347 {
        %dma_wait3A_454 = arith.constant 0 : i32
        %dma_wait3A_455 = arith.constant 0 : i32
        %dma_wait3A_456 = arith.constant 0 : i32
        %dma_wait3A_457 = arith.constant 0 : i32
        %dma_wait3A_458 = tpu.memref_slice %arg10[%dma_wait3A_454, %dma_wait3A_456, %dma_wait3A_457] : memref<2x64x128xf32, #tpu.memory_space<vmem>> -> memref<1x64x128xf32, #tpu.memory_space<vmem>>
        %dma_wait3A_459 = tpu.memref_squeeze %dma_wait3A_458 : memref<1x64x128xf32, #tpu.memory_space<vmem>> -> memref<64x128xf32, #tpu.memory_space<vmem>>
        %dma_wait3A_460 = arith.constant 0 : i32
        %dma_wait3A_461 = tpu.memref_slice %arg8[%dma_wait3A_455, %dma_wait3A_460] : memref<40x64xi32, #tpu.memory_space<vmem>> -> memref<1x64xi32, #tpu.memory_space<vmem>>
        %dma_wait3A_462 = tpu.memref_squeeze %dma_wait3A_461 : memref<1x64xi32, #tpu.memory_space<vmem>> -> memref<64xi32, #tpu.memory_space<vmem>>
        %dma_wait3A_463 = arith.constant 0 : i32
        %dma_wait3A_464 = arith.constant 0 : i32
        %dma_wait3A_465 = tpu.memref_slice %arg11[%dma_wait3A_463, %dma_wait3A_464] : memref<10240x128xf32, #tpu.memory_space<vmem_shared>> -> memref<10240x128xf32, #tpu.memory_space<vmem_shared>>
        tpu.wait_indirect_dma semaphore(%arg15 : memref<!tpu.dma_semaphore, #tpu.memory_space<semaphore_mem>>) src(%dma_wait3A_459 : memref<64x128xf32, #tpu.memory_space<vmem>>) dst(%dma_wait3A_465 : memref<10240x128xf32, #tpu.memory_space<vmem_shared>>)
        %dma_wait3A_466 = arith.constant 1 : i32
        %dma_wait3A_467 = arith.constant 0 : i32
        %dma_wait3A_468 = arith.constant 0 : i32
        %dma_wait3A_469 = arith.constant 0 : i32
        %dma_wait3A_470 = tpu.memref_slice %arg10[%dma_wait3A_466, %dma_wait3A_468, %dma_wait3A_469] : memref<2x64x128xf32, #tpu.memory_space<vmem>> -> memref<1x64x128xf32, #tpu.memory_space<vmem>>
        %dma_wait3A_471 = tpu.memref_squeeze %dma_wait3A_470 : memref<1x64x128xf32, #tpu.memory_space<vmem>> -> memref<64x128xf32, #tpu.memory_space<vmem>>
        %dma_wait3A_472 = arith.constant 0 : i32
        %dma_wait3A_473 = tpu.memref_slice %arg8[%dma_wait3A_467, %dma_wait3A_472] : memref<40x64xi32, #tpu.memory_space<vmem>> -> memref<1x64xi32, #tpu.memory_space<vmem>>
        %dma_wait3A_474 = tpu.memref_squeeze %dma_wait3A_473 : memref<1x64xi32, #tpu.memory_space<vmem>> -> memref<64xi32, #tpu.memory_space<vmem>>
        %dma_wait3A_475 = arith.constant 0 : i32
        %dma_wait3A_476 = arith.constant 0 : i32
        %dma_wait3A_477 = tpu.memref_slice %arg11[%dma_wait3A_475, %dma_wait3A_476] : memref<10240x128xf32, #tpu.memory_space<vmem_shared>> -> memref<10240x128xf32, #tpu.memory_space<vmem_shared>>
        tpu.wait_indirect_dma semaphore(%arg15 : memref<!tpu.dma_semaphore, #tpu.memory_space<semaphore_mem>>) src(%dma_wait3A_471 : memref<64x128xf32, #tpu.memory_space<vmem>>) dst(%dma_wait3A_477 : memref<10240x128xf32, #tpu.memory_space<vmem_shared>>)
      } else {
      }
      %add3A_348 = arith.constant 0 : i32
      %add3A_349 = arith.addi %add3A_321, %add3A_348 : i32
      %dma_start3A_350 = arith.constant 0 : i32
      %dma_start3A_351 = arith.constant 0 : i32
      %dma_start3A_352 = arith.constant 0 : i32
      %dma_start3A_353 = tpu.memref_slice %arg10[%dma_start3A_350, %dma_start3A_351, %dma_start3A_352] : memref<2x64x128xf32, #tpu.memory_space<vmem>> -> memref<1x64x128xf32, #tpu.memory_space<vmem>>
      %dma_start3A_354 = tpu.memref_squeeze %dma_start3A_353 : memref<1x64x128xf32, #tpu.memory_space<vmem>> -> memref<64x128xf32, #tpu.memory_space<vmem>>
      %dma_start3A_355 = arith.constant 0 : i32
      %dma_start3A_356 = tpu.memref_slice %arg7[%add3A_349, %dma_start3A_355] : memref<40x64xi32, #tpu.memory_space<vmem>> -> memref<1x64xi32, #tpu.memory_space<vmem>>
      %dma_start3A_357 = tpu.memref_squeeze %dma_start3A_356 : memref<1x64xi32, #tpu.memory_space<vmem>> -> memref<64xi32, #tpu.memory_space<vmem>>
      %dma_start3A_358 = arith.constant 0 : i32
      %dma_start3A_359 = arith.constant 0 : i32
      %dma_start3A_360 = tpu.memref_slice %arg2[%dma_start3A_358, %dma_start3A_359] : memref<10240x128xf32, #tpu.memory_space<hbm>> -> memref<10240x128xf32, #tpu.memory_space<hbm>>
      tpu.enqueue_indirect_dma source(%dma_start3A_360 : memref<10240x128xf32, #tpu.memory_space<hbm>>) target(%dma_start3A_354 : memref<64x128xf32, #tpu.memory_space<vmem>>) offsets(%dma_start3A_357 : memref<64xi32, #tpu.memory_space<vmem>>) semaphore(%arg13 : memref<!tpu.dma_semaphore, #tpu.memory_space<semaphore_mem>>)
      %add3A_361 = arith.constant 1 : i32
      %add3A_362 = arith.addi %add3A_321, %add3A_361 : i32
      %dma_start3A_363 = arith.constant 1 : i32
      %dma_start3A_364 = arith.constant 0 : i32
      %dma_start3A_365 = arith.constant 0 : i32
      %dma_start3A_366 = tpu.memref_slice %arg10[%dma_start3A_363, %dma_start3A_364, %dma_start3A_365] : memref<2x64x128xf32, #tpu.memory_space<vmem>> -> memref<1x64x128xf32, #tpu.memory_space<vmem>>
      %dma_start3A_367 = tpu.memref_squeeze %dma_start3A_366 : memref<1x64x128xf32, #tpu.memory_space<vmem>> -> memref<64x128xf32, #tpu.memory_space<vmem>>
      %dma_start3A_368 = arith.constant 0 : i32
      %dma_start3A_369 = tpu.memref_slice %arg7[%add3A_362, %dma_start3A_368] : memref<40x64xi32, #tpu.memory_space<vmem>> -> memref<1x64xi32, #tpu.memory_space<vmem>>
      %dma_start3A_370 = tpu.memref_squeeze %dma_start3A_369 : memref<1x64xi32, #tpu.memory_space<vmem>> -> memref<64xi32, #tpu.memory_space<vmem>>
      %dma_start3A_371 = arith.constant 0 : i32
      %dma_start3A_372 = arith.constant 0 : i32
      %dma_start3A_373 = tpu.memref_slice %arg2[%dma_start3A_371, %dma_start3A_372] : memref<10240x128xf32, #tpu.memory_space<hbm>> -> memref<10240x128xf32, #tpu.memory_space<hbm>>
      tpu.enqueue_indirect_dma source(%dma_start3A_373 : memref<10240x128xf32, #tpu.memory_space<hbm>>) target(%dma_start3A_367 : memref<64x128xf32, #tpu.memory_space<vmem>>) offsets(%dma_start3A_370 : memref<64xi32, #tpu.memory_space<vmem>>) semaphore(%arg13 : memref<!tpu.dma_semaphore, #tpu.memory_space<semaphore_mem>>)
      %add3A_374 = arith.constant 0 : i32
      %add3A_375 = arith.addi %mul3A_319, %add3A_374 : i32
      %dma_start3A_376 = arith.constant 0 : i32
      %dma_start3A_377 = arith.constant 0 : i32
      %dma_start3A_378 = arith.constant 0 : i32
      %dma_start3A_379 = tpu.memref_slice %arg9[%dma_start3A_376, %dma_start3A_377, %dma_start3A_378] : memref<2x64x128xf32, #tpu.memory_space<vmem>> -> memref<1x64x128xf32, #tpu.memory_space<vmem>>
      %dma_start3A_380 = tpu.memref_squeeze %dma_start3A_379 : memref<1x64x128xf32, #tpu.memory_space<vmem>> -> memref<64x128xf32, #tpu.memory_space<vmem>>
      %dma_start3A_381 = arith.constant 0 : i32
      %dma_start3A_382 = tpu.memref_slice %arg8[%add3A_375, %dma_start3A_381] : memref<40x64xi32, #tpu.memory_space<vmem>> -> memref<1x64xi32, #tpu.memory_space<vmem>>
      %dma_start3A_383 = tpu.memref_squeeze %dma_start3A_382 : memref<1x64xi32, #tpu.memory_space<vmem>> -> memref<64xi32, #tpu.memory_space<vmem>>
      %dma_start3A_384 = arith.constant 0 : i32
      %dma_start3A_385 = arith.constant 0 : i32
      %dma_start3A_386 = tpu.memref_slice %arg11[%dma_start3A_384, %dma_start3A_385] : memref<10240x128xf32, #tpu.memory_space<vmem_shared>> -> memref<10240x128xf32, #tpu.memory_space<vmem_shared>>
      tpu.enqueue_indirect_dma source(%dma_start3A_380 : memref<64x128xf32, #tpu.memory_space<vmem>>) target(%dma_start3A_386 : memref<10240x128xf32, #tpu.memory_space<vmem_shared>>) offsets(%dma_start3A_383 : memref<64xi32, #tpu.memory_space<vmem>>) semaphore(%arg14 : memref<!tpu.dma_semaphore, #tpu.memory_space<semaphore_mem>>) {add = true}
      %add3A_387 = arith.constant 1 : i32
      %add3A_388 = arith.addi %mul3A_319, %add3A_387 : i32
      %dma_start3A_389 = arith.constant 1 : i32
      %dma_start3A_390 = arith.constant 0 : i32
      %dma_start3A_391 = arith.constant 0 : i32
      %dma_start3A_392 = tpu.memref_slice %arg9[%dma_start3A_389, %dma_start3A_390, %dma_start3A_391] : memref<2x64x128xf32, #tpu.memory_space<vmem>> -> memref<1x64x128xf32, #tpu.memory_space<vmem>>
      %dma_start3A_393 = tpu.memref_squeeze %dma_start3A_392 : memref<1x64x128xf32, #tpu.memory_space<vmem>> -> memref<64x128xf32, #tpu.memory_space<vmem>>
      %dma_start3A_394 = arith.constant 0 : i32
      %dma_start3A_395 = tpu.memref_slice %arg8[%add3A_388, %dma_start3A_394] : memref<40x64xi32, #tpu.memory_space<vmem>> -> memref<1x64xi32, #tpu.memory_space<vmem>>
      %dma_start3A_396 = tpu.memref_squeeze %dma_start3A_395 : memref<1x64xi32, #tpu.memory_space<vmem>> -> memref<64xi32, #tpu.memory_space<vmem>>
      %dma_start3A_397 = arith.constant 0 : i32
      %dma_start3A_398 = arith.constant 0 : i32
      %dma_start3A_399 = tpu.memref_slice %arg11[%dma_start3A_397, %dma_start3A_398] : memref<10240x128xf32, #tpu.memory_space<vmem_shared>> -> memref<10240x128xf32, #tpu.memory_space<vmem_shared>>
      tpu.enqueue_indirect_dma source(%dma_start3A_393 : memref<64x128xf32, #tpu.memory_space<vmem>>) target(%dma_start3A_399 : memref<10240x128xf32, #tpu.memory_space<vmem_shared>>) offsets(%dma_start3A_396 : memref<64xi32, #tpu.memory_space<vmem>>) semaphore(%arg14 : memref<!tpu.dma_semaphore, #tpu.memory_space<semaphore_mem>>) {add = true}
      %dma_wait3A_400 = arith.constant 0 : i32
      %dma_wait3A_401 = arith.constant 0 : i32
      %dma_wait3A_402 = arith.constant 0 : i32
      %dma_wait3A_403 = arith.constant 0 : i32
      %dma_wait3A_404 = tpu.memref_slice %arg10[%dma_wait3A_401, %dma_wait3A_402, %dma_wait3A_403] : memref<2x64x128xf32, #tpu.memory_space<vmem>> -> memref<1x64x128xf32, #tpu.memory_space<vmem>>
      %dma_wait3A_405 = tpu.memref_squeeze %dma_wait3A_404 : memref<1x64x128xf32, #tpu.memory_space<vmem>> -> memref<64x128xf32, #tpu.memory_space<vmem>>
      %dma_wait3A_406 = arith.constant 0 : i32
      %dma_wait3A_407 = tpu.memref_slice %arg7[%dma_wait3A_400, %dma_wait3A_406] : memref<40x64xi32, #tpu.memory_space<vmem>> -> memref<1x64xi32, #tpu.memory_space<vmem>>
      %dma_wait3A_408 = tpu.memref_squeeze %dma_wait3A_407 : memref<1x64xi32, #tpu.memory_space<vmem>> -> memref<64xi32, #tpu.memory_space<vmem>>
      %dma_wait3A_409 = arith.constant 0 : i32
      %dma_wait3A_410 = arith.constant 0 : i32
      %dma_wait3A_411 = tpu.memref_slice %arg2[%dma_wait3A_409, %dma_wait3A_410] : memref<10240x128xf32, #tpu.memory_space<hbm>> -> memref<10240x128xf32, #tpu.memory_space<hbm>>
      tpu.wait_indirect_dma semaphore(%arg13 : memref<!tpu.dma_semaphore, #tpu.memory_space<semaphore_mem>>) src(%dma_wait3A_411 : memref<10240x128xf32, #tpu.memory_space<hbm>>) dst(%dma_wait3A_405 : memref<64x128xf32, #tpu.memory_space<vmem>>)
      %dma_wait3A_412 = arith.constant 0 : i32
      %dma_wait3A_413 = arith.constant 1 : i32
      %dma_wait3A_414 = arith.constant 0 : i32
      %dma_wait3A_415 = arith.constant 0 : i32
      %dma_wait3A_416 = tpu.memref_slice %arg10[%dma_wait3A_413, %dma_wait3A_414, %dma_wait3A_415] : memref<2x64x128xf32, #tpu.memory_space<vmem>> -> memref<1x64x128xf32, #tpu.memory_space<vmem>>
      %dma_wait3A_417 = tpu.memref_squeeze %dma_wait3A_416 : memref<1x64x128xf32, #tpu.memory_space<vmem>> -> memref<64x128xf32, #tpu.memory_space<vmem>>
      %dma_wait3A_418 = arith.constant 0 : i32
      %dma_wait3A_419 = tpu.memref_slice %arg7[%dma_wait3A_412, %dma_wait3A_418] : memref<40x64xi32, #tpu.memory_space<vmem>> -> memref<1x64xi32, #tpu.memory_space<vmem>>
      %dma_wait3A_420 = tpu.memref_squeeze %dma_wait3A_419 : memref<1x64xi32, #tpu.memory_space<vmem>> -> memref<64xi32, #tpu.memory_space<vmem>>
      %dma_wait3A_421 = arith.constant 0 : i32
      %dma_wait3A_422 = arith.constant 0 : i32
      %dma_wait3A_423 = tpu.memref_slice %arg2[%dma_wait3A_421, %dma_wait3A_422] : memref<10240x128xf32, #tpu.memory_space<hbm>> -> memref<10240x128xf32, #tpu.memory_space<hbm>>
      tpu.wait_indirect_dma semaphore(%arg13 : memref<!tpu.dma_semaphore, #tpu.memory_space<semaphore_mem>>) src(%dma_wait3A_423 : memref<10240x128xf32, #tpu.memory_space<hbm>>) dst(%dma_wait3A_417 : memref<64x128xf32, #tpu.memory_space<vmem>>)
      %lt3A = arith.constant 9 : i32
      %lt3A_424 = arith.cmpi slt, %scan3A_317, %lt3A : i32
      %convert_element_type3A_425 = arith.extui %lt3A_424 : i1 to i32
      %cond3A_426 = arith.constant 0 : i32
      %cond3A_427 = arith.cmpi ne, %convert_element_type3A_425, %cond3A_426 : i32
      scf.if %cond3A_427 {
        %dma_wait3A_454 = arith.constant 0 : i32
        %dma_wait3A_455 = arith.constant 0 : i32
        %dma_wait3A_456 = arith.constant 0 : i32
        %dma_wait3A_457 = arith.constant 0 : i32
        %dma_wait3A_458 = tpu.memref_slice %arg9[%dma_wait3A_454, %dma_wait3A_456, %dma_wait3A_457] : memref<2x64x128xf32, #tpu.memory_space<vmem>> -> memref<1x64x128xf32, #tpu.memory_space<vmem>>
        %dma_wait3A_459 = tpu.memref_squeeze %dma_wait3A_458 : memref<1x64x128xf32, #tpu.memory_space<vmem>> -> memref<64x128xf32, #tpu.memory_space<vmem>>
        %dma_wait3A_460 = arith.constant 0 : i32
        %dma_wait3A_461 = tpu.memref_slice %arg8[%dma_wait3A_455, %dma_wait3A_460] : memref<40x64xi32, #tpu.memory_space<vmem>> -> memref<1x64xi32, #tpu.memory_space<vmem>>
        %dma_wait3A_462 = tpu.memref_squeeze %dma_wait3A_461 : memref<1x64xi32, #tpu.memory_space<vmem>> -> memref<64xi32, #tpu.memory_space<vmem>>
        %dma_wait3A_463 = arith.constant 0 : i32
        %dma_wait3A_464 = arith.constant 0 : i32
        %dma_wait3A_465 = tpu.memref_slice %arg11[%dma_wait3A_463, %dma_wait3A_464] : memref<10240x128xf32, #tpu.memory_space<vmem_shared>> -> memref<10240x128xf32, #tpu.memory_space<vmem_shared>>
        tpu.wait_indirect_dma semaphore(%arg14 : memref<!tpu.dma_semaphore, #tpu.memory_space<semaphore_mem>>) src(%dma_wait3A_459 : memref<64x128xf32, #tpu.memory_space<vmem>>) dst(%dma_wait3A_465 : memref<10240x128xf32, #tpu.memory_space<vmem_shared>>)
        %dma_wait3A_466 = arith.constant 1 : i32
        %dma_wait3A_467 = arith.constant 0 : i32
        %dma_wait3A_468 = arith.constant 0 : i32
        %dma_wait3A_469 = arith.constant 0 : i32
        %dma_wait3A_470 = tpu.memref_slice %arg9[%dma_wait3A_466, %dma_wait3A_468, %dma_wait3A_469] : memref<2x64x128xf32, #tpu.memory_space<vmem>> -> memref<1x64x128xf32, #tpu.memory_space<vmem>>
        %dma_wait3A_471 = tpu.memref_squeeze %dma_wait3A_470 : memref<1x64x128xf32, #tpu.memory_space<vmem>> -> memref<64x128xf32, #tpu.memory_space<vmem>>
        %dma_wait3A_472 = arith.constant 0 : i32
        %dma_wait3A_473 = tpu.memref_slice %arg8[%dma_wait3A_467, %dma_wait3A_472] : memref<40x64xi32, #tpu.memory_space<vmem>> -> memref<1x64xi32, #tpu.memory_space<vmem>>
        %dma_wait3A_474 = tpu.memref_squeeze %dma_wait3A_473 : memref<1x64xi32, #tpu.memory_space<vmem>> -> memref<64xi32, #tpu.memory_space<vmem>>
        %dma_wait3A_475 = arith.constant 0 : i32
        %dma_wait3A_476 = arith.constant 0 : i32
        %dma_wait3A_477 = tpu.memref_slice %arg11[%dma_wait3A_475, %dma_wait3A_476] : memref<10240x128xf32, #tpu.memory_space<vmem_shared>> -> memref<10240x128xf32, #tpu.memory_space<vmem_shared>>
        tpu.wait_indirect_dma semaphore(%arg14 : memref<!tpu.dma_semaphore, #tpu.memory_space<semaphore_mem>>) src(%dma_wait3A_471 : memref<64x128xf32, #tpu.memory_space<vmem>>) dst(%dma_wait3A_477 : memref<10240x128xf32, #tpu.memory_space<vmem_shared>>)
        %add3A_478 = arith.constant 4 : i32
        %add3A_479 = arith.addi %mul3A_319, %add3A_478 : i32
        %add3A_480 = arith.constant 0 : i32
        %add3A_481 = arith.addi %add3A_479, %add3A_480 : i32
        %dma_start3A_482 = arith.constant 0 : i32
        %dma_start3A_483 = arith.constant 0 : i32
        %dma_start3A_484 = arith.constant 0 : i32
        %dma_start3A_485 = tpu.memref_slice %arg9[%dma_start3A_482, %dma_start3A_483, %dma_start3A_484] : memref<2x64x128xf32, #tpu.memory_space<vmem>> -> memref<1x64x128xf32, #tpu.memory_space<vmem>>
        %dma_start3A_486 = tpu.memref_squeeze %dma_start3A_485 : memref<1x64x128xf32, #tpu.memory_space<vmem>> -> memref<64x128xf32, #tpu.memory_space<vmem>>
        %dma_start3A_487 = arith.constant 0 : i32
        %dma_start3A_488 = tpu.memref_slice %arg7[%add3A_481, %dma_start3A_487] : memref<40x64xi32, #tpu.memory_space<vmem>> -> memref<1x64xi32, #tpu.memory_space<vmem>>
        %dma_start3A_489 = tpu.memref_squeeze %dma_start3A_488 : memref<1x64xi32, #tpu.memory_space<vmem>> -> memref<64xi32, #tpu.memory_space<vmem>>
        %dma_start3A_490 = arith.constant 0 : i32
        %dma_start3A_491 = arith.constant 0 : i32
        %dma_start3A_492 = tpu.memref_slice %arg2[%dma_start3A_490, %dma_start3A_491] : memref<10240x128xf32, #tpu.memory_space<hbm>> -> memref<10240x128xf32, #tpu.memory_space<hbm>>
        tpu.enqueue_indirect_dma source(%dma_start3A_492 : memref<10240x128xf32, #tpu.memory_space<hbm>>) target(%dma_start3A_486 : memref<64x128xf32, #tpu.memory_space<vmem>>) offsets(%dma_start3A_489 : memref<64xi32, #tpu.memory_space<vmem>>) semaphore(%arg12 : memref<!tpu.dma_semaphore, #tpu.memory_space<semaphore_mem>>)
        %add3A_493 = arith.constant 4 : i32
        %add3A_494 = arith.addi %mul3A_319, %add3A_493 : i32
        %add3A_495 = arith.constant 1 : i32
        %add3A_496 = arith.addi %add3A_494, %add3A_495 : i32
        %dma_start3A_497 = arith.constant 1 : i32
        %dma_start3A_498 = arith.constant 0 : i32
        %dma_start3A_499 = arith.constant 0 : i32
        %dma_start3A_500 = tpu.memref_slice %arg9[%dma_start3A_497, %dma_start3A_498, %dma_start3A_499] : memref<2x64x128xf32, #tpu.memory_space<vmem>> -> memref<1x64x128xf32, #tpu.memory_space<vmem>>
        %dma_start3A_501 = tpu.memref_squeeze %dma_start3A_500 : memref<1x64x128xf32, #tpu.memory_space<vmem>> -> memref<64x128xf32, #tpu.memory_space<vmem>>
        %dma_start3A_502 = arith.constant 0 : i32
        %dma_start3A_503 = tpu.memref_slice %arg7[%add3A_496, %dma_start3A_502] : memref<40x64xi32, #tpu.memory_space<vmem>> -> memref<1x64xi32, #tpu.memory_space<vmem>>
        %dma_start3A_504 = tpu.memref_squeeze %dma_start3A_503 : memref<1x64xi32, #tpu.memory_space<vmem>> -> memref<64xi32, #tpu.memory_space<vmem>>
        %dma_start3A_505 = arith.constant 0 : i32
        %dma_start3A_506 = arith.constant 0 : i32
        %dma_start3A_507 = tpu.memref_slice %arg2[%dma_start3A_505, %dma_start3A_506] : memref<10240x128xf32, #tpu.memory_space<hbm>> -> memref<10240x128xf32, #tpu.memory_space<hbm>>
        tpu.enqueue_indirect_dma source(%dma_start3A_507 : memref<10240x128xf32, #tpu.memory_space<hbm>>) target(%dma_start3A_501 : memref<64x128xf32, #tpu.memory_space<vmem>>) offsets(%dma_start3A_504 : memref<64xi32, #tpu.memory_space<vmem>>) semaphore(%arg12 : memref<!tpu.dma_semaphore, #tpu.memory_space<semaphore_mem>>)
      } else {
      }
      %add3A_428 = arith.constant 0 : i32
      %add3A_429 = arith.addi %add3A_321, %add3A_428 : i32
      %dma_start3A_430 = arith.constant 0 : i32
      %dma_start3A_431 = arith.constant 0 : i32
      %dma_start3A_432 = arith.constant 0 : i32
      %dma_start3A_433 = tpu.memref_slice %arg10[%dma_start3A_430, %dma_start3A_431, %dma_start3A_432] : memref<2x64x128xf32, #tpu.memory_space<vmem>> -> memref<1x64x128xf32, #tpu.memory_space<vmem>>
      %dma_start3A_434 = tpu.memref_squeeze %dma_start3A_433 : memref<1x64x128xf32, #tpu.memory_space<vmem>> -> memref<64x128xf32, #tpu.memory_space<vmem>>
      %dma_start3A_435 = arith.constant 0 : i32
      %dma_start3A_436 = tpu.memref_slice %arg8[%add3A_429, %dma_start3A_435] : memref<40x64xi32, #tpu.memory_space<vmem>> -> memref<1x64xi32, #tpu.memory_space<vmem>>
      %dma_start3A_437 = tpu.memref_squeeze %dma_start3A_436 : memref<1x64xi32, #tpu.memory_space<vmem>> -> memref<64xi32, #tpu.memory_space<vmem>>
      %dma_start3A_438 = arith.constant 0 : i32
      %dma_start3A_439 = arith.constant 0 : i32
      %dma_start3A_440 = tpu.memref_slice %arg11[%dma_start3A_438, %dma_start3A_439] : memref<10240x128xf32, #tpu.memory_space<vmem_shared>> -> memref<10240x128xf32, #tpu.memory_space<vmem_shared>>
      tpu.enqueue_indirect_dma source(%dma_start3A_434 : memref<64x128xf32, #tpu.memory_space<vmem>>) target(%dma_start3A_440 : memref<10240x128xf32, #tpu.memory_space<vmem_shared>>) offsets(%dma_start3A_437 : memref<64xi32, #tpu.memory_space<vmem>>) semaphore(%arg15 : memref<!tpu.dma_semaphore, #tpu.memory_space<semaphore_mem>>) {add = true}
      %add3A_441 = arith.constant 1 : i32
      %add3A_442 = arith.addi %add3A_321, %add3A_441 : i32
      %dma_start3A_443 = arith.constant 1 : i32
      %dma_start3A_444 = arith.constant 0 : i32
      %dma_start3A_445 = arith.constant 0 : i32
      %dma_start3A_446 = tpu.memref_slice %arg10[%dma_start3A_443, %dma_start3A_444, %dma_start3A_445] : memref<2x64x128xf32, #tpu.memory_space<vmem>> -> memref<1x64x128xf32, #tpu.memory_space<vmem>>
      %dma_start3A_447 = tpu.memref_squeeze %dma_start3A_446 : memref<1x64x128xf32, #tpu.memory_space<vmem>> -> memref<64x128xf32, #tpu.memory_space<vmem>>
      %dma_start3A_448 = arith.constant 0 : i32
      %dma_start3A_449 = tpu.memref_slice %arg8[%add3A_442, %dma_start3A_448] : memref<40x64xi32, #tpu.memory_space<vmem>> -> memref<1x64xi32, #tpu.memory_space<vmem>>
      %dma_start3A_450 = tpu.memref_squeeze %dma_start3A_449 : memref<1x64xi32, #tpu.memory_space<vmem>> -> memref<64xi32, #tpu.memory_space<vmem>>
      %dma_start3A_451 = arith.constant 0 : i32
      %dma_start3A_452 = arith.constant 0 : i32
      %dma_start3A_453 = tpu.memref_slice %arg11[%dma_start3A_451, %dma_start3A_452] : memref<10240x128xf32, #tpu.memory_space<vmem_shared>> -> memref<10240x128xf32, #tpu.memory_space<vmem_shared>>
      tpu.enqueue_indirect_dma source(%dma_start3A_447 : memref<64x128xf32, #tpu.memory_space<vmem>>) target(%dma_start3A_453 : memref<10240x128xf32, #tpu.memory_space<vmem_shared>>) offsets(%dma_start3A_450 : memref<64xi32, #tpu.memory_space<vmem>>) semaphore(%arg15 : memref<!tpu.dma_semaphore, #tpu.memory_space<semaphore_mem>>) {add = true}
    }
    %scan3A_107 = arith.constant 10 : i32
    %dma_wait3A_108 = arith.constant 0 : i32
    %dma_wait3A_109 = arith.constant 0 : i32
    %dma_wait3A_110 = arith.constant 0 : i32
    %dma_wait3A_111 = arith.constant 0 : i32
    %dma_wait3A_112 = tpu.memref_slice %arg9[%dma_wait3A_108, %dma_wait3A_110, %dma_wait3A_111] : memref<2x64x128xf32, #tpu.memory_space<vmem>> -> memref<1x64x128xf32, #tpu.memory_space<vmem>>
    %dma_wait3A_113 = tpu.memref_squeeze %dma_wait3A_112 : memref<1x64x128xf32, #tpu.memory_space<vmem>> -> memref<64x128xf32, #tpu.memory_space<vmem>>
    %dma_wait3A_114 = arith.constant 0 : i32
    %dma_wait3A_115 = tpu.memref_slice %arg8[%dma_wait3A_109, %dma_wait3A_114] : memref<40x64xi32, #tpu.memory_space<vmem>> -> memref<1x64xi32, #tpu.memory_space<vmem>>
    %dma_wait3A_116 = tpu.memref_squeeze %dma_wait3A_115 : memref<1x64xi32, #tpu.memory_space<vmem>> -> memref<64xi32, #tpu.memory_space<vmem>>
    %dma_wait3A_117 = arith.constant 0 : i32
    %dma_wait3A_118 = arith.constant 0 : i32
    %dma_wait3A_119 = tpu.memref_slice %arg11[%dma_wait3A_117, %dma_wait3A_118] : memref<10240x128xf32, #tpu.memory_space<vmem_shared>> -> memref<10240x128xf32, #tpu.memory_space<vmem_shared>>
    tpu.wait_indirect_dma semaphore(%arg14 : memref<!tpu.dma_semaphore, #tpu.memory_space<semaphore_mem>>) src(%dma_wait3A_113 : memref<64x128xf32, #tpu.memory_space<vmem>>) dst(%dma_wait3A_119 : memref<10240x128xf32, #tpu.memory_space<vmem_shared>>)
    %dma_wait3A_120 = arith.constant 0 : i32
    %dma_wait3A_121 = arith.constant 0 : i32
    %dma_wait3A_122 = arith.constant 0 : i32
    %dma_wait3A_123 = arith.constant 0 : i32
    %dma_wait3A_124 = tpu.memref_slice %arg10[%dma_wait3A_120, %dma_wait3A_122, %dma_wait3A_123] : memref<2x64x128xf32, #tpu.memory_space<vmem>> -> memref<1x64x128xf32, #tpu.memory_space<vmem>>
    %dma_wait3A_125 = tpu.memref_squeeze %dma_wait3A_124 : memref<1x64x128xf32, #tpu.memory_space<vmem>> -> memref<64x128xf32, #tpu.memory_space<vmem>>
    %dma_wait3A_126 = arith.constant 0 : i32
    %dma_wait3A_127 = tpu.memref_slice %arg8[%dma_wait3A_121, %dma_wait3A_126] : memref<40x64xi32, #tpu.memory_space<vmem>> -> memref<1x64xi32, #tpu.memory_space<vmem>>
    %dma_wait3A_128 = tpu.memref_squeeze %dma_wait3A_127 : memref<1x64xi32, #tpu.memory_space<vmem>> -> memref<64xi32, #tpu.memory_space<vmem>>
    %dma_wait3A_129 = arith.constant 0 : i32
    %dma_wait3A_130 = arith.constant 0 : i32
    %dma_wait3A_131 = tpu.memref_slice %arg11[%dma_wait3A_129, %dma_wait3A_130] : memref<10240x128xf32, #tpu.memory_space<vmem_shared>> -> memref<10240x128xf32, #tpu.memory_space<vmem_shared>>
    tpu.wait_indirect_dma semaphore(%arg15 : memref<!tpu.dma_semaphore, #tpu.memory_space<semaphore_mem>>) src(%dma_wait3A_125 : memref<64x128xf32, #tpu.memory_space<vmem>>) dst(%dma_wait3A_131 : memref<10240x128xf32, #tpu.memory_space<vmem_shared>>)
    %dma_wait3A_132 = arith.constant 1 : i32
    %dma_wait3A_133 = arith.constant 0 : i32
    %dma_wait3A_134 = arith.constant 0 : i32
    %dma_wait3A_135 = arith.constant 0 : i32
    %dma_wait3A_136 = tpu.memref_slice %arg9[%dma_wait3A_132, %dma_wait3A_134, %dma_wait3A_135] : memref<2x64x128xf32, #tpu.memory_space<vmem>> -> memref<1x64x128xf32, #tpu.memory_space<vmem>>
    %dma_wait3A_137 = tpu.memref_squeeze %dma_wait3A_136 : memref<1x64x128xf32, #tpu.memory_space<vmem>> -> memref<64x128xf32, #tpu.memory_space<vmem>>
    %dma_wait3A_138 = arith.constant 0 : i32
    %dma_wait3A_139 = tpu.memref_slice %arg8[%dma_wait3A_133, %dma_wait3A_138] : memref<40x64xi32, #tpu.memory_space<vmem>> -> memref<1x64xi32, #tpu.memory_space<vmem>>
    %dma_wait3A_140 = tpu.memref_squeeze %dma_wait3A_139 : memref<1x64xi32, #tpu.memory_space<vmem>> -> memref<64xi32, #tpu.memory_space<vmem>>
    %dma_wait3A_141 = arith.constant 0 : i32
    %dma_wait3A_142 = arith.constant 0 : i32
    %dma_wait3A_143 = tpu.memref_slice %arg11[%dma_wait3A_141, %dma_wait3A_142] : memref<10240x128xf32, #tpu.memory_space<vmem_shared>> -> memref<10240x128xf32, #tpu.memory_space<vmem_shared>>
    tpu.wait_indirect_dma semaphore(%arg14 : memref<!tpu.dma_semaphore, #tpu.memory_space<semaphore_mem>>) src(%dma_wait3A_137 : memref<64x128xf32, #tpu.memory_space<vmem>>) dst(%dma_wait3A_143 : memref<10240x128xf32, #tpu.memory_space<vmem_shared>>)
    %dma_wait3A_144 = arith.constant 1 : i32
    %dma_wait3A_145 = arith.constant 0 : i32
    %dma_wait3A_146 = arith.constant 0 : i32
    %dma_wait3A_147 = arith.constant 0 : i32
    %dma_wait3A_148 = tpu.memref_slice %arg10[%dma_wait3A_144, %dma_wait3A_146, %dma_wait3A_147] : memref<2x64x128xf32, #tpu.memory_space<vmem>> -> memref<1x64x128xf32, #tpu.memory_space<vmem>>
    %dma_wait3A_149 = tpu.memref_squeeze %dma_wait3A_148 : memref<1x64x128xf32, #tpu.memory_space<vmem>> -> memref<64x128xf32, #tpu.memory_space<vmem>>
    %dma_wait3A_150 = arith.constant 0 : i32
    %dma_wait3A_151 = tpu.memref_slice %arg8[%dma_wait3A_145, %dma_wait3A_150] : memref<40x64xi32, #tpu.memory_space<vmem>> -> memref<1x64xi32, #tpu.memory_space<vmem>>
    %dma_wait3A_152 = tpu.memref_squeeze %dma_wait3A_151 : memref<1x64xi32, #tpu.memory_space<vmem>> -> memref<64xi32, #tpu.memory_space<vmem>>
    %dma_wait3A_153 = arith.constant 0 : i32
    %dma_wait3A_154 = arith.constant 0 : i32
    %dma_wait3A_155 = tpu.memref_slice %arg11[%dma_wait3A_153, %dma_wait3A_154] : memref<10240x128xf32, #tpu.memory_space<vmem_shared>> -> memref<10240x128xf32, #tpu.memory_space<vmem_shared>>
    tpu.wait_indirect_dma semaphore(%arg15 : memref<!tpu.dma_semaphore, #tpu.memory_space<semaphore_mem>>) src(%dma_wait3A_149 : memref<64x128xf32, #tpu.memory_space<vmem>>) dst(%dma_wait3A_155 : memref<10240x128xf32, #tpu.memory_space<vmem_shared>>)
    "tpu.region"() ({
      %run_scoped3A = tpu.sem_alloc : memref<!tpu.dma_semaphore, #tpu.memory_space<semaphore_mem>>
      %dma_start3A_317 = arith.constant 80 : i32
      %dma_start3A_318 = arith.constant 0 : i32
      %dma_start3A_319 = tpu.memref_slice %arg3[%add3A, %dma_start3A_317, %dma_start3A_318] : memref<32x160x64xi32, #tpu.memory_space<hbm>> -> memref<1x40x64xi32, #tpu.memory_space<hbm>>
      %dma_start3A_320 = tpu.memref_squeeze %dma_start3A_319 : memref<1x40x64xi32, #tpu.memory_space<hbm>> -> memref<40x64xi32, #tpu.memory_space<hbm>>
      %dma_start3A_321 = arith.constant 80 : i32
      %dma_start3A_322 = arith.constant 0 : i32
      %dma_start3A_323 = tpu.memref_slice %arg3[%add3A, %dma_start3A_321, %dma_start3A_322] : memref<32x160x64xi32, #tpu.memory_space<hbm>> -> memref<1x40x64xi32, #tpu.memory_space<hbm>>
      %dma_start3A_324 = tpu.memref_squeeze %dma_start3A_323 : memref<1x40x64xi32, #tpu.memory_space<hbm>> -> memref<40x64xi32, #tpu.memory_space<hbm>>
      tpu.enqueue_dma source(%dma_start3A_324 : memref<40x64xi32, #tpu.memory_space<hbm>>) target(%arg7 : memref<40x64xi32, #tpu.memory_space<vmem>>) target_semaphore(%run_scoped3A : memref<!tpu.dma_semaphore, #tpu.memory_space<semaphore_mem>>)
      %dma_wait3A_325 = arith.constant 80 : i32
      %dma_wait3A_326 = arith.constant 0 : i32
      %dma_wait3A_327 = tpu.memref_slice %arg3[%add3A, %dma_wait3A_325, %dma_wait3A_326] : memref<32x160x64xi32, #tpu.memory_space<hbm>> -> memref<1x40x64xi32, #tpu.memory_space<hbm>>
      %dma_wait3A_328 = tpu.memref_squeeze %dma_wait3A_327 : memref<1x40x64xi32, #tpu.memory_space<hbm>> -> memref<40x64xi32, #tpu.memory_space<hbm>>
      %dma_wait3A_329 = arith.constant 80 : i32
      %dma_wait3A_330 = arith.constant 0 : i32
      %dma_wait3A_331 = tpu.memref_slice %arg3[%add3A, %dma_wait3A_329, %dma_wait3A_330] : memref<32x160x64xi32, #tpu.memory_space<hbm>> -> memref<1x40x64xi32, #tpu.memory_space<hbm>>
      %dma_wait3A_332 = tpu.memref_squeeze %dma_wait3A_331 : memref<1x40x64xi32, #tpu.memory_space<hbm>> -> memref<40x64xi32, #tpu.memory_space<hbm>>
      tpu.wait_dma2 semaphore(%run_scoped3A : memref<!tpu.dma_semaphore, #tpu.memory_space<semaphore_mem>>) src(%dma_wait3A_332 : memref<40x64xi32, #tpu.memory_space<hbm>>) dst(%arg7 : memref<40x64xi32, #tpu.memory_space<vmem>>)
      tpu.yield
    }) : () -> ()
    "tpu.region"() ({
      %run_scoped3A = tpu.sem_alloc : memref<!tpu.dma_semaphore, #tpu.memory_space<semaphore_mem>>
      %dma_start3A_317 = arith.constant 80 : i32
      %dma_start3A_318 = arith.constant 0 : i32
      %dma_start3A_319 = tpu.memref_slice %arg4[%add3A, %dma_start3A_317, %dma_start3A_318] : memref<32x160x64xi32, #tpu.memory_space<hbm>> -> memref<1x40x64xi32, #tpu.memory_space<hbm>>
      %dma_start3A_320 = tpu.memref_squeeze %dma_start3A_319 : memref<1x40x64xi32, #tpu.memory_space<hbm>> -> memref<40x64xi32, #tpu.memory_space<hbm>>
      %dma_start3A_321 = arith.constant 80 : i32
      %dma_start3A_322 = arith.constant 0 : i32
      %dma_start3A_323 = tpu.memref_slice %arg4[%add3A, %dma_start3A_321, %dma_start3A_322] : memref<32x160x64xi32, #tpu.memory_space<hbm>> -> memref<1x40x64xi32, #tpu.memory_space<hbm>>
      %dma_start3A_324 = tpu.memref_squeeze %dma_start3A_323 : memref<1x40x64xi32, #tpu.memory_space<hbm>> -> memref<40x64xi32, #tpu.memory_space<hbm>>
      tpu.enqueue_dma source(%dma_start3A_324 : memref<40x64xi32, #tpu.memory_space<hbm>>) target(%arg8 : memref<40x64xi32, #tpu.memory_space<vmem>>) target_semaphore(%run_scoped3A : memref<!tpu.dma_semaphore, #tpu.memory_space<semaphore_mem>>)
      %dma_wait3A_325 = arith.constant 80 : i32
      %dma_wait3A_326 = arith.constant 0 : i32
      %dma_wait3A_327 = tpu.memref_slice %arg4[%add3A, %dma_wait3A_325, %dma_wait3A_326] : memref<32x160x64xi32, #tpu.memory_space<hbm>> -> memref<1x40x64xi32, #tpu.memory_space<hbm>>
      %dma_wait3A_328 = tpu.memref_squeeze %dma_wait3A_327 : memref<1x40x64xi32, #tpu.memory_space<hbm>> -> memref<40x64xi32, #tpu.memory_space<hbm>>
      %dma_wait3A_329 = arith.constant 80 : i32
      %dma_wait3A_330 = arith.constant 0 : i32
      %dma_wait3A_331 = tpu.memref_slice %arg4[%add3A, %dma_wait3A_329, %dma_wait3A_330] : memref<32x160x64xi32, #tpu.memory_space<hbm>> -> memref<1x40x64xi32, #tpu.memory_space<hbm>>
      %dma_wait3A_332 = tpu.memref_squeeze %dma_wait3A_331 : memref<1x40x64xi32, #tpu.memory_space<hbm>> -> memref<40x64xi32, #tpu.memory_space<hbm>>
      tpu.wait_dma2 semaphore(%run_scoped3A : memref<!tpu.dma_semaphore, #tpu.memory_space<semaphore_mem>>) src(%dma_wait3A_332 : memref<40x64xi32, #tpu.memory_space<hbm>>) dst(%arg8 : memref<40x64xi32, #tpu.memory_space<vmem>>)
      tpu.yield
    }) : () -> ()
    %dma_start3A_156 = arith.constant 0 : i32
    %dma_start3A_157 = arith.constant 0 : i32
    %dma_start3A_158 = arith.constant 0 : i32
    %dma_start3A_159 = arith.constant 0 : i32
    %dma_start3A_160 = tpu.memref_slice %arg9[%dma_start3A_157, %dma_start3A_158, %dma_start3A_159] : memref<2x64x128xf32, #tpu.memory_space<vmem>> -> memref<1x64x128xf32, #tpu.memory_space<vmem>>
    %dma_start3A_161 = tpu.memref_squeeze %dma_start3A_160 : memref<1x64x128xf32, #tpu.memory_space<vmem>> -> memref<64x128xf32, #tpu.memory_space<vmem>>
    %dma_start3A_162 = arith.constant 0 : i32
    %dma_start3A_163 = tpu.memref_slice %arg7[%dma_start3A_156, %dma_start3A_162] : memref<40x64xi32, #tpu.memory_space<vmem>> -> memref<1x64xi32, #tpu.memory_space<vmem>>
    %dma_start3A_164 = tpu.memref_squeeze %dma_start3A_163 : memref<1x64xi32, #tpu.memory_space<vmem>> -> memref<64xi32, #tpu.memory_space<vmem>>
    %dma_start3A_165 = arith.constant 0 : i32
    %dma_start3A_166 = arith.constant 0 : i32
    %dma_start3A_167 = tpu.memref_slice %arg2[%dma_start3A_165, %dma_start3A_166] : memref<10240x128xf32, #tpu.memory_space<hbm>> -> memref<10240x128xf32, #tpu.memory_space<hbm>>
    tpu.enqueue_indirect_dma source(%dma_start3A_167 : memref<10240x128xf32, #tpu.memory_space<hbm>>) target(%dma_start3A_161 : memref<64x128xf32, #tpu.memory_space<vmem>>) offsets(%dma_start3A_164 : memref<64xi32, #tpu.memory_space<vmem>>) semaphore(%arg12 : memref<!tpu.dma_semaphore, #tpu.memory_space<semaphore_mem>>)
    %dma_start3A_168 = arith.constant 1 : i32
    %dma_start3A_169 = arith.constant 1 : i32
    %dma_start3A_170 = arith.constant 0 : i32
    %dma_start3A_171 = arith.constant 0 : i32
    %dma_start3A_172 = tpu.memref_slice %arg9[%dma_start3A_169, %dma_start3A_170, %dma_start3A_171] : memref<2x64x128xf32, #tpu.memory_space<vmem>> -> memref<1x64x128xf32, #tpu.memory_space<vmem>>
    %dma_start3A_173 = tpu.memref_squeeze %dma_start3A_172 : memref<1x64x128xf32, #tpu.memory_space<vmem>> -> memref<64x128xf32, #tpu.memory_space<vmem>>
    %dma_start3A_174 = arith.constant 0 : i32
    %dma_start3A_175 = tpu.memref_slice %arg7[%dma_start3A_168, %dma_start3A_174] : memref<40x64xi32, #tpu.memory_space<vmem>> -> memref<1x64xi32, #tpu.memory_space<vmem>>
    %dma_start3A_176 = tpu.memref_squeeze %dma_start3A_175 : memref<1x64xi32, #tpu.memory_space<vmem>> -> memref<64xi32, #tpu.memory_space<vmem>>
    %dma_start3A_177 = arith.constant 0 : i32
    %dma_start3A_178 = arith.constant 0 : i32
    %dma_start3A_179 = tpu.memref_slice %arg2[%dma_start3A_177, %dma_start3A_178] : memref<10240x128xf32, #tpu.memory_space<hbm>> -> memref<10240x128xf32, #tpu.memory_space<hbm>>
    tpu.enqueue_indirect_dma source(%dma_start3A_179 : memref<10240x128xf32, #tpu.memory_space<hbm>>) target(%dma_start3A_173 : memref<64x128xf32, #tpu.memory_space<vmem>>) offsets(%dma_start3A_176 : memref<64xi32, #tpu.memory_space<vmem>>) semaphore(%arg12 : memref<!tpu.dma_semaphore, #tpu.memory_space<semaphore_mem>>)
    %scan3A_180 = arith.constant 0 : i32
    %scan3A_181 = arith.constant 0 : i32
    %scan3A_182 = arith.constant 10 : i32
    %scan3A_183 = arith.addi %scan3A_181, %scan3A_182 : i32
    %scan3A_184 = arith.constant 1 : i32
    scf.for %scan3A_317 = %scan3A_181 to %scan3A_183 step %scan3A_184  : i32 {
      %mul3A_318 = arith.constant 4 : i32
      %mul3A_319 = arith.muli %mul3A_318, %scan3A_317 : i32
      %add3A_320 = arith.constant 2 : i32
      %add3A_321 = arith.addi %mul3A_319, %add3A_320 : i32
      %dma_wait3A_322 = arith.constant 0 : i32
      %dma_wait3A_323 = arith.constant 0 : i32
      %dma_wait3A_324 = arith.constant 0 : i32
      %dma_wait3A_325 = arith.constant 0 : i32
      %dma_wait3A_326 = tpu.memref_slice %arg9[%dma_wait3A_323, %dma_wait3A_324, %dma_wait3A_325] : memref<2x64x128xf32, #tpu.memory_space<vmem>> -> memref<1x64x128xf32, #tpu.memory_space<vmem>>
      %dma_wait3A_327 = tpu.memref_squeeze %dma_wait3A_326 : memref<1x64x128xf32, #tpu.memory_space<vmem>> -> memref<64x128xf32, #tpu.memory_space<vmem>>
      %dma_wait3A_328 = arith.constant 0 : i32
      %dma_wait3A_329 = tpu.memref_slice %arg7[%dma_wait3A_322, %dma_wait3A_328] : memref<40x64xi32, #tpu.memory_space<vmem>> -> memref<1x64xi32, #tpu.memory_space<vmem>>
      %dma_wait3A_330 = tpu.memref_squeeze %dma_wait3A_329 : memref<1x64xi32, #tpu.memory_space<vmem>> -> memref<64xi32, #tpu.memory_space<vmem>>
      %dma_wait3A_331 = arith.constant 0 : i32
      %dma_wait3A_332 = arith.constant 0 : i32
      %dma_wait3A_333 = tpu.memref_slice %arg2[%dma_wait3A_331, %dma_wait3A_332] : memref<10240x128xf32, #tpu.memory_space<hbm>> -> memref<10240x128xf32, #tpu.memory_space<hbm>>
      tpu.wait_indirect_dma semaphore(%arg12 : memref<!tpu.dma_semaphore, #tpu.memory_space<semaphore_mem>>) src(%dma_wait3A_333 : memref<10240x128xf32, #tpu.memory_space<hbm>>) dst(%dma_wait3A_327 : memref<64x128xf32, #tpu.memory_space<vmem>>)
      %dma_wait3A_334 = arith.constant 0 : i32
      %dma_wait3A_335 = arith.constant 1 : i32
      %dma_wait3A_336 = arith.constant 0 : i32
      %dma_wait3A_337 = arith.constant 0 : i32
      %dma_wait3A_338 = tpu.memref_slice %arg9[%dma_wait3A_335, %dma_wait3A_336, %dma_wait3A_337] : memref<2x64x128xf32, #tpu.memory_space<vmem>> -> memref<1x64x128xf32, #tpu.memory_space<vmem>>
      %dma_wait3A_339 = tpu.memref_squeeze %dma_wait3A_338 : memref<1x64x128xf32, #tpu.memory_space<vmem>> -> memref<64x128xf32, #tpu.memory_space<vmem>>
      %dma_wait3A_340 = arith.constant 0 : i32
      %dma_wait3A_341 = tpu.memref_slice %arg7[%dma_wait3A_334, %dma_wait3A_340] : memref<40x64xi32, #tpu.memory_space<vmem>> -> memref<1x64xi32, #tpu.memory_space<vmem>>
      %dma_wait3A_342 = tpu.memref_squeeze %dma_wait3A_341 : memref<1x64xi32, #tpu.memory_space<vmem>> -> memref<64xi32, #tpu.memory_space<vmem>>
      %dma_wait3A_343 = arith.constant 0 : i32
      %dma_wait3A_344 = arith.constant 0 : i32
      %dma_wait3A_345 = tpu.memref_slice %arg2[%dma_wait3A_343, %dma_wait3A_344] : memref<10240x128xf32, #tpu.memory_space<hbm>> -> memref<10240x128xf32, #tpu.memory_space<hbm>>
      tpu.wait_indirect_dma semaphore(%arg12 : memref<!tpu.dma_semaphore, #tpu.memory_space<semaphore_mem>>) src(%dma_wait3A_345 : memref<10240x128xf32, #tpu.memory_space<hbm>>) dst(%dma_wait3A_339 : memref<64x128xf32, #tpu.memory_space<vmem>>)
      %gt3A = arith.constant 0 : i32
      %gt3A_346 = arith.cmpi sgt, %scan3A_317, %gt3A : i32
      %convert_element_type3A = arith.extui %gt3A_346 : i1 to i32
      %cond3A = arith.constant 0 : i32
      %cond3A_347 = arith.cmpi ne, %convert_element_type3A, %cond3A : i32
      scf.if %cond3A_347 {
        %dma_wait3A_454 = arith.constant 0 : i32
        %dma_wait3A_455 = arith.constant 0 : i32
        %dma_wait3A_456 = arith.constant 0 : i32
        %dma_wait3A_457 = arith.constant 0 : i32
        %dma_wait3A_458 = tpu.memref_slice %arg10[%dma_wait3A_454, %dma_wait3A_456, %dma_wait3A_457] : memref<2x64x128xf32, #tpu.memory_space<vmem>> -> memref<1x64x128xf32, #tpu.memory_space<vmem>>
        %dma_wait3A_459 = tpu.memref_squeeze %dma_wait3A_458 : memref<1x64x128xf32, #tpu.memory_space<vmem>> -> memref<64x128xf32, #tpu.memory_space<vmem>>
        %dma_wait3A_460 = arith.constant 0 : i32
        %dma_wait3A_461 = tpu.memref_slice %arg8[%dma_wait3A_455, %dma_wait3A_460] : memref<40x64xi32, #tpu.memory_space<vmem>> -> memref<1x64xi32, #tpu.memory_space<vmem>>
        %dma_wait3A_462 = tpu.memref_squeeze %dma_wait3A_461 : memref<1x64xi32, #tpu.memory_space<vmem>> -> memref<64xi32, #tpu.memory_space<vmem>>
        %dma_wait3A_463 = arith.constant 0 : i32
        %dma_wait3A_464 = arith.constant 0 : i32
        %dma_wait3A_465 = tpu.memref_slice %arg11[%dma_wait3A_463, %dma_wait3A_464] : memref<10240x128xf32, #tpu.memory_space<vmem_shared>> -> memref<10240x128xf32, #tpu.memory_space<vmem_shared>>
        tpu.wait_indirect_dma semaphore(%arg15 : memref<!tpu.dma_semaphore, #tpu.memory_space<semaphore_mem>>) src(%dma_wait3A_459 : memref<64x128xf32, #tpu.memory_space<vmem>>) dst(%dma_wait3A_465 : memref<10240x128xf32, #tpu.memory_space<vmem_shared>>)
        %dma_wait3A_466 = arith.constant 1 : i32
        %dma_wait3A_467 = arith.constant 0 : i32
        %dma_wait3A_468 = arith.constant 0 : i32
        %dma_wait3A_469 = arith.constant 0 : i32
        %dma_wait3A_470 = tpu.memref_slice %arg10[%dma_wait3A_466, %dma_wait3A_468, %dma_wait3A_469] : memref<2x64x128xf32, #tpu.memory_space<vmem>> -> memref<1x64x128xf32, #tpu.memory_space<vmem>>
        %dma_wait3A_471 = tpu.memref_squeeze %dma_wait3A_470 : memref<1x64x128xf32, #tpu.memory_space<vmem>> -> memref<64x128xf32, #tpu.memory_space<vmem>>
        %dma_wait3A_472 = arith.constant 0 : i32
        %dma_wait3A_473 = tpu.memref_slice %arg8[%dma_wait3A_467, %dma_wait3A_472] : memref<40x64xi32, #tpu.memory_space<vmem>> -> memref<1x64xi32, #tpu.memory_space<vmem>>
        %dma_wait3A_474 = tpu.memref_squeeze %dma_wait3A_473 : memref<1x64xi32, #tpu.memory_space<vmem>> -> memref<64xi32, #tpu.memory_space<vmem>>
        %dma_wait3A_475 = arith.constant 0 : i32
        %dma_wait3A_476 = arith.constant 0 : i32
        %dma_wait3A_477 = tpu.memref_slice %arg11[%dma_wait3A_475, %dma_wait3A_476] : memref<10240x128xf32, #tpu.memory_space<vmem_shared>> -> memref<10240x128xf32, #tpu.memory_space<vmem_shared>>
        tpu.wait_indirect_dma semaphore(%arg15 : memref<!tpu.dma_semaphore, #tpu.memory_space<semaphore_mem>>) src(%dma_wait3A_471 : memref<64x128xf32, #tpu.memory_space<vmem>>) dst(%dma_wait3A_477 : memref<10240x128xf32, #tpu.memory_space<vmem_shared>>)
      } else {
      }
      %add3A_348 = arith.constant 0 : i32
      %add3A_349 = arith.addi %add3A_321, %add3A_348 : i32
      %dma_start3A_350 = arith.constant 0 : i32
      %dma_start3A_351 = arith.constant 0 : i32
      %dma_start3A_352 = arith.constant 0 : i32
      %dma_start3A_353 = tpu.memref_slice %arg10[%dma_start3A_350, %dma_start3A_351, %dma_start3A_352] : memref<2x64x128xf32, #tpu.memory_space<vmem>> -> memref<1x64x128xf32, #tpu.memory_space<vmem>>
      %dma_start3A_354 = tpu.memref_squeeze %dma_start3A_353 : memref<1x64x128xf32, #tpu.memory_space<vmem>> -> memref<64x128xf32, #tpu.memory_space<vmem>>
      %dma_start3A_355 = arith.constant 0 : i32
      %dma_start3A_356 = tpu.memref_slice %arg7[%add3A_349, %dma_start3A_355] : memref<40x64xi32, #tpu.memory_space<vmem>> -> memref<1x64xi32, #tpu.memory_space<vmem>>
      %dma_start3A_357 = tpu.memref_squeeze %dma_start3A_356 : memref<1x64xi32, #tpu.memory_space<vmem>> -> memref<64xi32, #tpu.memory_space<vmem>>
      %dma_start3A_358 = arith.constant 0 : i32
      %dma_start3A_359 = arith.constant 0 : i32
      %dma_start3A_360 = tpu.memref_slice %arg2[%dma_start3A_358, %dma_start3A_359] : memref<10240x128xf32, #tpu.memory_space<hbm>> -> memref<10240x128xf32, #tpu.memory_space<hbm>>
      tpu.enqueue_indirect_dma source(%dma_start3A_360 : memref<10240x128xf32, #tpu.memory_space<hbm>>) target(%dma_start3A_354 : memref<64x128xf32, #tpu.memory_space<vmem>>) offsets(%dma_start3A_357 : memref<64xi32, #tpu.memory_space<vmem>>) semaphore(%arg13 : memref<!tpu.dma_semaphore, #tpu.memory_space<semaphore_mem>>)
      %add3A_361 = arith.constant 1 : i32
      %add3A_362 = arith.addi %add3A_321, %add3A_361 : i32
      %dma_start3A_363 = arith.constant 1 : i32
      %dma_start3A_364 = arith.constant 0 : i32
      %dma_start3A_365 = arith.constant 0 : i32
      %dma_start3A_366 = tpu.memref_slice %arg10[%dma_start3A_363, %dma_start3A_364, %dma_start3A_365] : memref<2x64x128xf32, #tpu.memory_space<vmem>> -> memref<1x64x128xf32, #tpu.memory_space<vmem>>
      %dma_start3A_367 = tpu.memref_squeeze %dma_start3A_366 : memref<1x64x128xf32, #tpu.memory_space<vmem>> -> memref<64x128xf32, #tpu.memory_space<vmem>>
      %dma_start3A_368 = arith.constant 0 : i32
      %dma_start3A_369 = tpu.memref_slice %arg7[%add3A_362, %dma_start3A_368] : memref<40x64xi32, #tpu.memory_space<vmem>> -> memref<1x64xi32, #tpu.memory_space<vmem>>
      %dma_start3A_370 = tpu.memref_squeeze %dma_start3A_369 : memref<1x64xi32, #tpu.memory_space<vmem>> -> memref<64xi32, #tpu.memory_space<vmem>>
      %dma_start3A_371 = arith.constant 0 : i32
      %dma_start3A_372 = arith.constant 0 : i32
      %dma_start3A_373 = tpu.memref_slice %arg2[%dma_start3A_371, %dma_start3A_372] : memref<10240x128xf32, #tpu.memory_space<hbm>> -> memref<10240x128xf32, #tpu.memory_space<hbm>>
      tpu.enqueue_indirect_dma source(%dma_start3A_373 : memref<10240x128xf32, #tpu.memory_space<hbm>>) target(%dma_start3A_367 : memref<64x128xf32, #tpu.memory_space<vmem>>) offsets(%dma_start3A_370 : memref<64xi32, #tpu.memory_space<vmem>>) semaphore(%arg13 : memref<!tpu.dma_semaphore, #tpu.memory_space<semaphore_mem>>)
      %add3A_374 = arith.constant 0 : i32
      %add3A_375 = arith.addi %mul3A_319, %add3A_374 : i32
      %dma_start3A_376 = arith.constant 0 : i32
      %dma_start3A_377 = arith.constant 0 : i32
      %dma_start3A_378 = arith.constant 0 : i32
      %dma_start3A_379 = tpu.memref_slice %arg9[%dma_start3A_376, %dma_start3A_377, %dma_start3A_378] : memref<2x64x128xf32, #tpu.memory_space<vmem>> -> memref<1x64x128xf32, #tpu.memory_space<vmem>>
      %dma_start3A_380 = tpu.memref_squeeze %dma_start3A_379 : memref<1x64x128xf32, #tpu.memory_space<vmem>> -> memref<64x128xf32, #tpu.memory_space<vmem>>
      %dma_start3A_381 = arith.constant 0 : i32
      %dma_start3A_382 = tpu.memref_slice %arg8[%add3A_375, %dma_start3A_381] : memref<40x64xi32, #tpu.memory_space<vmem>> -> memref<1x64xi32, #tpu.memory_space<vmem>>
      %dma_start3A_383 = tpu.memref_squeeze %dma_start3A_382 : memref<1x64xi32, #tpu.memory_space<vmem>> -> memref<64xi32, #tpu.memory_space<vmem>>
      %dma_start3A_384 = arith.constant 0 : i32
      %dma_start3A_385 = arith.constant 0 : i32
      %dma_start3A_386 = tpu.memref_slice %arg11[%dma_start3A_384, %dma_start3A_385] : memref<10240x128xf32, #tpu.memory_space<vmem_shared>> -> memref<10240x128xf32, #tpu.memory_space<vmem_shared>>
      tpu.enqueue_indirect_dma source(%dma_start3A_380 : memref<64x128xf32, #tpu.memory_space<vmem>>) target(%dma_start3A_386 : memref<10240x128xf32, #tpu.memory_space<vmem_shared>>) offsets(%dma_start3A_383 : memref<64xi32, #tpu.memory_space<vmem>>) semaphore(%arg14 : memref<!tpu.dma_semaphore, #tpu.memory_space<semaphore_mem>>) {add = true}
      %add3A_387 = arith.constant 1 : i32
      %add3A_388 = arith.addi %mul3A_319, %add3A_387 : i32
      %dma_start3A_389 = arith.constant 1 : i32
      %dma_start3A_390 = arith.constant 0 : i32
      %dma_start3A_391 = arith.constant 0 : i32
      %dma_start3A_392 = tpu.memref_slice %arg9[%dma_start3A_389, %dma_start3A_390, %dma_start3A_391] : memref<2x64x128xf32, #tpu.memory_space<vmem>> -> memref<1x64x128xf32, #tpu.memory_space<vmem>>
      %dma_start3A_393 = tpu.memref_squeeze %dma_start3A_392 : memref<1x64x128xf32, #tpu.memory_space<vmem>> -> memref<64x128xf32, #tpu.memory_space<vmem>>
      %dma_start3A_394 = arith.constant 0 : i32
      %dma_start3A_395 = tpu.memref_slice %arg8[%add3A_388, %dma_start3A_394] : memref<40x64xi32, #tpu.memory_space<vmem>> -> memref<1x64xi32, #tpu.memory_space<vmem>>
      %dma_start3A_396 = tpu.memref_squeeze %dma_start3A_395 : memref<1x64xi32, #tpu.memory_space<vmem>> -> memref<64xi32, #tpu.memory_space<vmem>>
      %dma_start3A_397 = arith.constant 0 : i32
      %dma_start3A_398 = arith.constant 0 : i32
      %dma_start3A_399 = tpu.memref_slice %arg11[%dma_start3A_397, %dma_start3A_398] : memref<10240x128xf32, #tpu.memory_space<vmem_shared>> -> memref<10240x128xf32, #tpu.memory_space<vmem_shared>>
      tpu.enqueue_indirect_dma source(%dma_start3A_393 : memref<64x128xf32, #tpu.memory_space<vmem>>) target(%dma_start3A_399 : memref<10240x128xf32, #tpu.memory_space<vmem_shared>>) offsets(%dma_start3A_396 : memref<64xi32, #tpu.memory_space<vmem>>) semaphore(%arg14 : memref<!tpu.dma_semaphore, #tpu.memory_space<semaphore_mem>>) {add = true}
      %dma_wait3A_400 = arith.constant 0 : i32
      %dma_wait3A_401 = arith.constant 0 : i32
      %dma_wait3A_402 = arith.constant 0 : i32
      %dma_wait3A_403 = arith.constant 0 : i32
      %dma_wait3A_404 = tpu.memref_slice %arg10[%dma_wait3A_401, %dma_wait3A_402, %dma_wait3A_403] : memref<2x64x128xf32, #tpu.memory_space<vmem>> -> memref<1x64x128xf32, #tpu.memory_space<vmem>>
      %dma_wait3A_405 = tpu.memref_squeeze %dma_wait3A_404 : memref<1x64x128xf32, #tpu.memory_space<vmem>> -> memref<64x128xf32, #tpu.memory_space<vmem>>
      %dma_wait3A_406 = arith.constant 0 : i32
      %dma_wait3A_407 = tpu.memref_slice %arg7[%dma_wait3A_400, %dma_wait3A_406] : memref<40x64xi32, #tpu.memory_space<vmem>> -> memref<1x64xi32, #tpu.memory_space<vmem>>
      %dma_wait3A_408 = tpu.memref_squeeze %dma_wait3A_407 : memref<1x64xi32, #tpu.memory_space<vmem>> -> memref<64xi32, #tpu.memory_space<vmem>>
      %dma_wait3A_409 = arith.constant 0 : i32
      %dma_wait3A_410 = arith.constant 0 : i32
      %dma_wait3A_411 = tpu.memref_slice %arg2[%dma_wait3A_409, %dma_wait3A_410] : memref<10240x128xf32, #tpu.memory_space<hbm>> -> memref<10240x128xf32, #tpu.memory_space<hbm>>
      tpu.wait_indirect_dma semaphore(%arg13 : memref<!tpu.dma_semaphore, #tpu.memory_space<semaphore_mem>>) src(%dma_wait3A_411 : memref<10240x128xf32, #tpu.memory_space<hbm>>) dst(%dma_wait3A_405 : memref<64x128xf32, #tpu.memory_space<vmem>>)
      %dma_wait3A_412 = arith.constant 0 : i32
      %dma_wait3A_413 = arith.constant 1 : i32
      %dma_wait3A_414 = arith.constant 0 : i32
      %dma_wait3A_415 = arith.constant 0 : i32
      %dma_wait3A_416 = tpu.memref_slice %arg10[%dma_wait3A_413, %dma_wait3A_414, %dma_wait3A_415] : memref<2x64x128xf32, #tpu.memory_space<vmem>> -> memref<1x64x128xf32, #tpu.memory_space<vmem>>
      %dma_wait3A_417 = tpu.memref_squeeze %dma_wait3A_416 : memref<1x64x128xf32, #tpu.memory_space<vmem>> -> memref<64x128xf32, #tpu.memory_space<vmem>>
      %dma_wait3A_418 = arith.constant 0 : i32
      %dma_wait3A_419 = tpu.memref_slice %arg7[%dma_wait3A_412, %dma_wait3A_418] : memref<40x64xi32, #tpu.memory_space<vmem>> -> memref<1x64xi32, #tpu.memory_space<vmem>>
      %dma_wait3A_420 = tpu.memref_squeeze %dma_wait3A_419 : memref<1x64xi32, #tpu.memory_space<vmem>> -> memref<64xi32, #tpu.memory_space<vmem>>
      %dma_wait3A_421 = arith.constant 0 : i32
      %dma_wait3A_422 = arith.constant 0 : i32
      %dma_wait3A_423 = tpu.memref_slice %arg2[%dma_wait3A_421, %dma_wait3A_422] : memref<10240x128xf32, #tpu.memory_space<hbm>> -> memref<10240x128xf32, #tpu.memory_space<hbm>>
      tpu.wait_indirect_dma semaphore(%arg13 : memref<!tpu.dma_semaphore, #tpu.memory_space<semaphore_mem>>) src(%dma_wait3A_423 : memref<10240x128xf32, #tpu.memory_space<hbm>>) dst(%dma_wait3A_417 : memref<64x128xf32, #tpu.memory_space<vmem>>)
      %lt3A = arith.constant 9 : i32
      %lt3A_424 = arith.cmpi slt, %scan3A_317, %lt3A : i32
      %convert_element_type3A_425 = arith.extui %lt3A_424 : i1 to i32
      %cond3A_426 = arith.constant 0 : i32
      %cond3A_427 = arith.cmpi ne, %convert_element_type3A_425, %cond3A_426 : i32
      scf.if %cond3A_427 {
        %dma_wait3A_454 = arith.constant 0 : i32
        %dma_wait3A_455 = arith.constant 0 : i32
        %dma_wait3A_456 = arith.constant 0 : i32
        %dma_wait3A_457 = arith.constant 0 : i32
        %dma_wait3A_458 = tpu.memref_slice %arg9[%dma_wait3A_454, %dma_wait3A_456, %dma_wait3A_457] : memref<2x64x128xf32, #tpu.memory_space<vmem>> -> memref<1x64x128xf32, #tpu.memory_space<vmem>>
        %dma_wait3A_459 = tpu.memref_squeeze %dma_wait3A_458 : memref<1x64x128xf32, #tpu.memory_space<vmem>> -> memref<64x128xf32, #tpu.memory_space<vmem>>
        %dma_wait3A_460 = arith.constant 0 : i32
        %dma_wait3A_461 = tpu.memref_slice %arg8[%dma_wait3A_455, %dma_wait3A_460] : memref<40x64xi32, #tpu.memory_space<vmem>> -> memref<1x64xi32, #tpu.memory_space<vmem>>
        %dma_wait3A_462 = tpu.memref_squeeze %dma_wait3A_461 : memref<1x64xi32, #tpu.memory_space<vmem>> -> memref<64xi32, #tpu.memory_space<vmem>>
        %dma_wait3A_463 = arith.constant 0 : i32
        %dma_wait3A_464 = arith.constant 0 : i32
        %dma_wait3A_465 = tpu.memref_slice %arg11[%dma_wait3A_463, %dma_wait3A_464] : memref<10240x128xf32, #tpu.memory_space<vmem_shared>> -> memref<10240x128xf32, #tpu.memory_space<vmem_shared>>
        tpu.wait_indirect_dma semaphore(%arg14 : memref<!tpu.dma_semaphore, #tpu.memory_space<semaphore_mem>>) src(%dma_wait3A_459 : memref<64x128xf32, #tpu.memory_space<vmem>>) dst(%dma_wait3A_465 : memref<10240x128xf32, #tpu.memory_space<vmem_shared>>)
        %dma_wait3A_466 = arith.constant 1 : i32
        %dma_wait3A_467 = arith.constant 0 : i32
        %dma_wait3A_468 = arith.constant 0 : i32
        %dma_wait3A_469 = arith.constant 0 : i32
        %dma_wait3A_470 = tpu.memref_slice %arg9[%dma_wait3A_466, %dma_wait3A_468, %dma_wait3A_469] : memref<2x64x128xf32, #tpu.memory_space<vmem>> -> memref<1x64x128xf32, #tpu.memory_space<vmem>>
        %dma_wait3A_471 = tpu.memref_squeeze %dma_wait3A_470 : memref<1x64x128xf32, #tpu.memory_space<vmem>> -> memref<64x128xf32, #tpu.memory_space<vmem>>
        %dma_wait3A_472 = arith.constant 0 : i32
        %dma_wait3A_473 = tpu.memref_slice %arg8[%dma_wait3A_467, %dma_wait3A_472] : memref<40x64xi32, #tpu.memory_space<vmem>> -> memref<1x64xi32, #tpu.memory_space<vmem>>
        %dma_wait3A_474 = tpu.memref_squeeze %dma_wait3A_473 : memref<1x64xi32, #tpu.memory_space<vmem>> -> memref<64xi32, #tpu.memory_space<vmem>>
        %dma_wait3A_475 = arith.constant 0 : i32
        %dma_wait3A_476 = arith.constant 0 : i32
        %dma_wait3A_477 = tpu.memref_slice %arg11[%dma_wait3A_475, %dma_wait3A_476] : memref<10240x128xf32, #tpu.memory_space<vmem_shared>> -> memref<10240x128xf32, #tpu.memory_space<vmem_shared>>
        tpu.wait_indirect_dma semaphore(%arg14 : memref<!tpu.dma_semaphore, #tpu.memory_space<semaphore_mem>>) src(%dma_wait3A_471 : memref<64x128xf32, #tpu.memory_space<vmem>>) dst(%dma_wait3A_477 : memref<10240x128xf32, #tpu.memory_space<vmem_shared>>)
        %add3A_478 = arith.constant 4 : i32
        %add3A_479 = arith.addi %mul3A_319, %add3A_478 : i32
        %add3A_480 = arith.constant 0 : i32
        %add3A_481 = arith.addi %add3A_479, %add3A_480 : i32
        %dma_start3A_482 = arith.constant 0 : i32
        %dma_start3A_483 = arith.constant 0 : i32
        %dma_start3A_484 = arith.constant 0 : i32
        %dma_start3A_485 = tpu.memref_slice %arg9[%dma_start3A_482, %dma_start3A_483, %dma_start3A_484] : memref<2x64x128xf32, #tpu.memory_space<vmem>> -> memref<1x64x128xf32, #tpu.memory_space<vmem>>
        %dma_start3A_486 = tpu.memref_squeeze %dma_start3A_485 : memref<1x64x128xf32, #tpu.memory_space<vmem>> -> memref<64x128xf32, #tpu.memory_space<vmem>>
        %dma_start3A_487 = arith.constant 0 : i32
        %dma_start3A_488 = tpu.memref_slice %arg7[%add3A_481, %dma_start3A_487] : memref<40x64xi32, #tpu.memory_space<vmem>> -> memref<1x64xi32, #tpu.memory_space<vmem>>
        %dma_start3A_489 = tpu.memref_squeeze %dma_start3A_488 : memref<1x64xi32, #tpu.memory_space<vmem>> -> memref<64xi32, #tpu.memory_space<vmem>>
        %dma_start3A_490 = arith.constant 0 : i32
        %dma_start3A_491 = arith.constant 0 : i32
        %dma_start3A_492 = tpu.memref_slice %arg2[%dma_start3A_490, %dma_start3A_491] : memref<10240x128xf32, #tpu.memory_space<hbm>> -> memref<10240x128xf32, #tpu.memory_space<hbm>>
        tpu.enqueue_indirect_dma source(%dma_start3A_492 : memref<10240x128xf32, #tpu.memory_space<hbm>>) target(%dma_start3A_486 : memref<64x128xf32, #tpu.memory_space<vmem>>) offsets(%dma_start3A_489 : memref<64xi32, #tpu.memory_space<vmem>>) semaphore(%arg12 : memref<!tpu.dma_semaphore, #tpu.memory_space<semaphore_mem>>)
        %add3A_493 = arith.constant 4 : i32
        %add3A_494 = arith.addi %mul3A_319, %add3A_493 : i32
        %add3A_495 = arith.constant 1 : i32
        %add3A_496 = arith.addi %add3A_494, %add3A_495 : i32
        %dma_start3A_497 = arith.constant 1 : i32
        %dma_start3A_498 = arith.constant 0 : i32
        %dma_start3A_499 = arith.constant 0 : i32
        %dma_start3A_500 = tpu.memref_slice %arg9[%dma_start3A_497, %dma_start3A_498, %dma_start3A_499] : memref<2x64x128xf32, #tpu.memory_space<vmem>> -> memref<1x64x128xf32, #tpu.memory_space<vmem>>
        %dma_start3A_501 = tpu.memref_squeeze %dma_start3A_500 : memref<1x64x128xf32, #tpu.memory_space<vmem>> -> memref<64x128xf32, #tpu.memory_space<vmem>>
        %dma_start3A_502 = arith.constant 0 : i32
        %dma_start3A_503 = tpu.memref_slice %arg7[%add3A_496, %dma_start3A_502] : memref<40x64xi32, #tpu.memory_space<vmem>> -> memref<1x64xi32, #tpu.memory_space<vmem>>
        %dma_start3A_504 = tpu.memref_squeeze %dma_start3A_503 : memref<1x64xi32, #tpu.memory_space<vmem>> -> memref<64xi32, #tpu.memory_space<vmem>>
        %dma_start3A_505 = arith.constant 0 : i32
        %dma_start3A_506 = arith.constant 0 : i32
        %dma_start3A_507 = tpu.memref_slice %arg2[%dma_start3A_505, %dma_start3A_506] : memref<10240x128xf32, #tpu.memory_space<hbm>> -> memref<10240x128xf32, #tpu.memory_space<hbm>>
        tpu.enqueue_indirect_dma source(%dma_start3A_507 : memref<10240x128xf32, #tpu.memory_space<hbm>>) target(%dma_start3A_501 : memref<64x128xf32, #tpu.memory_space<vmem>>) offsets(%dma_start3A_504 : memref<64xi32, #tpu.memory_space<vmem>>) semaphore(%arg12 : memref<!tpu.dma_semaphore, #tpu.memory_space<semaphore_mem>>)
      } else {
      }
      %add3A_428 = arith.constant 0 : i32
      %add3A_429 = arith.addi %add3A_321, %add3A_428 : i32
      %dma_start3A_430 = arith.constant 0 : i32
      %dma_start3A_431 = arith.constant 0 : i32
      %dma_start3A_432 = arith.constant 0 : i32
      %dma_start3A_433 = tpu.memref_slice %arg10[%dma_start3A_430, %dma_start3A_431, %dma_start3A_432] : memref<2x64x128xf32, #tpu.memory_space<vmem>> -> memref<1x64x128xf32, #tpu.memory_space<vmem>>
      %dma_start3A_434 = tpu.memref_squeeze %dma_start3A_433 : memref<1x64x128xf32, #tpu.memory_space<vmem>> -> memref<64x128xf32, #tpu.memory_space<vmem>>
      %dma_start3A_435 = arith.constant 0 : i32
      %dma_start3A_436 = tpu.memref_slice %arg8[%add3A_429, %dma_start3A_435] : memref<40x64xi32, #tpu.memory_space<vmem>> -> memref<1x64xi32, #tpu.memory_space<vmem>>
      %dma_start3A_437 = tpu.memref_squeeze %dma_start3A_436 : memref<1x64xi32, #tpu.memory_space<vmem>> -> memref<64xi32, #tpu.memory_space<vmem>>
      %dma_start3A_438 = arith.constant 0 : i32
      %dma_start3A_439 = arith.constant 0 : i32
      %dma_start3A_440 = tpu.memref_slice %arg11[%dma_start3A_438, %dma_start3A_439] : memref<10240x128xf32, #tpu.memory_space<vmem_shared>> -> memref<10240x128xf32, #tpu.memory_space<vmem_shared>>
      tpu.enqueue_indirect_dma source(%dma_start3A_434 : memref<64x128xf32, #tpu.memory_space<vmem>>) target(%dma_start3A_440 : memref<10240x128xf32, #tpu.memory_space<vmem_shared>>) offsets(%dma_start3A_437 : memref<64xi32, #tpu.memory_space<vmem>>) semaphore(%arg15 : memref<!tpu.dma_semaphore, #tpu.memory_space<semaphore_mem>>) {add = true}
      %add3A_441 = arith.constant 1 : i32
      %add3A_442 = arith.addi %add3A_321, %add3A_441 : i32
      %dma_start3A_443 = arith.constant 1 : i32
      %dma_start3A_444 = arith.constant 0 : i32
      %dma_start3A_445 = arith.constant 0 : i32
      %dma_start3A_446 = tpu.memref_slice %arg10[%dma_start3A_443, %dma_start3A_444, %dma_start3A_445] : memref<2x64x128xf32, #tpu.memory_space<vmem>> -> memref<1x64x128xf32, #tpu.memory_space<vmem>>
      %dma_start3A_447 = tpu.memref_squeeze %dma_start3A_446 : memref<1x64x128xf32, #tpu.memory_space<vmem>> -> memref<64x128xf32, #tpu.memory_space<vmem>>
      %dma_start3A_448 = arith.constant 0 : i32
      %dma_start3A_449 = tpu.memref_slice %arg8[%add3A_442, %dma_start3A_448] : memref<40x64xi32, #tpu.memory_space<vmem>> -> memref<1x64xi32, #tpu.memory_space<vmem>>
      %dma_start3A_450 = tpu.memref_squeeze %dma_start3A_449 : memref<1x64xi32, #tpu.memory_space<vmem>> -> memref<64xi32, #tpu.memory_space<vmem>>
      %dma_start3A_451 = arith.constant 0 : i32
      %dma_start3A_452 = arith.constant 0 : i32
      %dma_start3A_453 = tpu.memref_slice %arg11[%dma_start3A_451, %dma_start3A_452] : memref<10240x128xf32, #tpu.memory_space<vmem_shared>> -> memref<10240x128xf32, #tpu.memory_space<vmem_shared>>
      tpu.enqueue_indirect_dma source(%dma_start3A_447 : memref<64x128xf32, #tpu.memory_space<vmem>>) target(%dma_start3A_453 : memref<10240x128xf32, #tpu.memory_space<vmem_shared>>) offsets(%dma_start3A_450 : memref<64xi32, #tpu.memory_space<vmem>>) semaphore(%arg15 : memref<!tpu.dma_semaphore, #tpu.memory_space<semaphore_mem>>) {add = true}
    }
    %scan3A_185 = arith.constant 10 : i32
    %dma_wait3A_186 = arith.constant 0 : i32
    %dma_wait3A_187 = arith.constant 0 : i32
    %dma_wait3A_188 = arith.constant 0 : i32
    %dma_wait3A_189 = arith.constant 0 : i32
    %dma_wait3A_190 = tpu.memref_slice %arg9[%dma_wait3A_186, %dma_wait3A_188, %dma_wait3A_189] : memref<2x64x128xf32, #tpu.memory_space<vmem>> -> memref<1x64x128xf32, #tpu.memory_space<vmem>>
    %dma_wait3A_191 = tpu.memref_squeeze %dma_wait3A_190 : memref<1x64x128xf32, #tpu.memory_space<vmem>> -> memref<64x128xf32, #tpu.memory_space<vmem>>
    %dma_wait3A_192 = arith.constant 0 : i32
    %dma_wait3A_193 = tpu.memref_slice %arg8[%dma_wait3A_187, %dma_wait3A_192] : memref<40x64xi32, #tpu.memory_space<vmem>> -> memref<1x64xi32, #tpu.memory_space<vmem>>
    %dma_wait3A_194 = tpu.memref_squeeze %dma_wait3A_193 : memref<1x64xi32, #tpu.memory_space<vmem>> -> memref<64xi32, #tpu.memory_space<vmem>>
    %dma_wait3A_195 = arith.constant 0 : i32
    %dma_wait3A_196 = arith.constant 0 : i32
    %dma_wait3A_197 = tpu.memref_slice %arg11[%dma_wait3A_195, %dma_wait3A_196] : memref<10240x128xf32, #tpu.memory_space<vmem_shared>> -> memref<10240x128xf32, #tpu.memory_space<vmem_shared>>
    tpu.wait_indirect_dma semaphore(%arg14 : memref<!tpu.dma_semaphore, #tpu.memory_space<semaphore_mem>>) src(%dma_wait3A_191 : memref<64x128xf32, #tpu.memory_space<vmem>>) dst(%dma_wait3A_197 : memref<10240x128xf32, #tpu.memory_space<vmem_shared>>)
    %dma_wait3A_198 = arith.constant 0 : i32
    %dma_wait3A_199 = arith.constant 0 : i32
    %dma_wait3A_200 = arith.constant 0 : i32
    %dma_wait3A_201 = arith.constant 0 : i32
    %dma_wait3A_202 = tpu.memref_slice %arg10[%dma_wait3A_198, %dma_wait3A_200, %dma_wait3A_201] : memref<2x64x128xf32, #tpu.memory_space<vmem>> -> memref<1x64x128xf32, #tpu.memory_space<vmem>>
    %dma_wait3A_203 = tpu.memref_squeeze %dma_wait3A_202 : memref<1x64x128xf32, #tpu.memory_space<vmem>> -> memref<64x128xf32, #tpu.memory_space<vmem>>
    %dma_wait3A_204 = arith.constant 0 : i32
    %dma_wait3A_205 = tpu.memref_slice %arg8[%dma_wait3A_199, %dma_wait3A_204] : memref<40x64xi32, #tpu.memory_space<vmem>> -> memref<1x64xi32, #tpu.memory_space<vmem>>
    %dma_wait3A_206 = tpu.memref_squeeze %dma_wait3A_205 : memref<1x64xi32, #tpu.memory_space<vmem>> -> memref<64xi32, #tpu.memory_space<vmem>>
    %dma_wait3A_207 = arith.constant 0 : i32
    %dma_wait3A_208 = arith.constant 0 : i32
    %dma_wait3A_209 = tpu.memref_slice %arg11[%dma_wait3A_207, %dma_wait3A_208] : memref<10240x128xf32, #tpu.memory_space<vmem_shared>> -> memref<10240x128xf32, #tpu.memory_space<vmem_shared>>
    tpu.wait_indirect_dma semaphore(%arg15 : memref<!tpu.dma_semaphore, #tpu.memory_space<semaphore_mem>>) src(%dma_wait3A_203 : memref<64x128xf32, #tpu.memory_space<vmem>>) dst(%dma_wait3A_209 : memref<10240x128xf32, #tpu.memory_space<vmem_shared>>)
    %dma_wait3A_210 = arith.constant 1 : i32
    %dma_wait3A_211 = arith.constant 0 : i32
    %dma_wait3A_212 = arith.constant 0 : i32
    %dma_wait3A_213 = arith.constant 0 : i32
    %dma_wait3A_214 = tpu.memref_slice %arg9[%dma_wait3A_210, %dma_wait3A_212, %dma_wait3A_213] : memref<2x64x128xf32, #tpu.memory_space<vmem>> -> memref<1x64x128xf32, #tpu.memory_space<vmem>>
    %dma_wait3A_215 = tpu.memref_squeeze %dma_wait3A_214 : memref<1x64x128xf32, #tpu.memory_space<vmem>> -> memref<64x128xf32, #tpu.memory_space<vmem>>
    %dma_wait3A_216 = arith.constant 0 : i32
    %dma_wait3A_217 = tpu.memref_slice %arg8[%dma_wait3A_211, %dma_wait3A_216] : memref<40x64xi32, #tpu.memory_space<vmem>> -> memref<1x64xi32, #tpu.memory_space<vmem>>
    %dma_wait3A_218 = tpu.memref_squeeze %dma_wait3A_217 : memref<1x64xi32, #tpu.memory_space<vmem>> -> memref<64xi32, #tpu.memory_space<vmem>>
    %dma_wait3A_219 = arith.constant 0 : i32
    %dma_wait3A_220 = arith.constant 0 : i32
    %dma_wait3A_221 = tpu.memref_slice %arg11[%dma_wait3A_219, %dma_wait3A_220] : memref<10240x128xf32, #tpu.memory_space<vmem_shared>> -> memref<10240x128xf32, #tpu.memory_space<vmem_shared>>
    tpu.wait_indirect_dma semaphore(%arg14 : memref<!tpu.dma_semaphore, #tpu.memory_space<semaphore_mem>>) src(%dma_wait3A_215 : memref<64x128xf32, #tpu.memory_space<vmem>>) dst(%dma_wait3A_221 : memref<10240x128xf32, #tpu.memory_space<vmem_shared>>)
    %dma_wait3A_222 = arith.constant 1 : i32
    %dma_wait3A_223 = arith.constant 0 : i32
    %dma_wait3A_224 = arith.constant 0 : i32
    %dma_wait3A_225 = arith.constant 0 : i32
    %dma_wait3A_226 = tpu.memref_slice %arg10[%dma_wait3A_222, %dma_wait3A_224, %dma_wait3A_225] : memref<2x64x128xf32, #tpu.memory_space<vmem>> -> memref<1x64x128xf32, #tpu.memory_space<vmem>>
    %dma_wait3A_227 = tpu.memref_squeeze %dma_wait3A_226 : memref<1x64x128xf32, #tpu.memory_space<vmem>> -> memref<64x128xf32, #tpu.memory_space<vmem>>
    %dma_wait3A_228 = arith.constant 0 : i32
    %dma_wait3A_229 = tpu.memref_slice %arg8[%dma_wait3A_223, %dma_wait3A_228] : memref<40x64xi32, #tpu.memory_space<vmem>> -> memref<1x64xi32, #tpu.memory_space<vmem>>
    %dma_wait3A_230 = tpu.memref_squeeze %dma_wait3A_229 : memref<1x64xi32, #tpu.memory_space<vmem>> -> memref<64xi32, #tpu.memory_space<vmem>>
    %dma_wait3A_231 = arith.constant 0 : i32
    %dma_wait3A_232 = arith.constant 0 : i32
    %dma_wait3A_233 = tpu.memref_slice %arg11[%dma_wait3A_231, %dma_wait3A_232] : memref<10240x128xf32, #tpu.memory_space<vmem_shared>> -> memref<10240x128xf32, #tpu.memory_space<vmem_shared>>
    tpu.wait_indirect_dma semaphore(%arg15 : memref<!tpu.dma_semaphore, #tpu.memory_space<semaphore_mem>>) src(%dma_wait3A_227 : memref<64x128xf32, #tpu.memory_space<vmem>>) dst(%dma_wait3A_233 : memref<10240x128xf32, #tpu.memory_space<vmem_shared>>)
    "tpu.region"() ({
      %run_scoped3A = tpu.sem_alloc : memref<!tpu.dma_semaphore, #tpu.memory_space<semaphore_mem>>
      %dma_start3A_317 = arith.constant 120 : i32
      %dma_start3A_318 = arith.constant 0 : i32
      %dma_start3A_319 = tpu.memref_slice %arg3[%add3A, %dma_start3A_317, %dma_start3A_318] : memref<32x160x64xi32, #tpu.memory_space<hbm>> -> memref<1x40x64xi32, #tpu.memory_space<hbm>>
      %dma_start3A_320 = tpu.memref_squeeze %dma_start3A_319 : memref<1x40x64xi32, #tpu.memory_space<hbm>> -> memref<40x64xi32, #tpu.memory_space<hbm>>
      %dma_start3A_321 = arith.constant 120 : i32
      %dma_start3A_322 = arith.constant 0 : i32
      %dma_start3A_323 = tpu.memref_slice %arg3[%add3A, %dma_start3A_321, %dma_start3A_322] : memref<32x160x64xi32, #tpu.memory_space<hbm>> -> memref<1x40x64xi32, #tpu.memory_space<hbm>>
      %dma_start3A_324 = tpu.memref_squeeze %dma_start3A_323 : memref<1x40x64xi32, #tpu.memory_space<hbm>> -> memref<40x64xi32, #tpu.memory_space<hbm>>
      tpu.enqueue_dma source(%dma_start3A_324 : memref<40x64xi32, #tpu.memory_space<hbm>>) target(%arg7 : memref<40x64xi32, #tpu.memory_space<vmem>>) target_semaphore(%run_scoped3A : memref<!tpu.dma_semaphore, #tpu.memory_space<semaphore_mem>>)
      %dma_wait3A_325 = arith.constant 120 : i32
      %dma_wait3A_326 = arith.constant 0 : i32
      %dma_wait3A_327 = tpu.memref_slice %arg3[%add3A, %dma_wait3A_325, %dma_wait3A_326] : memref<32x160x64xi32, #tpu.memory_space<hbm>> -> memref<1x40x64xi32, #tpu.memory_space<hbm>>
      %dma_wait3A_328 = tpu.memref_squeeze %dma_wait3A_327 : memref<1x40x64xi32, #tpu.memory_space<hbm>> -> memref<40x64xi32, #tpu.memory_space<hbm>>
      %dma_wait3A_329 = arith.constant 120 : i32
      %dma_wait3A_330 = arith.constant 0 : i32
      %dma_wait3A_331 = tpu.memref_slice %arg3[%add3A, %dma_wait3A_329, %dma_wait3A_330] : memref<32x160x64xi32, #tpu.memory_space<hbm>> -> memref<1x40x64xi32, #tpu.memory_space<hbm>>
      %dma_wait3A_332 = tpu.memref_squeeze %dma_wait3A_331 : memref<1x40x64xi32, #tpu.memory_space<hbm>> -> memref<40x64xi32, #tpu.memory_space<hbm>>
      tpu.wait_dma2 semaphore(%run_scoped3A : memref<!tpu.dma_semaphore, #tpu.memory_space<semaphore_mem>>) src(%dma_wait3A_332 : memref<40x64xi32, #tpu.memory_space<hbm>>) dst(%arg7 : memref<40x64xi32, #tpu.memory_space<vmem>>)
      tpu.yield
    }) : () -> ()
    "tpu.region"() ({
      %run_scoped3A = tpu.sem_alloc : memref<!tpu.dma_semaphore, #tpu.memory_space<semaphore_mem>>
      %dma_start3A_317 = arith.constant 120 : i32
      %dma_start3A_318 = arith.constant 0 : i32
      %dma_start3A_319 = tpu.memref_slice %arg4[%add3A, %dma_start3A_317, %dma_start3A_318] : memref<32x160x64xi32, #tpu.memory_space<hbm>> -> memref<1x40x64xi32, #tpu.memory_space<hbm>>
      %dma_start3A_320 = tpu.memref_squeeze %dma_start3A_319 : memref<1x40x64xi32, #tpu.memory_space<hbm>> -> memref<40x64xi32, #tpu.memory_space<hbm>>
      %dma_start3A_321 = arith.constant 120 : i32
      %dma_start3A_322 = arith.constant 0 : i32
      %dma_start3A_323 = tpu.memref_slice %arg4[%add3A, %dma_start3A_321, %dma_start3A_322] : memref<32x160x64xi32, #tpu.memory_space<hbm>> -> memref<1x40x64xi32, #tpu.memory_space<hbm>>
      %dma_start3A_324 = tpu.memref_squeeze %dma_start3A_323 : memref<1x40x64xi32, #tpu.memory_space<hbm>> -> memref<40x64xi32, #tpu.memory_space<hbm>>
      tpu.enqueue_dma source(%dma_start3A_324 : memref<40x64xi32, #tpu.memory_space<hbm>>) target(%arg8 : memref<40x64xi32, #tpu.memory_space<vmem>>) target_semaphore(%run_scoped3A : memref<!tpu.dma_semaphore, #tpu.memory_space<semaphore_mem>>)
      %dma_wait3A_325 = arith.constant 120 : i32
      %dma_wait3A_326 = arith.constant 0 : i32
      %dma_wait3A_327 = tpu.memref_slice %arg4[%add3A, %dma_wait3A_325, %dma_wait3A_326] : memref<32x160x64xi32, #tpu.memory_space<hbm>> -> memref<1x40x64xi32, #tpu.memory_space<hbm>>
      %dma_wait3A_328 = tpu.memref_squeeze %dma_wait3A_327 : memref<1x40x64xi32, #tpu.memory_space<hbm>> -> memref<40x64xi32, #tpu.memory_space<hbm>>
      %dma_wait3A_329 = arith.constant 120 : i32
      %dma_wait3A_330 = arith.constant 0 : i32
      %dma_wait3A_331 = tpu.memref_slice %arg4[%add3A, %dma_wait3A_329, %dma_wait3A_330] : memref<32x160x64xi32, #tpu.memory_space<hbm>> -> memref<1x40x64xi32, #tpu.memory_space<hbm>>
      %dma_wait3A_332 = tpu.memref_squeeze %dma_wait3A_331 : memref<1x40x64xi32, #tpu.memory_space<hbm>> -> memref<40x64xi32, #tpu.memory_space<hbm>>
      tpu.wait_dma2 semaphore(%run_scoped3A : memref<!tpu.dma_semaphore, #tpu.memory_space<semaphore_mem>>) src(%dma_wait3A_332 : memref<40x64xi32, #tpu.memory_space<hbm>>) dst(%arg8 : memref<40x64xi32, #tpu.memory_space<vmem>>)
      tpu.yield
    }) : () -> ()
    %dma_start3A_234 = arith.constant 0 : i32
    %dma_start3A_235 = arith.constant 0 : i32
    %dma_start3A_236 = arith.constant 0 : i32
    %dma_start3A_237 = arith.constant 0 : i32
    %dma_start3A_238 = tpu.memref_slice %arg9[%dma_start3A_235, %dma_start3A_236, %dma_start3A_237] : memref<2x64x128xf32, #tpu.memory_space<vmem>> -> memref<1x64x128xf32, #tpu.memory_space<vmem>>
    %dma_start3A_239 = tpu.memref_squeeze %dma_start3A_238 : memref<1x64x128xf32, #tpu.memory_space<vmem>> -> memref<64x128xf32, #tpu.memory_space<vmem>>
    %dma_start3A_240 = arith.constant 0 : i32
    %dma_start3A_241 = tpu.memref_slice %arg7[%dma_start3A_234, %dma_start3A_240] : memref<40x64xi32, #tpu.memory_space<vmem>> -> memref<1x64xi32, #tpu.memory_space<vmem>>
    %dma_start3A_242 = tpu.memref_squeeze %dma_start3A_241 : memref<1x64xi32, #tpu.memory_space<vmem>> -> memref<64xi32, #tpu.memory_space<vmem>>
    %dma_start3A_243 = arith.constant 0 : i32
    %dma_start3A_244 = arith.constant 0 : i32
    %dma_start3A_245 = tpu.memref_slice %arg2[%dma_start3A_243, %dma_start3A_244] : memref<10240x128xf32, #tpu.memory_space<hbm>> -> memref<10240x128xf32, #tpu.memory_space<hbm>>
    tpu.enqueue_indirect_dma source(%dma_start3A_245 : memref<10240x128xf32, #tpu.memory_space<hbm>>) target(%dma_start3A_239 : memref<64x128xf32, #tpu.memory_space<vmem>>) offsets(%dma_start3A_242 : memref<64xi32, #tpu.memory_space<vmem>>) semaphore(%arg12 : memref<!tpu.dma_semaphore, #tpu.memory_space<semaphore_mem>>)
    %dma_start3A_246 = arith.constant 1 : i32
    %dma_start3A_247 = arith.constant 1 : i32
    %dma_start3A_248 = arith.constant 0 : i32
    %dma_start3A_249 = arith.constant 0 : i32
    %dma_start3A_250 = tpu.memref_slice %arg9[%dma_start3A_247, %dma_start3A_248, %dma_start3A_249] : memref<2x64x128xf32, #tpu.memory_space<vmem>> -> memref<1x64x128xf32, #tpu.memory_space<vmem>>
    %dma_start3A_251 = tpu.memref_squeeze %dma_start3A_250 : memref<1x64x128xf32, #tpu.memory_space<vmem>> -> memref<64x128xf32, #tpu.memory_space<vmem>>
    %dma_start3A_252 = arith.constant 0 : i32
    %dma_start3A_253 = tpu.memref_slice %arg7[%dma_start3A_246, %dma_start3A_252] : memref<40x64xi32, #tpu.memory_space<vmem>> -> memref<1x64xi32, #tpu.memory_space<vmem>>
    %dma_start3A_254 = tpu.memref_squeeze %dma_start3A_253 : memref<1x64xi32, #tpu.memory_space<vmem>> -> memref<64xi32, #tpu.memory_space<vmem>>
    %dma_start3A_255 = arith.constant 0 : i32
    %dma_start3A_256 = arith.constant 0 : i32
    %dma_start3A_257 = tpu.memref_slice %arg2[%dma_start3A_255, %dma_start3A_256] : memref<10240x128xf32, #tpu.memory_space<hbm>> -> memref<10240x128xf32, #tpu.memory_space<hbm>>
    tpu.enqueue_indirect_dma source(%dma_start3A_257 : memref<10240x128xf32, #tpu.memory_space<hbm>>) target(%dma_start3A_251 : memref<64x128xf32, #tpu.memory_space<vmem>>) offsets(%dma_start3A_254 : memref<64xi32, #tpu.memory_space<vmem>>) semaphore(%arg12 : memref<!tpu.dma_semaphore, #tpu.memory_space<semaphore_mem>>)
    %scan3A_258 = arith.constant 0 : i32
    %scan3A_259 = arith.constant 0 : i32
    %scan3A_260 = arith.constant 10 : i32
    %scan3A_261 = arith.addi %scan3A_259, %scan3A_260 : i32
    %scan3A_262 = arith.constant 1 : i32
    scf.for %scan3A_317 = %scan3A_259 to %scan3A_261 step %scan3A_262  : i32 {
      %mul3A_318 = arith.constant 4 : i32
      %mul3A_319 = arith.muli %mul3A_318, %scan3A_317 : i32
      %add3A_320 = arith.constant 2 : i32
      %add3A_321 = arith.addi %mul3A_319, %add3A_320 : i32
      %dma_wait3A_322 = arith.constant 0 : i32
      %dma_wait3A_323 = arith.constant 0 : i32
      %dma_wait3A_324 = arith.constant 0 : i32
      %dma_wait3A_325 = arith.constant 0 : i32
      %dma_wait3A_326 = tpu.memref_slice %arg9[%dma_wait3A_323, %dma_wait3A_324, %dma_wait3A_325] : memref<2x64x128xf32, #tpu.memory_space<vmem>> -> memref<1x64x128xf32, #tpu.memory_space<vmem>>
      %dma_wait3A_327 = tpu.memref_squeeze %dma_wait3A_326 : memref<1x64x128xf32, #tpu.memory_space<vmem>> -> memref<64x128xf32, #tpu.memory_space<vmem>>
      %dma_wait3A_328 = arith.constant 0 : i32
      %dma_wait3A_329 = tpu.memref_slice %arg7[%dma_wait3A_322, %dma_wait3A_328] : memref<40x64xi32, #tpu.memory_space<vmem>> -> memref<1x64xi32, #tpu.memory_space<vmem>>
      %dma_wait3A_330 = tpu.memref_squeeze %dma_wait3A_329 : memref<1x64xi32, #tpu.memory_space<vmem>> -> memref<64xi32, #tpu.memory_space<vmem>>
      %dma_wait3A_331 = arith.constant 0 : i32
      %dma_wait3A_332 = arith.constant 0 : i32
      %dma_wait3A_333 = tpu.memref_slice %arg2[%dma_wait3A_331, %dma_wait3A_332] : memref<10240x128xf32, #tpu.memory_space<hbm>> -> memref<10240x128xf32, #tpu.memory_space<hbm>>
      tpu.wait_indirect_dma semaphore(%arg12 : memref<!tpu.dma_semaphore, #tpu.memory_space<semaphore_mem>>) src(%dma_wait3A_333 : memref<10240x128xf32, #tpu.memory_space<hbm>>) dst(%dma_wait3A_327 : memref<64x128xf32, #tpu.memory_space<vmem>>)
      %dma_wait3A_334 = arith.constant 0 : i32
      %dma_wait3A_335 = arith.constant 1 : i32
      %dma_wait3A_336 = arith.constant 0 : i32
      %dma_wait3A_337 = arith.constant 0 : i32
      %dma_wait3A_338 = tpu.memref_slice %arg9[%dma_wait3A_335, %dma_wait3A_336, %dma_wait3A_337] : memref<2x64x128xf32, #tpu.memory_space<vmem>> -> memref<1x64x128xf32, #tpu.memory_space<vmem>>
      %dma_wait3A_339 = tpu.memref_squeeze %dma_wait3A_338 : memref<1x64x128xf32, #tpu.memory_space<vmem>> -> memref<64x128xf32, #tpu.memory_space<vmem>>
      %dma_wait3A_340 = arith.constant 0 : i32
      %dma_wait3A_341 = tpu.memref_slice %arg7[%dma_wait3A_334, %dma_wait3A_340] : memref<40x64xi32, #tpu.memory_space<vmem>> -> memref<1x64xi32, #tpu.memory_space<vmem>>
      %dma_wait3A_342 = tpu.memref_squeeze %dma_wait3A_341 : memref<1x64xi32, #tpu.memory_space<vmem>> -> memref<64xi32, #tpu.memory_space<vmem>>
      %dma_wait3A_343 = arith.constant 0 : i32
      %dma_wait3A_344 = arith.constant 0 : i32
      %dma_wait3A_345 = tpu.memref_slice %arg2[%dma_wait3A_343, %dma_wait3A_344] : memref<10240x128xf32, #tpu.memory_space<hbm>> -> memref<10240x128xf32, #tpu.memory_space<hbm>>
      tpu.wait_indirect_dma semaphore(%arg12 : memref<!tpu.dma_semaphore, #tpu.memory_space<semaphore_mem>>) src(%dma_wait3A_345 : memref<10240x128xf32, #tpu.memory_space<hbm>>) dst(%dma_wait3A_339 : memref<64x128xf32, #tpu.memory_space<vmem>>)
      %gt3A = arith.constant 0 : i32
      %gt3A_346 = arith.cmpi sgt, %scan3A_317, %gt3A : i32
      %convert_element_type3A = arith.extui %gt3A_346 : i1 to i32
      %cond3A = arith.constant 0 : i32
      %cond3A_347 = arith.cmpi ne, %convert_element_type3A, %cond3A : i32
      scf.if %cond3A_347 {
        %dma_wait3A_454 = arith.constant 0 : i32
        %dma_wait3A_455 = arith.constant 0 : i32
        %dma_wait3A_456 = arith.constant 0 : i32
        %dma_wait3A_457 = arith.constant 0 : i32
        %dma_wait3A_458 = tpu.memref_slice %arg10[%dma_wait3A_454, %dma_wait3A_456, %dma_wait3A_457] : memref<2x64x128xf32, #tpu.memory_space<vmem>> -> memref<1x64x128xf32, #tpu.memory_space<vmem>>
        %dma_wait3A_459 = tpu.memref_squeeze %dma_wait3A_458 : memref<1x64x128xf32, #tpu.memory_space<vmem>> -> memref<64x128xf32, #tpu.memory_space<vmem>>
        %dma_wait3A_460 = arith.constant 0 : i32
        %dma_wait3A_461 = tpu.memref_slice %arg8[%dma_wait3A_455, %dma_wait3A_460] : memref<40x64xi32, #tpu.memory_space<vmem>> -> memref<1x64xi32, #tpu.memory_space<vmem>>
        %dma_wait3A_462 = tpu.memref_squeeze %dma_wait3A_461 : memref<1x64xi32, #tpu.memory_space<vmem>> -> memref<64xi32, #tpu.memory_space<vmem>>
        %dma_wait3A_463 = arith.constant 0 : i32
        %dma_wait3A_464 = arith.constant 0 : i32
        %dma_wait3A_465 = tpu.memref_slice %arg11[%dma_wait3A_463, %dma_wait3A_464] : memref<10240x128xf32, #tpu.memory_space<vmem_shared>> -> memref<10240x128xf32, #tpu.memory_space<vmem_shared>>
        tpu.wait_indirect_dma semaphore(%arg15 : memref<!tpu.dma_semaphore, #tpu.memory_space<semaphore_mem>>) src(%dma_wait3A_459 : memref<64x128xf32, #tpu.memory_space<vmem>>) dst(%dma_wait3A_465 : memref<10240x128xf32, #tpu.memory_space<vmem_shared>>)
        %dma_wait3A_466 = arith.constant 1 : i32
        %dma_wait3A_467 = arith.constant 0 : i32
        %dma_wait3A_468 = arith.constant 0 : i32
        %dma_wait3A_469 = arith.constant 0 : i32
        %dma_wait3A_470 = tpu.memref_slice %arg10[%dma_wait3A_466, %dma_wait3A_468, %dma_wait3A_469] : memref<2x64x128xf32, #tpu.memory_space<vmem>> -> memref<1x64x128xf32, #tpu.memory_space<vmem>>
        %dma_wait3A_471 = tpu.memref_squeeze %dma_wait3A_470 : memref<1x64x128xf32, #tpu.memory_space<vmem>> -> memref<64x128xf32, #tpu.memory_space<vmem>>
        %dma_wait3A_472 = arith.constant 0 : i32
        %dma_wait3A_473 = tpu.memref_slice %arg8[%dma_wait3A_467, %dma_wait3A_472] : memref<40x64xi32, #tpu.memory_space<vmem>> -> memref<1x64xi32, #tpu.memory_space<vmem>>
        %dma_wait3A_474 = tpu.memref_squeeze %dma_wait3A_473 : memref<1x64xi32, #tpu.memory_space<vmem>> -> memref<64xi32, #tpu.memory_space<vmem>>
        %dma_wait3A_475 = arith.constant 0 : i32
        %dma_wait3A_476 = arith.constant 0 : i32
        %dma_wait3A_477 = tpu.memref_slice %arg11[%dma_wait3A_475, %dma_wait3A_476] : memref<10240x128xf32, #tpu.memory_space<vmem_shared>> -> memref<10240x128xf32, #tpu.memory_space<vmem_shared>>
        tpu.wait_indirect_dma semaphore(%arg15 : memref<!tpu.dma_semaphore, #tpu.memory_space<semaphore_mem>>) src(%dma_wait3A_471 : memref<64x128xf32, #tpu.memory_space<vmem>>) dst(%dma_wait3A_477 : memref<10240x128xf32, #tpu.memory_space<vmem_shared>>)
      } else {
      }
      %add3A_348 = arith.constant 0 : i32
      %add3A_349 = arith.addi %add3A_321, %add3A_348 : i32
      %dma_start3A_350 = arith.constant 0 : i32
      %dma_start3A_351 = arith.constant 0 : i32
      %dma_start3A_352 = arith.constant 0 : i32
      %dma_start3A_353 = tpu.memref_slice %arg10[%dma_start3A_350, %dma_start3A_351, %dma_start3A_352] : memref<2x64x128xf32, #tpu.memory_space<vmem>> -> memref<1x64x128xf32, #tpu.memory_space<vmem>>
      %dma_start3A_354 = tpu.memref_squeeze %dma_start3A_353 : memref<1x64x128xf32, #tpu.memory_space<vmem>> -> memref<64x128xf32, #tpu.memory_space<vmem>>
      %dma_start3A_355 = arith.constant 0 : i32
      %dma_start3A_356 = tpu.memref_slice %arg7[%add3A_349, %dma_start3A_355] : memref<40x64xi32, #tpu.memory_space<vmem>> -> memref<1x64xi32, #tpu.memory_space<vmem>>
      %dma_start3A_357 = tpu.memref_squeeze %dma_start3A_356 : memref<1x64xi32, #tpu.memory_space<vmem>> -> memref<64xi32, #tpu.memory_space<vmem>>
      %dma_start3A_358 = arith.constant 0 : i32
      %dma_start3A_359 = arith.constant 0 : i32
      %dma_start3A_360 = tpu.memref_slice %arg2[%dma_start3A_358, %dma_start3A_359] : memref<10240x128xf32, #tpu.memory_space<hbm>> -> memref<10240x128xf32, #tpu.memory_space<hbm>>
      tpu.enqueue_indirect_dma source(%dma_start3A_360 : memref<10240x128xf32, #tpu.memory_space<hbm>>) target(%dma_start3A_354 : memref<64x128xf32, #tpu.memory_space<vmem>>) offsets(%dma_start3A_357 : memref<64xi32, #tpu.memory_space<vmem>>) semaphore(%arg13 : memref<!tpu.dma_semaphore, #tpu.memory_space<semaphore_mem>>)
      %add3A_361 = arith.constant 1 : i32
      %add3A_362 = arith.addi %add3A_321, %add3A_361 : i32
      %dma_start3A_363 = arith.constant 1 : i32
      %dma_start3A_364 = arith.constant 0 : i32
      %dma_start3A_365 = arith.constant 0 : i32
      %dma_start3A_366 = tpu.memref_slice %arg10[%dma_start3A_363, %dma_start3A_364, %dma_start3A_365] : memref<2x64x128xf32, #tpu.memory_space<vmem>> -> memref<1x64x128xf32, #tpu.memory_space<vmem>>
      %dma_start3A_367 = tpu.memref_squeeze %dma_start3A_366 : memref<1x64x128xf32, #tpu.memory_space<vmem>> -> memref<64x128xf32, #tpu.memory_space<vmem>>
      %dma_start3A_368 = arith.constant 0 : i32
      %dma_start3A_369 = tpu.memref_slice %arg7[%add3A_362, %dma_start3A_368] : memref<40x64xi32, #tpu.memory_space<vmem>> -> memref<1x64xi32, #tpu.memory_space<vmem>>
      %dma_start3A_370 = tpu.memref_squeeze %dma_start3A_369 : memref<1x64xi32, #tpu.memory_space<vmem>> -> memref<64xi32, #tpu.memory_space<vmem>>
      %dma_start3A_371 = arith.constant 0 : i32
      %dma_start3A_372 = arith.constant 0 : i32
      %dma_start3A_373 = tpu.memref_slice %arg2[%dma_start3A_371, %dma_start3A_372] : memref<10240x128xf32, #tpu.memory_space<hbm>> -> memref<10240x128xf32, #tpu.memory_space<hbm>>
      tpu.enqueue_indirect_dma source(%dma_start3A_373 : memref<10240x128xf32, #tpu.memory_space<hbm>>) target(%dma_start3A_367 : memref<64x128xf32, #tpu.memory_space<vmem>>) offsets(%dma_start3A_370 : memref<64xi32, #tpu.memory_space<vmem>>) semaphore(%arg13 : memref<!tpu.dma_semaphore, #tpu.memory_space<semaphore_mem>>)
      %add3A_374 = arith.constant 0 : i32
      %add3A_375 = arith.addi %mul3A_319, %add3A_374 : i32
      %dma_start3A_376 = arith.constant 0 : i32
      %dma_start3A_377 = arith.constant 0 : i32
      %dma_start3A_378 = arith.constant 0 : i32
      %dma_start3A_379 = tpu.memref_slice %arg9[%dma_start3A_376, %dma_start3A_377, %dma_start3A_378] : memref<2x64x128xf32, #tpu.memory_space<vmem>> -> memref<1x64x128xf32, #tpu.memory_space<vmem>>
      %dma_start3A_380 = tpu.memref_squeeze %dma_start3A_379 : memref<1x64x128xf32, #tpu.memory_space<vmem>> -> memref<64x128xf32, #tpu.memory_space<vmem>>
      %dma_start3A_381 = arith.constant 0 : i32
      %dma_start3A_382 = tpu.memref_slice %arg8[%add3A_375, %dma_start3A_381] : memref<40x64xi32, #tpu.memory_space<vmem>> -> memref<1x64xi32, #tpu.memory_space<vmem>>
      %dma_start3A_383 = tpu.memref_squeeze %dma_start3A_382 : memref<1x64xi32, #tpu.memory_space<vmem>> -> memref<64xi32, #tpu.memory_space<vmem>>
      %dma_start3A_384 = arith.constant 0 : i32
      %dma_start3A_385 = arith.constant 0 : i32
      %dma_start3A_386 = tpu.memref_slice %arg11[%dma_start3A_384, %dma_start3A_385] : memref<10240x128xf32, #tpu.memory_space<vmem_shared>> -> memref<10240x128xf32, #tpu.memory_space<vmem_shared>>
      tpu.enqueue_indirect_dma source(%dma_start3A_380 : memref<64x128xf32, #tpu.memory_space<vmem>>) target(%dma_start3A_386 : memref<10240x128xf32, #tpu.memory_space<vmem_shared>>) offsets(%dma_start3A_383 : memref<64xi32, #tpu.memory_space<vmem>>) semaphore(%arg14 : memref<!tpu.dma_semaphore, #tpu.memory_space<semaphore_mem>>) {add = true}
      %add3A_387 = arith.constant 1 : i32
      %add3A_388 = arith.addi %mul3A_319, %add3A_387 : i32
      %dma_start3A_389 = arith.constant 1 : i32
      %dma_start3A_390 = arith.constant 0 : i32
      %dma_start3A_391 = arith.constant 0 : i32
      %dma_start3A_392 = tpu.memref_slice %arg9[%dma_start3A_389, %dma_start3A_390, %dma_start3A_391] : memref<2x64x128xf32, #tpu.memory_space<vmem>> -> memref<1x64x128xf32, #tpu.memory_space<vmem>>
      %dma_start3A_393 = tpu.memref_squeeze %dma_start3A_392 : memref<1x64x128xf32, #tpu.memory_space<vmem>> -> memref<64x128xf32, #tpu.memory_space<vmem>>
      %dma_start3A_394 = arith.constant 0 : i32
      %dma_start3A_395 = tpu.memref_slice %arg8[%add3A_388, %dma_start3A_394] : memref<40x64xi32, #tpu.memory_space<vmem>> -> memref<1x64xi32, #tpu.memory_space<vmem>>
      %dma_start3A_396 = tpu.memref_squeeze %dma_start3A_395 : memref<1x64xi32, #tpu.memory_space<vmem>> -> memref<64xi32, #tpu.memory_space<vmem>>
      %dma_start3A_397 = arith.constant 0 : i32
      %dma_start3A_398 = arith.constant 0 : i32
      %dma_start3A_399 = tpu.memref_slice %arg11[%dma_start3A_397, %dma_start3A_398] : memref<10240x128xf32, #tpu.memory_space<vmem_shared>> -> memref<10240x128xf32, #tpu.memory_space<vmem_shared>>
      tpu.enqueue_indirect_dma source(%dma_start3A_393 : memref<64x128xf32, #tpu.memory_space<vmem>>) target(%dma_start3A_399 : memref<10240x128xf32, #tpu.memory_space<vmem_shared>>) offsets(%dma_start3A_396 : memref<64xi32, #tpu.memory_space<vmem>>) semaphore(%arg14 : memref<!tpu.dma_semaphore, #tpu.memory_space<semaphore_mem>>) {add = true}
      %dma_wait3A_400 = arith.constant 0 : i32
      %dma_wait3A_401 = arith.constant 0 : i32
      %dma_wait3A_402 = arith.constant 0 : i32
      %dma_wait3A_403 = arith.constant 0 : i32
      %dma_wait3A_404 = tpu.memref_slice %arg10[%dma_wait3A_401, %dma_wait3A_402, %dma_wait3A_403] : memref<2x64x128xf32, #tpu.memory_space<vmem>> -> memref<1x64x128xf32, #tpu.memory_space<vmem>>
      %dma_wait3A_405 = tpu.memref_squeeze %dma_wait3A_404 : memref<1x64x128xf32, #tpu.memory_space<vmem>> -> memref<64x128xf32, #tpu.memory_space<vmem>>
      %dma_wait3A_406 = arith.constant 0 : i32
      %dma_wait3A_407 = tpu.memref_slice %arg7[%dma_wait3A_400, %dma_wait3A_406] : memref<40x64xi32, #tpu.memory_space<vmem>> -> memref<1x64xi32, #tpu.memory_space<vmem>>
      %dma_wait3A_408 = tpu.memref_squeeze %dma_wait3A_407 : memref<1x64xi32, #tpu.memory_space<vmem>> -> memref<64xi32, #tpu.memory_space<vmem>>
      %dma_wait3A_409 = arith.constant 0 : i32
      %dma_wait3A_410 = arith.constant 0 : i32
      %dma_wait3A_411 = tpu.memref_slice %arg2[%dma_wait3A_409, %dma_wait3A_410] : memref<10240x128xf32, #tpu.memory_space<hbm>> -> memref<10240x128xf32, #tpu.memory_space<hbm>>
      tpu.wait_indirect_dma semaphore(%arg13 : memref<!tpu.dma_semaphore, #tpu.memory_space<semaphore_mem>>) src(%dma_wait3A_411 : memref<10240x128xf32, #tpu.memory_space<hbm>>) dst(%dma_wait3A_405 : memref<64x128xf32, #tpu.memory_space<vmem>>)
      %dma_wait3A_412 = arith.constant 0 : i32
      %dma_wait3A_413 = arith.constant 1 : i32
      %dma_wait3A_414 = arith.constant 0 : i32
      %dma_wait3A_415 = arith.constant 0 : i32
      %dma_wait3A_416 = tpu.memref_slice %arg10[%dma_wait3A_413, %dma_wait3A_414, %dma_wait3A_415] : memref<2x64x128xf32, #tpu.memory_space<vmem>> -> memref<1x64x128xf32, #tpu.memory_space<vmem>>
      %dma_wait3A_417 = tpu.memref_squeeze %dma_wait3A_416 : memref<1x64x128xf32, #tpu.memory_space<vmem>> -> memref<64x128xf32, #tpu.memory_space<vmem>>
      %dma_wait3A_418 = arith.constant 0 : i32
      %dma_wait3A_419 = tpu.memref_slice %arg7[%dma_wait3A_412, %dma_wait3A_418] : memref<40x64xi32, #tpu.memory_space<vmem>> -> memref<1x64xi32, #tpu.memory_space<vmem>>
      %dma_wait3A_420 = tpu.memref_squeeze %dma_wait3A_419 : memref<1x64xi32, #tpu.memory_space<vmem>> -> memref<64xi32, #tpu.memory_space<vmem>>
      %dma_wait3A_421 = arith.constant 0 : i32
      %dma_wait3A_422 = arith.constant 0 : i32
      %dma_wait3A_423 = tpu.memref_slice %arg2[%dma_wait3A_421, %dma_wait3A_422] : memref<10240x128xf32, #tpu.memory_space<hbm>> -> memref<10240x128xf32, #tpu.memory_space<hbm>>
      tpu.wait_indirect_dma semaphore(%arg13 : memref<!tpu.dma_semaphore, #tpu.memory_space<semaphore_mem>>) src(%dma_wait3A_423 : memref<10240x128xf32, #tpu.memory_space<hbm>>) dst(%dma_wait3A_417 : memref<64x128xf32, #tpu.memory_space<vmem>>)
      %lt3A = arith.constant 9 : i32
      %lt3A_424 = arith.cmpi slt, %scan3A_317, %lt3A : i32
      %convert_element_type3A_425 = arith.extui %lt3A_424 : i1 to i32
      %cond3A_426 = arith.constant 0 : i32
      %cond3A_427 = arith.cmpi ne, %convert_element_type3A_425, %cond3A_426 : i32
      scf.if %cond3A_427 {
        %dma_wait3A_454 = arith.constant 0 : i32
        %dma_wait3A_455 = arith.constant 0 : i32
        %dma_wait3A_456 = arith.constant 0 : i32
        %dma_wait3A_457 = arith.constant 0 : i32
        %dma_wait3A_458 = tpu.memref_slice %arg9[%dma_wait3A_454, %dma_wait3A_456, %dma_wait3A_457] : memref<2x64x128xf32, #tpu.memory_space<vmem>> -> memref<1x64x128xf32, #tpu.memory_space<vmem>>
        %dma_wait3A_459 = tpu.memref_squeeze %dma_wait3A_458 : memref<1x64x128xf32, #tpu.memory_space<vmem>> -> memref<64x128xf32, #tpu.memory_space<vmem>>
        %dma_wait3A_460 = arith.constant 0 : i32
        %dma_wait3A_461 = tpu.memref_slice %arg8[%dma_wait3A_455, %dma_wait3A_460] : memref<40x64xi32, #tpu.memory_space<vmem>> -> memref<1x64xi32, #tpu.memory_space<vmem>>
        %dma_wait3A_462 = tpu.memref_squeeze %dma_wait3A_461 : memref<1x64xi32, #tpu.memory_space<vmem>> -> memref<64xi32, #tpu.memory_space<vmem>>
        %dma_wait3A_463 = arith.constant 0 : i32
        %dma_wait3A_464 = arith.constant 0 : i32
        %dma_wait3A_465 = tpu.memref_slice %arg11[%dma_wait3A_463, %dma_wait3A_464] : memref<10240x128xf32, #tpu.memory_space<vmem_shared>> -> memref<10240x128xf32, #tpu.memory_space<vmem_shared>>
        tpu.wait_indirect_dma semaphore(%arg14 : memref<!tpu.dma_semaphore, #tpu.memory_space<semaphore_mem>>) src(%dma_wait3A_459 : memref<64x128xf32, #tpu.memory_space<vmem>>) dst(%dma_wait3A_465 : memref<10240x128xf32, #tpu.memory_space<vmem_shared>>)
        %dma_wait3A_466 = arith.constant 1 : i32
        %dma_wait3A_467 = arith.constant 0 : i32
        %dma_wait3A_468 = arith.constant 0 : i32
        %dma_wait3A_469 = arith.constant 0 : i32
        %dma_wait3A_470 = tpu.memref_slice %arg9[%dma_wait3A_466, %dma_wait3A_468, %dma_wait3A_469] : memref<2x64x128xf32, #tpu.memory_space<vmem>> -> memref<1x64x128xf32, #tpu.memory_space<vmem>>
        %dma_wait3A_471 = tpu.memref_squeeze %dma_wait3A_470 : memref<1x64x128xf32, #tpu.memory_space<vmem>> -> memref<64x128xf32, #tpu.memory_space<vmem>>
        %dma_wait3A_472 = arith.constant 0 : i32
        %dma_wait3A_473 = tpu.memref_slice %arg8[%dma_wait3A_467, %dma_wait3A_472] : memref<40x64xi32, #tpu.memory_space<vmem>> -> memref<1x64xi32, #tpu.memory_space<vmem>>
        %dma_wait3A_474 = tpu.memref_squeeze %dma_wait3A_473 : memref<1x64xi32, #tpu.memory_space<vmem>> -> memref<64xi32, #tpu.memory_space<vmem>>
        %dma_wait3A_475 = arith.constant 0 : i32
        %dma_wait3A_476 = arith.constant 0 : i32
        %dma_wait3A_477 = tpu.memref_slice %arg11[%dma_wait3A_475, %dma_wait3A_476] : memref<10240x128xf32, #tpu.memory_space<vmem_shared>> -> memref<10240x128xf32, #tpu.memory_space<vmem_shared>>
        tpu.wait_indirect_dma semaphore(%arg14 : memref<!tpu.dma_semaphore, #tpu.memory_space<semaphore_mem>>) src(%dma_wait3A_471 : memref<64x128xf32, #tpu.memory_space<vmem>>) dst(%dma_wait3A_477 : memref<10240x128xf32, #tpu.memory_space<vmem_shared>>)
        %add3A_478 = arith.constant 4 : i32
        %add3A_479 = arith.addi %mul3A_319, %add3A_478 : i32
        %add3A_480 = arith.constant 0 : i32
        %add3A_481 = arith.addi %add3A_479, %add3A_480 : i32
        %dma_start3A_482 = arith.constant 0 : i32
        %dma_start3A_483 = arith.constant 0 : i32
        %dma_start3A_484 = arith.constant 0 : i32
        %dma_start3A_485 = tpu.memref_slice %arg9[%dma_start3A_482, %dma_start3A_483, %dma_start3A_484] : memref<2x64x128xf32, #tpu.memory_space<vmem>> -> memref<1x64x128xf32, #tpu.memory_space<vmem>>
        %dma_start3A_486 = tpu.memref_squeeze %dma_start3A_485 : memref<1x64x128xf32, #tpu.memory_space<vmem>> -> memref<64x128xf32, #tpu.memory_space<vmem>>
        %dma_start3A_487 = arith.constant 0 : i32
        %dma_start3A_488 = tpu.memref_slice %arg7[%add3A_481, %dma_start3A_487] : memref<40x64xi32, #tpu.memory_space<vmem>> -> memref<1x64xi32, #tpu.memory_space<vmem>>
        %dma_start3A_489 = tpu.memref_squeeze %dma_start3A_488 : memref<1x64xi32, #tpu.memory_space<vmem>> -> memref<64xi32, #tpu.memory_space<vmem>>
        %dma_start3A_490 = arith.constant 0 : i32
        %dma_start3A_491 = arith.constant 0 : i32
        %dma_start3A_492 = tpu.memref_slice %arg2[%dma_start3A_490, %dma_start3A_491] : memref<10240x128xf32, #tpu.memory_space<hbm>> -> memref<10240x128xf32, #tpu.memory_space<hbm>>
        tpu.enqueue_indirect_dma source(%dma_start3A_492 : memref<10240x128xf32, #tpu.memory_space<hbm>>) target(%dma_start3A_486 : memref<64x128xf32, #tpu.memory_space<vmem>>) offsets(%dma_start3A_489 : memref<64xi32, #tpu.memory_space<vmem>>) semaphore(%arg12 : memref<!tpu.dma_semaphore, #tpu.memory_space<semaphore_mem>>)
        %add3A_493 = arith.constant 4 : i32
        %add3A_494 = arith.addi %mul3A_319, %add3A_493 : i32
        %add3A_495 = arith.constant 1 : i32
        %add3A_496 = arith.addi %add3A_494, %add3A_495 : i32
        %dma_start3A_497 = arith.constant 1 : i32
        %dma_start3A_498 = arith.constant 0 : i32
        %dma_start3A_499 = arith.constant 0 : i32
        %dma_start3A_500 = tpu.memref_slice %arg9[%dma_start3A_497, %dma_start3A_498, %dma_start3A_499] : memref<2x64x128xf32, #tpu.memory_space<vmem>> -> memref<1x64x128xf32, #tpu.memory_space<vmem>>
        %dma_start3A_501 = tpu.memref_squeeze %dma_start3A_500 : memref<1x64x128xf32, #tpu.memory_space<vmem>> -> memref<64x128xf32, #tpu.memory_space<vmem>>
        %dma_start3A_502 = arith.constant 0 : i32
        %dma_start3A_503 = tpu.memref_slice %arg7[%add3A_496, %dma_start3A_502] : memref<40x64xi32, #tpu.memory_space<vmem>> -> memref<1x64xi32, #tpu.memory_space<vmem>>
        %dma_start3A_504 = tpu.memref_squeeze %dma_start3A_503 : memref<1x64xi32, #tpu.memory_space<vmem>> -> memref<64xi32, #tpu.memory_space<vmem>>
        %dma_start3A_505 = arith.constant 0 : i32
        %dma_start3A_506 = arith.constant 0 : i32
        %dma_start3A_507 = tpu.memref_slice %arg2[%dma_start3A_505, %dma_start3A_506] : memref<10240x128xf32, #tpu.memory_space<hbm>> -> memref<10240x128xf32, #tpu.memory_space<hbm>>
        tpu.enqueue_indirect_dma source(%dma_start3A_507 : memref<10240x128xf32, #tpu.memory_space<hbm>>) target(%dma_start3A_501 : memref<64x128xf32, #tpu.memory_space<vmem>>) offsets(%dma_start3A_504 : memref<64xi32, #tpu.memory_space<vmem>>) semaphore(%arg12 : memref<!tpu.dma_semaphore, #tpu.memory_space<semaphore_mem>>)
      } else {
      }
      %add3A_428 = arith.constant 0 : i32
      %add3A_429 = arith.addi %add3A_321, %add3A_428 : i32
      %dma_start3A_430 = arith.constant 0 : i32
      %dma_start3A_431 = arith.constant 0 : i32
      %dma_start3A_432 = arith.constant 0 : i32
      %dma_start3A_433 = tpu.memref_slice %arg10[%dma_start3A_430, %dma_start3A_431, %dma_start3A_432] : memref<2x64x128xf32, #tpu.memory_space<vmem>> -> memref<1x64x128xf32, #tpu.memory_space<vmem>>
      %dma_start3A_434 = tpu.memref_squeeze %dma_start3A_433 : memref<1x64x128xf32, #tpu.memory_space<vmem>> -> memref<64x128xf32, #tpu.memory_space<vmem>>
      %dma_start3A_435 = arith.constant 0 : i32
      %dma_start3A_436 = tpu.memref_slice %arg8[%add3A_429, %dma_start3A_435] : memref<40x64xi32, #tpu.memory_space<vmem>> -> memref<1x64xi32, #tpu.memory_space<vmem>>
      %dma_start3A_437 = tpu.memref_squeeze %dma_start3A_436 : memref<1x64xi32, #tpu.memory_space<vmem>> -> memref<64xi32, #tpu.memory_space<vmem>>
      %dma_start3A_438 = arith.constant 0 : i32
      %dma_start3A_439 = arith.constant 0 : i32
      %dma_start3A_440 = tpu.memref_slice %arg11[%dma_start3A_438, %dma_start3A_439] : memref<10240x128xf32, #tpu.memory_space<vmem_shared>> -> memref<10240x128xf32, #tpu.memory_space<vmem_shared>>
      tpu.enqueue_indirect_dma source(%dma_start3A_434 : memref<64x128xf32, #tpu.memory_space<vmem>>) target(%dma_start3A_440 : memref<10240x128xf32, #tpu.memory_space<vmem_shared>>) offsets(%dma_start3A_437 : memref<64xi32, #tpu.memory_space<vmem>>) semaphore(%arg15 : memref<!tpu.dma_semaphore, #tpu.memory_space<semaphore_mem>>) {add = true}
      %add3A_441 = arith.constant 1 : i32
      %add3A_442 = arith.addi %add3A_321, %add3A_441 : i32
      %dma_start3A_443 = arith.constant 1 : i32
      %dma_start3A_444 = arith.constant 0 : i32
      %dma_start3A_445 = arith.constant 0 : i32
      %dma_start3A_446 = tpu.memref_slice %arg10[%dma_start3A_443, %dma_start3A_444, %dma_start3A_445] : memref<2x64x128xf32, #tpu.memory_space<vmem>> -> memref<1x64x128xf32, #tpu.memory_space<vmem>>
      %dma_start3A_447 = tpu.memref_squeeze %dma_start3A_446 : memref<1x64x128xf32, #tpu.memory_space<vmem>> -> memref<64x128xf32, #tpu.memory_space<vmem>>
      %dma_start3A_448 = arith.constant 0 : i32
      %dma_start3A_449 = tpu.memref_slice %arg8[%add3A_442, %dma_start3A_448] : memref<40x64xi32, #tpu.memory_space<vmem>> -> memref<1x64xi32, #tpu.memory_space<vmem>>
      %dma_start3A_450 = tpu.memref_squeeze %dma_start3A_449 : memref<1x64xi32, #tpu.memory_space<vmem>> -> memref<64xi32, #tpu.memory_space<vmem>>
      %dma_start3A_451 = arith.constant 0 : i32
      %dma_start3A_452 = arith.constant 0 : i32
      %dma_start3A_453 = tpu.memref_slice %arg11[%dma_start3A_451, %dma_start3A_452] : memref<10240x128xf32, #tpu.memory_space<vmem_shared>> -> memref<10240x128xf32, #tpu.memory_space<vmem_shared>>
      tpu.enqueue_indirect_dma source(%dma_start3A_447 : memref<64x128xf32, #tpu.memory_space<vmem>>) target(%dma_start3A_453 : memref<10240x128xf32, #tpu.memory_space<vmem_shared>>) offsets(%dma_start3A_450 : memref<64xi32, #tpu.memory_space<vmem>>) semaphore(%arg15 : memref<!tpu.dma_semaphore, #tpu.memory_space<semaphore_mem>>) {add = true}
    }
    %scan3A_263 = arith.constant 10 : i32
    %dma_wait3A_264 = arith.constant 0 : i32
    %dma_wait3A_265 = arith.constant 0 : i32
    %dma_wait3A_266 = arith.constant 0 : i32
    %dma_wait3A_267 = arith.constant 0 : i32
    %dma_wait3A_268 = tpu.memref_slice %arg9[%dma_wait3A_264, %dma_wait3A_266, %dma_wait3A_267] : memref<2x64x128xf32, #tpu.memory_space<vmem>> -> memref<1x64x128xf32, #tpu.memory_space<vmem>>
    %dma_wait3A_269 = tpu.memref_squeeze %dma_wait3A_268 : memref<1x64x128xf32, #tpu.memory_space<vmem>> -> memref<64x128xf32, #tpu.memory_space<vmem>>
    %dma_wait3A_270 = arith.constant 0 : i32
    %dma_wait3A_271 = tpu.memref_slice %arg8[%dma_wait3A_265, %dma_wait3A_270] : memref<40x64xi32, #tpu.memory_space<vmem>> -> memref<1x64xi32, #tpu.memory_space<vmem>>
    %dma_wait3A_272 = tpu.memref_squeeze %dma_wait3A_271 : memref<1x64xi32, #tpu.memory_space<vmem>> -> memref<64xi32, #tpu.memory_space<vmem>>
    %dma_wait3A_273 = arith.constant 0 : i32
    %dma_wait3A_274 = arith.constant 0 : i32
    %dma_wait3A_275 = tpu.memref_slice %arg11[%dma_wait3A_273, %dma_wait3A_274] : memref<10240x128xf32, #tpu.memory_space<vmem_shared>> -> memref<10240x128xf32, #tpu.memory_space<vmem_shared>>
    tpu.wait_indirect_dma semaphore(%arg14 : memref<!tpu.dma_semaphore, #tpu.memory_space<semaphore_mem>>) src(%dma_wait3A_269 : memref<64x128xf32, #tpu.memory_space<vmem>>) dst(%dma_wait3A_275 : memref<10240x128xf32, #tpu.memory_space<vmem_shared>>)
    %dma_wait3A_276 = arith.constant 0 : i32
    %dma_wait3A_277 = arith.constant 0 : i32
    %dma_wait3A_278 = arith.constant 0 : i32
    %dma_wait3A_279 = arith.constant 0 : i32
    %dma_wait3A_280 = tpu.memref_slice %arg10[%dma_wait3A_276, %dma_wait3A_278, %dma_wait3A_279] : memref<2x64x128xf32, #tpu.memory_space<vmem>> -> memref<1x64x128xf32, #tpu.memory_space<vmem>>
    %dma_wait3A_281 = tpu.memref_squeeze %dma_wait3A_280 : memref<1x64x128xf32, #tpu.memory_space<vmem>> -> memref<64x128xf32, #tpu.memory_space<vmem>>
    %dma_wait3A_282 = arith.constant 0 : i32
    %dma_wait3A_283 = tpu.memref_slice %arg8[%dma_wait3A_277, %dma_wait3A_282] : memref<40x64xi32, #tpu.memory_space<vmem>> -> memref<1x64xi32, #tpu.memory_space<vmem>>
    %dma_wait3A_284 = tpu.memref_squeeze %dma_wait3A_283 : memref<1x64xi32, #tpu.memory_space<vmem>> -> memref<64xi32, #tpu.memory_space<vmem>>
    %dma_wait3A_285 = arith.constant 0 : i32
    %dma_wait3A_286 = arith.constant 0 : i32
    %dma_wait3A_287 = tpu.memref_slice %arg11[%dma_wait3A_285, %dma_wait3A_286] : memref<10240x128xf32, #tpu.memory_space<vmem_shared>> -> memref<10240x128xf32, #tpu.memory_space<vmem_shared>>
    tpu.wait_indirect_dma semaphore(%arg15 : memref<!tpu.dma_semaphore, #tpu.memory_space<semaphore_mem>>) src(%dma_wait3A_281 : memref<64x128xf32, #tpu.memory_space<vmem>>) dst(%dma_wait3A_287 : memref<10240x128xf32, #tpu.memory_space<vmem_shared>>)
    %dma_wait3A_288 = arith.constant 1 : i32
    %dma_wait3A_289 = arith.constant 0 : i32
    %dma_wait3A_290 = arith.constant 0 : i32
    %dma_wait3A_291 = arith.constant 0 : i32
    %dma_wait3A_292 = tpu.memref_slice %arg9[%dma_wait3A_288, %dma_wait3A_290, %dma_wait3A_291] : memref<2x64x128xf32, #tpu.memory_space<vmem>> -> memref<1x64x128xf32, #tpu.memory_space<vmem>>
    %dma_wait3A_293 = tpu.memref_squeeze %dma_wait3A_292 : memref<1x64x128xf32, #tpu.memory_space<vmem>> -> memref<64x128xf32, #tpu.memory_space<vmem>>
    %dma_wait3A_294 = arith.constant 0 : i32
    %dma_wait3A_295 = tpu.memref_slice %arg8[%dma_wait3A_289, %dma_wait3A_294] : memref<40x64xi32, #tpu.memory_space<vmem>> -> memref<1x64xi32, #tpu.memory_space<vmem>>
    %dma_wait3A_296 = tpu.memref_squeeze %dma_wait3A_295 : memref<1x64xi32, #tpu.memory_space<vmem>> -> memref<64xi32, #tpu.memory_space<vmem>>
    %dma_wait3A_297 = arith.constant 0 : i32
    %dma_wait3A_298 = arith.constant 0 : i32
    %dma_wait3A_299 = tpu.memref_slice %arg11[%dma_wait3A_297, %dma_wait3A_298] : memref<10240x128xf32, #tpu.memory_space<vmem_shared>> -> memref<10240x128xf32, #tpu.memory_space<vmem_shared>>
    tpu.wait_indirect_dma semaphore(%arg14 : memref<!tpu.dma_semaphore, #tpu.memory_space<semaphore_mem>>) src(%dma_wait3A_293 : memref<64x128xf32, #tpu.memory_space<vmem>>) dst(%dma_wait3A_299 : memref<10240x128xf32, #tpu.memory_space<vmem_shared>>)
    %dma_wait3A_300 = arith.constant 1 : i32
    %dma_wait3A_301 = arith.constant 0 : i32
    %dma_wait3A_302 = arith.constant 0 : i32
    %dma_wait3A_303 = arith.constant 0 : i32
    %dma_wait3A_304 = tpu.memref_slice %arg10[%dma_wait3A_300, %dma_wait3A_302, %dma_wait3A_303] : memref<2x64x128xf32, #tpu.memory_space<vmem>> -> memref<1x64x128xf32, #tpu.memory_space<vmem>>
    %dma_wait3A_305 = tpu.memref_squeeze %dma_wait3A_304 : memref<1x64x128xf32, #tpu.memory_space<vmem>> -> memref<64x128xf32, #tpu.memory_space<vmem>>
    %dma_wait3A_306 = arith.constant 0 : i32
    %dma_wait3A_307 = tpu.memref_slice %arg8[%dma_wait3A_301, %dma_wait3A_306] : memref<40x64xi32, #tpu.memory_space<vmem>> -> memref<1x64xi32, #tpu.memory_space<vmem>>
    %dma_wait3A_308 = tpu.memref_squeeze %dma_wait3A_307 : memref<1x64xi32, #tpu.memory_space<vmem>> -> memref<64xi32, #tpu.memory_space<vmem>>
    %dma_wait3A_309 = arith.constant 0 : i32
    %dma_wait3A_310 = arith.constant 0 : i32
    %dma_wait3A_311 = tpu.memref_slice %arg11[%dma_wait3A_309, %dma_wait3A_310] : memref<10240x128xf32, #tpu.memory_space<vmem_shared>> -> memref<10240x128xf32, #tpu.memory_space<vmem_shared>>
    tpu.wait_indirect_dma semaphore(%arg15 : memref<!tpu.dma_semaphore, #tpu.memory_space<semaphore_mem>>) src(%dma_wait3A_305 : memref<64x128xf32, #tpu.memory_space<vmem>>) dst(%dma_wait3A_311 : memref<10240x128xf32, #tpu.memory_space<vmem_shared>>)
    %barrier3A_312 = arith.constant 0 : index
    tpu.barrier barrier_id(%barrier3A_312)
    %mul3A_313 = arith.constant 640 : i32
    %mul3A_314 = arith.muli %arg1, %mul3A_313 : i32
    %mul3A_315 = arith.constant 640 : i32
    %mul3A_316 = arith.muli %arg1, %mul3A_315 : i32
    "tpu.region"() ({
      %run_scoped3A = tpu.sem_alloc : memref<!tpu.dma_semaphore, #tpu.memory_space<semaphore_mem>>
      %dma_start3A_317 = arith.constant 0 : i32
      %dma_start3A_318 = tpu.memref_slice %arg6[%arg0, %mul3A_316, %dma_start3A_317] : memref<2x10240x128xf32, #tpu.memory_space<hbm>> -> memref<1x640x128xf32, #tpu.memory_space<hbm>>
      %dma_start3A_319 = tpu.memref_squeeze %dma_start3A_318 : memref<1x640x128xf32, #tpu.memory_space<hbm>> -> memref<640x128xf32, #tpu.memory_space<hbm>>
      %dma_start3A_320 = arith.constant 0 : i32
      %dma_start3A_321 = tpu.memref_slice %arg11[%mul3A_314, %dma_start3A_320] : memref<10240x128xf32, #tpu.memory_space<vmem_shared>> -> memref<640x128xf32, #tpu.memory_space<vmem_shared>>
      tpu.enqueue_dma source(%dma_start3A_321 : memref<640x128xf32, #tpu.memory_space<vmem_shared>>) target(%dma_start3A_319 : memref<640x128xf32, #tpu.memory_space<hbm>>) target_semaphore(%run_scoped3A : memref<!tpu.dma_semaphore, #tpu.memory_space<semaphore_mem>>)
      %dma_wait3A_322 = arith.constant 0 : i32
      %dma_wait3A_323 = tpu.memref_slice %arg6[%arg0, %mul3A_316, %dma_wait3A_322] : memref<2x10240x128xf32, #tpu.memory_space<hbm>> -> memref<1x640x128xf32, #tpu.memory_space<hbm>>
      %dma_wait3A_324 = tpu.memref_squeeze %dma_wait3A_323 : memref<1x640x128xf32, #tpu.memory_space<hbm>> -> memref<640x128xf32, #tpu.memory_space<hbm>>
      %dma_wait3A_325 = arith.constant 0 : i32
      %dma_wait3A_326 = tpu.memref_slice %arg11[%mul3A_314, %dma_wait3A_325] : memref<10240x128xf32, #tpu.memory_space<vmem_shared>> -> memref<640x128xf32, #tpu.memory_space<vmem_shared>>
      tpu.wait_dma2 semaphore(%run_scoped3A : memref<!tpu.dma_semaphore, #tpu.memory_space<semaphore_mem>>) src(%dma_wait3A_326 : memref<640x128xf32, #tpu.memory_space<vmem_shared>>) dst(%dma_wait3A_324 : memref<640x128xf32, #tpu.memory_space<hbm>>)
      tpu.yield
    }) : () -> ()
    return
  }
}

module attributes {stable_mosaic.version = 14 : i64} {
  func.func @body(%arg0: i32, %arg1: memref<2x5120xf32, #tpu.memory_space<vmem>>, %arg2: memref<5120x128xf32, #tpu.memory_space<vmem>>, %arg3: memref<128x128xf32, #tpu.memory_space<vmem>>, %arg4: memref<5120x128xf32, #tpu.memory_space<vmem>>, %arg5: memref<5120x1xf32, #tpu.memory_space<vmem>>) attributes {dimension_semantics = [#tpu.dimension_semantics<arbitrary>], iteration_bounds = array<i64: 2>, scalar_prefetch = 0 : i64, scratch_operands = 0 : i64, tpu.core_type = #tpu.core_type<tc>, window_params = [{transform_indices = @transform_0, window_bounds = array<i64: 2, 5120>}, {transform_indices = @transform_1, window_bounds = array<i64: 5120, 128>}, {pipeline_mode = #tpu.pipeline_mode<synchronous>, transform_indices = @transform_2, window_bounds = array<i64: 128, 128>}, {transform_indices = @transform_3, window_bounds = array<i64: 5120, 128>}, {transform_indices = @transform_4, window_bounds = array<i64: 5120, 1>}]} {
    %get3A = arith.constant 0 : index
    %get3A_0 = arith.constant 0 : index
    %get3A_1 = vector.load %arg1[%get3A, %get3A_0] : memref<2x5120xf32, #tpu.memory_space<vmem>>, vector<2x5120xf32>
    %reduce_sum3A = arith.constant dense<0.000000e+00> : vector<5120xf32>
    %reduce_sum3A_2 = vector.multi_reduction <add>, %get3A_1, %reduce_sum3A [0] : vector<2x5120xf32> to vector<5120xf32>
    %add3A = arith.constant 1.000000e+00 : f32
    %add3A_3 = vector.broadcast %add3A : f32 to vector<5120xf32>
    %add3A_4 = arith.addf %reduce_sum3A_2, %add3A_3 : vector<5120xf32>
    %sqrt3A = math.sqrt %add3A_4 : vector<5120xf32>
    %div3A = arith.constant 1.000000e+00 : f32
    %div3A_5 = vector.broadcast %div3A : f32 to vector<5120xf32>
    %div3A_6 = arith.divf %div3A_5, %sqrt3A : vector<5120xf32>
    %get3A_7 = arith.constant 0 : index
    %get3A_8 = arith.constant 0 : index
    %get3A_9 = vector.load %arg2[%get3A_7, %get3A_8] : memref<5120x128xf32, #tpu.memory_space<vmem>>, vector<5120x128xf32>
    %get3A_10 = arith.constant 0 : index
    %get3A_11 = arith.constant 0 : index
    %get3A_12 = vector.load %arg3[%get3A_10, %get3A_11] : memref<128x128xf32, #tpu.memory_space<vmem>>, vector<128x128xf32>
    %dot_general3A = arith.constant dense<0.000000e+00> : vector<5120x128xf32>
    %dot_general3A_13 = tpu.matmul %get3A_9, %get3A_12, %dot_general3A {dimension_numbers = #tpu.dot_dimension_numbers<[1], [0], [0], [1], [0, 0, 1, 1], [], []>, transpose_lhs_hint = false} : vector<5120x128xf32>, vector<128x128xf32>, vector<5120x128xf32> -> vector<5120x128xf32>
    %broadcast_in_dim3A = vector.shape_cast %div3A_6 : vector<5120xf32> to vector<5120x1xf32>
    %mul3A = vector.broadcast %broadcast_in_dim3A : vector<5120x1xf32> to vector<5120x128xf32>
    %mul3A_14 = arith.mulf %dot_general3A_13, %mul3A : vector<5120x128xf32>
    %swap3A = arith.constant 0 : index
    %swap3A_15 = arith.constant 0 : index
    %swap3A_16 = vector.load %arg4[%swap3A, %swap3A_15] : memref<5120x128xf32, #tpu.memory_space<vmem>>, vector<5120x128xf32>
    tpu.vector_store %arg4[%swap3A, %swap3A_15], %mul3A_14 {strides = array<i32>} : memref<5120x128xf32, #tpu.memory_space<vmem>>, vector<5120x128xf32>,
    %broadcast_in_dim3A_17 = vector.shape_cast %div3A_6 : vector<5120xf32> to vector<5120x1xf32>
    %swap3A_18 = arith.constant 0 : index
    %swap3A_19 = arith.constant 0 : index
    %swap3A_20 = vector.load %arg5[%swap3A_18, %swap3A_19] : memref<5120x1xf32, #tpu.memory_space<vmem>>, vector<5120x1xf32>
    tpu.vector_store %arg5[%swap3A_18, %swap3A_19], %broadcast_in_dim3A_17 {strides = array<i32>} : memref<5120x1xf32, #tpu.memory_space<vmem>>, vector<5120x1xf32>,
    return
  }
  func.func @transform_0(%arg0: i32) -> (i32, i32) {
    %c0_i32 = arith.constant 0 : i32
    %c0_i32_0 = arith.constant 0 : i32
    return %c0_i32, %arg0 : i32, i32
  }
  func.func @transform_1(%arg0: i32) -> (i32, i32) {
    %c0_i32 = arith.constant 0 : i32
    %c0_i32_0 = arith.constant 0 : i32
    return %arg0, %c0_i32 : i32, i32
  }
  func.func @transform_2(%arg0: i32) -> (i32, i32) {
    %c0_i32 = arith.constant 0 : i32
    %c0_i32_0 = arith.constant 0 : i32
    %c0_i32_1 = arith.constant 0 : i32
    return %c0_i32, %c0_i32_0 : i32, i32
  }
  func.func @transform_3(%arg0: i32) -> (i32, i32) {
    %c0_i32 = arith.constant 0 : i32
    %c0_i32_0 = arith.constant 0 : i32
    return %arg0, %c0_i32 : i32, i32
  }
  func.func @transform_4(%arg0: i32) -> (i32, i32) {
    %c0_i32 = arith.constant 0 : i32
    %c0_i32_0 = arith.constant 0 : i32
    return %arg0, %c0_i32 : i32, i32
  }
}

module attributes {stable_mosaic.version = 14 : i64} {
  func.func @body(%arg0: i32, %arg1: memref<2x5120x128xf32, #tpu.memory_space<vmem>>, %arg2: memref<5120x128xf32, #tpu.memory_space<vmem>>, %arg3: memref<5120x1xf32, #tpu.memory_space<vmem>>, %arg4: memref<1x128xf32, #tpu.memory_space<vmem>>, %arg5: memref<1x128xf32, #tpu.memory_space<vmem>>, %arg6: memref<1x128xf32, #tpu.memory_space<vmem>>, %arg7: memref<1x128xf32, #tpu.memory_space<vmem>>, %arg8: memref<1x128xf32, #tpu.memory_space<vmem>>, %arg9: memref<128x128xf32, #tpu.memory_space<vmem>>, %arg10: memref<5120x128xf32, #tpu.memory_space<vmem>>) attributes {dimension_semantics = [#tpu.dimension_semantics<arbitrary>], iteration_bounds = array<i64: 2>, scalar_prefetch = 0 : i64, scratch_operands = 0 : i64, tpu.core_type = #tpu.core_type<tc>, window_params = [{transform_indices = @transform_0, window_bounds = array<i64: 2, 5120, 128>}, {transform_indices = @transform_1, window_bounds = array<i64: 5120, 128>}, {transform_indices = @transform_2, window_bounds = array<i64: 5120, 1>}, {pipeline_mode = #tpu.pipeline_mode<synchronous>, transform_indices = @transform_3, window_bounds = array<i64: 1, 128>}, {pipeline_mode = #tpu.pipeline_mode<synchronous>, transform_indices = @transform_4, window_bounds = array<i64: 1, 128>}, {pipeline_mode = #tpu.pipeline_mode<synchronous>, transform_indices = @transform_5, window_bounds = array<i64: 1, 128>}, {pipeline_mode = #tpu.pipeline_mode<synchronous>, transform_indices = @transform_6, window_bounds = array<i64: 1, 128>}, {pipeline_mode = #tpu.pipeline_mode<synchronous>, transform_indices = @transform_7, window_bounds = array<i64: 1, 128>}, {pipeline_mode = #tpu.pipeline_mode<synchronous>, transform_indices = @transform_8, window_bounds = array<i64: 128, 128>}, {transform_indices = @transform_9, window_bounds = array<i64: 5120, 128>}]} {
    %get3A = arith.constant 0 : index
    %get3A_0 = arith.constant 0 : index
    %get3A_1 = arith.constant 0 : index
    %get3A_2 = vector.load %arg1[%get3A, %get3A_0, %get3A_1] : memref<2x5120x128xf32, #tpu.memory_space<vmem>>, vector<1x5120x128xf32>
    %get3A_3 = vector.shape_cast %get3A_2 : vector<1x5120x128xf32> to vector<5120x128xf32>
    %get3A_4 = arith.constant 1 : index
    %get3A_5 = arith.constant 0 : index
    %get3A_6 = arith.constant 0 : index
    %get3A_7 = vector.load %arg1[%get3A_4, %get3A_5, %get3A_6] : memref<2x5120x128xf32, #tpu.memory_space<vmem>>, vector<1x5120x128xf32>
    %get3A_8 = vector.shape_cast %get3A_7 : vector<1x5120x128xf32> to vector<5120x128xf32>
    %add3A = arith.addf %get3A_3, %get3A_8 : vector<5120x128xf32>
    %get3A_9 = arith.constant 0 : index
    %get3A_10 = arith.constant 0 : index
    %get3A_11 = vector.load %arg2[%get3A_9, %get3A_10] : memref<5120x128xf32, #tpu.memory_space<vmem>>, vector<5120x128xf32>
    %add3A_12 = arith.addf %add3A, %get3A_11 : vector<5120x128xf32>
    %get3A_13 = arith.constant 0 : index
    %get3A_14 = arith.constant 0 : index
    %get3A_15 = vector.load %arg3[%get3A_13, %get3A_14] : memref<5120x1xf32, #tpu.memory_space<vmem>>, vector<5120x1xf32>
    %mul3A = vector.broadcast %get3A_15 : vector<5120x1xf32> to vector<5120x128xf32>
    %mul3A_16 = arith.mulf %add3A_12, %mul3A : vector<5120x128xf32>
    %get3A_17 = arith.constant 0 : index
    %get3A_18 = arith.constant 0 : index
    %get3A_19 = vector.load %arg4[%get3A_17, %get3A_18] : memref<1x128xf32, #tpu.memory_space<vmem>>, vector<1x128xf32>
    %add3A_20 = vector.broadcast %get3A_19 : vector<1x128xf32> to vector<5120x128xf32>
    %add3A_21 = arith.addf %mul3A_16, %add3A_20 : vector<5120x128xf32>
    %get3A_22 = arith.constant 0 : index
    %get3A_23 = arith.constant 0 : index
    %get3A_24 = vector.load %arg7[%get3A_22, %get3A_23] : memref<1x128xf32, #tpu.memory_space<vmem>>, vector<1x128xf32>
    %sub3A = vector.broadcast %get3A_24 : vector<1x128xf32> to vector<5120x128xf32>
    %sub3A_25 = arith.subf %add3A_21, %sub3A : vector<5120x128xf32>
    %get3A_26 = arith.constant 0 : index
    %get3A_27 = arith.constant 0 : index
    %get3A_28 = vector.load %arg8[%get3A_26, %get3A_27] : memref<1x128xf32, #tpu.memory_space<vmem>>, vector<1x128xf32>
    %add3A_29 = arith.constant 9.99999974E-6 : f32
    %add3A_30 = vector.broadcast %add3A_29 : f32 to vector<1x128xf32>
    %add3A_31 = arith.addf %get3A_28, %add3A_30 : vector<1x128xf32>
    %sqrt3A = math.sqrt %add3A_31 : vector<1x128xf32>
    %div3A = vector.broadcast %sqrt3A : vector<1x128xf32> to vector<5120x128xf32>
    %div3A_32 = arith.divf %sub3A_25, %div3A : vector<5120x128xf32>
    %get3A_33 = arith.constant 0 : index
    %get3A_34 = arith.constant 0 : index
    %get3A_35 = vector.load %arg5[%get3A_33, %get3A_34] : memref<1x128xf32, #tpu.memory_space<vmem>>, vector<1x128xf32>
    %mul3A_36 = vector.broadcast %get3A_35 : vector<1x128xf32> to vector<5120x128xf32>
    %mul3A_37 = arith.mulf %div3A_32, %mul3A_36 : vector<5120x128xf32>
    %get3A_38 = arith.constant 0 : index
    %get3A_39 = arith.constant 0 : index
    %get3A_40 = vector.load %arg6[%get3A_38, %get3A_39] : memref<1x128xf32, #tpu.memory_space<vmem>>, vector<1x128xf32>
    %add3A_41 = vector.broadcast %get3A_40 : vector<1x128xf32> to vector<5120x128xf32>
    %add3A_42 = arith.addf %mul3A_37, %add3A_41 : vector<5120x128xf32>
    %max3A = arith.constant 0.000000e+00 : f32
    %max3A_43 = vector.broadcast %max3A : f32 to vector<5120x128xf32>
    %max3A_44 = arith.maximumf %add3A_42, %max3A_43 : vector<5120x128xf32>
    %get3A_45 = arith.constant 0 : index
    %get3A_46 = arith.constant 0 : index
    %get3A_47 = vector.load %arg9[%get3A_45, %get3A_46] : memref<128x128xf32, #tpu.memory_space<vmem>>, vector<128x128xf32>
    %dot_general3A = arith.constant dense<0.000000e+00> : vector<5120x128xf32>
    %dot_general3A_48 = tpu.matmul %max3A_44, %get3A_47, %dot_general3A {dimension_numbers = #tpu.dot_dimension_numbers<[1], [0], [0], [1], [0, 0, 1, 1], [], []>, transpose_lhs_hint = false} : vector<5120x128xf32>, vector<128x128xf32>, vector<5120x128xf32> -> vector<5120x128xf32>
    %get3A_49 = arith.constant 0 : index
    %get3A_50 = arith.constant 0 : index
    %get3A_51 = vector.load %arg3[%get3A_49, %get3A_50] : memref<5120x1xf32, #tpu.memory_space<vmem>>, vector<5120x1xf32>
    %mul3A_52 = vector.broadcast %get3A_51 : vector<5120x1xf32> to vector<5120x128xf32>
    %mul3A_53 = arith.mulf %dot_general3A_48, %mul3A_52 : vector<5120x128xf32>
    %swap3A = arith.constant 0 : index
    %swap3A_54 = arith.constant 0 : index
    %swap3A_55 = vector.load %arg10[%swap3A, %swap3A_54] : memref<5120x128xf32, #tpu.memory_space<vmem>>, vector<5120x128xf32>
    tpu.vector_store %arg10[%swap3A, %swap3A_54], %mul3A_53 {strides = array<i32>} : memref<5120x128xf32, #tpu.memory_space<vmem>>, vector<5120x128xf32>,
    return
  }
  func.func @transform_0(%arg0: i32) -> (i32, i32, i32) {
    %c0_i32 = arith.constant 0 : i32
    %c0_i32_0 = arith.constant 0 : i32
    %c0_i32_1 = arith.constant 0 : i32
    return %c0_i32, %arg0, %c0_i32_0 : i32, i32, i32
  }
  func.func @transform_1(%arg0: i32) -> (i32, i32) {
    %c0_i32 = arith.constant 0 : i32
    %c0_i32_0 = arith.constant 0 : i32
    return %arg0, %c0_i32 : i32, i32
  }
  func.func @transform_2(%arg0: i32) -> (i32, i32) {
    %c0_i32 = arith.constant 0 : i32
    %c0_i32_0 = arith.constant 0 : i32
    return %arg0, %c0_i32 : i32, i32
  }
  func.func @transform_3(%arg0: i32) -> (i32, i32) {
    %c0_i32 = arith.constant 0 : i32
    %c0_i32_0 = arith.constant 0 : i32
    %c0_i32_1 = arith.constant 0 : i32
    return %c0_i32, %c0_i32_0 : i32, i32
  }
  func.func @transform_4(%arg0: i32) -> (i32, i32) {
    %c0_i32 = arith.constant 0 : i32
    %c0_i32_0 = arith.constant 0 : i32
    %c0_i32_1 = arith.constant 0 : i32
    return %c0_i32, %c0_i32_0 : i32, i32
  }
  func.func @transform_5(%arg0: i32) -> (i32, i32) {
    %c0_i32 = arith.constant 0 : i32
    %c0_i32_0 = arith.constant 0 : i32
    %c0_i32_1 = arith.constant 0 : i32
    return %c0_i32, %c0_i32_0 : i32, i32
  }
  func.func @transform_6(%arg0: i32) -> (i32, i32) {
    %c0_i32 = arith.constant 0 : i32
    %c0_i32_0 = arith.constant 0 : i32
    %c0_i32_1 = arith.constant 0 : i32
    return %c0_i32, %c0_i32_0 : i32, i32
  }
  func.func @transform_7(%arg0: i32) -> (i32, i32) {
    %c0_i32 = arith.constant 0 : i32
    %c0_i32_0 = arith.constant 0 : i32
    %c0_i32_1 = arith.constant 0 : i32
    return %c0_i32, %c0_i32_0 : i32, i32
  }
  func.func @transform_8(%arg0: i32) -> (i32, i32) {
    %c0_i32 = arith.constant 0 : i32
    %c0_i32_0 = arith.constant 0 : i32
    %c0_i32_1 = arith.constant 0 : i32
    return %c0_i32, %c0_i32_0 : i32, i32
  }
  func.func @transform_9(%arg0: i32) -> (i32, i32) {
    %c0_i32 = arith.constant 0 : i32
    %c0_i32_0 = arith.constant 0 : i32
    return %arg0, %c0_i32 : i32, i32
  }
}

module attributes {stable_mosaic.version = 14 : i64} {
  func.func @body(%arg0: i32, %arg1: memref<2x5120x128xf32, #tpu.memory_space<vmem>>, %arg2: memref<5120x128xf32, #tpu.memory_space<vmem>>, %arg3: memref<5120x1xf32, #tpu.memory_space<vmem>>, %arg4: memref<1x128xf32, #tpu.memory_space<vmem>>, %arg5: memref<1x128xf32, #tpu.memory_space<vmem>>, %arg6: memref<1x128xf32, #tpu.memory_space<vmem>>, %arg7: memref<1x128xf32, #tpu.memory_space<vmem>>, %arg8: memref<1x128xf32, #tpu.memory_space<vmem>>, %arg9: memref<1x128xf32, #tpu.memory_space<vmem>>, %arg10: memref<1x1xf32, #tpu.memory_space<vmem>>, %arg11: memref<5120x1xf32, #tpu.memory_space<vmem>>) attributes {dimension_semantics = [#tpu.dimension_semantics<arbitrary>], iteration_bounds = array<i64: 2>, scalar_prefetch = 0 : i64, scratch_operands = 0 : i64, tpu.core_type = #tpu.core_type<tc>, window_params = [{transform_indices = @transform_0, window_bounds = array<i64: 2, 5120, 128>}, {transform_indices = @transform_1, window_bounds = array<i64: 5120, 128>}, {transform_indices = @transform_2, window_bounds = array<i64: 5120, 1>}, {pipeline_mode = #tpu.pipeline_mode<synchronous>, transform_indices = @transform_3, window_bounds = array<i64: 1, 128>}, {pipeline_mode = #tpu.pipeline_mode<synchronous>, transform_indices = @transform_4, window_bounds = array<i64: 1, 128>}, {pipeline_mode = #tpu.pipeline_mode<synchronous>, transform_indices = @transform_5, window_bounds = array<i64: 1, 128>}, {pipeline_mode = #tpu.pipeline_mode<synchronous>, transform_indices = @transform_6, window_bounds = array<i64: 1, 128>}, {pipeline_mode = #tpu.pipeline_mode<synchronous>, transform_indices = @transform_7, window_bounds = array<i64: 1, 128>}, {pipeline_mode = #tpu.pipeline_mode<synchronous>, transform_indices = @transform_8, window_bounds = array<i64: 1, 128>}, {pipeline_mode = #tpu.pipeline_mode<synchronous>, transform_indices = @transform_9, window_bounds = array<i64: 1, 1>}, {transform_indices = @transform_10, window_bounds = array<i64: 5120, 1>}]} {
    %get3A = arith.constant 0 : index
    %get3A_0 = arith.constant 0 : index
    %get3A_1 = arith.constant 0 : index
    %get3A_2 = vector.load %arg1[%get3A, %get3A_0, %get3A_1] : memref<2x5120x128xf32, #tpu.memory_space<vmem>>, vector<1x5120x128xf32>
    %get3A_3 = vector.shape_cast %get3A_2 : vector<1x5120x128xf32> to vector<5120x128xf32>
    %get3A_4 = arith.constant 1 : index
    %get3A_5 = arith.constant 0 : index
    %get3A_6 = arith.constant 0 : index
    %get3A_7 = vector.load %arg1[%get3A_4, %get3A_5, %get3A_6] : memref<2x5120x128xf32, #tpu.memory_space<vmem>>, vector<1x5120x128xf32>
    %get3A_8 = vector.shape_cast %get3A_7 : vector<1x5120x128xf32> to vector<5120x128xf32>
    %add3A = arith.addf %get3A_3, %get3A_8 : vector<5120x128xf32>
    %get3A_9 = arith.constant 0 : index
    %get3A_10 = arith.constant 0 : index
    %get3A_11 = vector.load %arg2[%get3A_9, %get3A_10] : memref<5120x128xf32, #tpu.memory_space<vmem>>, vector<5120x128xf32>
    %add3A_12 = arith.addf %add3A, %get3A_11 : vector<5120x128xf32>
    %get3A_13 = arith.constant 0 : index
    %get3A_14 = arith.constant 0 : index
    %get3A_15 = vector.load %arg3[%get3A_13, %get3A_14] : memref<5120x1xf32, #tpu.memory_space<vmem>>, vector<5120x1xf32>
    %mul3A = vector.broadcast %get3A_15 : vector<5120x1xf32> to vector<5120x128xf32>
    %mul3A_16 = arith.mulf %add3A_12, %mul3A : vector<5120x128xf32>
    %get3A_17 = arith.constant 0 : index
    %get3A_18 = arith.constant 0 : index
    %get3A_19 = vector.load %arg4[%get3A_17, %get3A_18] : memref<1x128xf32, #tpu.memory_space<vmem>>, vector<1x128xf32>
    %add3A_20 = vector.broadcast %get3A_19 : vector<1x128xf32> to vector<5120x128xf32>
    %add3A_21 = arith.addf %mul3A_16, %add3A_20 : vector<5120x128xf32>
    %get3A_22 = arith.constant 0 : index
    %get3A_23 = arith.constant 0 : index
    %get3A_24 = vector.load %arg7[%get3A_22, %get3A_23] : memref<1x128xf32, #tpu.memory_space<vmem>>, vector<1x128xf32>
    %sub3A = vector.broadcast %get3A_24 : vector<1x128xf32> to vector<5120x128xf32>
    %sub3A_25 = arith.subf %add3A_21, %sub3A : vector<5120x128xf32>
    %get3A_26 = arith.constant 0 : index
    %get3A_27 = arith.constant 0 : index
    %get3A_28 = vector.load %arg8[%get3A_26, %get3A_27] : memref<1x128xf32, #tpu.memory_space<vmem>>, vector<1x128xf32>
    %add3A_29 = arith.constant 9.99999974E-6 : f32
    %add3A_30 = vector.broadcast %add3A_29 : f32 to vector<1x128xf32>
    %add3A_31 = arith.addf %get3A_28, %add3A_30 : vector<1x128xf32>
    %sqrt3A = math.sqrt %add3A_31 : vector<1x128xf32>
    %div3A = vector.broadcast %sqrt3A : vector<1x128xf32> to vector<5120x128xf32>
    %div3A_32 = arith.divf %sub3A_25, %div3A : vector<5120x128xf32>
    %get3A_33 = arith.constant 0 : index
    %get3A_34 = arith.constant 0 : index
    %get3A_35 = vector.load %arg5[%get3A_33, %get3A_34] : memref<1x128xf32, #tpu.memory_space<vmem>>, vector<1x128xf32>
    %mul3A_36 = vector.broadcast %get3A_35 : vector<1x128xf32> to vector<5120x128xf32>
    %mul3A_37 = arith.mulf %div3A_32, %mul3A_36 : vector<5120x128xf32>
    %get3A_38 = arith.constant 0 : index
    %get3A_39 = arith.constant 0 : index
    %get3A_40 = vector.load %arg6[%get3A_38, %get3A_39] : memref<1x128xf32, #tpu.memory_space<vmem>>, vector<1x128xf32>
    %add3A_41 = vector.broadcast %get3A_40 : vector<1x128xf32> to vector<5120x128xf32>
    %add3A_42 = arith.addf %mul3A_37, %add3A_41 : vector<5120x128xf32>
    %max3A = arith.constant 0.000000e+00 : f32
    %max3A_43 = vector.broadcast %max3A : f32 to vector<5120x128xf32>
    %max3A_44 = arith.maximumf %add3A_42, %max3A_43 : vector<5120x128xf32>
    %get3A_45 = arith.constant 0 : index
    %get3A_46 = arith.constant 0 : index
    %get3A_47 = vector.load %arg9[%get3A_45, %get3A_46] : memref<1x128xf32, #tpu.memory_space<vmem>>, vector<1x128xf32>
    %mul3A_48 = vector.broadcast %get3A_47 : vector<1x128xf32> to vector<5120x128xf32>
    %mul3A_49 = arith.mulf %max3A_44, %mul3A_48 : vector<5120x128xf32>
    %reduce_sum3A = arith.constant dense<0.000000e+00> : vector<5120xf32>
    %reduce_sum3A_50 = vector.multi_reduction <add>, %mul3A_49, %reduce_sum3A [1] : vector<5120x128xf32> to vector<5120xf32>
    %broadcast_in_dim3A = vector.shape_cast %reduce_sum3A_50 : vector<5120xf32> to vector<5120x1xf32>
    %get3A_51 = arith.constant 0 : index
    %get3A_52 = arith.constant 0 : index
    %get3A_53 = vector.load %arg10[%get3A_51, %get3A_52] : memref<1x1xf32, #tpu.memory_space<vmem>>, vector<1x1xf32>
    %add3A_54 = vector.broadcast %get3A_53 : vector<1x1xf32> to vector<5120x1xf32>
    %add3A_55 = arith.addf %broadcast_in_dim3A, %add3A_54 : vector<5120x1xf32>
    %logistic3A = arith.negf %add3A_55 : vector<5120x1xf32>
    %logistic3A_56 = math.exp %logistic3A : vector<5120x1xf32>
    %logistic3A_57 = arith.constant 1.000000e+00 : f32
    %logistic3A_58 = vector.broadcast %logistic3A_57 : f32 to vector<5120x1xf32>
    %logistic3A_59 = arith.addf %logistic3A_58, %logistic3A_56 : vector<5120x1xf32>
    %logistic3A_60 = arith.divf %logistic3A_58, %logistic3A_59 : vector<5120x1xf32>
    %swap3A = arith.constant 0 : index
    %swap3A_61 = arith.constant 0 : index
    %swap3A_62 = vector.load %arg11[%swap3A, %swap3A_61] : memref<5120x1xf32, #tpu.memory_space<vmem>>, vector<5120x1xf32>
    tpu.vector_store %arg11[%swap3A, %swap3A_61], %logistic3A_60 {strides = array<i32>} : memref<5120x1xf32, #tpu.memory_space<vmem>>, vector<5120x1xf32>,
    return
  }
  func.func @transform_0(%arg0: i32) -> (i32, i32, i32) {
    %c0_i32 = arith.constant 0 : i32
    %c0_i32_0 = arith.constant 0 : i32
    %c0_i32_1 = arith.constant 0 : i32
    return %c0_i32, %arg0, %c0_i32_0 : i32, i32, i32
  }
  func.func @transform_1(%arg0: i32) -> (i32, i32) {
    %c0_i32 = arith.constant 0 : i32
    %c0_i32_0 = arith.constant 0 : i32
    return %arg0, %c0_i32 : i32, i32
  }
  func.func @transform_2(%arg0: i32) -> (i32, i32) {
    %c0_i32 = arith.constant 0 : i32
    %c0_i32_0 = arith.constant 0 : i32
    return %arg0, %c0_i32 : i32, i32
  }
  func.func @transform_3(%arg0: i32) -> (i32, i32) {
    %c0_i32 = arith.constant 0 : i32
    %c0_i32_0 = arith.constant 0 : i32
    %c0_i32_1 = arith.constant 0 : i32
    return %c0_i32, %c0_i32_0 : i32, i32
  }
  func.func @transform_4(%arg0: i32) -> (i32, i32) {
    %c0_i32 = arith.constant 0 : i32
    %c0_i32_0 = arith.constant 0 : i32
    %c0_i32_1 = arith.constant 0 : i32
    return %c0_i32, %c0_i32_0 : i32, i32
  }
  func.func @transform_5(%arg0: i32) -> (i32, i32) {
    %c0_i32 = arith.constant 0 : i32
    %c0_i32_0 = arith.constant 0 : i32
    %c0_i32_1 = arith.constant 0 : i32
    return %c0_i32, %c0_i32_0 : i32, i32
  }
  func.func @transform_6(%arg0: i32) -> (i32, i32) {
    %c0_i32 = arith.constant 0 : i32
    %c0_i32_0 = arith.constant 0 : i32
    %c0_i32_1 = arith.constant 0 : i32
    return %c0_i32, %c0_i32_0 : i32, i32
  }
  func.func @transform_7(%arg0: i32) -> (i32, i32) {
    %c0_i32 = arith.constant 0 : i32
    %c0_i32_0 = arith.constant 0 : i32
    %c0_i32_1 = arith.constant 0 : i32
    return %c0_i32, %c0_i32_0 : i32, i32
  }
  func.func @transform_8(%arg0: i32) -> (i32, i32) {
    %c0_i32 = arith.constant 0 : i32
    %c0_i32_0 = arith.constant 0 : i32
    %c0_i32_1 = arith.constant 0 : i32
    return %c0_i32, %c0_i32_0 : i32, i32
  }
  func.func @transform_9(%arg0: i32) -> (i32, i32) {
    %c0_i32 = arith.constant 0 : i32
    %c0_i32_0 = arith.constant 0 : i32
    %c0_i32_1 = arith.constant 0 : i32
    return %c0_i32, %c0_i32_0 : i32, i32
  }
  func.func @transform_10(%arg0: i32) -> (i32, i32) {
    %c0_i32 = arith.constant 0 : i32
    %c0_i32_0 = arith.constant 0 : i32
    return %arg0, %c0_i32 : i32, i32
  }
}

</mosaic_0001>

<sc_bundles>
// kernel: kernel.11.cloned.1.call-start
scs
__scs_entry_jumppad:
0x0: {  	(pc) =	sbr.rel $0x88, $3  }
0x1: {  	(tag) =	ssettag $0x0;
	lr =	simm.s32 $0x1  }
0x2: {  	[smem:$0x3F91] =	sst lr;
	_ =	strace $0xD0000000  }
0x3: {  	_ = 	snop  }
0x4: {  	_ = 	snop  }
0x5: {  	_ = 	snop  }
0x6: {  	_ = 	snop  }
0x7: {  	_ = 	snop  }
__scs_overlays_trampoline_lowered:
0x8: {  	[smem:$0x3FA0] =	sst s0  }
0x9: {  	[smem:$0x3FA1] =	sst s1  }
0xa: {  	[smem:$0x3FA2] =	sst s2  }
0xb: {  	[smem:$0x3FA3] =	sst s3  }
0xc: {  	[smem:$0x3FA4] =	sst s4  }
0xd: {  	[smem:$0x3FA5] =	sst s5  }
0xe: {  	[smem:$0x3FA6] =	sst s6  }
0xf: {  	[smem:$0x3FA7] =	sst s7  }
0x10: {  	[smem:$0x3FA8] =	sst s8  }
0x11: {  	[smem:$0x3FA9] =	sst s9;
	s0 =	simm.s32 @!p0 $0x0  }
0x12: {  	s1 =	sld [smem:$0x3F8F];
	s0 =	simm.s32 @p0 $0x1  }
0x13: {  	[smem:$0x3FAA] =	sst s0;
	s0 =	simm.s32 @!p1 $0x0  }
0x14: {  	s2 =	sld [smem:$0x3F8E];
	s0 =	simm.s32 @p1 $0x1  }
0x15: {  	[smem:$0x3FAB] =	sst s0;
	s0 =	simm.s32 @!p2 $0x0  }
0x16: {  	s3 =	sld [smem:$0x3FDB];
	s0 =	simm.s32 @p2 $0x1  }
0x17: {  	s4 =	simm.s32 $0x1BF5;
	[smem:$0x3FAD] =	sst s0  }
0x18: {  	s0 =	sld [smem:$0x3F90];
	_ =	swait.ge [sflag:s4], $0x0  }
0x19: {  	s7 =	sld [smem:$0x3F91]  }
0x1a: {  	s8 =	sadd.s32 $0xFFFFE003, lr  }
0x1b: {  	s9 =	sadd.s32 $0xFFFFFEF7, lr;
	s5 =	simm.s32 $0xFFFFFFFF;
	p2 =	slt.u32 s8, $0xFFFFF086  }
0x1c: {  	p1 =	slt.u32 s9, $0xF7A;
	s5 =	simm.s32 @!p2 $0x0  }
0x1d: {  	s5 =	simm.s32 @p1 $0x1;
	p0 =	seq.s32 s7, s2  }
0x1e: {  	s7 =	smul.u32 @!p0 $0xF7A, s2;
	p2 =	seq.s32 @!p0 s5, $0x0  }
0x1f: {  	s9 =	smul.u32 $0xF7A, s1;
	s8 =	simm.s32 @!p0 $0x1BF5;
	p2 =	por !p2, p0  }
0x20: {  	[sflag:s8] =	ssyncset.s32 @!p0 $0xFFFFF086;
	s6 =	sadd.s32 @!p0 s3, s7;
	s7 =	simm.s32 @!p0 $0x108  }
0x21: {  	s3 =	sadd.s32 s3, s9;
	s6 =	sadd.s32 @!p0 $0x88, s6;
	s7 =	simm.s32 @p2 $0x1082  }
0x22: {  	[simem:s7], [sflag:s8] =	dma.local @!p0 [hbm:s6], $0xF7A  }
0x23: {  	s9 =	sor.u32 $0xD0000000, s2;
	s6 =	simm.s32 $0x108;
	_ =	swait.ge @!p0 [sflag:s8], $0x0  }
0x24: {  	s3 =	sadd.s32 $0x88, s3;
	s6 =	simm.s32 @!p1 $0x1082;
	[sflag:s4] =	ssyncset.s32 $0xFFFFF086  }
0x25: {  	[simem:s6], [sflag:s4] =	dma.local [hbm:s3], $0xF7A  }
0x26: {  	[smem:$0x3F91] =	sst s1;
	(tag) =	ssettag s2;
	_ =	strace s9  }
0x27: {  	s1 =	sld [smem:$0x3FA1]  }
0x28: {  	s2 =	sld [smem:$0x3FA2]  }
0x29: {  	s4 =	sld [smem:$0x3FA4]  }
0x2a: {  	p0 =	seq.s32 s5, $0x0;
	s5 =	sld [smem:$0x3FA5]  }
0x2b: {  	s6 =	sld [smem:$0x3FA6]  }
0x2c: {  	s7 =	sld [smem:$0x3FA7]  }
0x2d: {  	s3 =	simm.s32 $0x108;
	s8 =	sld [smem:$0x3FA8]  }
0x2e: {  	s3 =	simm.s32 @!p0 $0x1082;
	s9 =	sld [smem:$0x3FA9]  }
0x2f: {  	lr =	sadd.s32 s0, s3;
	s0 =	sld [smem:$0x3FA0]  }
0x30: {  	s3 =	sld [smem:$0x3FA3]  }
0x31: {  	[smem:$0x3FAC] =	sst s10  }
0x32: {  	s10 =	sld [smem:$0x3FAA];
	_ =	sdelay $0x3  }
0x33: {  	p0 =	seq.s32 s10, $0x1;
	s10 =	sld [smem:$0x3FAC];
	_ =	sdelay $0x3  }
0x34: {  	[smem:$0x3FAC] =	sst s10  }
0x35: {  	s10 =	sld [smem:$0x3FAB];
	_ =	sdelay $0x3  }
0x36: {  	p1 =	seq.s32 s10, $0x1;
	s10 =	sld [smem:$0x3FAC];
	_ =	sdelay $0x3  }
0x37: {  	[smem:$0x3FAC] =	sst s10  }
0x38: {  	s10 =	sld [smem:$0x3FAD]  }
0x39: {  	_ = 	snop;
	(pc) =	sbr.ind lr, $3  }
0x3a: {  	_ = 	snop  }
0x3b: {  	_ = 	snop  }
0x3c: {  	p2 =	seq.s32 s10, $0x1;
	s10 =	sld [smem:$0x3FAC]  }
0x3d: {  	_ =	shalt  }
0x3e: {  	_ =	shalt  }
0x3f: {  	_ =	shalt  }
0x40: {  	_ =	shalt  }
0x41: {  	_ =	shalt  }
0x42: {  	_ =	shalt  }
0x43: {  	_ =	shalt  }
0x44: {  	_ =	shalt  }
0x45: {  	_ =	shalt  }
0x46: {  	_ =	shalt  }
0x47: {  	_ =	shalt  }
0x48: {  	_ =	shalt  }
0x49: {  	_ =	shalt  }
0x4a: {  	_ =	shalt  }
0x4b: {  	_ =	shalt  }
0x4c: {  	_ =	shalt  }
0x4d: {  	_ =	shalt  }
0x4e: {  	_ =	shalt  }
0x4f: {  	_ =	shalt  }
0x50: {  	_ =	shalt  }
0x51: {  	_ =	shalt  }
0x52: {  	_ =	shalt  }
0x53: {  	_ =	shalt  }
0x54: {  	_ =	shalt  }
0x55: {  	_ =	shalt  }
0x56: {  	_ =	shalt  }
0x57: {  	_ =	shalt  }
0x58: {  	_ =	shalt  }
0x59: {  	_ =	shalt  }
0x5a: {  	_ =	shalt  }
0x5b: {  	_ =	shalt  }
0x5c: {  	_ =	shalt  }
0x5d: {  	_ =	shalt  }
0x5e: {  	_ =	shalt  }
0x5f: {  	_ =	shalt  }
0x60: {  	_ =	shalt  }
0x61: {  	_ =	shalt  }
0x62: {  	_ =	shalt  }
0x63: {  	_ =	shalt  }
0x64: {  	_ =	shalt  }
0x65: {  	_ =	shalt  }
0x66: {  	_ =	shalt  }
0x67: {  	_ =	shalt  }
0x68: {  	_ =	shalt  }
0x69: {  	_ =	shalt  }
0x6a: {  	_ =	shalt  }
0x6b: {  	_ =	shalt  }
0x6c: {  	_ =	shalt  }
0x6d: {  	_ =	shalt  }
0x6e: {  	_ =	shalt  }
0x6f: {  	_ =	shalt  }
0x70: {  	_ =	shalt  }
0x71: {  	_ =	shalt  }
0x72: {  	_ =	shalt  }
0x73: {  	_ =	shalt  }
0x74: {  	_ =	shalt  }
0x75: {  	_ =	shalt  }
0x76: {  	_ =	shalt  }
0x77: {  	_ =	shalt  }
0x78: {  	_ =	shalt  }
0x79: {  	_ =	shalt  }
0x7a: {  	_ =	shalt  }
0x7b: {  	_ =	shalt  }
0x7c: {  	_ =	shalt  }
0x7d: {  	_ =	shalt  }
0x7e: {  	_ =	shalt  }
0x7f: {  	_ =	shalt  }
0x80: {  	_ =	shalt  }
0x81: {  	_ =	shalt  }
0x82: {  	_ =	shalt  }
0x83: {  	_ =	shalt  }
0x84: {  	_ =	shalt  }
0x85: {  	_ =	shalt  }
0x86: {  	_ =	shalt  }
0x87: {  	_ =	shalt  }
.Lfunc_end0:
.L_simem_size_0:
called_computation.1_lowered:
.L_overlay_start_0:
0x88: {  	s2 =	sld [smem:$0x3FD9]  }
0x89: {  	s3 =	sld [smem:$0x3FFE];
	_ =	sdelay $0x1  }
0x8a: {  	s1 =	srdreg.scid  }
0x8b: {  	s0 =	sand.u32 $0x1, s1  }
0x8c: {  	s16 =	sshll.u32 s0, $0xA;
	s2 =	sadd.s32 s3, s2  }
0x8d: {  	s2 =	sadd.s32 s2, s16  }
0x8e: {  	[smem:$0x3FB8] =	sst s2  }
0x8f: {  	_ = 	snop  }
0x90: {  	(tm) =	ssettm $0x1  }
0x91: {  	s17 =	sld [smem:$0x3FFB];
	_ =	sdelay $0x3  }
0x92: {  	_ =	strace s17  }
0x93: {  	s2 =	sld [smem:$0x3FFC];
	_ =	sdelay $0x3  }
0x94: {  	_ =	strace s2  }
0x95: {  	s2 =	sld [smem:$0x3FFD];
	_ =	sdelay $0x3  }
0x96: {  	_ =	strace s2  }
0x97: {  	_ =	strace $0x8FFFFFFF  }
0x98: {  	s18 =	sld [smem:$0x3FDB];
	_ =	sdelay $0x1  }
0x99: {  	s19 =	simm.s32 $_scs_section_size  }
0x9a: {  	s4 =	simm.s32 $_size__tile_overlayer_lowered;
	s5 =	simm.s32 $_tile_overlayer_lowered  }
0x9b: {  	s22 =	simm.s32 $0x1BFF;
	s21 =	sshll.u32 s5, $0x1;
	s2 =	sadd.s32 s19, s18  }
0x9c: {  	s6 =	simm.s32 $0x0;
	s20 =	sshll.u32 s4, $0x1;
	s4 =	sadd.s32 s21, s2  }
0x9d: {  	[timem:s6], [sflag:s22] =	dma.local [hbm:s4], s20  }
0x9e: {  	_ =	swait.ge [sflag:s22], s20  }
0x9f: {  	s3 =	ssub.s32 $0x0, s20;
	[sflag:s22] =	ssyncset.done $0x0  }
0xa0: {  	[sflag:s22] =	ssyncadd.s32 s3;
	_ =	sdelay $0x1  }
0xa1: {  	s23 =	simm.s32 $0x1B8B  }
0xa2: {  	_ =	swait.ge [sflag:s23], $0x1  }
0xa3: {  	[sflag:s23] =	ssyncset.done $0x0  }
0xa4: {  	s25 =	simm.s32 $0x1B8E;
	s24 =	sld [smem:$0x3FFE];
	[sflag:s23] =	ssyncadd.s32 $0xFFFFFFFF  }
0xa5: {  	s26 =	simm.s32 $execute0_lowered;
	[smem:$0x3FD2] =	sst s25  }
0xa6: {  	s4 =	sshll.u32 s26, $0x1;
	_ =	strace $0x80000049;
	[dreg:$0x1] =	wrdreg $0xFFFFFFFF  }
0xa7: {  	s28 =	simm.s32 $_size_execute0_lowered;
	s2 =	sadd.s32 s2, s4;
	[dreg:$0x0] =	wrdreg $0x0  }
0xa8: {  	s4 =	sshll.u32 s28, $0x1;
	[dreg:$0x2] =	wrdreg s2  }
0xa9: {  	[dreg:$0x3] =	wrdreg s4  }
0xaa: {  	[dreg:$0x4] =	wrdreg $0xC0  }
0xab: {  	_ =	task [dreg:s6], $0x5FFFF  }
0xac: {  	[dreg:$0x1] =	wrdreg $0xFFFFFFFF  }
0xad: {  	[dreg:$0x0] =	wrdreg $0x60  }
0xae: {  	[dreg:$0x2] =	wrdreg s24  }
0xaf: {  	[dreg:$0x3] =	wrdreg $0xA8000  }
0xb0: {  	[dreg:$0x4] =	wrdreg $0x9  }
0xb1: {  	_ =	task.clear_ibuf [dreg:s6], $0x5FFFF;
	_ =	strace $0x90000049  }
0xb2: {  	s29 =	simm.s32 $0x9;
	_ =	strace $0x8000004B  }
0xb3: {  	_ =	swait.ge [sflag:s29], $0x1  }
0xb4: {  	[sflag:s29] =	ssyncadd.s32 $0xFFFFFFFF  }
0xb5: {  	_ =	strace $0x9000004B  }
0xb6: {  	_ =	sfence  }
0xb7: {  	s30 =	sld [smem:$0x0];
	_ =	sdelay $0x2  }
0xb8: {  	s31 =	sshll.u32 s1, $0xD;
	s1 =	sshrl.u32 s1, $0x2  }
0xb9: {  	s3 =	sand.u32 $0x4000, s31;
	s1 =	sadd.s32 s1, s30  }
0xba: {  	s0 =	sor.u32 s3, s0;
	s1 =	sshll.u32 s1, $0x11  }
0xbb: {  	s0 =	sor.u32 s1, s0  }
0xbc: {  	s0 =	sadd.s32 $0x8F2B, s0  }
0xbd: {  	[sflag:s0] =	ssyncadd.remote.s32 $0x1  }
0xbe: {  	_ =	sfence.sel $0xFFFF  }
0xbf: {  	[dreg:$0x0] =	wrdreg $0xFFFFFFFF;
	(pc) =	sbr.abs _section_cstart, $3  }
0xc0: {  	[dreg:$0x1] =	wrdreg $0xFFFFFFFF  }
0xc1: {  	_ =	task.clear_ibuf [dreg:s6], $0x2FFFF;
	_ =	strace $0x9FFFFFFF  }
0xc2: {  	(tm) =	ssettm $0x7FFFFFFF  }
0xc3: {  	_ =	shalt  }
tec
execute0_lowered:
.L_overlay_start_1:
0x0: {  	(tag) =	ssettag $0x1  }
0x1: {  	s0 =	rddreg [dreg:$0x0]  }
0x2: {  	s1 =	rddreg [dreg:$0x1];
	s3 =	simm.s32 $0x0;
	s2 =	srdreg.scid  }
0x3: {  	s9 =	stileid.u32;
	s28 =	simm.s32 $0x8800;
	s29 =	simm.s32 $0x1480  }
0x4: {  	s30 =	simm.s32 $0x2;
	s31 =	simm.s32 $0x3;
	s11 =	simm.s32 $0x2680  }
0x5: {  	s12 =	simm.s32 $0x2700;
	s13 =	simm.s32 $0x2780;
	[smem:$0x7FF] =	sst s3  }
0x6: {  	s2 =	sand.u32 $0x1, s2;
	s4 =	sadd.s32 $0x36800, s0;
	s5 =	smul.u32 $0x14000, s9  }
0x7: {  	s7 =	sadd.s32 $0x22800, s0;
	s8 =	sadd.s32 $0xE800, s0;
	s16 =	smul.u32 $0x50000, s9  }
0x8: {  	s10 =	sadd.s32 $0x3C00, s0;
	_ =	strace $0x8000004A;
	s14 =	smul.u32 $0x140000, s2  }
0x9: {  	s6 =	sshll.u32 s2, $0x4;
	[dreg:$0x3] =	wrdreg s10;
	s2 =	ssub.s32 $0x2, s2  }
0xa: {  	s10 =	simm.s32 $0x2600;
	s6 =	sor.u32 s9, s6;
	s17 =	sshrl.u32 s2, $0x1  }
0xb: {  	s19 =	sshrl.u32 s16, $0x2;
	s9 =	simm.s32 $0x1380;
	s3 =	sadd.s32 s5, s14  }
0xc: {  	s15 =	smul.u32 $0x5000, s6;
	s2 =	ssub.s32 s2, s17;
	s17 =	simm.s32 $0x5  }
0xd: {  	s6 =	simm.s32 $0x1580;
	s14 =	simm.s32 $0x0;
	s3 =	sshrl.u32 s3, $0x3  }
0xe: {  	s26 =	smax.u32 s2, $0x1;
	s0 =	sadd.s32 s3, s0;
	s5 =	sshrl.u32 s15, $0x3  }
0xf: {  	s3 =	sadd.s32 s19, s1;
	[dreg:$0xe] =	wrdreg s26;
	s19 =	simm.s32 $0x40  }
0x10: {  	s26 =	simm.s32 $0x180;
	s18 =	sadd.s32 s7, s5;
	[dreg:$0x6] =	wrdreg s3  }
0x11: {  	s20 =	sadd.s32 s8, s5;
	s21 =	sadd.s32 $0x280, s5;
	[dreg:$0x4] =	wrdreg s18  }
0x12: {  	s23 =	sadd.s32 $0x500, s5;
	s0 =	sadd.s32 $0x5E800, s0;
	[dreg:$0x5] =	wrdreg s20  }
0x13: {  	s25 =	sadd.s32 $0x780, s5;
	s22 =	sadd.s32 s7, s21;
	[dreg:$0xd] =	wrdreg s0  }
0x14: {  	s3 =	sadd.s32 s8, s21;
	s24 =	sadd.s32 s7, s23;
	[dreg:$0x7] =	wrdreg s22  }
0x15: {  	s5 =	sadd.s32 s7, s25;
	s18 =	simm.s32 $0x1400;
	[dreg:$0x8] =	wrdreg s3  }
0x16: {  	s20 =	simm.s32 $0x2800;
	s0 =	simm.s32 $0x200;
	[dreg:$0x9] =	wrdreg s24  }
0x17: {  	s7 =	simm.s32 $0x4;
	s3 =	sadd.s32 s8, s23;
	[dreg:$0xb] =	wrdreg s5  }
0x18: {  	s22 =	simm.s32 $0x4800;
	s23 =	simm.s32 $0x1;
	s5 =	simm.s32 $0x1500  }
0x19: {  	[dreg:$0xa] =	wrdreg s3;
	s3 =	sadd.s32 s8, s25;
	s25 =	simm.s32 $0x6800  }
0x1a: {  	s8 =	simm.s32 $0x1300;
	[dreg:$0xc] =	wrdreg s3;
	s3 =	simm.s32 $0x280  }
.LBB2_1:
0x1b: {  	s2 =	simm.s32 $0x0;
	s15 =	rddreg [dreg:$0x4]  }
0x1c: {  	[tilespmem:s2], [sflag:$0x5] =	stream.linear.gather [hbm4b:s15+s2], $0x1400, $0x38;
	[tilespmem:$0x1E800] =	vst v63  }
0x1d: {  	_ =	swait.ge [sflag:s17], $0x1400  }
0x1e: {  	[sflag:s17] =	ssyncset.done $0x0  }
0x1f: {  	s24 =	rddreg [dreg:$0x5];
	[sflag:s17] =	ssyncadd.s32 $0xFFFFEC00  }
0x20: {  	[tilespmem:s18], [sflag:$0x5] =	stream.linear.gather [hbm4b:s24+s2], $0x1400, $0x38;
	[tilespmem:$0x1E800] =	vst v63  }
0x21: {  	_ =	swait.ge [sflag:s17], $0x1400  }
0x22: {  	[sflag:s17] =	ssyncset.done $0x0  }
0x23: {  	s16 =	stileid.u32;
	[sflag:s17] =	ssyncadd.s32 $0xFFFFEC00  }
0x24: {  	[tilespmem:s20], [sflag:$0x1] =	stream.indirect.gather [hbm4b:s4+s19], $0x80, s2, s19, $0xb8;
	[tilespmem:$0x1E800] =	vst v63  }
0x25: {  	s15 =	simm.s32 $0x80;
	s21 =	rddreg [dreg:$0x6];
	s2 =	sshll.u32 s16, $0x6  }
0x26: {  	[tilespmem:s22], [sflag:$0x1] =	stream.indirect.gather [hbm4b:s4+s19], $0x80, s15, s19, $0xb8;
	[tilespmem:$0x1E800] =	vst v63  }
0x27: {  	s24 =	rddreg [dreg:$0x3];
	s16 =	sshrl.u32 s21, $0x3;
	s15 =	sor.u32 $0x1C05, s2  }
0x28: {  	[spmem:s16], [sflag:s15] =	dma.local [hbm:s24], $0x2800  }
0x29: {  	_ =	swait.ge [sflag:s17], $0x2800  }
0x2a: {  	[sflag:s17] =	ssyncset.done $0x0  }
0x2b: {  	[sflag:s17] =	ssyncadd.s32 $0xFFFFD800  }
0x2c: {  	[bflag:$0x0] =	sbarrier.arrive $0xFFFF  }
0x2d: {  	_ =	swait.ge [sflag:s23], $0x2000  }
0x2e: {  	[sflag:s23] =	ssyncset.done $0x0  }
0x2f: {  	[sflag:s23] =	ssyncadd.s32 $0xFFFFE000  }
0x30: {  	_ =	swait.ge [sflag:s23], $0x2000  }
0x31: {  	[sflag:s23] =	ssyncset.done $0x0  }
0x32: {  	s21 =	simm.s32 $0x100;
	[sflag:s23] =	ssyncadd.s32 $0xFFFFE000  }
0x33: {  	[tilespmem:s25], [sflag:$0x2] =	stream.indirect.gather [hbm4b:s4+s19], $0x80, s21, s19, $0xb8;
	[tilespmem:$0x1E800] =	vst v63  }
0x34: {  	_ = 	snop  }
0x35: {  	[tilespmem:s28], [sflag:$0x2] =	stream.indirect.gather [hbm4b:s4+s19], $0x80, s26, s19, $0xb8;
	[tilespmem:$0x1E800] =	vst v63  }
0x36: {  	_ = 	snop  }
0x37: {  	[spmem:s1] =	stream.indirect.scatter.add.f32 [tilespmem:s20], [sflag:$0x3], $0x80, s18, s19, $0xb8;
	[tilespmem:$0x1E800] =	vst v63  }
0x38: {  	_ = 	snop  }
0x39: {  	[spmem:s1] =	stream.indirect.scatter.add.f32 [tilespmem:s22], [sflag:$0x3], $0x80, s29, s19, $0xb8;
	[tilespmem:$0x1E800] =	vst v63  }
0x3a: {  	_ =	swait.ge [sflag:s30], $0x2000  }
0x3b: {  	[sflag:s30] =	ssyncset.done $0x0  }
0x3c: {  	[sflag:s30] =	ssyncadd.s32 $0xFFFFE000  }
0x3d: {  	_ =	swait.ge [sflag:s30], $0x2000  }
0x3e: {  	[sflag:s30] =	ssyncset.done $0x0  }
0x3f: {  	[sflag:s30] =	ssyncadd.s32 $0xFFFFE000  }
0x40: {  	_ =	swait.ge [sflag:s31], $0x2000  }
0x41: {  	[sflag:s31] =	ssyncset.done $0x0  }
0x42: {  	[sflag:s31] =	ssyncadd.s32 $0xFFFFE000  }
0x43: {  	_ =	swait.ge [sflag:s31], $0x2000  }
0x44: {  	[sflag:s31] =	ssyncset.done $0x0  }
0x45: {  	[sflag:s31] =	ssyncadd.s32 $0xFFFFE000  }
0x46: {  	[tilespmem:s20], [sflag:$0x1] =	stream.indirect.gather [hbm4b:s4+s19], $0x80, s0, s19, $0xb8;
	[tilespmem:$0x1E800] =	vst v63  }
0x47: {  	_ = 	snop  }
0x48: {  	[tilespmem:s22], [sflag:$0x1] =	stream.indirect.gather [hbm4b:s4+s19], $0x80, s3, s19, $0xb8;
	[tilespmem:$0x1E800] =	vst v63  }
0x49: {  	_ = 	snop  }
0x4a: {  	[spmem:s1] =	stream.indirect.scatter.add.f32 [tilespmem:s25], [sflag:$0x4], $0x80, s5, s19, $0xb8;
	[tilespmem:$0x1E800] =	vst v63  }
0x4b: {  	_ = 	snop  }
0x4c: {  	[spmem:s1] =	stream.indirect.scatter.add.f32 [tilespmem:s28], [sflag:$0x4], $0x80, s6, s19, $0xb8;
	[tilespmem:$0x1E800] =	vst v63  }
0x4d: {  	_ =	swait.ge [sflag:s23], $0x2000  }
0x4e: {  	[sflag:s23] =	ssyncset.done $0x0  }
0x4f: {  	[sflag:s23] =	ssyncadd.s32 $0xFFFFE000  }
0x50: {  	_ =	swait.ge [sflag:s23], $0x2000  }
0x51: {  	[sflag:s23] =	ssyncset.done $0x0  }
0x52: {  	[sflag:s23] =	ssyncadd.s32 $0xFFFFE000  }
0x53: {  	_ =	swait.ge [sflag:s7], $0x2000  }
0x54: {  	[sflag:s7] =	ssyncset.done $0x0  }
0x55: {  	[sflag:s7] =	ssyncadd.s32 $0xFFFFE000  }
0x56: {  	_ =	swait.ge [sflag:s7], $0x2000  }
0x57: {  	[sflag:s7] =	ssyncset.done $0x0  }
0x58: {  	s24 =	simm.s32 $0x300;
	[sflag:s7] =	ssyncadd.s32 $0xFFFFE000  }
0x59: {  	[tilespmem:s25], [sflag:$0x2] =	stream.indirect.gather [hbm4b:s4+s19], $0x80, s24, s19, $0xb8;
	[tilespmem:$0x1E800] =	vst v63  }
0x5a: {  	s21 =	simm.s32 $0x380  }
0x5b: {  	[tilespmem:s28], [sflag:$0x2] =	stream.indirect.gather [hbm4b:s4+s19], $0x80, s21, s19, $0xb8;
	[tilespmem:$0x1E800] =	vst v63  }
0x5c: {  	s24 =	simm.s32 $0x1600  }
0x5d: {  	[spmem:s1] =	stream.indirect.scatter.add.f32 [tilespmem:s20], [sflag:$0x3], $0x80, s24, s19, $0xb8;
	[tilespmem:$0x1E800] =	vst v63  }
0x5e: {  	s21 =	simm.s32 $0x1680  }
0x5f: {  	[spmem:s1] =	stream.indirect.scatter.add.f32 [tilespmem:s22], [sflag:$0x3], $0x80, s21, s19, $0xb8;
	[tilespmem:$0x1E800] =	vst v63  }
0x60: {  	_ =	swait.ge [sflag:s30], $0x2000  }
0x61: {  	[sflag:s30] =	ssyncset.done $0x0  }
0x62: {  	[sflag:s30] =	ssyncadd.s32 $0xFFFFE000  }
0x63: {  	_ =	swait.ge [sflag:s30], $0x2000  }
0x64: {  	[sflag:s30] =	ssyncset.done $0x0  }
0x65: {  	[sflag:s30] =	ssyncadd.s32 $0xFFFFE000  }
0x66: {  	_ =	swait.ge [sflag:s31], $0x2000  }
0x67: {  	[sflag:s31] =	ssyncset.done $0x0  }
0x68: {  	[sflag:s31] =	ssyncadd.s32 $0xFFFFE000  }
0x69: {  	_ =	swait.ge [sflag:s31], $0x2000  }
0x6a: {  	[sflag:s31] =	ssyncset.done $0x0  }
0x6b: {  	s24 =	simm.s32 $0x400;
	[sflag:s31] =	ssyncadd.s32 $0xFFFFE000  }
0x6c: {  	[tilespmem:s20], [sflag:$0x1] =	stream.indirect.gather [hbm4b:s4+s19], $0x80, s24, s19, $0xb8;
	[tilespmem:$0x1E800] =	vst v63  }
0x6d: {  	s21 =	simm.s32 $0x480  }
0x6e: {  	[tilespmem:s22], [sflag:$0x1] =	stream.indirect.gather [hbm4b:s4+s19], $0x80, s21, s19, $0xb8;
	[tilespmem:$0x1E800] =	vst v63  }
0x6f: {  	s2 =	simm.s32 $0x800;
	s24 =	simm.s32 $0x1700;
	s21 =	simm.s32 $0x1780  }
0x70: {  	[spmem:s1] =	stream.indirect.scatter.add.f32 [tilespmem:s25], [sflag:$0x4], $0x80, s24, s19, $0xb8;
	[tilespmem:$0x1E800] =	vst v63  }
.LBB2_2:
0x71: {  	[spmem:s1] =	stream.indirect.scatter.add.f32 [tilespmem:s28], [sflag:$0x4], $0x80, s21, s19, $0xb8;
	[tilespmem:$0x1E800] =	vst v63  }
0x72: {  	s21 =	smov.u32 s2  }
0x73: {  	p0 =	sne.s32 s2, $0x3800;
	s2 =	sadd.s32 $0x800, s2;
	_ =	swait.ge [sflag:s23], $0x2000  }
0x74: {  	[sflag:s23] =	ssyncset.done $0x0  }
0x75: {  	[sflag:s23] =	ssyncadd.s32 $0xFFFFE000  }
0x76: {  	_ =	swait.ge [sflag:s23], $0x2000  }
0x77: {  	[sflag:s23] =	ssyncset.done $0x0  }
0x78: {  	[sflag:s23] =	ssyncadd.s32 $0xFFFFE000  }
0x79: {  	_ =	swait.ge [sflag:s7], $0x2000  }
0x7a: {  	[sflag:s7] =	ssyncset.done $0x0  }
0x7b: {  	[sflag:s7] =	ssyncadd.s32 $0xFFFFE000  }
0x7c: {  	_ =	swait.ge [sflag:s7], $0x2000  }
0x7d: {  	s21 =	sshra.s32 s21, $0x2;
	[sflag:s7] =	ssyncset.done $0x0  }
0x7e: {  	s24 =	sadd.s32 $0x300, s21;
	[sflag:s7] =	ssyncadd.s32 $0xFFFFE000  }
0x7f: {  	[tilespmem:s25], [sflag:$0x2] =	stream.indirect.gather [hbm4b:s4+s19], $0x80, s24, s19, $0xb8;
	[tilespmem:$0x1E800] =	vst v63  }
0x80: {  	s24 =	sadd.s32 $0x380, s21  }
0x81: {  	[tilespmem:s28], [sflag:$0x2] =	stream.indirect.gather [hbm4b:s4+s19], $0x80, s24, s19, $0xb8;
	[tilespmem:$0x1E800] =	vst v63  }
0x82: {  	s24 =	sadd.s32 $0x1600, s21  }
0x83: {  	[spmem:s1] =	stream.indirect.scatter.add.f32 [tilespmem:s20], [sflag:$0x3], $0x80, s24, s19, $0xb8;
	[tilespmem:$0x1E800] =	vst v63  }
0x84: {  	s24 =	sadd.s32 $0x1680, s21  }
0x85: {  	[spmem:s1] =	stream.indirect.scatter.add.f32 [tilespmem:s22], [sflag:$0x3], $0x80, s24, s19, $0xb8;
	[tilespmem:$0x1E800] =	vst v63  }
0x86: {  	_ =	swait.ge [sflag:s30], $0x2000  }
0x87: {  	[sflag:s30] =	ssyncset.done $0x0  }
0x88: {  	[sflag:s30] =	ssyncadd.s32 $0xFFFFE000  }
0x89: {  	_ =	swait.ge [sflag:s30], $0x2000  }
0x8a: {  	[sflag:s30] =	ssyncset.done $0x0  }
0x8b: {  	[sflag:s30] =	ssyncadd.s32 $0xFFFFE000  }
0x8c: {  	_ =	swait.ge [sflag:s31], $0x2000  }
0x8d: {  	[sflag:s31] =	ssyncset.done $0x0  }
0x8e: {  	[sflag:s31] =	ssyncadd.s32 $0xFFFFE000  }
0x8f: {  	_ =	swait.ge [sflag:s31], $0x2000  }
0x90: {  	[sflag:s31] =	ssyncset.done $0x0  }
0x91: {  	s24 =	sadd.s32 $0x400, s21;
	[sflag:s31] =	ssyncadd.s32 $0xFFFFE000  }
0x92: {  	[tilespmem:s20], [sflag:$0x1] =	stream.indirect.gather [hbm4b:s4+s19], $0x80, s24, s19, $0xb8;
	[tilespmem:$0x1E800] =	vst v63  }
.Ltmp0:
0x93: {  	s24 =	sadd.s32 $0x480, s21;
	(pc) =	sbr.rel @p0 .LBB2_2-.Ltmp0, $4  }
0x94: {  	[tilespmem:s22], [sflag:$0x1] =	stream.indirect.gather [hbm4b:s4+s19], $0x80, s24, s19, $0xb8;
	[tilespmem:$0x1E800] =	vst v63  }
0x95: {  	s24 =	sadd.s32 $0x1700, s21  }
0x96: {  	[spmem:s1] =	stream.indirect.scatter.add.f32 [tilespmem:s25], [sflag:$0x4], $0x80, s24, s19, $0xb8;
	[tilespmem:$0x1E800] =	vst v63  }
0x97: {  	s21 =	sadd.s32 $0x1780, s21  }
0x98: {  	[spmem:s1] =	stream.indirect.scatter.add.f32 [tilespmem:s28], [sflag:$0x4], $0x80, s21, s19, $0xb8;
	[tilespmem:$0x1E800] =	vst v63  }
0x99: {  	_ =	swait.ge [sflag:s23], $0x2000  }
0x9a: {  	[sflag:s23] =	ssyncset.done $0x0  }
0x9b: {  	[sflag:s23] =	ssyncadd.s32 $0xFFFFE000  }
0x9c: {  	_ =	swait.ge [sflag:s23], $0x2000  }
0x9d: {  	[sflag:s23] =	ssyncset.done $0x0  }
0x9e: {  	[sflag:s23] =	ssyncadd.s32 $0xFFFFE000  }
0x9f: {  	_ =	swait.ge [sflag:s7], $0x2000  }
0xa0: {  	[sflag:s7] =	ssyncset.done $0x0  }
0xa1: {  	[sflag:s7] =	ssyncadd.s32 $0xFFFFE000  }
0xa2: {  	_ =	swait.ge [sflag:s7], $0x2000  }
0xa3: {  	[sflag:s7] =	ssyncset.done $0x0  }
0xa4: {  	[sflag:s7] =	ssyncadd.s32 $0xFFFFE000  }
0xa5: {  	[tilespmem:s25], [sflag:$0x2] =	stream.indirect.gather [hbm4b:s4+s19], $0x80, s8, s19, $0xb8;
	[tilespmem:$0x1E800] =	vst v63  }
0xa6: {  	_ = 	snop  }
0xa7: {  	[tilespmem:s28], [sflag:$0x2] =	stream.indirect.gather [hbm4b:s4+s19], $0x80, s9, s19, $0xb8;
	[tilespmem:$0x1E800] =	vst v63  }
0xa8: {  	_ = 	snop  }
0xa9: {  	[spmem:s1] =	stream.indirect.scatter.add.f32 [tilespmem:s20], [sflag:$0x3], $0x80, s10, s19, $0xb8;
	[tilespmem:$0x1E800] =	vst v63  }
0xaa: {  	_ = 	snop  }
0xab: {  	[spmem:s1] =	stream.indirect.scatter.add.f32 [tilespmem:s22], [sflag:$0x3], $0x80, s11, s19, $0xb8;
	[tilespmem:$0x1E800] =	vst v63  }
0xac: {  	_ =	swait.ge [sflag:s30], $0x2000  }
0xad: {  	[sflag:s30] =	ssyncset.done $0x0  }
0xae: {  	[sflag:s30] =	ssyncadd.s32 $0xFFFFE000  }
0xaf: {  	_ =	swait.ge [sflag:s30], $0x2000  }
0xb0: {  	[sflag:s30] =	ssyncset.done $0x0  }
0xb1: {  	[sflag:s30] =	ssyncadd.s32 $0xFFFFE000  }
0xb2: {  	[spmem:s1] =	stream.indirect.scatter.add.f32 [tilespmem:s25], [sflag:$0x4], $0x80, s12, s19, $0xb8;
	[tilespmem:$0x1E800] =	vst v63  }
0xb3: {  	_ = 	snop  }
0xb4: {  	[spmem:s1] =	stream.indirect.scatter.add.f32 [tilespmem:s28], [sflag:$0x4], $0x80, s13, s19, $0xb8;
	[tilespmem:$0x1E800] =	vst v63  }
0xb5: {  	_ =	swait.ge [sflag:s31], $0x2000  }
0xb6: {  	[sflag:s31] =	ssyncset.done $0x0  }
0xb7: {  	[sflag:s31] =	ssyncadd.s32 $0xFFFFE000  }
0xb8: {  	_ =	swait.ge [sflag:s7], $0x2000  }
0xb9: {  	[sflag:s7] =	ssyncset.done $0x0  }
0xba: {  	[sflag:s7] =	ssyncadd.s32 $0xFFFFE000  }
0xbb: {  	_ =	swait.ge [sflag:s31], $0x2000  }
0xbc: {  	[sflag:s31] =	ssyncset.done $0x0  }
0xbd: {  	[sflag:s31] =	ssyncadd.s32 $0xFFFFE000  }
0xbe: {  	_ =	swait.ge [sflag:s7], $0x2000  }
0xbf: {  	[sflag:s7] =	ssyncset.done $0x0  }
0xc0: {  	s2 =	simm.s32 $0x0;
	s24 =	rddreg [dreg:$0x7];
	[sflag:s7] =	ssyncadd.s32 $0xFFFFE000  }
0xc1: {  	[tilespmem:s2], [sflag:$0x5] =	stream.linear.gather [hbm4b:s24+s2], $0x1400, $0x38;
	[tilespmem:$0x1E800] =	vst v63  }
0xc2: {  	_ =	swait.ge [sflag:s17], $0x1400  }
0xc3: {  	[sflag:s17] =	ssyncset.done $0x0  }
0xc4: {  	s24 =	rddreg [dreg:$0x8];
	[sflag:s17] =	ssyncadd.s32 $0xFFFFEC00  }
0xc5: {  	[tilespmem:s18], [sflag:$0x5] =	stream.linear.gather [hbm4b:s24+s2], $0x1400, $0x38;
	[tilespmem:$0x1E800] =	vst v63  }
0xc6: {  	_ =	swait.ge [sflag:s17], $0x1400  }
0xc7: {  	[sflag:s17] =	ssyncset.done $0x0  }
0xc8: {  	[sflag:s17] =	ssyncadd.s32 $0xFFFFEC00  }
0xc9: {  	[tilespmem:s20], [sflag:$0x1] =	stream.indirect.gather [hbm4b:s4+s19], $0x80, s2, s19, $0xb8;
	[tilespmem:$0x1E800] =	vst v63  }
0xca: {  	s24 =	simm.s32 $0x80  }
0xcb: {  	[tilespmem:s22], [sflag:$0x1] =	stream.indirect.gather [hbm4b:s4+s19], $0x80, s24, s19, $0xb8;
	[tilespmem:$0x1E800] =	vst v63  }
0xcc: {  	_ =	swait.ge [sflag:s23], $0x2000  }
0xcd: {  	[sflag:s23] =	ssyncset.done $0x0  }
0xce: {  	[sflag:s23] =	ssyncadd.s32 $0xFFFFE000  }
0xcf: {  	_ =	swait.ge [sflag:s23], $0x2000  }
0xd0: {  	[sflag:s23] =	ssyncset.done $0x0  }
0xd1: {  	s21 =	simm.s32 $0x100;
	[sflag:s23] =	ssyncadd.s32 $0xFFFFE000  }
0xd2: {  	[tilespmem:s25], [sflag:$0x2] =	stream.indirect.gather [hbm4b:s4+s19], $0x80, s21, s19, $0xb8;
	[tilespmem:$0x1E800] =	vst v63  }
0xd3: {  	_ = 	snop  }
0xd4: {  	[tilespmem:s28], [sflag:$0x2] =	stream.indirect.gather [hbm4b:s4+s19], $0x80, s26, s19, $0xb8;
	[tilespmem:$0x1E800] =	vst v63  }
0xd5: {  	_ = 	snop  }
0xd6: {  	[spmem:s1] =	stream.indirect.scatter.add.f32 [tilespmem:s20], [sflag:$0x3], $0x80, s18, s19, $0xb8;
	[tilespmem:$0x1E800] =	vst v63  }
0xd7: {  	_ = 	snop  }
0xd8: {  	[spmem:s1] =	stream.indirect.scatter.add.f32 [tilespmem:s22], [sflag:$0x3], $0x80, s29, s19, $0xb8;
	[tilespmem:$0x1E800] =	vst v63  }
0xd9: {  	_ =	swait.ge [sflag:s30], $0x2000  }
0xda: {  	[sflag:s30] =	ssyncset.done $0x0  }
0xdb: {  	[sflag:s30] =	ssyncadd.s32 $0xFFFFE000  }
0xdc: {  	_ =	swait.ge [sflag:s30], $0x2000  }
0xdd: {  	[sflag:s30] =	ssyncset.done $0x0  }
0xde: {  	[sflag:s30] =	ssyncadd.s32 $0xFFFFE000  }
0xdf: {  	_ =	swait.ge [sflag:s31], $0x2000  }
0xe0: {  	[sflag:s31] =	ssyncset.done $0x0  }
0xe1: {  	[sflag:s31] =	ssyncadd.s32 $0xFFFFE000  }
0xe2: {  	_ =	swait.ge [sflag:s31], $0x2000  }
0xe3: {  	[sflag:s31] =	ssyncset.done $0x0  }
0xe4: {  	[sflag:s31] =	ssyncadd.s32 $0xFFFFE000  }
0xe5: {  	[tilespmem:s20], [sflag:$0x1] =	stream.indirect.gather [hbm4b:s4+s19], $0x80, s0, s19, $0xb8;
	[tilespmem:$0x1E800] =	vst v63  }
0xe6: {  	_ = 	snop  }
0xe7: {  	[tilespmem:s22], [sflag:$0x1] =	stream.indirect.gather [hbm4b:s4+s19], $0x80, s3, s19, $0xb8;
	[tilespmem:$0x1E800] =	vst v63  }
0xe8: {  	_ = 	snop  }
0xe9: {  	[spmem:s1] =	stream.indirect.scatter.add.f32 [tilespmem:s25], [sflag:$0x4], $0x80, s5, s19, $0xb8;
	[tilespmem:$0x1E800] =	vst v63  }
0xea: {  	_ = 	snop  }
0xeb: {  	[spmem:s1] =	stream.indirect.scatter.add.f32 [tilespmem:s28], [sflag:$0x4], $0x80, s6, s19, $0xb8;
	[tilespmem:$0x1E800] =	vst v63  }
0xec: {  	_ =	swait.ge [sflag:s23], $0x2000  }
0xed: {  	[sflag:s23] =	ssyncset.done $0x0  }
0xee: {  	[sflag:s23] =	ssyncadd.s32 $0xFFFFE000  }
0xef: {  	_ =	swait.ge [sflag:s23], $0x2000  }
0xf0: {  	[sflag:s23] =	ssyncset.done $0x0  }
0xf1: {  	[sflag:s23] =	ssyncadd.s32 $0xFFFFE000  }
0xf2: {  	_ =	swait.ge [sflag:s7], $0x2000  }
0xf3: {  	[sflag:s7] =	ssyncset.done $0x0  }
0xf4: {  	[sflag:s7] =	ssyncadd.s32 $0xFFFFE000  }
0xf5: {  	_ =	swait.ge [sflag:s7], $0x2000  }
0xf6: {  	[sflag:s7] =	ssyncset.done $0x0  }
0xf7: {  	s24 =	simm.s32 $0x300;
	[sflag:s7] =	ssyncadd.s32 $0xFFFFE000  }
0xf8: {  	[tilespmem:s25], [sflag:$0x2] =	stream.indirect.gather [hbm4b:s4+s19], $0x80, s24, s19, $0xb8;
	[tilespmem:$0x1E800] =	vst v63  }
0xf9: {  	s21 =	simm.s32 $0x380  }
0xfa: {  	[tilespmem:s28], [sflag:$0x2] =	stream.indirect.gather [hbm4b:s4+s19], $0x80, s21, s19, $0xb8;
	[tilespmem:$0x1E800] =	vst v63  }
0xfb: {  	s24 =	simm.s32 $0x1600  }
0xfc: {  	[spmem:s1] =	stream.indirect.scatter.add.f32 [tilespmem:s20], [sflag:$0x3], $0x80, s24, s19, $0xb8;
	[tilespmem:$0x1E800] =	vst v63  }
0xfd: {  	s21 =	simm.s32 $0x1680  }
0xfe: {  	[spmem:s1] =	stream.indirect.scatter.add.f32 [tilespmem:s22], [sflag:$0x3], $0x80, s21, s19, $0xb8;
	[tilespmem:$0x1E800] =	vst v63  }
0xff: {  	_ =	swait.ge [sflag:s30], $0x2000  }
0x100: {  	[sflag:s30] =	ssyncset.done $0x0  }
0x101: {  	[sflag:s30] =	ssyncadd.s32 $0xFFFFE000  }
0x102: {  	_ =	swait.ge [sflag:s30], $0x2000  }
0x103: {  	[sflag:s30] =	ssyncset.done $0x0  }
0x104: {  	[sflag:s30] =	ssyncadd.s32 $0xFFFFE000  }
0x105: {  	_ =	swait.ge [sflag:s31], $0x2000  }
0x106: {  	[sflag:s31] =	ssyncset.done $0x0  }
0x107: {  	[sflag:s31] =	ssyncadd.s32 $0xFFFFE000  }
0x108: {  	_ =	swait.ge [sflag:s31], $0x2000  }
0x109: {  	[sflag:s31] =	ssyncset.done $0x0  }
0x10a: {  	s24 =	simm.s32 $0x400;
	[sflag:s31] =	ssyncadd.s32 $0xFFFFE000  }
0x10b: {  	[tilespmem:s20], [sflag:$0x1] =	stream.indirect.gather [hbm4b:s4+s19], $0x80, s24, s19, $0xb8;
	[tilespmem:$0x1E800] =	vst v63  }
0x10c: {  	s21 =	simm.s32 $0x480  }
0x10d: {  	[tilespmem:s22], [sflag:$0x1] =	stream.indirect.gather [hbm4b:s4+s19], $0x80, s21, s19, $0xb8;
	[tilespmem:$0x1E800] =	vst v63  }
0x10e: {  	s2 =	simm.s32 $0x800;
	s24 =	simm.s32 $0x1700;
	s21 =	simm.s32 $0x1780  }
0x10f: {  	[spmem:s1] =	stream.indirect.scatter.add.f32 [tilespmem:s25], [sflag:$0x4], $0x80, s24, s19, $0xb8;
	[tilespmem:$0x1E800] =	vst v63  }
.LBB2_4:
0x110: {  	[spmem:s1] =	stream.indirect.scatter.add.f32 [tilespmem:s28], [sflag:$0x4], $0x80, s21, s19, $0xb8;
	[tilespmem:$0x1E800] =	vst v63  }
0x111: {  	s21 =	smov.u32 s2  }
0x112: {  	p0 =	sne.s32 s2, $0x3800;
	s2 =	sadd.s32 $0x800, s2;
	_ =	swait.ge [sflag:s23], $0x2000  }
0x113: {  	[sflag:s23] =	ssyncset.done $0x0  }
0x114: {  	[sflag:s23] =	ssyncadd.s32 $0xFFFFE000  }
0x115: {  	_ =	swait.ge [sflag:s23], $0x2000  }
0x116: {  	[sflag:s23] =	ssyncset.done $0x0  }
0x117: {  	[sflag:s23] =	ssyncadd.s32 $0xFFFFE000  }
0x118: {  	_ =	swait.ge [sflag:s7], $0x2000  }
0x119: {  	[sflag:s7] =	ssyncset.done $0x0  }
0x11a: {  	[sflag:s7] =	ssyncadd.s32 $0xFFFFE000  }
0x11b: {  	_ =	swait.ge [sflag:s7], $0x2000  }
0x11c: {  	s21 =	sshra.s32 s21, $0x2;
	[sflag:s7] =	ssyncset.done $0x0  }
0x11d: {  	s24 =	sadd.s32 $0x300, s21;
	[sflag:s7] =	ssyncadd.s32 $0xFFFFE000  }
0x11e: {  	[tilespmem:s25], [sflag:$0x2] =	stream.indirect.gather [hbm4b:s4+s19], $0x80, s24, s19, $0xb8;
	[tilespmem:$0x1E800] =	vst v63  }
0x11f: {  	s24 =	sadd.s32 $0x380, s21  }
0x120: {  	[tilespmem:s28], [sflag:$0x2] =	stream.indirect.gather [hbm4b:s4+s19], $0x80, s24, s19, $0xb8;
	[tilespmem:$0x1E800] =	vst v63  }
0x121: {  	s24 =	sadd.s32 $0x1600, s21  }
0x122: {  	[spmem:s1] =	stream.indirect.scatter.add.f32 [tilespmem:s20], [sflag:$0x3], $0x80, s24, s19, $0xb8;
	[tilespmem:$0x1E800] =	vst v63  }
0x123: {  	s24 =	sadd.s32 $0x1680, s21  }
0x124: {  	[spmem:s1] =	stream.indirect.scatter.add.f32 [tilespmem:s22], [sflag:$0x3], $0x80, s24, s19, $0xb8;
	[tilespmem:$0x1E800] =	vst v63  }
0x125: {  	_ =	swait.ge [sflag:s30], $0x2000  }
0x126: {  	[sflag:s30] =	ssyncset.done $0x0  }
0x127: {  	[sflag:s30] =	ssyncadd.s32 $0xFFFFE000  }
0x128: {  	_ =	swait.ge [sflag:s30], $0x2000  }
0x129: {  	[sflag:s30] =	ssyncset.done $0x0  }
0x12a: {  	[sflag:s30] =	ssyncadd.s32 $0xFFFFE000  }
0x12b: {  	_ =	swait.ge [sflag:s31], $0x2000  }
0x12c: {  	[sflag:s31] =	ssyncset.done $0x0  }
0x12d: {  	[sflag:s31] =	ssyncadd.s32 $0xFFFFE000  }
0x12e: {  	_ =	swait.ge [sflag:s31], $0x2000  }
0x12f: {  	[sflag:s31] =	ssyncset.done $0x0  }
0x130: {  	s24 =	sadd.s32 $0x400, s21;
	[sflag:s31] =	ssyncadd.s32 $0xFFFFE000  }
0x131: {  	[tilespmem:s20], [sflag:$0x1] =	stream.indirect.gather [hbm4b:s4+s19], $0x80, s24, s19, $0xb8;
	[tilespmem:$0x1E800] =	vst v63  }
.Ltmp1:
0x132: {  	s24 =	sadd.s32 $0x480, s21;
	(pc) =	sbr.rel @p0 .LBB2_4-.Ltmp1, $4  }
0x133: {  	[tilespmem:s22], [sflag:$0x1] =	stream.indirect.gather [hbm4b:s4+s19], $0x80, s24, s19, $0xb8;
	[tilespmem:$0x1E800] =	vst v63  }
0x134: {  	s24 =	sadd.s32 $0x1700, s21  }
0x135: {  	[spmem:s1] =	stream.indirect.scatter.add.f32 [tilespmem:s25], [sflag:$0x4], $0x80, s24, s19, $0xb8;
	[tilespmem:$0x1E800] =	vst v63  }
0x136: {  	s21 =	sadd.s32 $0x1780, s21  }
0x137: {  	[spmem:s1] =	stream.indirect.scatter.add.f32 [tilespmem:s28], [sflag:$0x4], $0x80, s21, s19, $0xb8;
	[tilespmem:$0x1E800] =	vst v63  }
0x138: {  	_ =	swait.ge [sflag:s23], $0x2000  }
0x139: {  	[sflag:s23] =	ssyncset.done $0x0  }
0x13a: {  	[sflag:s23] =	ssyncadd.s32 $0xFFFFE000  }
0x13b: {  	_ =	swait.ge [sflag:s23], $0x2000  }
0x13c: {  	[sflag:s23] =	ssyncset.done $0x0  }
0x13d: {  	[sflag:s23] =	ssyncadd.s32 $0xFFFFE000  }
0x13e: {  	_ =	swait.ge [sflag:s7], $0x2000  }
0x13f: {  	[sflag:s7] =	ssyncset.done $0x0  }
0x140: {  	[sflag:s7] =	ssyncadd.s32 $0xFFFFE000  }
0x141: {  	_ =	swait.ge [sflag:s7], $0x2000  }
0x142: {  	[sflag:s7] =	ssyncset.done $0x0  }
0x143: {  	[sflag:s7] =	ssyncadd.s32 $0xFFFFE000  }
0x144: {  	[tilespmem:s25], [sflag:$0x2] =	stream.indirect.gather [hbm4b:s4+s19], $0x80, s8, s19, $0xb8;
	[tilespmem:$0x1E800] =	vst v63  }
0x145: {  	_ = 	snop  }
0x146: {  	[tilespmem:s28], [sflag:$0x2] =	stream.indirect.gather [hbm4b:s4+s19], $0x80, s9, s19, $0xb8;
	[tilespmem:$0x1E800] =	vst v63  }
0x147: {  	_ = 	snop  }
0x148: {  	[spmem:s1] =	stream.indirect.scatter.add.f32 [tilespmem:s20], [sflag:$0x3], $0x80, s10, s19, $0xb8;
	[tilespmem:$0x1E800] =	vst v63  }
0x149: {  	_ = 	snop  }
0x14a: {  	[spmem:s1] =	stream.indirect.scatter.add.f32 [tilespmem:s22], [sflag:$0x3], $0x80, s11, s19, $0xb8;
	[tilespmem:$0x1E800] =	vst v63  }
0x14b: {  	_ =	swait.ge [sflag:s30], $0x2000  }
0x14c: {  	[sflag:s30] =	ssyncset.done $0x0  }
0x14d: {  	[sflag:s30] =	ssyncadd.s32 $0xFFFFE000  }
0x14e: {  	_ =	swait.ge [sflag:s30], $0x2000  }
0x14f: {  	[sflag:s30] =	ssyncset.done $0x0  }
0x150: {  	[sflag:s30] =	ssyncadd.s32 $0xFFFFE000  }
0x151: {  	[spmem:s1] =	stream.indirect.scatter.add.f32 [tilespmem:s25], [sflag:$0x4], $0x80, s12, s19, $0xb8;
	[tilespmem:$0x1E800] =	vst v63  }
0x152: {  	_ = 	snop  }
0x153: {  	[spmem:s1] =	stream.indirect.scatter.add.f32 [tilespmem:s28], [sflag:$0x4], $0x80, s13, s19, $0xb8;
	[tilespmem:$0x1E800] =	vst v63  }
0x154: {  	_ =	swait.ge [sflag:s31], $0x2000  }
0x155: {  	[sflag:s31] =	ssyncset.done $0x0  }
0x156: {  	[sflag:s31] =	ssyncadd.s32 $0xFFFFE000  }
0x157: {  	_ =	swait.ge [sflag:s7], $0x2000  }
0x158: {  	[sflag:s7] =	ssyncset.done $0x0  }
0x159: {  	[sflag:s7] =	ssyncadd.s32 $0xFFFFE000  }
0x15a: {  	_ =	swait.ge [sflag:s31], $0x2000  }
0x15b: {  	[sflag:s31] =	ssyncset.done $0x0  }
0x15c: {  	[sflag:s31] =	ssyncadd.s32 $0xFFFFE000  }
0x15d: {  	_ =	swait.ge [sflag:s7], $0x2000  }
0x15e: {  	[sflag:s7] =	ssyncset.done $0x0  }
0x15f: {  	s2 =	simm.s32 $0x0;
	s24 =	rddreg [dreg:$0x9];
	[sflag:s7] =	ssyncadd.s32 $0xFFFFE000  }
0x160: {  	[tilespmem:s2], [sflag:$0x5] =	stream.linear.gather [hbm4b:s24+s2], $0x1400, $0x38;
	[tilespmem:$0x1E800] =	vst v63  }
0x161: {  	_ =	swait.ge [sflag:s17], $0x1400  }
0x162: {  	[sflag:s17] =	ssyncset.done $0x0  }
0x163: {  	s24 =	rddreg [dreg:$0xa];
	[sflag:s17] =	ssyncadd.s32 $0xFFFFEC00  }
0x164: {  	[tilespmem:s18], [sflag:$0x5] =	stream.linear.gather [hbm4b:s24+s2], $0x1400, $0x38;
	[tilespmem:$0x1E800] =	vst v63  }
0x165: {  	_ =	swait.ge [sflag:s17], $0x1400  }
0x166: {  	[sflag:s17] =	ssyncset.done $0x0  }
0x167: {  	[sflag:s17] =	ssyncadd.s32 $0xFFFFEC00  }
0x168: {  	[tilespmem:s20], [sflag:$0x1] =	stream.indirect.gather [hbm4b:s4+s19], $0x80, s2, s19, $0xb8;
	[tilespmem:$0x1E800] =	vst v63  }
0x169: {  	s24 =	simm.s32 $0x80  }
0x16a: {  	[tilespmem:s22], [sflag:$0x1] =	stream.indirect.gather [hbm4b:s4+s19], $0x80, s24, s19, $0xb8;
	[tilespmem:$0x1E800] =	vst v63  }
0x16b: {  	_ =	swait.ge [sflag:s23], $0x2000  }
0x16c: {  	[sflag:s23] =	ssyncset.done $0x0  }
0x16d: {  	[sflag:s23] =	ssyncadd.s32 $0xFFFFE000  }
0x16e: {  	_ =	swait.ge [sflag:s23], $0x2000  }
0x16f: {  	[sflag:s23] =	ssyncset.done $0x0  }
0x170: {  	s21 =	simm.s32 $0x100;
	[sflag:s23] =	ssyncadd.s32 $0xFFFFE000  }
0x171: {  	[tilespmem:s25], [sflag:$0x2] =	stream.indirect.gather [hbm4b:s4+s19], $0x80, s21, s19, $0xb8;
	[tilespmem:$0x1E800] =	vst v63  }
0x172: {  	_ = 	snop  }
0x173: {  	[tilespmem:s28], [sflag:$0x2] =	stream.indirect.gather [hbm4b:s4+s19], $0x80, s26, s19, $0xb8;
	[tilespmem:$0x1E800] =	vst v63  }
0x174: {  	_ = 	snop  }
0x175: {  	[spmem:s1] =	stream.indirect.scatter.add.f32 [tilespmem:s20], [sflag:$0x3], $0x80, s18, s19, $0xb8;
	[tilespmem:$0x1E800] =	vst v63  }
0x176: {  	_ = 	snop  }
0x177: {  	[spmem:s1] =	stream.indirect.scatter.add.f32 [tilespmem:s22], [sflag:$0x3], $0x80, s29, s19, $0xb8;
	[tilespmem:$0x1E800] =	vst v63  }
0x178: {  	_ =	swait.ge [sflag:s30], $0x2000  }
0x179: {  	[sflag:s30] =	ssyncset.done $0x0  }
0x17a: {  	[sflag:s30] =	ssyncadd.s32 $0xFFFFE000  }
0x17b: {  	_ =	swait.ge [sflag:s30], $0x2000  }
0x17c: {  	[sflag:s30] =	ssyncset.done $0x0  }
0x17d: {  	[sflag:s30] =	ssyncadd.s32 $0xFFFFE000  }
0x17e: {  	_ =	swait.ge [sflag:s31], $0x2000  }
0x17f: {  	[sflag:s31] =	ssyncset.done $0x0  }
0x180: {  	[sflag:s31] =	ssyncadd.s32 $0xFFFFE000  }
0x181: {  	_ =	swait.ge [sflag:s31], $0x2000  }
0x182: {  	[sflag:s31] =	ssyncset.done $0x0  }
0x183: {  	[sflag:s31] =	ssyncadd.s32 $0xFFFFE000  }
0x184: {  	[tilespmem:s20], [sflag:$0x1] =	stream.indirect.gather [hbm4b:s4+s19], $0x80, s0, s19, $0xb8;
	[tilespmem:$0x1E800] =	vst v63  }
0x185: {  	_ = 	snop  }
0x186: {  	[tilespmem:s22], [sflag:$0x1] =	stream.indirect.gather [hbm4b:s4+s19], $0x80, s3, s19, $0xb8;
	[tilespmem:$0x1E800] =	vst v63  }
0x187: {  	_ = 	snop  }
0x188: {  	[spmem:s1] =	stream.indirect.scatter.add.f32 [tilespmem:s25], [sflag:$0x4], $0x80, s5, s19, $0xb8;
	[tilespmem:$0x1E800] =	vst v63  }
0x189: {  	_ = 	snop  }
0x18a: {  	[spmem:s1] =	stream.indirect.scatter.add.f32 [tilespmem:s28], [sflag:$0x4], $0x80, s6, s19, $0xb8;
	[tilespmem:$0x1E800] =	vst v63  }
0x18b: {  	_ =	swait.ge [sflag:s23], $0x2000  }
0x18c: {  	[sflag:s23] =	ssyncset.done $0x0  }
0x18d: {  	[sflag:s23] =	ssyncadd.s32 $0xFFFFE000  }
0x18e: {  	_ =	swait.ge [sflag:s23], $0x2000  }
0x18f: {  	[sflag:s23] =	ssyncset.done $0x0  }
0x190: {  	[sflag:s23] =	ssyncadd.s32 $0xFFFFE000  }
0x191: {  	_ =	swait.ge [sflag:s7], $0x2000  }
0x192: {  	[sflag:s7] =	ssyncset.done $0x0  }
0x193: {  	[sflag:s7] =	ssyncadd.s32 $0xFFFFE000  }
0x194: {  	_ =	swait.ge [sflag:s7], $0x2000  }
0x195: {  	[sflag:s7] =	ssyncset.done $0x0  }
0x196: {  	s24 =	simm.s32 $0x300;
	[sflag:s7] =	ssyncadd.s32 $0xFFFFE000  }
0x197: {  	[tilespmem:s25], [sflag:$0x2] =	stream.indirect.gather [hbm4b:s4+s19], $0x80, s24, s19, $0xb8;
	[tilespmem:$0x1E800] =	vst v63  }
0x198: {  	s21 =	simm.s32 $0x380  }
0x199: {  	[tilespmem:s28], [sflag:$0x2] =	stream.indirect.gather [hbm4b:s4+s19], $0x80, s21, s19, $0xb8;
	[tilespmem:$0x1E800] =	vst v63  }
0x19a: {  	s24 =	simm.s32 $0x1600  }
0x19b: {  	[spmem:s1] =	stream.indirect.scatter.add.f32 [tilespmem:s20], [sflag:$0x3], $0x80, s24, s19, $0xb8;
	[tilespmem:$0x1E800] =	vst v63  }
0x19c: {  	s21 =	simm.s32 $0x1680  }
0x19d: {  	[spmem:s1] =	stream.indirect.scatter.add.f32 [tilespmem:s22], [sflag:$0x3], $0x80, s21, s19, $0xb8;
	[tilespmem:$0x1E800] =	vst v63  }
0x19e: {  	_ =	swait.ge [sflag:s30], $0x2000  }
0x19f: {  	[sflag:s30] =	ssyncset.done $0x0  }
0x1a0: {  	[sflag:s30] =	ssyncadd.s32 $0xFFFFE000  }
0x1a1: {  	_ =	swait.ge [sflag:s30], $0x2000  }
0x1a2: {  	[sflag:s30] =	ssyncset.done $0x0  }
0x1a3: {  	[sflag:s30] =	ssyncadd.s32 $0xFFFFE000  }
0x1a4: {  	_ =	swait.ge [sflag:s31], $0x2000  }
0x1a5: {  	[sflag:s31] =	ssyncset.done $0x0  }
0x1a6: {  	[sflag:s31] =	ssyncadd.s32 $0xFFFFE000  }
0x1a7: {  	_ =	swait.ge [sflag:s31], $0x2000  }
0x1a8: {  	[sflag:s31] =	ssyncset.done $0x0  }
0x1a9: {  	s24 =	simm.s32 $0x400;
	[sflag:s31] =	ssyncadd.s32 $0xFFFFE000  }
0x1aa: {  	[tilespmem:s20], [sflag:$0x1] =	stream.indirect.gather [hbm4b:s4+s19], $0x80, s24, s19, $0xb8;
	[tilespmem:$0x1E800] =	vst v63  }
0x1ab: {  	s21 =	simm.s32 $0x480  }
0x1ac: {  	[tilespmem:s22], [sflag:$0x1] =	stream.indirect.gather [hbm4b:s4+s19], $0x80, s21, s19, $0xb8;
	[tilespmem:$0x1E800] =	vst v63  }
0x1ad: {  	s2 =	simm.s32 $0x800;
	s24 =	simm.s32 $0x1700;
	s21 =	simm.s32 $0x1780  }
0x1ae: {  	[spmem:s1] =	stream.indirect.scatter.add.f32 [tilespmem:s25], [sflag:$0x4], $0x80, s24, s19, $0xb8;
	[tilespmem:$0x1E800] =	vst v63  }
.LBB2_6:
0x1af: {  	[spmem:s1] =	stream.indirect.scatter.add.f32 [tilespmem:s28], [sflag:$0x4], $0x80, s21, s19, $0xb8;
	[tilespmem:$0x1E800] =	vst v63  }
0x1b0: {  	s21 =	smov.u32 s2  }
0x1b1: {  	p0 =	sne.s32 s2, $0x3800;
	s2 =	sadd.s32 $0x800, s2;
	_ =	swait.ge [sflag:s23], $0x2000  }
0x1b2: {  	[sflag:s23] =	ssyncset.done $0x0  }
0x1b3: {  	[sflag:s23] =	ssyncadd.s32 $0xFFFFE000  }
0x1b4: {  	_ =	swait.ge [sflag:s23], $0x2000  }
0x1b5: {  	[sflag:s23] =	ssyncset.done $0x0  }
0x1b6: {  	[sflag:s23] =	ssyncadd.s32 $0xFFFFE000  }
0x1b7: {  	_ =	swait.ge [sflag:s7], $0x2000  }
0x1b8: {  	[sflag:s7] =	ssyncset.done $0x0  }
0x1b9: {  	[sflag:s7] =	ssyncadd.s32 $0xFFFFE000  }
0x1ba: {  	_ =	swait.ge [sflag:s7], $0x2000  }
0x1bb: {  	s21 =	sshra.s32 s21, $0x2;
	[sflag:s7] =	ssyncset.done $0x0  }
0x1bc: {  	s24 =	sadd.s32 $0x300, s21;
	[sflag:s7] =	ssyncadd.s32 $0xFFFFE000  }
0x1bd: {  	[tilespmem:s25], [sflag:$0x2] =	stream.indirect.gather [hbm4b:s4+s19], $0x80, s24, s19, $0xb8;
	[tilespmem:$0x1E800] =	vst v63  }
0x1be: {  	s24 =	sadd.s32 $0x380, s21  }
0x1bf: {  	[tilespmem:s28], [sflag:$0x2] =	stream.indirect.gather [hbm4b:s4+s19], $0x80, s24, s19, $0xb8;
	[tilespmem:$0x1E800] =	vst v63  }
0x1c0: {  	s24 =	sadd.s32 $0x1600, s21  }
0x1c1: {  	[spmem:s1] =	stream.indirect.scatter.add.f32 [tilespmem:s20], [sflag:$0x3], $0x80, s24, s19, $0xb8;
	[tilespmem:$0x1E800] =	vst v63  }
0x1c2: {  	s24 =	sadd.s32 $0x1680, s21  }
0x1c3: {  	[spmem:s1] =	stream.indirect.scatter.add.f32 [tilespmem:s22], [sflag:$0x3], $0x80, s24, s19, $0xb8;
	[tilespmem:$0x1E800] =	vst v63  }
0x1c4: {  	_ =	swait.ge [sflag:s30], $0x2000  }
0x1c5: {  	[sflag:s30] =	ssyncset.done $0x0  }
0x1c6: {  	[sflag:s30] =	ssyncadd.s32 $0xFFFFE000  }
0x1c7: {  	_ =	swait.ge [sflag:s30], $0x2000  }
0x1c8: {  	[sflag:s30] =	ssyncset.done $0x0  }
0x1c9: {  	[sflag:s30] =	ssyncadd.s32 $0xFFFFE000  }
0x1ca: {  	_ =	swait.ge [sflag:s31], $0x2000  }
0x1cb: {  	[sflag:s31] =	ssyncset.done $0x0  }
0x1cc: {  	[sflag:s31] =	ssyncadd.s32 $0xFFFFE000  }
0x1cd: {  	_ =	swait.ge [sflag:s31], $0x2000  }
0x1ce: {  	[sflag:s31] =	ssyncset.done $0x0  }
0x1cf: {  	s24 =	sadd.s32 $0x400, s21;
	[sflag:s31] =	ssyncadd.s32 $0xFFFFE000  }
0x1d0: {  	[tilespmem:s20], [sflag:$0x1] =	stream.indirect.gather [hbm4b:s4+s19], $0x80, s24, s19, $0xb8;
	[tilespmem:$0x1E800] =	vst v63  }
.Ltmp2:
0x1d1: {  	s24 =	sadd.s32 $0x480, s21;
	(pc) =	sbr.rel @p0 .LBB2_6-.Ltmp2, $4  }
0x1d2: {  	[tilespmem:s22], [sflag:$0x1] =	stream.indirect.gather [hbm4b:s4+s19], $0x80, s24, s19, $0xb8;
	[tilespmem:$0x1E800] =	vst v63  }
0x1d3: {  	s24 =	sadd.s32 $0x1700, s21  }
0x1d4: {  	[spmem:s1] =	stream.indirect.scatter.add.f32 [tilespmem:s25], [sflag:$0x4], $0x80, s24, s19, $0xb8;
	[tilespmem:$0x1E800] =	vst v63  }
0x1d5: {  	s21 =	sadd.s32 $0x1780, s21  }
0x1d6: {  	[spmem:s1] =	stream.indirect.scatter.add.f32 [tilespmem:s28], [sflag:$0x4], $0x80, s21, s19, $0xb8;
	[tilespmem:$0x1E800] =	vst v63  }
0x1d7: {  	_ =	swait.ge [sflag:s23], $0x2000  }
0x1d8: {  	[sflag:s23] =	ssyncset.done $0x0  }
0x1d9: {  	[sflag:s23] =	ssyncadd.s32 $0xFFFFE000  }
0x1da: {  	_ =	swait.ge [sflag:s23], $0x2000  }
0x1db: {  	[sflag:s23] =	ssyncset.done $0x0  }
0x1dc: {  	[sflag:s23] =	ssyncadd.s32 $0xFFFFE000  }
0x1dd: {  	_ =	swait.ge [sflag:s7], $0x2000  }
0x1de: {  	[sflag:s7] =	ssyncset.done $0x0  }
0x1df: {  	[sflag:s7] =	ssyncadd.s32 $0xFFFFE000  }
0x1e0: {  	_ =	swait.ge [sflag:s7], $0x2000  }
0x1e1: {  	[sflag:s7] =	ssyncset.done $0x0  }
0x1e2: {  	[sflag:s7] =	ssyncadd.s32 $0xFFFFE000  }
0x1e3: {  	[tilespmem:s25], [sflag:$0x2] =	stream.indirect.gather [hbm4b:s4+s19], $0x80, s8, s19, $0xb8;
	[tilespmem:$0x1E800] =	vst v63  }
0x1e4: {  	_ = 	snop  }
0x1e5: {  	[tilespmem:s28], [sflag:$0x2] =	stream.indirect.gather [hbm4b:s4+s19], $0x80, s9, s19, $0xb8;
	[tilespmem:$0x1E800] =	vst v63  }
0x1e6: {  	_ = 	snop  }
0x1e7: {  	[spmem:s1] =	stream.indirect.scatter.add.f32 [tilespmem:s20], [sflag:$0x3], $0x80, s10, s19, $0xb8;
	[tilespmem:$0x1E800] =	vst v63  }
0x1e8: {  	_ = 	snop  }
0x1e9: {  	[spmem:s1] =	stream.indirect.scatter.add.f32 [tilespmem:s22], [sflag:$0x3], $0x80, s11, s19, $0xb8;
	[tilespmem:$0x1E800] =	vst v63  }
0x1ea: {  	_ =	swait.ge [sflag:s30], $0x2000  }
0x1eb: {  	[sflag:s30] =	ssyncset.done $0x0  }
0x1ec: {  	[sflag:s30] =	ssyncadd.s32 $0xFFFFE000  }
0x1ed: {  	_ =	swait.ge [sflag:s30], $0x2000  }
0x1ee: {  	[sflag:s30] =	ssyncset.done $0x0  }
0x1ef: {  	[sflag:s30] =	ssyncadd.s32 $0xFFFFE000  }
0x1f0: {  	[spmem:s1] =	stream.indirect.scatter.add.f32 [tilespmem:s25], [sflag:$0x4], $0x80, s12, s19, $0xb8;
	[tilespmem:$0x1E800] =	vst v63  }
0x1f1: {  	_ = 	snop  }
0x1f2: {  	[spmem:s1] =	stream.indirect.scatter.add.f32 [tilespmem:s28], [sflag:$0x4], $0x80, s13, s19, $0xb8;
	[tilespmem:$0x1E800] =	vst v63  }
0x1f3: {  	_ =	swait.ge [sflag:s31], $0x2000  }
0x1f4: {  	[sflag:s31] =	ssyncset.done $0x0  }
0x1f5: {  	[sflag:s31] =	ssyncadd.s32 $0xFFFFE000  }
0x1f6: {  	_ =	swait.ge [sflag:s7], $0x2000  }
0x1f7: {  	[sflag:s7] =	ssyncset.done $0x0  }
0x1f8: {  	[sflag:s7] =	ssyncadd.s32 $0xFFFFE000  }
0x1f9: {  	_ =	swait.ge [sflag:s31], $0x2000  }
0x1fa: {  	[sflag:s31] =	ssyncset.done $0x0  }
0x1fb: {  	[sflag:s31] =	ssyncadd.s32 $0xFFFFE000  }
0x1fc: {  	_ =	swait.ge [sflag:s7], $0x2000  }
0x1fd: {  	[sflag:s7] =	ssyncset.done $0x0  }
0x1fe: {  	s2 =	simm.s32 $0x0;
	s24 =	rddreg [dreg:$0xb];
	[sflag:s7] =	ssyncadd.s32 $0xFFFFE000  }
0x1ff: {  	[tilespmem:s2], [sflag:$0x5] =	stream.linear.gather [hbm4b:s24+s2], $0x1400, $0x38;
	[tilespmem:$0x1E800] =	vst v63  }
0x200: {  	_ =	swait.ge [sflag:s17], $0x1400  }
0x201: {  	[sflag:s17] =	ssyncset.done $0x0  }
0x202: {  	s24 =	rddreg [dreg:$0xc];
	[sflag:s17] =	ssyncadd.s32 $0xFFFFEC00  }
0x203: {  	[tilespmem:s18], [sflag:$0x5] =	stream.linear.gather [hbm4b:s24+s2], $0x1400, $0x38;
	[tilespmem:$0x1E800] =	vst v63  }
0x204: {  	_ =	swait.ge [sflag:s17], $0x1400  }
0x205: {  	[sflag:s17] =	ssyncset.done $0x0  }
0x206: {  	[sflag:s17] =	ssyncadd.s32 $0xFFFFEC00  }
0x207: {  	[tilespmem:s20], [sflag:$0x1] =	stream.indirect.gather [hbm4b:s4+s19], $0x80, s2, s19, $0xb8;
	[tilespmem:$0x1E800] =	vst v63  }
0x208: {  	s24 =	simm.s32 $0x80  }
0x209: {  	[tilespmem:s22], [sflag:$0x1] =	stream.indirect.gather [hbm4b:s4+s19], $0x80, s24, s19, $0xb8;
	[tilespmem:$0x1E800] =	vst v63  }
0x20a: {  	_ =	swait.ge [sflag:s23], $0x2000  }
0x20b: {  	[sflag:s23] =	ssyncset.done $0x0  }
0x20c: {  	[sflag:s23] =	ssyncadd.s32 $0xFFFFE000  }
0x20d: {  	_ =	swait.ge [sflag:s23], $0x2000  }
0x20e: {  	[sflag:s23] =	ssyncset.done $0x0  }
0x20f: {  	s21 =	simm.s32 $0x100;
	[sflag:s23] =	ssyncadd.s32 $0xFFFFE000  }
0x210: {  	[tilespmem:s25], [sflag:$0x2] =	stream.indirect.gather [hbm4b:s4+s19], $0x80, s21, s19, $0xb8;
	[tilespmem:$0x1E800] =	vst v63  }
0x211: {  	_ = 	snop  }
0x212: {  	[tilespmem:s28], [sflag:$0x2] =	stream.indirect.gather [hbm4b:s4+s19], $0x80, s26, s19, $0xb8;
	[tilespmem:$0x1E800] =	vst v63  }
0x213: {  	_ = 	snop  }
0x214: {  	[spmem:s1] =	stream.indirect.scatter.add.f32 [tilespmem:s20], [sflag:$0x3], $0x80, s18, s19, $0xb8;
	[tilespmem:$0x1E800] =	vst v63  }
0x215: {  	_ = 	snop  }
0x216: {  	[spmem:s1] =	stream.indirect.scatter.add.f32 [tilespmem:s22], [sflag:$0x3], $0x80, s29, s19, $0xb8;
	[tilespmem:$0x1E800] =	vst v63  }
0x217: {  	_ =	swait.ge [sflag:s30], $0x2000  }
0x218: {  	[sflag:s30] =	ssyncset.done $0x0  }
0x219: {  	[sflag:s30] =	ssyncadd.s32 $0xFFFFE000  }
0x21a: {  	_ =	swait.ge [sflag:s30], $0x2000  }
0x21b: {  	[sflag:s30] =	ssyncset.done $0x0  }
0x21c: {  	[sflag:s30] =	ssyncadd.s32 $0xFFFFE000  }
0x21d: {  	_ =	swait.ge [sflag:s31], $0x2000  }
0x21e: {  	[sflag:s31] =	ssyncset.done $0x0  }
0x21f: {  	[sflag:s31] =	ssyncadd.s32 $0xFFFFE000  }
0x220: {  	_ =	swait.ge [sflag:s31], $0x2000  }
0x221: {  	[sflag:s31] =	ssyncset.done $0x0  }
0x222: {  	[sflag:s31] =	ssyncadd.s32 $0xFFFFE000  }
0x223: {  	[tilespmem:s20], [sflag:$0x1] =	stream.indirect.gather [hbm4b:s4+s19], $0x80, s0, s19, $0xb8;
	[tilespmem:$0x1E800] =	vst v63  }
0x224: {  	_ = 	snop  }
0x225: {  	[tilespmem:s22], [sflag:$0x1] =	stream.indirect.gather [hbm4b:s4+s19], $0x80, s3, s19, $0xb8;
	[tilespmem:$0x1E800] =	vst v63  }
0x226: {  	_ = 	snop  }
0x227: {  	[spmem:s1] =	stream.indirect.scatter.add.f32 [tilespmem:s25], [sflag:$0x4], $0x80, s5, s19, $0xb8;
	[tilespmem:$0x1E800] =	vst v63  }
0x228: {  	_ = 	snop  }
0x229: {  	[spmem:s1] =	stream.indirect.scatter.add.f32 [tilespmem:s28], [sflag:$0x4], $0x80, s6, s19, $0xb8;
	[tilespmem:$0x1E800] =	vst v63  }
0x22a: {  	_ =	swait.ge [sflag:s23], $0x2000  }
0x22b: {  	[sflag:s23] =	ssyncset.done $0x0  }
0x22c: {  	[sflag:s23] =	ssyncadd.s32 $0xFFFFE000  }
0x22d: {  	_ =	swait.ge [sflag:s23], $0x2000  }
0x22e: {  	[sflag:s23] =	ssyncset.done $0x0  }
0x22f: {  	[sflag:s23] =	ssyncadd.s32 $0xFFFFE000  }
0x230: {  	_ =	swait.ge [sflag:s7], $0x2000  }
0x231: {  	[sflag:s7] =	ssyncset.done $0x0  }
0x232: {  	[sflag:s7] =	ssyncadd.s32 $0xFFFFE000  }
0x233: {  	_ =	swait.ge [sflag:s7], $0x2000  }
0x234: {  	[sflag:s7] =	ssyncset.done $0x0  }
0x235: {  	s24 =	simm.s32 $0x300;
	[sflag:s7] =	ssyncadd.s32 $0xFFFFE000  }
0x236: {  	[tilespmem:s25], [sflag:$0x2] =	stream.indirect.gather [hbm4b:s4+s19], $0x80, s24, s19, $0xb8;
	[tilespmem:$0x1E800] =	vst v63  }
0x237: {  	s21 =	simm.s32 $0x380  }
0x238: {  	[tilespmem:s28], [sflag:$0x2] =	stream.indirect.gather [hbm4b:s4+s19], $0x80, s21, s19, $0xb8;
	[tilespmem:$0x1E800] =	vst v63  }
0x239: {  	s24 =	simm.s32 $0x1600  }
0x23a: {  	[spmem:s1] =	stream.indirect.scatter.add.f32 [tilespmem:s20], [sflag:$0x3], $0x80, s24, s19, $0xb8;
	[tilespmem:$0x1E800] =	vst v63  }
0x23b: {  	s21 =	simm.s32 $0x1680  }
0x23c: {  	[spmem:s1] =	stream.indirect.scatter.add.f32 [tilespmem:s22], [sflag:$0x3], $0x80, s21, s19, $0xb8;
	[tilespmem:$0x1E800] =	vst v63  }
0x23d: {  	_ =	swait.ge [sflag:s30], $0x2000  }
0x23e: {  	[sflag:s30] =	ssyncset.done $0x0  }
0x23f: {  	[sflag:s30] =	ssyncadd.s32 $0xFFFFE000  }
0x240: {  	_ =	swait.ge [sflag:s30], $0x2000  }
0x241: {  	[sflag:s30] =	ssyncset.done $0x0  }
0x242: {  	[sflag:s30] =	ssyncadd.s32 $0xFFFFE000  }
0x243: {  	_ =	swait.ge [sflag:s31], $0x2000  }
0x244: {  	[sflag:s31] =	ssyncset.done $0x0  }
0x245: {  	[sflag:s31] =	ssyncadd.s32 $0xFFFFE000  }
0x246: {  	_ =	swait.ge [sflag:s31], $0x2000  }
0x247: {  	[sflag:s31] =	ssyncset.done $0x0  }
0x248: {  	s24 =	simm.s32 $0x400;
	[sflag:s31] =	ssyncadd.s32 $0xFFFFE000  }
0x249: {  	[tilespmem:s20], [sflag:$0x1] =	stream.indirect.gather [hbm4b:s4+s19], $0x80, s24, s19, $0xb8;
	[tilespmem:$0x1E800] =	vst v63  }
0x24a: {  	s21 =	simm.s32 $0x480  }
0x24b: {  	[tilespmem:s22], [sflag:$0x1] =	stream.indirect.gather [hbm4b:s4+s19], $0x80, s21, s19, $0xb8;
	[tilespmem:$0x1E800] =	vst v63  }
0x24c: {  	s2 =	simm.s32 $0x800;
	s24 =	simm.s32 $0x1700;
	s21 =	simm.s32 $0x1780  }
0x24d: {  	[spmem:s1] =	stream.indirect.scatter.add.f32 [tilespmem:s25], [sflag:$0x4], $0x80, s24, s19, $0xb8;
	[tilespmem:$0x1E800] =	vst v63  }
.LBB2_8:
0x24e: {  	[spmem:s1] =	stream.indirect.scatter.add.f32 [tilespmem:s28], [sflag:$0x4], $0x80, s21, s19, $0xb8;
	[tilespmem:$0x1E800] =	vst v63  }
0x24f: {  	s21 =	smov.u32 s2  }
0x250: {  	p0 =	sne.s32 s2, $0x3800;
	s2 =	sadd.s32 $0x800, s2;
	_ =	swait.ge [sflag:s23], $0x2000  }
0x251: {  	[sflag:s23] =	ssyncset.done $0x0  }
0x252: {  	[sflag:s23] =	ssyncadd.s32 $0xFFFFE000  }
0x253: {  	_ =	swait.ge [sflag:s23], $0x2000  }
0x254: {  	[sflag:s23] =	ssyncset.done $0x0  }
0x255: {  	[sflag:s23] =	ssyncadd.s32 $0xFFFFE000  }
0x256: {  	_ =	swait.ge [sflag:s7], $0x2000  }
0x257: {  	[sflag:s7] =	ssyncset.done $0x0  }
0x258: {  	[sflag:s7] =	ssyncadd.s32 $0xFFFFE000  }
0x259: {  	_ =	swait.ge [sflag:s7], $0x2000  }
0x25a: {  	s21 =	sshra.s32 s21, $0x2;
	[sflag:s7] =	ssyncset.done $0x0  }
0x25b: {  	s24 =	sadd.s32 $0x300, s21;
	[sflag:s7] =	ssyncadd.s32 $0xFFFFE000  }
0x25c: {  	[tilespmem:s25], [sflag:$0x2] =	stream.indirect.gather [hbm4b:s4+s19], $0x80, s24, s19, $0xb8;
	[tilespmem:$0x1E800] =	vst v63  }
0x25d: {  	s24 =	sadd.s32 $0x380, s21  }
0x25e: {  	[tilespmem:s28], [sflag:$0x2] =	stream.indirect.gather [hbm4b:s4+s19], $0x80, s24, s19, $0xb8;
	[tilespmem:$0x1E800] =	vst v63  }
0x25f: {  	s24 =	sadd.s32 $0x1600, s21  }
0x260: {  	[spmem:s1] =	stream.indirect.scatter.add.f32 [tilespmem:s20], [sflag:$0x3], $0x80, s24, s19, $0xb8;
	[tilespmem:$0x1E800] =	vst v63  }
0x261: {  	s24 =	sadd.s32 $0x1680, s21  }
0x262: {  	[spmem:s1] =	stream.indirect.scatter.add.f32 [tilespmem:s22], [sflag:$0x3], $0x80, s24, s19, $0xb8;
	[tilespmem:$0x1E800] =	vst v63  }
0x263: {  	_ =	swait.ge [sflag:s30], $0x2000  }
0x264: {  	[sflag:s30] =	ssyncset.done $0x0  }
0x265: {  	[sflag:s30] =	ssyncadd.s32 $0xFFFFE000  }
0x266: {  	_ =	swait.ge [sflag:s30], $0x2000  }
0x267: {  	[sflag:s30] =	ssyncset.done $0x0  }
0x268: {  	[sflag:s30] =	ssyncadd.s32 $0xFFFFE000  }
0x269: {  	_ =	swait.ge [sflag:s31], $0x2000  }
0x26a: {  	[sflag:s31] =	ssyncset.done $0x0  }
0x26b: {  	[sflag:s31] =	ssyncadd.s32 $0xFFFFE000  }
0x26c: {  	_ =	swait.ge [sflag:s31], $0x2000  }
0x26d: {  	[sflag:s31] =	ssyncset.done $0x0  }
0x26e: {  	s24 =	sadd.s32 $0x400, s21;
	[sflag:s31] =	ssyncadd.s32 $0xFFFFE000  }
0x26f: {  	[tilespmem:s20], [sflag:$0x1] =	stream.indirect.gather [hbm4b:s4+s19], $0x80, s24, s19, $0xb8;
	[tilespmem:$0x1E800] =	vst v63  }
.Ltmp3:
0x270: {  	s24 =	sadd.s32 $0x480, s21;
	(pc) =	sbr.rel @p0 .LBB2_8-.Ltmp3, $4  }
0x271: {  	[tilespmem:s22], [sflag:$0x1] =	stream.indirect.gather [hbm4b:s4+s19], $0x80, s24, s19, $0xb8;
	[tilespmem:$0x1E800] =	vst v63  }
0x272: {  	s24 =	sadd.s32 $0x1700, s21  }
0x273: {  	[spmem:s1] =	stream.indirect.scatter.add.f32 [tilespmem:s25], [sflag:$0x4], $0x80, s24, s19, $0xb8;
	[tilespmem:$0x1E800] =	vst v63  }
0x274: {  	s21 =	sadd.s32 $0x1780, s21  }
0x275: {  	[spmem:s1] =	stream.indirect.scatter.add.f32 [tilespmem:s28], [sflag:$0x4], $0x80, s21, s19, $0xb8;
	[tilespmem:$0x1E800] =	vst v63  }
0x276: {  	_ =	swait.ge [sflag:s23], $0x2000  }
0x277: {  	[sflag:s23] =	ssyncset.done $0x0  }
0x278: {  	[sflag:s23] =	ssyncadd.s32 $0xFFFFE000  }
0x279: {  	_ =	swait.ge [sflag:s23], $0x2000  }
0x27a: {  	[sflag:s23] =	ssyncset.done $0x0  }
0x27b: {  	[sflag:s23] =	ssyncadd.s32 $0xFFFFE000  }
0x27c: {  	_ =	swait.ge [sflag:s7], $0x2000  }
0x27d: {  	[sflag:s7] =	ssyncset.done $0x0  }
0x27e: {  	[sflag:s7] =	ssyncadd.s32 $0xFFFFE000  }
0x27f: {  	_ =	swait.ge [sflag:s7], $0x2000  }
0x280: {  	[sflag:s7] =	ssyncset.done $0x0  }
0x281: {  	[sflag:s7] =	ssyncadd.s32 $0xFFFFE000  }
0x282: {  	[tilespmem:s25], [sflag:$0x2] =	stream.indirect.gather [hbm4b:s4+s19], $0x80, s8, s19, $0xb8;
	[tilespmem:$0x1E800] =	vst v63  }
0x283: {  	_ = 	snop  }
0x284: {  	[tilespmem:s28], [sflag:$0x2] =	stream.indirect.gather [hbm4b:s4+s19], $0x80, s9, s19, $0xb8;
	[tilespmem:$0x1E800] =	vst v63  }
0x285: {  	_ = 	snop  }
0x286: {  	[spmem:s1] =	stream.indirect.scatter.add.f32 [tilespmem:s20], [sflag:$0x3], $0x80, s10, s19, $0xb8;
	[tilespmem:$0x1E800] =	vst v63  }
0x287: {  	_ = 	snop  }
0x288: {  	[spmem:s1] =	stream.indirect.scatter.add.f32 [tilespmem:s22], [sflag:$0x3], $0x80, s11, s19, $0xb8;
	[tilespmem:$0x1E800] =	vst v63  }
0x289: {  	_ =	swait.ge [sflag:s30], $0x2000  }
0x28a: {  	[sflag:s30] =	ssyncset.done $0x0  }
0x28b: {  	[sflag:s30] =	ssyncadd.s32 $0xFFFFE000  }
0x28c: {  	_ =	swait.ge [sflag:s30], $0x2000  }
0x28d: {  	[sflag:s30] =	ssyncset.done $0x0  }
0x28e: {  	[sflag:s30] =	ssyncadd.s32 $0xFFFFE000  }
0x28f: {  	[spmem:s1] =	stream.indirect.scatter.add.f32 [tilespmem:s25], [sflag:$0x4], $0x80, s12, s19, $0xb8;
	[tilespmem:$0x1E800] =	vst v63  }
0x290: {  	_ = 	snop  }
0x291: {  	[spmem:s1] =	stream.indirect.scatter.add.f32 [tilespmem:s28], [sflag:$0x4], $0x80, s13, s19, $0xb8;
	[tilespmem:$0x1E800] =	vst v63  }
0x292: {  	_ =	swait.ge [sflag:s31], $0x2000  }
0x293: {  	[sflag:s31] =	ssyncset.done $0x0  }
0x294: {  	[sflag:s31] =	ssyncadd.s32 $0xFFFFE000  }
0x295: {  	_ =	swait.ge [sflag:s7], $0x2000  }
0x296: {  	[sflag:s7] =	ssyncset.done $0x0  }
0x297: {  	[sflag:s7] =	ssyncadd.s32 $0xFFFFE000  }
0x298: {  	_ =	swait.ge [sflag:s31], $0x2000  }
0x299: {  	[sflag:s31] =	ssyncset.done $0x0  }
0x29a: {  	[sflag:s31] =	ssyncadd.s32 $0xFFFFE000  }
0x29b: {  	_ =	swait.ge [sflag:s7], $0x2000  }
0x29c: {  	[sflag:s7] =	ssyncset.done $0x0  }
0x29d: {  	[sflag:s7] =	ssyncadd.s32 $0xFFFFE000  }
0x29e: {  	[bflag:$0x0] =	sbarrier.arrive $0xFFFF  }
0x29f: {  	s2 =	rddreg [dreg:$0xd]  }
0x2a0: {  	[hbm:s2], [sflag:s15] =	dma.local [spmem:s16], $0x2800  }
0x2a1: {  	_ =	swait.ge [sflag:s17], $0x2800  }
0x2a2: {  	s14 =	sadd.s32 $0x1, s14;
	s24 =	rddreg [dreg:$0xe]  }
0x2a3: {  	p0 =	sne.s32 s14, s24  }
.Ltmp4:
0x2a4: {  	_ = 	snop;
	(pc) =	sbr.rel @p0 .LBB2_1-.Ltmp4, $3  }
0x2a5: {  	_ =	sdelay $0x1  }
0x2a6: {  	[sflag:s17] =	ssyncset.done $0x0  }
0x2a7: {  	[sflag:s17] =	ssyncadd.s32 $0xFFFFD800  }
0x2a8: {  	_ =	sfence.sel $0x180000  }
0x2a9: {  	[bflag:$0x0] =	sbarrier.arrive $0xFFFF  }
0x2aa: {  	_ =	strace $0x9000004A  }
0x2ab: {  	s0 =	stileid.u32;
	[bflag:$0x2] =	sbarrier.arrive $0xFFFF  }
0x2ac: {  	p0 =	sne.s32 s0, $0x0;
	s0 =	rddreg [dreg:$0x2]  }
0x2ad: {  	s0 =	sadd.s32 @!p0 $0x100000, s0  }
0x2ae: {  	[sflag:s0] =	ssyncadd.tile.s32 @!p0 $0x1;
	_ =	shalt  }
.Lfunc_end2:
_tile_overlayer_lowered:
.L_overlay_start_2:
0x2af: {  	(tag) =	ssettag $0x2  }
0x2b0: {  	s0 =	rddreg [dreg:$0x0];
	s2 =	stileid.u32  }
0x2b1: {  	s1 =	rddreg [dreg:$0x1];
	p0 =	sne.s32 s2, $0x0  }
0x2b2: {  	s3 =	rddreg [dreg:$0x2];
	[bflag:$0x3] =	sbarrier.arrive $0xFFFF;
	s2 =	simm.s32 @!p0 $0x1C05  }
0x2b3: {  	[timem:s3], [sflag:s2] =	dma.local @!p0 [hbm:s0], s1  }
0x2b4: {  	s0 =	simm.s32 @!p0 $0x5  }
0x2b5: {  	_ =	swait.ge @!p0 [sflag:s0], s1  }
0x2b6: {  	s1 =	ssub.s32 @!p0 $0x0, s1;
	[sflag:s0] =	ssyncset.done @!p0 $0x0  }
0x2b7: {  	[sflag:s0] =	ssyncadd.s32 @!p0 s1  }
0x2b8: {  	[bflag:$0x3] =	sbarrier.arrive $0xFFFF  }
0x2b9: {  	_ =	shalt  }

// kernel: kernel.14.cloned.1.call-start
scs
__scs_entry_jumppad:
0x0: {  	(pc) =	sbr.rel $0x88, $3  }
0x1: {  	(tag) =	ssettag $0x0;
	lr =	simm.s32 $0x1  }
0x2: {  	[smem:$0x3F91] =	sst lr;
	_ =	strace $0xD0000000  }
0x3: {  	_ = 	snop  }
0x4: {  	_ = 	snop  }
0x5: {  	_ = 	snop  }
0x6: {  	_ = 	snop  }
0x7: {  	_ = 	snop  }
__scs_overlays_trampoline_lowered:
0x8: {  	[smem:$0x3FA0] =	sst s0  }
0x9: {  	[smem:$0x3FA1] =	sst s1  }
0xa: {  	[smem:$0x3FA2] =	sst s2  }
0xb: {  	[smem:$0x3FA3] =	sst s3  }
0xc: {  	[smem:$0x3FA4] =	sst s4  }
0xd: {  	[smem:$0x3FA5] =	sst s5  }
0xe: {  	[smem:$0x3FA6] =	sst s6  }
0xf: {  	[smem:$0x3FA7] =	sst s7  }
0x10: {  	[smem:$0x3FA8] =	sst s8  }
0x11: {  	[smem:$0x3FA9] =	sst s9;
	s0 =	simm.s32 @!p0 $0x0  }
0x12: {  	s1 =	sld [smem:$0x3F8F];
	s0 =	simm.s32 @p0 $0x1  }
0x13: {  	[smem:$0x3FAA] =	sst s0;
	s0 =	simm.s32 @!p1 $0x0  }
0x14: {  	s2 =	sld [smem:$0x3F8E];
	s0 =	simm.s32 @p1 $0x1  }
0x15: {  	[smem:$0x3FAB] =	sst s0;
	s0 =	simm.s32 @!p2 $0x0  }
0x16: {  	s3 =	sld [smem:$0x3FDB];
	s0 =	simm.s32 @p2 $0x1  }
0x17: {  	s4 =	simm.s32 $0x1BF5;
	[smem:$0x3FAD] =	sst s0  }
0x18: {  	s0 =	sld [smem:$0x3F90];
	_ =	swait.ge [sflag:s4], $0x0  }
0x19: {  	s7 =	sld [smem:$0x3F91]  }
0x1a: {  	s8 =	sadd.s32 $0xFFFFE003, lr  }
0x1b: {  	s9 =	sadd.s32 $0xFFFFFEF7, lr;
	s5 =	simm.s32 $0xFFFFFFFF;
	p2 =	slt.u32 s8, $0xFFFFF086  }
0x1c: {  	p1 =	slt.u32 s9, $0xF7A;
	s5 =	simm.s32 @!p2 $0x0  }
0x1d: {  	s5 =	simm.s32 @p1 $0x1;
	p0 =	seq.s32 s7, s2  }
0x1e: {  	s7 =	smul.u32 @!p0 $0xF7A, s2;
	p2 =	seq.s32 @!p0 s5, $0x0  }
0x1f: {  	s9 =	smul.u32 $0xF7A, s1;
	s8 =	simm.s32 @!p0 $0x1BF5;
	p2 =	por !p2, p0  }
0x20: {  	[sflag:s8] =	ssyncset.s32 @!p0 $0xFFFFF086;
	s6 =	sadd.s32 @!p0 s3, s7;
	s7 =	simm.s32 @!p0 $0x108  }
0x21: {  	s3 =	sadd.s32 s3, s9;
	s6 =	sadd.s32 @!p0 $0x88, s6;
	s7 =	simm.s32 @p2 $0x1082  }
0x22: {  	[simem:s7], [sflag:s8] =	dma.local @!p0 [hbm:s6], $0xF7A  }
0x23: {  	s9 =	sor.u32 $0xD0000000, s2;
	s6 =	simm.s32 $0x108;
	_ =	swait.ge @!p0 [sflag:s8], $0x0  }
0x24: {  	s3 =	sadd.s32 $0x88, s3;
	s6 =	simm.s32 @!p1 $0x1082;
	[sflag:s4] =	ssyncset.s32 $0xFFFFF086  }
0x25: {  	[simem:s6], [sflag:s4] =	dma.local [hbm:s3], $0xF7A  }
0x26: {  	[smem:$0x3F91] =	sst s1;
	(tag) =	ssettag s2;
	_ =	strace s9  }
0x27: {  	s1 =	sld [smem:$0x3FA1]  }
0x28: {  	s2 =	sld [smem:$0x3FA2]  }
0x29: {  	s4 =	sld [smem:$0x3FA4]  }
0x2a: {  	p0 =	seq.s32 s5, $0x0;
	s5 =	sld [smem:$0x3FA5]  }
0x2b: {  	s6 =	sld [smem:$0x3FA6]  }
0x2c: {  	s7 =	sld [smem:$0x3FA7]  }
0x2d: {  	s3 =	simm.s32 $0x108;
	s8 =	sld [smem:$0x3FA8]  }
0x2e: {  	s3 =	simm.s32 @!p0 $0x1082;
	s9 =	sld [smem:$0x3FA9]  }
0x2f: {  	lr =	sadd.s32 s0, s3;
	s0 =	sld [smem:$0x3FA0]  }
0x30: {  	s3 =	sld [smem:$0x3FA3]  }
0x31: {  	[smem:$0x3FAC] =	sst s10  }
0x32: {  	s10 =	sld [smem:$0x3FAA];
	_ =	sdelay $0x3  }
0x33: {  	p0 =	seq.s32 s10, $0x1;
	s10 =	sld [smem:$0x3FAC];
	_ =	sdelay $0x3  }
0x34: {  	[smem:$0x3FAC] =	sst s10  }
0x35: {  	s10 =	sld [smem:$0x3FAB];
	_ =	sdelay $0x3  }
0x36: {  	p1 =	seq.s32 s10, $0x1;
	s10 =	sld [smem:$0x3FAC];
	_ =	sdelay $0x3  }
0x37: {  	[smem:$0x3FAC] =	sst s10  }
0x38: {  	s10 =	sld [smem:$0x3FAD]  }
0x39: {  	_ = 	snop;
	(pc) =	sbr.ind lr, $3  }
0x3a: {  	_ = 	snop  }
0x3b: {  	_ = 	snop  }
0x3c: {  	p2 =	seq.s32 s10, $0x1;
	s10 =	sld [smem:$0x3FAC]  }
0x3d: {  	_ =	shalt  }
0x3e: {  	_ =	shalt  }
0x3f: {  	_ =	shalt  }
0x40: {  	_ =	shalt  }
0x41: {  	_ =	shalt  }
0x42: {  	_ =	shalt  }
0x43: {  	_ =	shalt  }
0x44: {  	_ =	shalt  }
0x45: {  	_ =	shalt  }
0x46: {  	_ =	shalt  }
0x47: {  	_ =	shalt  }
0x48: {  	_ =	shalt  }
0x49: {  	_ =	shalt  }
0x4a: {  	_ =	shalt  }
0x4b: {  	_ =	shalt  }
0x4c: {  	_ =	shalt  }
0x4d: {  	_ =	shalt  }
0x4e: {  	_ =	shalt  }
0x4f: {  	_ =	shalt  }
0x50: {  	_ =	shalt  }
0x51: {  	_ =	shalt  }
0x52: {  	_ =	shalt  }
0x53: {  	_ =	shalt  }
0x54: {  	_ =	shalt  }
0x55: {  	_ =	shalt  }
0x56: {  	_ =	shalt  }
0x57: {  	_ =	shalt  }
0x58: {  	_ =	shalt  }
0x59: {  	_ =	shalt  }
0x5a: {  	_ =	shalt  }
0x5b: {  	_ =	shalt  }
0x5c: {  	_ =	shalt  }
0x5d: {  	_ =	shalt  }
0x5e: {  	_ =	shalt  }
0x5f: {  	_ =	shalt  }
0x60: {  	_ =	shalt  }
0x61: {  	_ =	shalt  }
0x62: {  	_ =	shalt  }
0x63: {  	_ =	shalt  }
0x64: {  	_ =	shalt  }
0x65: {  	_ =	shalt  }
0x66: {  	_ =	shalt  }
0x67: {  	_ =	shalt  }
0x68: {  	_ =	shalt  }
0x69: {  	_ =	shalt  }
0x6a: {  	_ =	shalt  }
0x6b: {  	_ =	shalt  }
0x6c: {  	_ =	shalt  }
0x6d: {  	_ =	shalt  }
0x6e: {  	_ =	shalt  }
0x6f: {  	_ =	shalt  }
0x70: {  	_ =	shalt  }
0x71: {  	_ =	shalt  }
0x72: {  	_ =	shalt  }
0x73: {  	_ =	shalt  }
0x74: {  	_ =	shalt  }
0x75: {  	_ =	shalt  }
0x76: {  	_ =	shalt  }
0x77: {  	_ =	shalt  }
0x78: {  	_ =	shalt  }
0x79: {  	_ =	shalt  }
0x7a: {  	_ =	shalt  }
0x7b: {  	_ =	shalt  }
0x7c: {  	_ =	shalt  }
0x7d: {  	_ =	shalt  }
0x7e: {  	_ =	shalt  }
0x7f: {  	_ =	shalt  }
0x80: {  	_ =	shalt  }
0x81: {  	_ =	shalt  }
0x82: {  	_ =	shalt  }
0x83: {  	_ =	shalt  }
0x84: {  	_ =	shalt  }
0x85: {  	_ =	shalt  }
0x86: {  	_ =	shalt  }
0x87: {  	_ =	shalt  }
.Lfunc_end0:
.L_simem_size_0:
called_computation.2_lowered:
.L_overlay_start_0:
0x88: {  	s2 =	sld [smem:$0x3FD9]  }
0x89: {  	s3 =	sld [smem:$0x3FFE];
	_ =	sdelay $0x1  }
0x8a: {  	s1 =	srdreg.scid  }
0x8b: {  	s0 =	sand.u32 $0x1, s1  }
0x8c: {  	s16 =	sshll.u32 s0, $0xA;
	s2 =	sadd.s32 s3, s2  }
0x8d: {  	s2 =	sadd.s32 s2, s16  }
0x8e: {  	[smem:$0x3FB8] =	sst s2  }
0x8f: {  	_ = 	snop  }
0x90: {  	(tm) =	ssettm $0x1  }
0x91: {  	s17 =	sld [smem:$0x3FFB];
	_ =	sdelay $0x3  }
0x92: {  	_ =	strace s17  }
0x93: {  	s2 =	sld [smem:$0x3FFC];
	_ =	sdelay $0x3  }
0x94: {  	_ =	strace s2  }
0x95: {  	s2 =	sld [smem:$0x3FFD];
	_ =	sdelay $0x3  }
0x96: {  	_ =	strace s2  }
0x97: {  	_ =	strace $0x8FFFFFFF  }
0x98: {  	s18 =	sld [smem:$0x3FDB];
	_ =	sdelay $0x1  }
0x99: {  	s19 =	simm.s32 $_scs_section_size  }
0x9a: {  	s4 =	simm.s32 $_size__tile_overlayer_lowered;
	s5 =	simm.s32 $_tile_overlayer_lowered  }
0x9b: {  	s22 =	simm.s32 $0x1BFF;
	s21 =	sshll.u32 s5, $0x1;
	s2 =	sadd.s32 s19, s18  }
0x9c: {  	s6 =	simm.s32 $0x0;
	s20 =	sshll.u32 s4, $0x1;
	s4 =	sadd.s32 s21, s2  }
0x9d: {  	[timem:s6], [sflag:s22] =	dma.local [hbm:s4], s20  }
0x9e: {  	_ =	swait.ge [sflag:s22], s20  }
0x9f: {  	s3 =	ssub.s32 $0x0, s20;
	[sflag:s22] =	ssyncset.done $0x0  }
0xa0: {  	[sflag:s22] =	ssyncadd.s32 s3;
	_ =	sdelay $0x1  }
0xa1: {  	s23 =	simm.s32 $0x1B8B  }
0xa2: {  	_ =	swait.ge [sflag:s23], $0x1  }
0xa3: {  	[sflag:s23] =	ssyncset.done $0x0  }
0xa4: {  	s25 =	simm.s32 $0x1B8E;
	s24 =	sld [smem:$0x3FFE];
	[sflag:s23] =	ssyncadd.s32 $0xFFFFFFFF  }
0xa5: {  	s26 =	simm.s32 $execute0_lowered;
	[smem:$0x3FD2] =	sst s25  }
0xa6: {  	s4 =	sshll.u32 s26, $0x1;
	_ =	strace $0x8000004C;
	[dreg:$0x1] =	wrdreg $0xFFFFFFFF  }
0xa7: {  	s28 =	simm.s32 $_size_execute0_lowered;
	s2 =	sadd.s32 s2, s4;
	[dreg:$0x0] =	wrdreg $0x0  }
0xa8: {  	s4 =	sshll.u32 s28, $0x1;
	[dreg:$0x2] =	wrdreg s2  }
0xa9: {  	[dreg:$0x3] =	wrdreg s4  }
0xaa: {  	[dreg:$0x4] =	wrdreg $0xC0  }
0xab: {  	_ =	task [dreg:s6], $0x5FFFF  }
0xac: {  	[dreg:$0x1] =	wrdreg $0xFFFFFFFF  }
0xad: {  	[dreg:$0x0] =	wrdreg $0x60  }
0xae: {  	[dreg:$0x2] =	wrdreg s24  }
0xaf: {  	[dreg:$0x3] =	wrdreg $0xA8000  }
0xb0: {  	[dreg:$0x4] =	wrdreg $0x9  }
0xb1: {  	_ =	task.clear_ibuf [dreg:s6], $0x5FFFF;
	_ =	strace $0x9000004C  }
0xb2: {  	s29 =	simm.s32 $0x9;
	_ =	strace $0x8000004E  }
0xb3: {  	_ =	swait.ge [sflag:s29], $0x1  }
0xb4: {  	[sflag:s29] =	ssyncadd.s32 $0xFFFFFFFF  }
0xb5: {  	_ =	strace $0x9000004E  }
0xb6: {  	_ =	sfence  }
0xb7: {  	s30 =	sld [smem:$0x0];
	_ =	sdelay $0x2  }
0xb8: {  	s31 =	sshll.u32 s1, $0xD;
	s1 =	sshrl.u32 s1, $0x2  }
0xb9: {  	s3 =	sand.u32 $0x4000, s31;
	s1 =	sadd.s32 s1, s30  }
0xba: {  	s0 =	sor.u32 s3, s0;
	s1 =	sshll.u32 s1, $0x11  }
0xbb: {  	s0 =	sor.u32 s1, s0  }
0xbc: {  	s0 =	sadd.s32 $0x8F2B, s0  }
0xbd: {  	[sflag:s0] =	ssyncadd.remote.s32 $0x1  }
0xbe: {  	_ =	sfence.sel $0xFFFF  }
0xbf: {  	[dreg:$0x0] =	wrdreg $0xFFFFFFFF;
	(pc) =	sbr.abs _section_cstart, $3  }
0xc0: {  	[dreg:$0x1] =	wrdreg $0xFFFFFFFF  }
0xc1: {  	_ =	task.clear_ibuf [dreg:s6], $0x2FFFF;
	_ =	strace $0x9FFFFFFF  }
0xc2: {  	(tm) =	ssettm $0x7FFFFFFF  }
0xc3: {  	_ =	shalt  }
tec
execute0_lowered:
.L_overlay_start_1:
0x0: {  	(tag) =	ssettag $0x1  }
0x1: {  	s0 =	rddreg [dreg:$0x0]  }
0x2: {  	s1 =	rddreg [dreg:$0x1];
	s3 =	simm.s32 $0x0;
	s2 =	srdreg.scid  }
0x3: {  	s9 =	stileid.u32;
	s28 =	simm.s32 $0x8800;
	s29 =	simm.s32 $0x1480  }
0x4: {  	s30 =	simm.s32 $0x2;
	s31 =	simm.s32 $0x3;
	s11 =	simm.s32 $0x2680  }
0x5: {  	s12 =	simm.s32 $0x2700;
	s13 =	simm.s32 $0x2780;
	[smem:$0x7FF] =	sst s3  }
0x6: {  	s2 =	sand.u32 $0x1, s2;
	s4 =	sadd.s32 $0x36800, s0;
	s5 =	smul.u32 $0x14000, s9  }
0x7: {  	s7 =	sadd.s32 $0x22800, s0;
	s8 =	sadd.s32 $0xE800, s0;
	s16 =	smul.u32 $0x50000, s9  }
0x8: {  	s10 =	sadd.s32 $0x3C00, s0;
	_ =	strace $0x8000004D;
	s14 =	smul.u32 $0x140000, s2  }
0x9: {  	s6 =	sshll.u32 s2, $0x4;
	[dreg:$0x3] =	wrdreg s10;
	s2 =	ssub.s32 $0x2, s2  }
0xa: {  	s10 =	simm.s32 $0x2600;
	s6 =	sor.u32 s9, s6;
	s17 =	sshrl.u32 s2, $0x1  }
0xb: {  	s19 =	sshrl.u32 s16, $0x2;
	s9 =	simm.s32 $0x1380;
	s3 =	sadd.s32 s5, s14  }
0xc: {  	s15 =	smul.u32 $0x5000, s6;
	s2 =	ssub.s32 s2, s17;
	s17 =	simm.s32 $0x5  }
0xd: {  	s6 =	simm.s32 $0x1580;
	s14 =	simm.s32 $0x0;
	s3 =	sshrl.u32 s3, $0x3  }
0xe: {  	s26 =	smax.u32 s2, $0x1;
	s0 =	sadd.s32 s3, s0;
	s5 =	sshrl.u32 s15, $0x3  }
0xf: {  	s3 =	sadd.s32 s19, s1;
	[dreg:$0xe] =	wrdreg s26;
	s19 =	simm.s32 $0x40  }
0x10: {  	s26 =	simm.s32 $0x180;
	s18 =	sadd.s32 s7, s5;
	[dreg:$0x6] =	wrdreg s3  }
0x11: {  	s20 =	sadd.s32 s8, s5;
	s21 =	sadd.s32 $0x280, s5;
	[dreg:$0x4] =	wrdreg s18  }
0x12: {  	s23 =	sadd.s32 $0x500, s5;
	s0 =	sadd.s32 $0x5E800, s0;
	[dreg:$0x5] =	wrdreg s20  }
0x13: {  	s25 =	sadd.s32 $0x780, s5;
	s22 =	sadd.s32 s7, s21;
	[dreg:$0xd] =	wrdreg s0  }
0x14: {  	s3 =	sadd.s32 s8, s21;
	s24 =	sadd.s32 s7, s23;
	[dreg:$0x7] =	wrdreg s22  }
0x15: {  	s5 =	sadd.s32 s7, s25;
	s18 =	simm.s32 $0x1400;
	[dreg:$0x8] =	wrdreg s3  }
0x16: {  	s20 =	simm.s32 $0x2800;
	s0 =	simm.s32 $0x200;
	[dreg:$0x9] =	wrdreg s24  }
0x17: {  	s7 =	simm.s32 $0x4;
	s3 =	sadd.s32 s8, s23;
	[dreg:$0xb] =	wrdreg s5  }
0x18: {  	s22 =	simm.s32 $0x4800;
	s23 =	simm.s32 $0x1;
	s5 =	simm.s32 $0x1500  }
0x19: {  	[dreg:$0xa] =	wrdreg s3;
	s3 =	sadd.s32 s8, s25;
	s25 =	simm.s32 $0x6800  }
0x1a: {  	s8 =	simm.s32 $0x1300;
	[dreg:$0xc] =	wrdreg s3;
	s3 =	simm.s32 $0x280  }
.LBB2_1:
0x1b: {  	s2 =	simm.s32 $0x0;
	s15 =	rddreg [dreg:$0x4]  }
0x1c: {  	[tilespmem:s2], [sflag:$0x5] =	stream.linear.gather [hbm4b:s15+s2], $0x1400, $0x38;
	[tilespmem:$0x1E800] =	vst v63  }
0x1d: {  	_ =	swait.ge [sflag:s17], $0x1400  }
0x1e: {  	[sflag:s17] =	ssyncset.done $0x0  }
0x1f: {  	s24 =	rddreg [dreg:$0x5];
	[sflag:s17] =	ssyncadd.s32 $0xFFFFEC00  }
0x20: {  	[tilespmem:s18], [sflag:$0x5] =	stream.linear.gather [hbm4b:s24+s2], $0x1400, $0x38;
	[tilespmem:$0x1E800] =	vst v63  }
0x21: {  	_ =	swait.ge [sflag:s17], $0x1400  }
0x22: {  	[sflag:s17] =	ssyncset.done $0x0  }
0x23: {  	s16 =	stileid.u32;
	[sflag:s17] =	ssyncadd.s32 $0xFFFFEC00  }
0x24: {  	[tilespmem:s20], [sflag:$0x1] =	stream.indirect.gather [hbm4b:s4+s19], $0x80, s2, s19, $0xb8;
	[tilespmem:$0x1E800] =	vst v63  }
0x25: {  	s15 =	simm.s32 $0x80;
	s21 =	rddreg [dreg:$0x6];
	s2 =	sshll.u32 s16, $0x6  }
0x26: {  	[tilespmem:s22], [sflag:$0x1] =	stream.indirect.gather [hbm4b:s4+s19], $0x80, s15, s19, $0xb8;
	[tilespmem:$0x1E800] =	vst v63  }
0x27: {  	s24 =	rddreg [dreg:$0x3];
	s16 =	sshrl.u32 s21, $0x3;
	s15 =	sor.u32 $0x1C05, s2  }
0x28: {  	[spmem:s16], [sflag:s15] =	dma.local [hbm:s24], $0x2800  }
0x29: {  	_ =	swait.ge [sflag:s17], $0x2800  }
0x2a: {  	[sflag:s17] =	ssyncset.done $0x0  }
0x2b: {  	[sflag:s17] =	ssyncadd.s32 $0xFFFFD800  }
0x2c: {  	[bflag:$0x0] =	sbarrier.arrive $0xFFFF  }
0x2d: {  	_ =	swait.ge [sflag:s23], $0x2000  }
0x2e: {  	[sflag:s23] =	ssyncset.done $0x0  }
0x2f: {  	[sflag:s23] =	ssyncadd.s32 $0xFFFFE000  }
0x30: {  	_ =	swait.ge [sflag:s23], $0x2000  }
0x31: {  	[sflag:s23] =	ssyncset.done $0x0  }
0x32: {  	s21 =	simm.s32 $0x100;
	[sflag:s23] =	ssyncadd.s32 $0xFFFFE000  }
0x33: {  	[tilespmem:s25], [sflag:$0x2] =	stream.indirect.gather [hbm4b:s4+s19], $0x80, s21, s19, $0xb8;
	[tilespmem:$0x1E800] =	vst v63  }
0x34: {  	_ = 	snop  }
0x35: {  	[tilespmem:s28], [sflag:$0x2] =	stream.indirect.gather [hbm4b:s4+s19], $0x80, s26, s19, $0xb8;
	[tilespmem:$0x1E800] =	vst v63  }
0x36: {  	_ = 	snop  }
0x37: {  	[spmem:s1] =	stream.indirect.scatter.add.f32 [tilespmem:s20], [sflag:$0x3], $0x80, s18, s19, $0xb8;
	[tilespmem:$0x1E800] =	vst v63  }
0x38: {  	_ = 	snop  }
0x39: {  	[spmem:s1] =	stream.indirect.scatter.add.f32 [tilespmem:s22], [sflag:$0x3], $0x80, s29, s19, $0xb8;
	[tilespmem:$0x1E800] =	vst v63  }
0x3a: {  	_ =	swait.ge [sflag:s30], $0x2000  }
0x3b: {  	[sflag:s30] =	ssyncset.done $0x0  }
0x3c: {  	[sflag:s30] =	ssyncadd.s32 $0xFFFFE000  }
0x3d: {  	_ =	swait.ge [sflag:s30], $0x2000  }
0x3e: {  	[sflag:s30] =	ssyncset.done $0x0  }
0x3f: {  	[sflag:s30] =	ssyncadd.s32 $0xFFFFE000  }
0x40: {  	_ =	swait.ge [sflag:s31], $0x2000  }
0x41: {  	[sflag:s31] =	ssyncset.done $0x0  }
0x42: {  	[sflag:s31] =	ssyncadd.s32 $0xFFFFE000  }
0x43: {  	_ =	swait.ge [sflag:s31], $0x2000  }
0x44: {  	[sflag:s31] =	ssyncset.done $0x0  }
0x45: {  	[sflag:s31] =	ssyncadd.s32 $0xFFFFE000  }
0x46: {  	[tilespmem:s20], [sflag:$0x1] =	stream.indirect.gather [hbm4b:s4+s19], $0x80, s0, s19, $0xb8;
	[tilespmem:$0x1E800] =	vst v63  }
0x47: {  	_ = 	snop  }
0x48: {  	[tilespmem:s22], [sflag:$0x1] =	stream.indirect.gather [hbm4b:s4+s19], $0x80, s3, s19, $0xb8;
	[tilespmem:$0x1E800] =	vst v63  }
0x49: {  	_ = 	snop  }
0x4a: {  	[spmem:s1] =	stream.indirect.scatter.add.f32 [tilespmem:s25], [sflag:$0x4], $0x80, s5, s19, $0xb8;
	[tilespmem:$0x1E800] =	vst v63  }
0x4b: {  	_ = 	snop  }
0x4c: {  	[spmem:s1] =	stream.indirect.scatter.add.f32 [tilespmem:s28], [sflag:$0x4], $0x80, s6, s19, $0xb8;
	[tilespmem:$0x1E800] =	vst v63  }
0x4d: {  	_ =	swait.ge [sflag:s23], $0x2000  }
0x4e: {  	[sflag:s23] =	ssyncset.done $0x0  }
0x4f: {  	[sflag:s23] =	ssyncadd.s32 $0xFFFFE000  }
0x50: {  	_ =	swait.ge [sflag:s23], $0x2000  }
0x51: {  	[sflag:s23] =	ssyncset.done $0x0  }
0x52: {  	[sflag:s23] =	ssyncadd.s32 $0xFFFFE000  }
0x53: {  	_ =	swait.ge [sflag:s7], $0x2000  }
0x54: {  	[sflag:s7] =	ssyncset.done $0x0  }
0x55: {  	[sflag:s7] =	ssyncadd.s32 $0xFFFFE000  }
0x56: {  	_ =	swait.ge [sflag:s7], $0x2000  }
0x57: {  	[sflag:s7] =	ssyncset.done $0x0  }
0x58: {  	s24 =	simm.s32 $0x300;
	[sflag:s7] =	ssyncadd.s32 $0xFFFFE000  }
0x59: {  	[tilespmem:s25], [sflag:$0x2] =	stream.indirect.gather [hbm4b:s4+s19], $0x80, s24, s19, $0xb8;
	[tilespmem:$0x1E800] =	vst v63  }
0x5a: {  	s21 =	simm.s32 $0x380  }
0x5b: {  	[tilespmem:s28], [sflag:$0x2] =	stream.indirect.gather [hbm4b:s4+s19], $0x80, s21, s19, $0xb8;
	[tilespmem:$0x1E800] =	vst v63  }
0x5c: {  	s24 =	simm.s32 $0x1600  }
0x5d: {  	[spmem:s1] =	stream.indirect.scatter.add.f32 [tilespmem:s20], [sflag:$0x3], $0x80, s24, s19, $0xb8;
	[tilespmem:$0x1E800] =	vst v63  }
0x5e: {  	s21 =	simm.s32 $0x1680  }
0x5f: {  	[spmem:s1] =	stream.indirect.scatter.add.f32 [tilespmem:s22], [sflag:$0x3], $0x80, s21, s19, $0xb8;
	[tilespmem:$0x1E800] =	vst v63  }
0x60: {  	_ =	swait.ge [sflag:s30], $0x2000  }
0x61: {  	[sflag:s30] =	ssyncset.done $0x0  }
0x62: {  	[sflag:s30] =	ssyncadd.s32 $0xFFFFE000  }
0x63: {  	_ =	swait.ge [sflag:s30], $0x2000  }
0x64: {  	[sflag:s30] =	ssyncset.done $0x0  }
0x65: {  	[sflag:s30] =	ssyncadd.s32 $0xFFFFE000  }
0x66: {  	_ =	swait.ge [sflag:s31], $0x2000  }
0x67: {  	[sflag:s31] =	ssyncset.done $0x0  }
0x68: {  	[sflag:s31] =	ssyncadd.s32 $0xFFFFE000  }
0x69: {  	_ =	swait.ge [sflag:s31], $0x2000  }
0x6a: {  	[sflag:s31] =	ssyncset.done $0x0  }
0x6b: {  	s24 =	simm.s32 $0x400;
	[sflag:s31] =	ssyncadd.s32 $0xFFFFE000  }
0x6c: {  	[tilespmem:s20], [sflag:$0x1] =	stream.indirect.gather [hbm4b:s4+s19], $0x80, s24, s19, $0xb8;
	[tilespmem:$0x1E800] =	vst v63  }
0x6d: {  	s21 =	simm.s32 $0x480  }
0x6e: {  	[tilespmem:s22], [sflag:$0x1] =	stream.indirect.gather [hbm4b:s4+s19], $0x80, s21, s19, $0xb8;
	[tilespmem:$0x1E800] =	vst v63  }
0x6f: {  	s2 =	simm.s32 $0x800;
	s24 =	simm.s32 $0x1700;
	s21 =	simm.s32 $0x1780  }
0x70: {  	[spmem:s1] =	stream.indirect.scatter.add.f32 [tilespmem:s25], [sflag:$0x4], $0x80, s24, s19, $0xb8;
	[tilespmem:$0x1E800] =	vst v63  }
.LBB2_2:
0x71: {  	[spmem:s1] =	stream.indirect.scatter.add.f32 [tilespmem:s28], [sflag:$0x4], $0x80, s21, s19, $0xb8;
	[tilespmem:$0x1E800] =	vst v63  }
0x72: {  	s21 =	smov.u32 s2  }
0x73: {  	p0 =	sne.s32 s2, $0x3800;
	s2 =	sadd.s32 $0x800, s2;
	_ =	swait.ge [sflag:s23], $0x2000  }
0x74: {  	[sflag:s23] =	ssyncset.done $0x0  }
0x75: {  	[sflag:s23] =	ssyncadd.s32 $0xFFFFE000  }
0x76: {  	_ =	swait.ge [sflag:s23], $0x2000  }
0x77: {  	[sflag:s23] =	ssyncset.done $0x0  }
0x78: {  	[sflag:s23] =	ssyncadd.s32 $0xFFFFE000  }
0x79: {  	_ =	swait.ge [sflag:s7], $0x2000  }
0x7a: {  	[sflag:s7] =	ssyncset.done $0x0  }
0x7b: {  	[sflag:s7] =	ssyncadd.s32 $0xFFFFE000  }
0x7c: {  	_ =	swait.ge [sflag:s7], $0x2000  }
0x7d: {  	s21 =	sshra.s32 s21, $0x2;
	[sflag:s7] =	ssyncset.done $0x0  }
0x7e: {  	s24 =	sadd.s32 $0x300, s21;
	[sflag:s7] =	ssyncadd.s32 $0xFFFFE000  }
0x7f: {  	[tilespmem:s25], [sflag:$0x2] =	stream.indirect.gather [hbm4b:s4+s19], $0x80, s24, s19, $0xb8;
	[tilespmem:$0x1E800] =	vst v63  }
0x80: {  	s24 =	sadd.s32 $0x380, s21  }
0x81: {  	[tilespmem:s28], [sflag:$0x2] =	stream.indirect.gather [hbm4b:s4+s19], $0x80, s24, s19, $0xb8;
	[tilespmem:$0x1E800] =	vst v63  }
0x82: {  	s24 =	sadd.s32 $0x1600, s21  }
0x83: {  	[spmem:s1] =	stream.indirect.scatter.add.f32 [tilespmem:s20], [sflag:$0x3], $0x80, s24, s19, $0xb8;
	[tilespmem:$0x1E800] =	vst v63  }
0x84: {  	s24 =	sadd.s32 $0x1680, s21  }
0x85: {  	[spmem:s1] =	stream.indirect.scatter.add.f32 [tilespmem:s22], [sflag:$0x3], $0x80, s24, s19, $0xb8;
	[tilespmem:$0x1E800] =	vst v63  }
0x86: {  	_ =	swait.ge [sflag:s30], $0x2000  }
0x87: {  	[sflag:s30] =	ssyncset.done $0x0  }
0x88: {  	[sflag:s30] =	ssyncadd.s32 $0xFFFFE000  }
0x89: {  	_ =	swait.ge [sflag:s30], $0x2000  }
0x8a: {  	[sflag:s30] =	ssyncset.done $0x0  }
0x8b: {  	[sflag:s30] =	ssyncadd.s32 $0xFFFFE000  }
0x8c: {  	_ =	swait.ge [sflag:s31], $0x2000  }
0x8d: {  	[sflag:s31] =	ssyncset.done $0x0  }
0x8e: {  	[sflag:s31] =	ssyncadd.s32 $0xFFFFE000  }
0x8f: {  	_ =	swait.ge [sflag:s31], $0x2000  }
0x90: {  	[sflag:s31] =	ssyncset.done $0x0  }
0x91: {  	s24 =	sadd.s32 $0x400, s21;
	[sflag:s31] =	ssyncadd.s32 $0xFFFFE000  }
0x92: {  	[tilespmem:s20], [sflag:$0x1] =	stream.indirect.gather [hbm4b:s4+s19], $0x80, s24, s19, $0xb8;
	[tilespmem:$0x1E800] =	vst v63  }
.Ltmp0:
0x93: {  	s24 =	sadd.s32 $0x480, s21;
	(pc) =	sbr.rel @p0 .LBB2_2-.Ltmp0, $4  }
0x94: {  	[tilespmem:s22], [sflag:$0x1] =	stream.indirect.gather [hbm4b:s4+s19], $0x80, s24, s19, $0xb8;
	[tilespmem:$0x1E800] =	vst v63  }
0x95: {  	s24 =	sadd.s32 $0x1700, s21  }
0x96: {  	[spmem:s1] =	stream.indirect.scatter.add.f32 [tilespmem:s25], [sflag:$0x4], $0x80, s24, s19, $0xb8;
	[tilespmem:$0x1E800] =	vst v63  }
0x97: {  	s21 =	sadd.s32 $0x1780, s21  }
0x98: {  	[spmem:s1] =	stream.indirect.scatter.add.f32 [tilespmem:s28], [sflag:$0x4], $0x80, s21, s19, $0xb8;
	[tilespmem:$0x1E800] =	vst v63  }
0x99: {  	_ =	swait.ge [sflag:s23], $0x2000  }
0x9a: {  	[sflag:s23] =	ssyncset.done $0x0  }
0x9b: {  	[sflag:s23] =	ssyncadd.s32 $0xFFFFE000  }
0x9c: {  	_ =	swait.ge [sflag:s23], $0x2000  }
0x9d: {  	[sflag:s23] =	ssyncset.done $0x0  }
0x9e: {  	[sflag:s23] =	ssyncadd.s32 $0xFFFFE000  }
0x9f: {  	_ =	swait.ge [sflag:s7], $0x2000  }
0xa0: {  	[sflag:s7] =	ssyncset.done $0x0  }
0xa1: {  	[sflag:s7] =	ssyncadd.s32 $0xFFFFE000  }
0xa2: {  	_ =	swait.ge [sflag:s7], $0x2000  }
0xa3: {  	[sflag:s7] =	ssyncset.done $0x0  }
0xa4: {  	[sflag:s7] =	ssyncadd.s32 $0xFFFFE000  }
0xa5: {  	[tilespmem:s25], [sflag:$0x2] =	stream.indirect.gather [hbm4b:s4+s19], $0x80, s8, s19, $0xb8;
	[tilespmem:$0x1E800] =	vst v63  }
0xa6: {  	_ = 	snop  }
0xa7: {  	[tilespmem:s28], [sflag:$0x2] =	stream.indirect.gather [hbm4b:s4+s19], $0x80, s9, s19, $0xb8;
	[tilespmem:$0x1E800] =	vst v63  }
0xa8: {  	_ = 	snop  }
0xa9: {  	[spmem:s1] =	stream.indirect.scatter.add.f32 [tilespmem:s20], [sflag:$0x3], $0x80, s10, s19, $0xb8;
	[tilespmem:$0x1E800] =	vst v63  }
0xaa: {  	_ = 	snop  }
0xab: {  	[spmem:s1] =	stream.indirect.scatter.add.f32 [tilespmem:s22], [sflag:$0x3], $0x80, s11, s19, $0xb8;
	[tilespmem:$0x1E800] =	vst v63  }
0xac: {  	_ =	swait.ge [sflag:s30], $0x2000  }
0xad: {  	[sflag:s30] =	ssyncset.done $0x0  }
0xae: {  	[sflag:s30] =	ssyncadd.s32 $0xFFFFE000  }
0xaf: {  	_ =	swait.ge [sflag:s30], $0x2000  }
0xb0: {  	[sflag:s30] =	ssyncset.done $0x0  }
0xb1: {  	[sflag:s30] =	ssyncadd.s32 $0xFFFFE000  }
0xb2: {  	[spmem:s1] =	stream.indirect.scatter.add.f32 [tilespmem:s25], [sflag:$0x4], $0x80, s12, s19, $0xb8;
	[tilespmem:$0x1E800] =	vst v63  }
0xb3: {  	_ = 	snop  }
0xb4: {  	[spmem:s1] =	stream.indirect.scatter.add.f32 [tilespmem:s28], [sflag:$0x4], $0x80, s13, s19, $0xb8;
	[tilespmem:$0x1E800] =	vst v63  }
0xb5: {  	_ =	swait.ge [sflag:s31], $0x2000  }
0xb6: {  	[sflag:s31] =	ssyncset.done $0x0  }
0xb7: {  	[sflag:s31] =	ssyncadd.s32 $0xFFFFE000  }
0xb8: {  	_ =	swait.ge [sflag:s7], $0x2000  }
0xb9: {  	[sflag:s7] =	ssyncset.done $0x0  }
0xba: {  	[sflag:s7] =	ssyncadd.s32 $0xFFFFE000  }
0xbb: {  	_ =	swait.ge [sflag:s31], $0x2000  }
0xbc: {  	[sflag:s31] =	ssyncset.done $0x0  }
0xbd: {  	[sflag:s31] =	ssyncadd.s32 $0xFFFFE000  }
0xbe: {  	_ =	swait.ge [sflag:s7], $0x2000  }
0xbf: {  	[sflag:s7] =	ssyncset.done $0x0  }
0xc0: {  	s2 =	simm.s32 $0x0;
	s24 =	rddreg [dreg:$0x7];
	[sflag:s7] =	ssyncadd.s32 $0xFFFFE000  }
0xc1: {  	[tilespmem:s2], [sflag:$0x5] =	stream.linear.gather [hbm4b:s24+s2], $0x1400, $0x38;
	[tilespmem:$0x1E800] =	vst v63  }
0xc2: {  	_ =	swait.ge [sflag:s17], $0x1400  }
0xc3: {  	[sflag:s17] =	ssyncset.done $0x0  }
0xc4: {  	s24 =	rddreg [dreg:$0x8];
	[sflag:s17] =	ssyncadd.s32 $0xFFFFEC00  }
0xc5: {  	[tilespmem:s18], [sflag:$0x5] =	stream.linear.gather [hbm4b:s24+s2], $0x1400, $0x38;
	[tilespmem:$0x1E800] =	vst v63  }
0xc6: {  	_ =	swait.ge [sflag:s17], $0x1400  }
0xc7: {  	[sflag:s17] =	ssyncset.done $0x0  }
0xc8: {  	[sflag:s17] =	ssyncadd.s32 $0xFFFFEC00  }
0xc9: {  	[tilespmem:s20], [sflag:$0x1] =	stream.indirect.gather [hbm4b:s4+s19], $0x80, s2, s19, $0xb8;
	[tilespmem:$0x1E800] =	vst v63  }
0xca: {  	s24 =	simm.s32 $0x80  }
0xcb: {  	[tilespmem:s22], [sflag:$0x1] =	stream.indirect.gather [hbm4b:s4+s19], $0x80, s24, s19, $0xb8;
	[tilespmem:$0x1E800] =	vst v63  }
0xcc: {  	_ =	swait.ge [sflag:s23], $0x2000  }
0xcd: {  	[sflag:s23] =	ssyncset.done $0x0  }
0xce: {  	[sflag:s23] =	ssyncadd.s32 $0xFFFFE000  }
0xcf: {  	_ =	swait.ge [sflag:s23], $0x2000  }
0xd0: {  	[sflag:s23] =	ssyncset.done $0x0  }
0xd1: {  	s21 =	simm.s32 $0x100;
	[sflag:s23] =	ssyncadd.s32 $0xFFFFE000  }
0xd2: {  	[tilespmem:s25], [sflag:$0x2] =	stream.indirect.gather [hbm4b:s4+s19], $0x80, s21, s19, $0xb8;
	[tilespmem:$0x1E800] =	vst v63  }
0xd3: {  	_ = 	snop  }
0xd4: {  	[tilespmem:s28], [sflag:$0x2] =	stream.indirect.gather [hbm4b:s4+s19], $0x80, s26, s19, $0xb8;
	[tilespmem:$0x1E800] =	vst v63  }
0xd5: {  	_ = 	snop  }
0xd6: {  	[spmem:s1] =	stream.indirect.scatter.add.f32 [tilespmem:s20], [sflag:$0x3], $0x80, s18, s19, $0xb8;
	[tilespmem:$0x1E800] =	vst v63  }
0xd7: {  	_ = 	snop  }
0xd8: {  	[spmem:s1] =	stream.indirect.scatter.add.f32 [tilespmem:s22], [sflag:$0x3], $0x80, s29, s19, $0xb8;
	[tilespmem:$0x1E800] =	vst v63  }
0xd9: {  	_ =	swait.ge [sflag:s30], $0x2000  }
0xda: {  	[sflag:s30] =	ssyncset.done $0x0  }
0xdb: {  	[sflag:s30] =	ssyncadd.s32 $0xFFFFE000  }
0xdc: {  	_ =	swait.ge [sflag:s30], $0x2000  }
0xdd: {  	[sflag:s30] =	ssyncset.done $0x0  }
0xde: {  	[sflag:s30] =	ssyncadd.s32 $0xFFFFE000  }
0xdf: {  	_ =	swait.ge [sflag:s31], $0x2000  }
0xe0: {  	[sflag:s31] =	ssyncset.done $0x0  }
0xe1: {  	[sflag:s31] =	ssyncadd.s32 $0xFFFFE000  }
0xe2: {  	_ =	swait.ge [sflag:s31], $0x2000  }
0xe3: {  	[sflag:s31] =	ssyncset.done $0x0  }
0xe4: {  	[sflag:s31] =	ssyncadd.s32 $0xFFFFE000  }
0xe5: {  	[tilespmem:s20], [sflag:$0x1] =	stream.indirect.gather [hbm4b:s4+s19], $0x80, s0, s19, $0xb8;
	[tilespmem:$0x1E800] =	vst v63  }
0xe6: {  	_ = 	snop  }
0xe7: {  	[tilespmem:s22], [sflag:$0x1] =	stream.indirect.gather [hbm4b:s4+s19], $0x80, s3, s19, $0xb8;
	[tilespmem:$0x1E800] =	vst v63  }
0xe8: {  	_ = 	snop  }
0xe9: {  	[spmem:s1] =	stream.indirect.scatter.add.f32 [tilespmem:s25], [sflag:$0x4], $0x80, s5, s19, $0xb8;
	[tilespmem:$0x1E800] =	vst v63  }
0xea: {  	_ = 	snop  }
0xeb: {  	[spmem:s1] =	stream.indirect.scatter.add.f32 [tilespmem:s28], [sflag:$0x4], $0x80, s6, s19, $0xb8;
	[tilespmem:$0x1E800] =	vst v63  }
0xec: {  	_ =	swait.ge [sflag:s23], $0x2000  }
0xed: {  	[sflag:s23] =	ssyncset.done $0x0  }
0xee: {  	[sflag:s23] =	ssyncadd.s32 $0xFFFFE000  }
0xef: {  	_ =	swait.ge [sflag:s23], $0x2000  }
0xf0: {  	[sflag:s23] =	ssyncset.done $0x0  }
0xf1: {  	[sflag:s23] =	ssyncadd.s32 $0xFFFFE000  }
0xf2: {  	_ =	swait.ge [sflag:s7], $0x2000  }
0xf3: {  	[sflag:s7] =	ssyncset.done $0x0  }
0xf4: {  	[sflag:s7] =	ssyncadd.s32 $0xFFFFE000  }
0xf5: {  	_ =	swait.ge [sflag:s7], $0x2000  }
0xf6: {  	[sflag:s7] =	ssyncset.done $0x0  }
0xf7: {  	s24 =	simm.s32 $0x300;
	[sflag:s7] =	ssyncadd.s32 $0xFFFFE000  }
0xf8: {  	[tilespmem:s25], [sflag:$0x2] =	stream.indirect.gather [hbm4b:s4+s19], $0x80, s24, s19, $0xb8;
	[tilespmem:$0x1E800] =	vst v63  }
0xf9: {  	s21 =	simm.s32 $0x380  }
0xfa: {  	[tilespmem:s28], [sflag:$0x2] =	stream.indirect.gather [hbm4b:s4+s19], $0x80, s21, s19, $0xb8;
	[tilespmem:$0x1E800] =	vst v63  }
0xfb: {  	s24 =	simm.s32 $0x1600  }
0xfc: {  	[spmem:s1] =	stream.indirect.scatter.add.f32 [tilespmem:s20], [sflag:$0x3], $0x80, s24, s19, $0xb8;
	[tilespmem:$0x1E800] =	vst v63  }
0xfd: {  	s21 =	simm.s32 $0x1680  }
0xfe: {  	[spmem:s1] =	stream.indirect.scatter.add.f32 [tilespmem:s22], [sflag:$0x3], $0x80, s21, s19, $0xb8;
	[tilespmem:$0x1E800] =	vst v63  }
0xff: {  	_ =	swait.ge [sflag:s30], $0x2000  }
0x100: {  	[sflag:s30] =	ssyncset.done $0x0  }
0x101: {  	[sflag:s30] =	ssyncadd.s32 $0xFFFFE000  }
0x102: {  	_ =	swait.ge [sflag:s30], $0x2000  }
0x103: {  	[sflag:s30] =	ssyncset.done $0x0  }
0x104: {  	[sflag:s30] =	ssyncadd.s32 $0xFFFFE000  }
0x105: {  	_ =	swait.ge [sflag:s31], $0x2000  }
0x106: {  	[sflag:s31] =	ssyncset.done $0x0  }
0x107: {  	[sflag:s31] =	ssyncadd.s32 $0xFFFFE000  }
0x108: {  	_ =	swait.ge [sflag:s31], $0x2000  }
0x109: {  	[sflag:s31] =	ssyncset.done $0x0  }
0x10a: {  	s24 =	simm.s32 $0x400;
	[sflag:s31] =	ssyncadd.s32 $0xFFFFE000  }
0x10b: {  	[tilespmem:s20], [sflag:$0x1] =	stream.indirect.gather [hbm4b:s4+s19], $0x80, s24, s19, $0xb8;
	[tilespmem:$0x1E800] =	vst v63  }
0x10c: {  	s21 =	simm.s32 $0x480  }
0x10d: {  	[tilespmem:s22], [sflag:$0x1] =	stream.indirect.gather [hbm4b:s4+s19], $0x80, s21, s19, $0xb8;
	[tilespmem:$0x1E800] =	vst v63  }
0x10e: {  	s2 =	simm.s32 $0x800;
	s24 =	simm.s32 $0x1700;
	s21 =	simm.s32 $0x1780  }
0x10f: {  	[spmem:s1] =	stream.indirect.scatter.add.f32 [tilespmem:s25], [sflag:$0x4], $0x80, s24, s19, $0xb8;
	[tilespmem:$0x1E800] =	vst v63  }
.LBB2_4:
0x110: {  	[spmem:s1] =	stream.indirect.scatter.add.f32 [tilespmem:s28], [sflag:$0x4], $0x80, s21, s19, $0xb8;
	[tilespmem:$0x1E800] =	vst v63  }
0x111: {  	s21 =	smov.u32 s2  }
0x112: {  	p0 =	sne.s32 s2, $0x3800;
	s2 =	sadd.s32 $0x800, s2;
	_ =	swait.ge [sflag:s23], $0x2000  }
0x113: {  	[sflag:s23] =	ssyncset.done $0x0  }
0x114: {  	[sflag:s23] =	ssyncadd.s32 $0xFFFFE000  }
0x115: {  	_ =	swait.ge [sflag:s23], $0x2000  }
0x116: {  	[sflag:s23] =	ssyncset.done $0x0  }
0x117: {  	[sflag:s23] =	ssyncadd.s32 $0xFFFFE000  }
0x118: {  	_ =	swait.ge [sflag:s7], $0x2000  }
0x119: {  	[sflag:s7] =	ssyncset.done $0x0  }
0x11a: {  	[sflag:s7] =	ssyncadd.s32 $0xFFFFE000  }
0x11b: {  	_ =	swait.ge [sflag:s7], $0x2000  }
0x11c: {  	s21 =	sshra.s32 s21, $0x2;
	[sflag:s7] =	ssyncset.done $0x0  }
0x11d: {  	s24 =	sadd.s32 $0x300, s21;
	[sflag:s7] =	ssyncadd.s32 $0xFFFFE000  }
0x11e: {  	[tilespmem:s25], [sflag:$0x2] =	stream.indirect.gather [hbm4b:s4+s19], $0x80, s24, s19, $0xb8;
	[tilespmem:$0x1E800] =	vst v63  }
0x11f: {  	s24 =	sadd.s32 $0x380, s21  }
0x120: {  	[tilespmem:s28], [sflag:$0x2] =	stream.indirect.gather [hbm4b:s4+s19], $0x80, s24, s19, $0xb8;
	[tilespmem:$0x1E800] =	vst v63  }
0x121: {  	s24 =	sadd.s32 $0x1600, s21  }
0x122: {  	[spmem:s1] =	stream.indirect.scatter.add.f32 [tilespmem:s20], [sflag:$0x3], $0x80, s24, s19, $0xb8;
	[tilespmem:$0x1E800] =	vst v63  }
0x123: {  	s24 =	sadd.s32 $0x1680, s21  }
0x124: {  	[spmem:s1] =	stream.indirect.scatter.add.f32 [tilespmem:s22], [sflag:$0x3], $0x80, s24, s19, $0xb8;
	[tilespmem:$0x1E800] =	vst v63  }
0x125: {  	_ =	swait.ge [sflag:s30], $0x2000  }
0x126: {  	[sflag:s30] =	ssyncset.done $0x0  }
0x127: {  	[sflag:s30] =	ssyncadd.s32 $0xFFFFE000  }
0x128: {  	_ =	swait.ge [sflag:s30], $0x2000  }
0x129: {  	[sflag:s30] =	ssyncset.done $0x0  }
0x12a: {  	[sflag:s30] =	ssyncadd.s32 $0xFFFFE000  }
0x12b: {  	_ =	swait.ge [sflag:s31], $0x2000  }
0x12c: {  	[sflag:s31] =	ssyncset.done $0x0  }
0x12d: {  	[sflag:s31] =	ssyncadd.s32 $0xFFFFE000  }
0x12e: {  	_ =	swait.ge [sflag:s31], $0x2000  }
0x12f: {  	[sflag:s31] =	ssyncset.done $0x0  }
0x130: {  	s24 =	sadd.s32 $0x400, s21;
	[sflag:s31] =	ssyncadd.s32 $0xFFFFE000  }
0x131: {  	[tilespmem:s20], [sflag:$0x1] =	stream.indirect.gather [hbm4b:s4+s19], $0x80, s24, s19, $0xb8;
	[tilespmem:$0x1E800] =	vst v63  }
.Ltmp1:
0x132: {  	s24 =	sadd.s32 $0x480, s21;
	(pc) =	sbr.rel @p0 .LBB2_4-.Ltmp1, $4  }
0x133: {  	[tilespmem:s22], [sflag:$0x1] =	stream.indirect.gather [hbm4b:s4+s19], $0x80, s24, s19, $0xb8;
	[tilespmem:$0x1E800] =	vst v63  }
0x134: {  	s24 =	sadd.s32 $0x1700, s21  }
0x135: {  	[spmem:s1] =	stream.indirect.scatter.add.f32 [tilespmem:s25], [sflag:$0x4], $0x80, s24, s19, $0xb8;
	[tilespmem:$0x1E800] =	vst v63  }
0x136: {  	s21 =	sadd.s32 $0x1780, s21  }
0x137: {  	[spmem:s1] =	stream.indirect.scatter.add.f32 [tilespmem:s28], [sflag:$0x4], $0x80, s21, s19, $0xb8;
	[tilespmem:$0x1E800] =	vst v63  }
0x138: {  	_ =	swait.ge [sflag:s23], $0x2000  }
0x139: {  	[sflag:s23] =	ssyncset.done $0x0  }
0x13a: {  	[sflag:s23] =	ssyncadd.s32 $0xFFFFE000  }
0x13b: {  	_ =	swait.ge [sflag:s23], $0x2000  }
0x13c: {  	[sflag:s23] =	ssyncset.done $0x0  }
0x13d: {  	[sflag:s23] =	ssyncadd.s32 $0xFFFFE000  }
0x13e: {  	_ =	swait.ge [sflag:s7], $0x2000  }
0x13f: {  	[sflag:s7] =	ssyncset.done $0x0  }
0x140: {  	[sflag:s7] =	ssyncadd.s32 $0xFFFFE000  }
0x141: {  	_ =	swait.ge [sflag:s7], $0x2000  }
0x142: {  	[sflag:s7] =	ssyncset.done $0x0  }
0x143: {  	[sflag:s7] =	ssyncadd.s32 $0xFFFFE000  }
0x144: {  	[tilespmem:s25], [sflag:$0x2] =	stream.indirect.gather [hbm4b:s4+s19], $0x80, s8, s19, $0xb8;
	[tilespmem:$0x1E800] =	vst v63  }
0x145: {  	_ = 	snop  }
0x146: {  	[tilespmem:s28], [sflag:$0x2] =	stream.indirect.gather [hbm4b:s4+s19], $0x80, s9, s19, $0xb8;
	[tilespmem:$0x1E800] =	vst v63  }
0x147: {  	_ = 	snop  }
0x148: {  	[spmem:s1] =	stream.indirect.scatter.add.f32 [tilespmem:s20], [sflag:$0x3], $0x80, s10, s19, $0xb8;
	[tilespmem:$0x1E800] =	vst v63  }
0x149: {  	_ = 	snop  }
0x14a: {  	[spmem:s1] =	stream.indirect.scatter.add.f32 [tilespmem:s22], [sflag:$0x3], $0x80, s11, s19, $0xb8;
	[tilespmem:$0x1E800] =	vst v63  }
0x14b: {  	_ =	swait.ge [sflag:s30], $0x2000  }
0x14c: {  	[sflag:s30] =	ssyncset.done $0x0  }
0x14d: {  	[sflag:s30] =	ssyncadd.s32 $0xFFFFE000  }
0x14e: {  	_ =	swait.ge [sflag:s30], $0x2000  }
0x14f: {  	[sflag:s30] =	ssyncset.done $0x0  }
0x150: {  	[sflag:s30] =	ssyncadd.s32 $0xFFFFE000  }
0x151: {  	[spmem:s1] =	stream.indirect.scatter.add.f32 [tilespmem:s25], [sflag:$0x4], $0x80, s12, s19, $0xb8;
	[tilespmem:$0x1E800] =	vst v63  }
0x152: {  	_ = 	snop  }
0x153: {  	[spmem:s1] =	stream.indirect.scatter.add.f32 [tilespmem:s28], [sflag:$0x4], $0x80, s13, s19, $0xb8;
	[tilespmem:$0x1E800] =	vst v63  }
0x154: {  	_ =	swait.ge [sflag:s31], $0x2000  }
0x155: {  	[sflag:s31] =	ssyncset.done $0x0  }
0x156: {  	[sflag:s31] =	ssyncadd.s32 $0xFFFFE000  }
0x157: {  	_ =	swait.ge [sflag:s7], $0x2000  }
0x158: {  	[sflag:s7] =	ssyncset.done $0x0  }
0x159: {  	[sflag:s7] =	ssyncadd.s32 $0xFFFFE000  }
0x15a: {  	_ =	swait.ge [sflag:s31], $0x2000  }
0x15b: {  	[sflag:s31] =	ssyncset.done $0x0  }
0x15c: {  	[sflag:s31] =	ssyncadd.s32 $0xFFFFE000  }
0x15d: {  	_ =	swait.ge [sflag:s7], $0x2000  }
0x15e: {  	[sflag:s7] =	ssyncset.done $0x0  }
0x15f: {  	s2 =	simm.s32 $0x0;
	s24 =	rddreg [dreg:$0x9];
	[sflag:s7] =	ssyncadd.s32 $0xFFFFE000  }
0x160: {  	[tilespmem:s2], [sflag:$0x5] =	stream.linear.gather [hbm4b:s24+s2], $0x1400, $0x38;
	[tilespmem:$0x1E800] =	vst v63  }
0x161: {  	_ =	swait.ge [sflag:s17], $0x1400  }
0x162: {  	[sflag:s17] =	ssyncset.done $0x0  }
0x163: {  	s24 =	rddreg [dreg:$0xa];
	[sflag:s17] =	ssyncadd.s32 $0xFFFFEC00  }
0x164: {  	[tilespmem:s18], [sflag:$0x5] =	stream.linear.gather [hbm4b:s24+s2], $0x1400, $0x38;
	[tilespmem:$0x1E800] =	vst v63  }
0x165: {  	_ =	swait.ge [sflag:s17], $0x1400  }
0x166: {  	[sflag:s17] =	ssyncset.done $0x0  }
0x167: {  	[sflag:s17] =	ssyncadd.s32 $0xFFFFEC00  }
0x168: {  	[tilespmem:s20], [sflag:$0x1] =	stream.indirect.gather [hbm4b:s4+s19], $0x80, s2, s19, $0xb8;
	[tilespmem:$0x1E800] =	vst v63  }
0x169: {  	s24 =	simm.s32 $0x80  }
0x16a: {  	[tilespmem:s22], [sflag:$0x1] =	stream.indirect.gather [hbm4b:s4+s19], $0x80, s24, s19, $0xb8;
	[tilespmem:$0x1E800] =	vst v63  }
0x16b: {  	_ =	swait.ge [sflag:s23], $0x2000  }
0x16c: {  	[sflag:s23] =	ssyncset.done $0x0  }
0x16d: {  	[sflag:s23] =	ssyncadd.s32 $0xFFFFE000  }
0x16e: {  	_ =	swait.ge [sflag:s23], $0x2000  }
0x16f: {  	[sflag:s23] =	ssyncset.done $0x0  }
0x170: {  	s21 =	simm.s32 $0x100;
	[sflag:s23] =	ssyncadd.s32 $0xFFFFE000  }
0x171: {  	[tilespmem:s25], [sflag:$0x2] =	stream.indirect.gather [hbm4b:s4+s19], $0x80, s21, s19, $0xb8;
	[tilespmem:$0x1E800] =	vst v63  }
0x172: {  	_ = 	snop  }
0x173: {  	[tilespmem:s28], [sflag:$0x2] =	stream.indirect.gather [hbm4b:s4+s19], $0x80, s26, s19, $0xb8;
	[tilespmem:$0x1E800] =	vst v63  }
0x174: {  	_ = 	snop  }
0x175: {  	[spmem:s1] =	stream.indirect.scatter.add.f32 [tilespmem:s20], [sflag:$0x3], $0x80, s18, s19, $0xb8;
	[tilespmem:$0x1E800] =	vst v63  }
0x176: {  	_ = 	snop  }
0x177: {  	[spmem:s1] =	stream.indirect.scatter.add.f32 [tilespmem:s22], [sflag:$0x3], $0x80, s29, s19, $0xb8;
	[tilespmem:$0x1E800] =	vst v63  }
0x178: {  	_ =	swait.ge [sflag:s30], $0x2000  }
0x179: {  	[sflag:s30] =	ssyncset.done $0x0  }
0x17a: {  	[sflag:s30] =	ssyncadd.s32 $0xFFFFE000  }
0x17b: {  	_ =	swait.ge [sflag:s30], $0x2000  }
0x17c: {  	[sflag:s30] =	ssyncset.done $0x0  }
0x17d: {  	[sflag:s30] =	ssyncadd.s32 $0xFFFFE000  }
0x17e: {  	_ =	swait.ge [sflag:s31], $0x2000  }
0x17f: {  	[sflag:s31] =	ssyncset.done $0x0  }
0x180: {  	[sflag:s31] =	ssyncadd.s32 $0xFFFFE000  }
0x181: {  	_ =	swait.ge [sflag:s31], $0x2000  }
0x182: {  	[sflag:s31] =	ssyncset.done $0x0  }
0x183: {  	[sflag:s31] =	ssyncadd.s32 $0xFFFFE000  }
0x184: {  	[tilespmem:s20], [sflag:$0x1] =	stream.indirect.gather [hbm4b:s4+s19], $0x80, s0, s19, $0xb8;
	[tilespmem:$0x1E800] =	vst v63  }
0x185: {  	_ = 	snop  }
0x186: {  	[tilespmem:s22], [sflag:$0x1] =	stream.indirect.gather [hbm4b:s4+s19], $0x80, s3, s19, $0xb8;
	[tilespmem:$0x1E800] =	vst v63  }
0x187: {  	_ = 	snop  }
0x188: {  	[spmem:s1] =	stream.indirect.scatter.add.f32 [tilespmem:s25], [sflag:$0x4], $0x80, s5, s19, $0xb8;
	[tilespmem:$0x1E800] =	vst v63  }
0x189: {  	_ = 	snop  }
0x18a: {  	[spmem:s1] =	stream.indirect.scatter.add.f32 [tilespmem:s28], [sflag:$0x4], $0x80, s6, s19, $0xb8;
	[tilespmem:$0x1E800] =	vst v63  }
0x18b: {  	_ =	swait.ge [sflag:s23], $0x2000  }
0x18c: {  	[sflag:s23] =	ssyncset.done $0x0  }
0x18d: {  	[sflag:s23] =	ssyncadd.s32 $0xFFFFE000  }
0x18e: {  	_ =	swait.ge [sflag:s23], $0x2000  }
0x18f: {  	[sflag:s23] =	ssyncset.done $0x0  }
0x190: {  	[sflag:s23] =	ssyncadd.s32 $0xFFFFE000  }
0x191: {  	_ =	swait.ge [sflag:s7], $0x2000  }
0x192: {  	[sflag:s7] =	ssyncset.done $0x0  }
0x193: {  	[sflag:s7] =	ssyncadd.s32 $0xFFFFE000  }
0x194: {  	_ =	swait.ge [sflag:s7], $0x2000  }
0x195: {  	[sflag:s7] =	ssyncset.done $0x0  }
0x196: {  	s24 =	simm.s32 $0x300;
	[sflag:s7] =	ssyncadd.s32 $0xFFFFE000  }
0x197: {  	[tilespmem:s25], [sflag:$0x2] =	stream.indirect.gather [hbm4b:s4+s19], $0x80, s24, s19, $0xb8;
	[tilespmem:$0x1E800] =	vst v63  }
0x198: {  	s21 =	simm.s32 $0x380  }
0x199: {  	[tilespmem:s28], [sflag:$0x2] =	stream.indirect.gather [hbm4b:s4+s19], $0x80, s21, s19, $0xb8;
	[tilespmem:$0x1E800] =	vst v63  }
0x19a: {  	s24 =	simm.s32 $0x1600  }
0x19b: {  	[spmem:s1] =	stream.indirect.scatter.add.f32 [tilespmem:s20], [sflag:$0x3], $0x80, s24, s19, $0xb8;
	[tilespmem:$0x1E800] =	vst v63  }
0x19c: {  	s21 =	simm.s32 $0x1680  }
0x19d: {  	[spmem:s1] =	stream.indirect.scatter.add.f32 [tilespmem:s22], [sflag:$0x3], $0x80, s21, s19, $0xb8;
	[tilespmem:$0x1E800] =	vst v63  }
0x19e: {  	_ =	swait.ge [sflag:s30], $0x2000  }
0x19f: {  	[sflag:s30] =	ssyncset.done $0x0  }
0x1a0: {  	[sflag:s30] =	ssyncadd.s32 $0xFFFFE000  }
0x1a1: {  	_ =	swait.ge [sflag:s30], $0x2000  }
0x1a2: {  	[sflag:s30] =	ssyncset.done $0x0  }
0x1a3: {  	[sflag:s30] =	ssyncadd.s32 $0xFFFFE000  }
0x1a4: {  	_ =	swait.ge [sflag:s31], $0x2000  }
0x1a5: {  	[sflag:s31] =	ssyncset.done $0x0  }
0x1a6: {  	[sflag:s31] =	ssyncadd.s32 $0xFFFFE000  }
0x1a7: {  	_ =	swait.ge [sflag:s31], $0x2000  }
0x1a8: {  	[sflag:s31] =	ssyncset.done $0x0  }
0x1a9: {  	s24 =	simm.s32 $0x400;
	[sflag:s31] =	ssyncadd.s32 $0xFFFFE000  }
0x1aa: {  	[tilespmem:s20], [sflag:$0x1] =	stream.indirect.gather [hbm4b:s4+s19], $0x80, s24, s19, $0xb8;
	[tilespmem:$0x1E800] =	vst v63  }
0x1ab: {  	s21 =	simm.s32 $0x480  }
0x1ac: {  	[tilespmem:s22], [sflag:$0x1] =	stream.indirect.gather [hbm4b:s4+s19], $0x80, s21, s19, $0xb8;
	[tilespmem:$0x1E800] =	vst v63  }
0x1ad: {  	s2 =	simm.s32 $0x800;
	s24 =	simm.s32 $0x1700;
	s21 =	simm.s32 $0x1780  }
0x1ae: {  	[spmem:s1] =	stream.indirect.scatter.add.f32 [tilespmem:s25], [sflag:$0x4], $0x80, s24, s19, $0xb8;
	[tilespmem:$0x1E800] =	vst v63  }
.LBB2_6:
0x1af: {  	[spmem:s1] =	stream.indirect.scatter.add.f32 [tilespmem:s28], [sflag:$0x4], $0x80, s21, s19, $0xb8;
	[tilespmem:$0x1E800] =	vst v63  }
0x1b0: {  	s21 =	smov.u32 s2  }
0x1b1: {  	p0 =	sne.s32 s2, $0x3800;
	s2 =	sadd.s32 $0x800, s2;
	_ =	swait.ge [sflag:s23], $0x2000  }
0x1b2: {  	[sflag:s23] =	ssyncset.done $0x0  }
0x1b3: {  	[sflag:s23] =	ssyncadd.s32 $0xFFFFE000  }
0x1b4: {  	_ =	swait.ge [sflag:s23], $0x2000  }
0x1b5: {  	[sflag:s23] =	ssyncset.done $0x0  }
0x1b6: {  	[sflag:s23] =	ssyncadd.s32 $0xFFFFE000  }
0x1b7: {  	_ =	swait.ge [sflag:s7], $0x2000  }
0x1b8: {  	[sflag:s7] =	ssyncset.done $0x0  }
0x1b9: {  	[sflag:s7] =	ssyncadd.s32 $0xFFFFE000  }
0x1ba: {  	_ =	swait.ge [sflag:s7], $0x2000  }
0x1bb: {  	s21 =	sshra.s32 s21, $0x2;
	[sflag:s7] =	ssyncset.done $0x0  }
0x1bc: {  	s24 =	sadd.s32 $0x300, s21;
	[sflag:s7] =	ssyncadd.s32 $0xFFFFE000  }
0x1bd: {  	[tilespmem:s25], [sflag:$0x2] =	stream.indirect.gather [hbm4b:s4+s19], $0x80, s24, s19, $0xb8;
	[tilespmem:$0x1E800] =	vst v63  }
0x1be: {  	s24 =	sadd.s32 $0x380, s21  }
0x1bf: {  	[tilespmem:s28], [sflag:$0x2] =	stream.indirect.gather [hbm4b:s4+s19], $0x80, s24, s19, $0xb8;
	[tilespmem:$0x1E800] =	vst v63  }
0x1c0: {  	s24 =	sadd.s32 $0x1600, s21  }
0x1c1: {  	[spmem:s1] =	stream.indirect.scatter.add.f32 [tilespmem:s20], [sflag:$0x3], $0x80, s24, s19, $0xb8;
	[tilespmem:$0x1E800] =	vst v63  }
0x1c2: {  	s24 =	sadd.s32 $0x1680, s21  }
0x1c3: {  	[spmem:s1] =	stream.indirect.scatter.add.f32 [tilespmem:s22], [sflag:$0x3], $0x80, s24, s19, $0xb8;
	[tilespmem:$0x1E800] =	vst v63  }
0x1c4: {  	_ =	swait.ge [sflag:s30], $0x2000  }
0x1c5: {  	[sflag:s30] =	ssyncset.done $0x0  }
0x1c6: {  	[sflag:s30] =	ssyncadd.s32 $0xFFFFE000  }
0x1c7: {  	_ =	swait.ge [sflag:s30], $0x2000  }
0x1c8: {  	[sflag:s30] =	ssyncset.done $0x0  }
0x1c9: {  	[sflag:s30] =	ssyncadd.s32 $0xFFFFE000  }
0x1ca: {  	_ =	swait.ge [sflag:s31], $0x2000  }
0x1cb: {  	[sflag:s31] =	ssyncset.done $0x0  }
0x1cc: {  	[sflag:s31] =	ssyncadd.s32 $0xFFFFE000  }
0x1cd: {  	_ =	swait.ge [sflag:s31], $0x2000  }
0x1ce: {  	[sflag:s31] =	ssyncset.done $0x0  }
0x1cf: {  	s24 =	sadd.s32 $0x400, s21;
	[sflag:s31] =	ssyncadd.s32 $0xFFFFE000  }
0x1d0: {  	[tilespmem:s20], [sflag:$0x1] =	stream.indirect.gather [hbm4b:s4+s19], $0x80, s24, s19, $0xb8;
	[tilespmem:$0x1E800] =	vst v63  }
.Ltmp2:
0x1d1: {  	s24 =	sadd.s32 $0x480, s21;
	(pc) =	sbr.rel @p0 .LBB2_6-.Ltmp2, $4  }
0x1d2: {  	[tilespmem:s22], [sflag:$0x1] =	stream.indirect.gather [hbm4b:s4+s19], $0x80, s24, s19, $0xb8;
	[tilespmem:$0x1E800] =	vst v63  }
0x1d3: {  	s24 =	sadd.s32 $0x1700, s21  }
0x1d4: {  	[spmem:s1] =	stream.indirect.scatter.add.f32 [tilespmem:s25], [sflag:$0x4], $0x80, s24, s19, $0xb8;
	[tilespmem:$0x1E800] =	vst v63  }
0x1d5: {  	s21 =	sadd.s32 $0x1780, s21  }
0x1d6: {  	[spmem:s1] =	stream.indirect.scatter.add.f32 [tilespmem:s28], [sflag:$0x4], $0x80, s21, s19, $0xb8;
	[tilespmem:$0x1E800] =	vst v63  }
0x1d7: {  	_ =	swait.ge [sflag:s23], $0x2000  }
0x1d8: {  	[sflag:s23] =	ssyncset.done $0x0  }
0x1d9: {  	[sflag:s23] =	ssyncadd.s32 $0xFFFFE000  }
0x1da: {  	_ =	swait.ge [sflag:s23], $0x2000  }
0x1db: {  	[sflag:s23] =	ssyncset.done $0x0  }
0x1dc: {  	[sflag:s23] =	ssyncadd.s32 $0xFFFFE000  }
0x1dd: {  	_ =	swait.ge [sflag:s7], $0x2000  }
0x1de: {  	[sflag:s7] =	ssyncset.done $0x0  }
0x1df: {  	[sflag:s7] =	ssyncadd.s32 $0xFFFFE000  }
0x1e0: {  	_ =	swait.ge [sflag:s7], $0x2000  }
0x1e1: {  	[sflag:s7] =	ssyncset.done $0x0  }
0x1e2: {  	[sflag:s7] =	ssyncadd.s32 $0xFFFFE000  }
0x1e3: {  	[tilespmem:s25], [sflag:$0x2] =	stream.indirect.gather [hbm4b:s4+s19], $0x80, s8, s19, $0xb8;
	[tilespmem:$0x1E800] =	vst v63  }
0x1e4: {  	_ = 	snop  }
0x1e5: {  	[tilespmem:s28], [sflag:$0x2] =	stream.indirect.gather [hbm4b:s4+s19], $0x80, s9, s19, $0xb8;
	[tilespmem:$0x1E800] =	vst v63  }
0x1e6: {  	_ = 	snop  }
0x1e7: {  	[spmem:s1] =	stream.indirect.scatter.add.f32 [tilespmem:s20], [sflag:$0x3], $0x80, s10, s19, $0xb8;
	[tilespmem:$0x1E800] =	vst v63  }
0x1e8: {  	_ = 	snop  }
0x1e9: {  	[spmem:s1] =	stream.indirect.scatter.add.f32 [tilespmem:s22], [sflag:$0x3], $0x80, s11, s19, $0xb8;
	[tilespmem:$0x1E800] =	vst v63  }
0x1ea: {  	_ =	swait.ge [sflag:s30], $0x2000  }
0x1eb: {  	[sflag:s30] =	ssyncset.done $0x0  }
0x1ec: {  	[sflag:s30] =	ssyncadd.s32 $0xFFFFE000  }
0x1ed: {  	_ =	swait.ge [sflag:s30], $0x2000  }
0x1ee: {  	[sflag:s30] =	ssyncset.done $0x0  }
0x1ef: {  	[sflag:s30] =	ssyncadd.s32 $0xFFFFE000  }
0x1f0: {  	[spmem:s1] =	stream.indirect.scatter.add.f32 [tilespmem:s25], [sflag:$0x4], $0x80, s12, s19, $0xb8;
	[tilespmem:$0x1E800] =	vst v63  }
0x1f1: {  	_ = 	snop  }
0x1f2: {  	[spmem:s1] =	stream.indirect.scatter.add.f32 [tilespmem:s28], [sflag:$0x4], $0x80, s13, s19, $0xb8;
	[tilespmem:$0x1E800] =	vst v63  }
0x1f3: {  	_ =	swait.ge [sflag:s31], $0x2000  }
0x1f4: {  	[sflag:s31] =	ssyncset.done $0x0  }
0x1f5: {  	[sflag:s31] =	ssyncadd.s32 $0xFFFFE000  }
0x1f6: {  	_ =	swait.ge [sflag:s7], $0x2000  }
0x1f7: {  	[sflag:s7] =	ssyncset.done $0x0  }
0x1f8: {  	[sflag:s7] =	ssyncadd.s32 $0xFFFFE000  }
0x1f9: {  	_ =	swait.ge [sflag:s31], $0x2000  }
0x1fa: {  	[sflag:s31] =	ssyncset.done $0x0  }
0x1fb: {  	[sflag:s31] =	ssyncadd.s32 $0xFFFFE000  }
0x1fc: {  	_ =	swait.ge [sflag:s7], $0x2000  }
0x1fd: {  	[sflag:s7] =	ssyncset.done $0x0  }
0x1fe: {  	s2 =	simm.s32 $0x0;
	s24 =	rddreg [dreg:$0xb];
	[sflag:s7] =	ssyncadd.s32 $0xFFFFE000  }
0x1ff: {  	[tilespmem:s2], [sflag:$0x5] =	stream.linear.gather [hbm4b:s24+s2], $0x1400, $0x38;
	[tilespmem:$0x1E800] =	vst v63  }
0x200: {  	_ =	swait.ge [sflag:s17], $0x1400  }
0x201: {  	[sflag:s17] =	ssyncset.done $0x0  }
0x202: {  	s24 =	rddreg [dreg:$0xc];
	[sflag:s17] =	ssyncadd.s32 $0xFFFFEC00  }
0x203: {  	[tilespmem:s18], [sflag:$0x5] =	stream.linear.gather [hbm4b:s24+s2], $0x1400, $0x38;
	[tilespmem:$0x1E800] =	vst v63  }
0x204: {  	_ =	swait.ge [sflag:s17], $0x1400  }
0x205: {  	[sflag:s17] =	ssyncset.done $0x0  }
0x206: {  	[sflag:s17] =	ssyncadd.s32 $0xFFFFEC00  }
0x207: {  	[tilespmem:s20], [sflag:$0x1] =	stream.indirect.gather [hbm4b:s4+s19], $0x80, s2, s19, $0xb8;
	[tilespmem:$0x1E800] =	vst v63  }
0x208: {  	s24 =	simm.s32 $0x80  }
0x209: {  	[tilespmem:s22], [sflag:$0x1] =	stream.indirect.gather [hbm4b:s4+s19], $0x80, s24, s19, $0xb8;
	[tilespmem:$0x1E800] =	vst v63  }
0x20a: {  	_ =	swait.ge [sflag:s23], $0x2000  }
0x20b: {  	[sflag:s23] =	ssyncset.done $0x0  }
0x20c: {  	[sflag:s23] =	ssyncadd.s32 $0xFFFFE000  }
0x20d: {  	_ =	swait.ge [sflag:s23], $0x2000  }
0x20e: {  	[sflag:s23] =	ssyncset.done $0x0  }
0x20f: {  	s21 =	simm.s32 $0x100;
	[sflag:s23] =	ssyncadd.s32 $0xFFFFE000  }
0x210: {  	[tilespmem:s25], [sflag:$0x2] =	stream.indirect.gather [hbm4b:s4+s19], $0x80, s21, s19, $0xb8;
	[tilespmem:$0x1E800] =	vst v63  }
0x211: {  	_ = 	snop  }
0x212: {  	[tilespmem:s28], [sflag:$0x2] =	stream.indirect.gather [hbm4b:s4+s19], $0x80, s26, s19, $0xb8;
	[tilespmem:$0x1E800] =	vst v63  }
0x213: {  	_ = 	snop  }
0x214: {  	[spmem:s1] =	stream.indirect.scatter.add.f32 [tilespmem:s20], [sflag:$0x3], $0x80, s18, s19, $0xb8;
	[tilespmem:$0x1E800] =	vst v63  }
0x215: {  	_ = 	snop  }
0x216: {  	[spmem:s1] =	stream.indirect.scatter.add.f32 [tilespmem:s22], [sflag:$0x3], $0x80, s29, s19, $0xb8;
	[tilespmem:$0x1E800] =	vst v63  }
0x217: {  	_ =	swait.ge [sflag:s30], $0x2000  }
0x218: {  	[sflag:s30] =	ssyncset.done $0x0  }
0x219: {  	[sflag:s30] =	ssyncadd.s32 $0xFFFFE000  }
0x21a: {  	_ =	swait.ge [sflag:s30], $0x2000  }
0x21b: {  	[sflag:s30] =	ssyncset.done $0x0  }
0x21c: {  	[sflag:s30] =	ssyncadd.s32 $0xFFFFE000  }
0x21d: {  	_ =	swait.ge [sflag:s31], $0x2000  }
0x21e: {  	[sflag:s31] =	ssyncset.done $0x0  }
0x21f: {  	[sflag:s31] =	ssyncadd.s32 $0xFFFFE000  }
0x220: {  	_ =	swait.ge [sflag:s31], $0x2000  }
0x221: {  	[sflag:s31] =	ssyncset.done $0x0  }
0x222: {  	[sflag:s31] =	ssyncadd.s32 $0xFFFFE000  }
0x223: {  	[tilespmem:s20], [sflag:$0x1] =	stream.indirect.gather [hbm4b:s4+s19], $0x80, s0, s19, $0xb8;
	[tilespmem:$0x1E800] =	vst v63  }
0x224: {  	_ = 	snop  }
0x225: {  	[tilespmem:s22], [sflag:$0x1] =	stream.indirect.gather [hbm4b:s4+s19], $0x80, s3, s19, $0xb8;
	[tilespmem:$0x1E800] =	vst v63  }
0x226: {  	_ = 	snop  }
0x227: {  	[spmem:s1] =	stream.indirect.scatter.add.f32 [tilespmem:s25], [sflag:$0x4], $0x80, s5, s19, $0xb8;
	[tilespmem:$0x1E800] =	vst v63  }
0x228: {  	_ = 	snop  }
0x229: {  	[spmem:s1] =	stream.indirect.scatter.add.f32 [tilespmem:s28], [sflag:$0x4], $0x80, s6, s19, $0xb8;
	[tilespmem:$0x1E800] =	vst v63  }
0x22a: {  	_ =	swait.ge [sflag:s23], $0x2000  }
0x22b: {  	[sflag:s23] =	ssyncset.done $0x0  }
0x22c: {  	[sflag:s23] =	ssyncadd.s32 $0xFFFFE000  }
0x22d: {  	_ =	swait.ge [sflag:s23], $0x2000  }
0x22e: {  	[sflag:s23] =	ssyncset.done $0x0  }
0x22f: {  	[sflag:s23] =	ssyncadd.s32 $0xFFFFE000  }
0x230: {  	_ =	swait.ge [sflag:s7], $0x2000  }
0x231: {  	[sflag:s7] =	ssyncset.done $0x0  }
0x232: {  	[sflag:s7] =	ssyncadd.s32 $0xFFFFE000  }
0x233: {  	_ =	swait.ge [sflag:s7], $0x2000  }
0x234: {  	[sflag:s7] =	ssyncset.done $0x0  }
0x235: {  	s24 =	simm.s32 $0x300;
	[sflag:s7] =	ssyncadd.s32 $0xFFFFE000  }
0x236: {  	[tilespmem:s25], [sflag:$0x2] =	stream.indirect.gather [hbm4b:s4+s19], $0x80, s24, s19, $0xb8;
	[tilespmem:$0x1E800] =	vst v63  }
0x237: {  	s21 =	simm.s32 $0x380  }
0x238: {  	[tilespmem:s28], [sflag:$0x2] =	stream.indirect.gather [hbm4b:s4+s19], $0x80, s21, s19, $0xb8;
	[tilespmem:$0x1E800] =	vst v63  }
0x239: {  	s24 =	simm.s32 $0x1600  }
0x23a: {  	[spmem:s1] =	stream.indirect.scatter.add.f32 [tilespmem:s20], [sflag:$0x3], $0x80, s24, s19, $0xb8;
	[tilespmem:$0x1E800] =	vst v63  }
0x23b: {  	s21 =	simm.s32 $0x1680  }
0x23c: {  	[spmem:s1] =	stream.indirect.scatter.add.f32 [tilespmem:s22], [sflag:$0x3], $0x80, s21, s19, $0xb8;
	[tilespmem:$0x1E800] =	vst v63  }
0x23d: {  	_ =	swait.ge [sflag:s30], $0x2000  }
0x23e: {  	[sflag:s30] =	ssyncset.done $0x0  }
0x23f: {  	[sflag:s30] =	ssyncadd.s32 $0xFFFFE000  }
0x240: {  	_ =	swait.ge [sflag:s30], $0x2000  }
0x241: {  	[sflag:s30] =	ssyncset.done $0x0  }
0x242: {  	[sflag:s30] =	ssyncadd.s32 $0xFFFFE000  }
0x243: {  	_ =	swait.ge [sflag:s31], $0x2000  }
0x244: {  	[sflag:s31] =	ssyncset.done $0x0  }
0x245: {  	[sflag:s31] =	ssyncadd.s32 $0xFFFFE000  }
0x246: {  	_ =	swait.ge [sflag:s31], $0x2000  }
0x247: {  	[sflag:s31] =	ssyncset.done $0x0  }
0x248: {  	s24 =	simm.s32 $0x400;
	[sflag:s31] =	ssyncadd.s32 $0xFFFFE000  }
0x249: {  	[tilespmem:s20], [sflag:$0x1] =	stream.indirect.gather [hbm4b:s4+s19], $0x80, s24, s19, $0xb8;
	[tilespmem:$0x1E800] =	vst v63  }
0x24a: {  	s21 =	simm.s32 $0x480  }
0x24b: {  	[tilespmem:s22], [sflag:$0x1] =	stream.indirect.gather [hbm4b:s4+s19], $0x80, s21, s19, $0xb8;
	[tilespmem:$0x1E800] =	vst v63  }
0x24c: {  	s2 =	simm.s32 $0x800;
	s24 =	simm.s32 $0x1700;
	s21 =	simm.s32 $0x1780  }
0x24d: {  	[spmem:s1] =	stream.indirect.scatter.add.f32 [tilespmem:s25], [sflag:$0x4], $0x80, s24, s19, $0xb8;
	[tilespmem:$0x1E800] =	vst v63  }
.LBB2_8:
0x24e: {  	[spmem:s1] =	stream.indirect.scatter.add.f32 [tilespmem:s28], [sflag:$0x4], $0x80, s21, s19, $0xb8;
	[tilespmem:$0x1E800] =	vst v63  }
0x24f: {  	s21 =	smov.u32 s2  }
0x250: {  	p0 =	sne.s32 s2, $0x3800;
	s2 =	sadd.s32 $0x800, s2;
	_ =	swait.ge [sflag:s23], $0x2000  }
0x251: {  	[sflag:s23] =	ssyncset.done $0x0  }
0x252: {  	[sflag:s23] =	ssyncadd.s32 $0xFFFFE000  }
0x253: {  	_ =	swait.ge [sflag:s23], $0x2000  }
0x254: {  	[sflag:s23] =	ssyncset.done $0x0  }
0x255: {  	[sflag:s23] =	ssyncadd.s32 $0xFFFFE000  }
0x256: {  	_ =	swait.ge [sflag:s7], $0x2000  }
0x257: {  	[sflag:s7] =	ssyncset.done $0x0  }
0x258: {  	[sflag:s7] =	ssyncadd.s32 $0xFFFFE000  }
0x259: {  	_ =	swait.ge [sflag:s7], $0x2000  }
0x25a: {  	s21 =	sshra.s32 s21, $0x2;
	[sflag:s7] =	ssyncset.done $0x0  }
0x25b: {  	s24 =	sadd.s32 $0x300, s21;
	[sflag:s7] =	ssyncadd.s32 $0xFFFFE000  }
0x25c: {  	[tilespmem:s25], [sflag:$0x2] =	stream.indirect.gather [hbm4b:s4+s19], $0x80, s24, s19, $0xb8;
	[tilespmem:$0x1E800] =	vst v63  }
0x25d: {  	s24 =	sadd.s32 $0x380, s21  }
0x25e: {  	[tilespmem:s28], [sflag:$0x2] =	stream.indirect.gather [hbm4b:s4+s19], $0x80, s24, s19, $0xb8;
	[tilespmem:$0x1E800] =	vst v63  }
0x25f: {  	s24 =	sadd.s32 $0x1600, s21  }
0x260: {  	[spmem:s1] =	stream.indirect.scatter.add.f32 [tilespmem:s20], [sflag:$0x3], $0x80, s24, s19, $0xb8;
	[tilespmem:$0x1E800] =	vst v63  }
0x261: {  	s24 =	sadd.s32 $0x1680, s21  }
0x262: {  	[spmem:s1] =	stream.indirect.scatter.add.f32 [tilespmem:s22], [sflag:$0x3], $0x80, s24, s19, $0xb8;
	[tilespmem:$0x1E800] =	vst v63  }
0x263: {  	_ =	swait.ge [sflag:s30], $0x2000  }
0x264: {  	[sflag:s30] =	ssyncset.done $0x0  }
0x265: {  	[sflag:s30] =	ssyncadd.s32 $0xFFFFE000  }
0x266: {  	_ =	swait.ge [sflag:s30], $0x2000  }
0x267: {  	[sflag:s30] =	ssyncset.done $0x0  }
0x268: {  	[sflag:s30] =	ssyncadd.s32 $0xFFFFE000  }
0x269: {  	_ =	swait.ge [sflag:s31], $0x2000  }
0x26a: {  	[sflag:s31] =	ssyncset.done $0x0  }
0x26b: {  	[sflag:s31] =	ssyncadd.s32 $0xFFFFE000  }
0x26c: {  	_ =	swait.ge [sflag:s31], $0x2000  }
0x26d: {  	[sflag:s31] =	ssyncset.done $0x0  }
0x26e: {  	s24 =	sadd.s32 $0x400, s21;
	[sflag:s31] =	ssyncadd.s32 $0xFFFFE000  }
0x26f: {  	[tilespmem:s20], [sflag:$0x1] =	stream.indirect.gather [hbm4b:s4+s19], $0x80, s24, s19, $0xb8;
	[tilespmem:$0x1E800] =	vst v63  }
.Ltmp3:
0x270: {  	s24 =	sadd.s32 $0x480, s21;
	(pc) =	sbr.rel @p0 .LBB2_8-.Ltmp3, $4  }
0x271: {  	[tilespmem:s22], [sflag:$0x1] =	stream.indirect.gather [hbm4b:s4+s19], $0x80, s24, s19, $0xb8;
	[tilespmem:$0x1E800] =	vst v63  }
0x272: {  	s24 =	sadd.s32 $0x1700, s21  }
0x273: {  	[spmem:s1] =	stream.indirect.scatter.add.f32 [tilespmem:s25], [sflag:$0x4], $0x80, s24, s19, $0xb8;
	[tilespmem:$0x1E800] =	vst v63  }
0x274: {  	s21 =	sadd.s32 $0x1780, s21  }
0x275: {  	[spmem:s1] =	stream.indirect.scatter.add.f32 [tilespmem:s28], [sflag:$0x4], $0x80, s21, s19, $0xb8;
	[tilespmem:$0x1E800] =	vst v63  }
0x276: {  	_ =	swait.ge [sflag:s23], $0x2000  }
0x277: {  	[sflag:s23] =	ssyncset.done $0x0  }
0x278: {  	[sflag:s23] =	ssyncadd.s32 $0xFFFFE000  }
0x279: {  	_ =	swait.ge [sflag:s23], $0x2000  }
0x27a: {  	[sflag:s23] =	ssyncset.done $0x0  }
0x27b: {  	[sflag:s23] =	ssyncadd.s32 $0xFFFFE000  }
0x27c: {  	_ =	swait.ge [sflag:s7], $0x2000  }
0x27d: {  	[sflag:s7] =	ssyncset.done $0x0  }
0x27e: {  	[sflag:s7] =	ssyncadd.s32 $0xFFFFE000  }
0x27f: {  	_ =	swait.ge [sflag:s7], $0x2000  }
0x280: {  	[sflag:s7] =	ssyncset.done $0x0  }
0x281: {  	[sflag:s7] =	ssyncadd.s32 $0xFFFFE000  }
0x282: {  	[tilespmem:s25], [sflag:$0x2] =	stream.indirect.gather [hbm4b:s4+s19], $0x80, s8, s19, $0xb8;
	[tilespmem:$0x1E800] =	vst v63  }
0x283: {  	_ = 	snop  }
0x284: {  	[tilespmem:s28], [sflag:$0x2] =	stream.indirect.gather [hbm4b:s4+s19], $0x80, s9, s19, $0xb8;
	[tilespmem:$0x1E800] =	vst v63  }
0x285: {  	_ = 	snop  }
0x286: {  	[spmem:s1] =	stream.indirect.scatter.add.f32 [tilespmem:s20], [sflag:$0x3], $0x80, s10, s19, $0xb8;
	[tilespmem:$0x1E800] =	vst v63  }
0x287: {  	_ = 	snop  }
0x288: {  	[spmem:s1] =	stream.indirect.scatter.add.f32 [tilespmem:s22], [sflag:$0x3], $0x80, s11, s19, $0xb8;
	[tilespmem:$0x1E800] =	vst v63  }
0x289: {  	_ =	swait.ge [sflag:s30], $0x2000  }
0x28a: {  	[sflag:s30] =	ssyncset.done $0x0  }
0x28b: {  	[sflag:s30] =	ssyncadd.s32 $0xFFFFE000  }
0x28c: {  	_ =	swait.ge [sflag:s30], $0x2000  }
0x28d: {  	[sflag:s30] =	ssyncset.done $0x0  }
0x28e: {  	[sflag:s30] =	ssyncadd.s32 $0xFFFFE000  }
0x28f: {  	[spmem:s1] =	stream.indirect.scatter.add.f32 [tilespmem:s25], [sflag:$0x4], $0x80, s12, s19, $0xb8;
	[tilespmem:$0x1E800] =	vst v63  }
0x290: {  	_ = 	snop  }
0x291: {  	[spmem:s1] =	stream.indirect.scatter.add.f32 [tilespmem:s28], [sflag:$0x4], $0x80, s13, s19, $0xb8;
	[tilespmem:$0x1E800] =	vst v63  }
0x292: {  	_ =	swait.ge [sflag:s31], $0x2000  }
0x293: {  	[sflag:s31] =	ssyncset.done $0x0  }
0x294: {  	[sflag:s31] =	ssyncadd.s32 $0xFFFFE000  }
0x295: {  	_ =	swait.ge [sflag:s7], $0x2000  }
0x296: {  	[sflag:s7] =	ssyncset.done $0x0  }
0x297: {  	[sflag:s7] =	ssyncadd.s32 $0xFFFFE000  }
0x298: {  	_ =	swait.ge [sflag:s31], $0x2000  }
0x299: {  	[sflag:s31] =	ssyncset.done $0x0  }
0x29a: {  	[sflag:s31] =	ssyncadd.s32 $0xFFFFE000  }
0x29b: {  	_ =	swait.ge [sflag:s7], $0x2000  }
0x29c: {  	[sflag:s7] =	ssyncset.done $0x0  }
0x29d: {  	[sflag:s7] =	ssyncadd.s32 $0xFFFFE000  }
0x29e: {  	[bflag:$0x0] =	sbarrier.arrive $0xFFFF  }
0x29f: {  	s2 =	rddreg [dreg:$0xd]  }
0x2a0: {  	[hbm:s2], [sflag:s15] =	dma.local [spmem:s16], $0x2800  }
0x2a1: {  	_ =	swait.ge [sflag:s17], $0x2800  }
0x2a2: {  	s14 =	sadd.s32 $0x1, s14;
	s24 =	rddreg [dreg:$0xe]  }
0x2a3: {  	p0 =	sne.s32 s14, s24  }
.Ltmp4:
0x2a4: {  	_ = 	snop;
	(pc) =	sbr.rel @p0 .LBB2_1-.Ltmp4, $3  }
0x2a5: {  	_ =	sdelay $0x1  }
0x2a6: {  	[sflag:s17] =	ssyncset.done $0x0  }
0x2a7: {  	[sflag:s17] =	ssyncadd.s32 $0xFFFFD800  }
0x2a8: {  	_ =	sfence.sel $0x180000  }
0x2a9: {  	[bflag:$0x0] =	sbarrier.arrive $0xFFFF  }
0x2aa: {  	_ =	strace $0x9000004D  }
0x2ab: {  	s0 =	stileid.u32;
	[bflag:$0x2] =	sbarrier.arrive $0xFFFF  }
0x2ac: {  	p0 =	sne.s32 s0, $0x0;
	s0 =	rddreg [dreg:$0x2]  }
0x2ad: {  	s0 =	sadd.s32 @!p0 $0x100000, s0  }
0x2ae: {  	[sflag:s0] =	ssyncadd.tile.s32 @!p0 $0x1;
	_ =	shalt  }
.Lfunc_end2:
_tile_overlayer_lowered:
.L_overlay_start_2:
0x2af: {  	(tag) =	ssettag $0x2  }
0x2b0: {  	s0 =	rddreg [dreg:$0x0];
	s2 =	stileid.u32  }
0x2b1: {  	s1 =	rddreg [dreg:$0x1];
	p0 =	sne.s32 s2, $0x0  }
0x2b2: {  	s3 =	rddreg [dreg:$0x2];
	[bflag:$0x3] =	sbarrier.arrive $0xFFFF;
	s2 =	simm.s32 @!p0 $0x1C05  }
0x2b3: {  	[timem:s3], [sflag:s2] =	dma.local @!p0 [hbm:s0], s1  }
0x2b4: {  	s0 =	simm.s32 @!p0 $0x5  }
0x2b5: {  	_ =	swait.ge @!p0 [sflag:s0], s1  }
0x2b6: {  	s1 =	ssub.s32 @!p0 $0x0, s1;
	[sflag:s0] =	ssyncset.done @!p0 $0x0  }
0x2b7: {  	[sflag:s0] =	ssyncadd.s32 @!p0 s1  }
0x2b8: {  	[bflag:$0x3] =	sbarrier.arrive $0xFFFF  }
0x2b9: {  	_ =	shalt  }

// kernel: kernel.8.cloned.1.call-start
scs
__scs_entry_jumppad:
0x0: {  	(pc) =	sbr.rel $0x88, $3  }
0x1: {  	(tag) =	ssettag $0x0;
	lr =	simm.s32 $0x1  }
0x2: {  	[smem:$0x3F91] =	sst lr;
	_ =	strace $0xD0000000  }
0x3: {  	_ = 	snop  }
0x4: {  	_ = 	snop  }
0x5: {  	_ = 	snop  }
0x6: {  	_ = 	snop  }
0x7: {  	_ = 	snop  }
__scs_overlays_trampoline_lowered:
0x8: {  	[smem:$0x3FA0] =	sst s0  }
0x9: {  	[smem:$0x3FA1] =	sst s1  }
0xa: {  	[smem:$0x3FA2] =	sst s2  }
0xb: {  	[smem:$0x3FA3] =	sst s3  }
0xc: {  	[smem:$0x3FA4] =	sst s4  }
0xd: {  	[smem:$0x3FA5] =	sst s5  }
0xe: {  	[smem:$0x3FA6] =	sst s6  }
0xf: {  	[smem:$0x3FA7] =	sst s7  }
0x10: {  	[smem:$0x3FA8] =	sst s8  }
0x11: {  	[smem:$0x3FA9] =	sst s9;
	s0 =	simm.s32 @!p0 $0x0  }
0x12: {  	s1 =	sld [smem:$0x3F8F];
	s0 =	simm.s32 @p0 $0x1  }
0x13: {  	[smem:$0x3FAA] =	sst s0;
	s0 =	simm.s32 @!p1 $0x0  }
0x14: {  	s2 =	sld [smem:$0x3F8E];
	s0 =	simm.s32 @p1 $0x1  }
0x15: {  	[smem:$0x3FAB] =	sst s0;
	s0 =	simm.s32 @!p2 $0x0  }
0x16: {  	s3 =	sld [smem:$0x3FDB];
	s0 =	simm.s32 @p2 $0x1  }
0x17: {  	s4 =	simm.s32 $0x1BF5;
	[smem:$0x3FAD] =	sst s0  }
0x18: {  	s0 =	sld [smem:$0x3F90];
	_ =	swait.ge [sflag:s4], $0x0  }
0x19: {  	s7 =	sld [smem:$0x3F91]  }
0x1a: {  	s8 =	sadd.s32 $0xFFFFE003, lr  }
0x1b: {  	s9 =	sadd.s32 $0xFFFFFEF7, lr;
	s5 =	simm.s32 $0xFFFFFFFF;
	p2 =	slt.u32 s8, $0xFFFFF086  }
0x1c: {  	p1 =	slt.u32 s9, $0xF7A;
	s5 =	simm.s32 @!p2 $0x0  }
0x1d: {  	s5 =	simm.s32 @p1 $0x1;
	p0 =	seq.s32 s7, s2  }
0x1e: {  	s7 =	smul.u32 @!p0 $0xF7A, s2;
	p2 =	seq.s32 @!p0 s5, $0x0  }
0x1f: {  	s9 =	smul.u32 $0xF7A, s1;
	s8 =	simm.s32 @!p0 $0x1BF5;
	p2 =	por !p2, p0  }
0x20: {  	[sflag:s8] =	ssyncset.s32 @!p0 $0xFFFFF086;
	s6 =	sadd.s32 @!p0 s3, s7;
	s7 =	simm.s32 @!p0 $0x108  }
0x21: {  	s3 =	sadd.s32 s3, s9;
	s6 =	sadd.s32 @!p0 $0x88, s6;
	s7 =	simm.s32 @p2 $0x1082  }
0x22: {  	[simem:s7], [sflag:s8] =	dma.local @!p0 [hbm:s6], $0xF7A  }
0x23: {  	s9 =	sor.u32 $0xD0000000, s2;
	s6 =	simm.s32 $0x108;
	_ =	swait.ge @!p0 [sflag:s8], $0x0  }
0x24: {  	s3 =	sadd.s32 $0x88, s3;
	s6 =	simm.s32 @!p1 $0x1082;
	[sflag:s4] =	ssyncset.s32 $0xFFFFF086  }
0x25: {  	[simem:s6], [sflag:s4] =	dma.local [hbm:s3], $0xF7A  }
0x26: {  	[smem:$0x3F91] =	sst s1;
	(tag) =	ssettag s2;
	_ =	strace s9  }
0x27: {  	s1 =	sld [smem:$0x3FA1]  }
0x28: {  	s2 =	sld [smem:$0x3FA2]  }
0x29: {  	s4 =	sld [smem:$0x3FA4]  }
0x2a: {  	p0 =	seq.s32 s5, $0x0;
	s5 =	sld [smem:$0x3FA5]  }
0x2b: {  	s6 =	sld [smem:$0x3FA6]  }
0x2c: {  	s7 =	sld [smem:$0x3FA7]  }
0x2d: {  	s3 =	simm.s32 $0x108;
	s8 =	sld [smem:$0x3FA8]  }
0x2e: {  	s3 =	simm.s32 @!p0 $0x1082;
	s9 =	sld [smem:$0x3FA9]  }
0x2f: {  	lr =	sadd.s32 s0, s3;
	s0 =	sld [smem:$0x3FA0]  }
0x30: {  	s3 =	sld [smem:$0x3FA3]  }
0x31: {  	[smem:$0x3FAC] =	sst s10  }
0x32: {  	s10 =	sld [smem:$0x3FAA];
	_ =	sdelay $0x3  }
0x33: {  	p0 =	seq.s32 s10, $0x1;
	s10 =	sld [smem:$0x3FAC];
	_ =	sdelay $0x3  }
0x34: {  	[smem:$0x3FAC] =	sst s10  }
0x35: {  	s10 =	sld [smem:$0x3FAB];
	_ =	sdelay $0x3  }
0x36: {  	p1 =	seq.s32 s10, $0x1;
	s10 =	sld [smem:$0x3FAC];
	_ =	sdelay $0x3  }
0x37: {  	[smem:$0x3FAC] =	sst s10  }
0x38: {  	s10 =	sld [smem:$0x3FAD]  }
0x39: {  	_ = 	snop;
	(pc) =	sbr.ind lr, $3  }
0x3a: {  	_ = 	snop  }
0x3b: {  	_ = 	snop  }
0x3c: {  	p2 =	seq.s32 s10, $0x1;
	s10 =	sld [smem:$0x3FAC]  }
0x3d: {  	_ =	shalt  }
0x3e: {  	_ =	shalt  }
0x3f: {  	_ =	shalt  }
0x40: {  	_ =	shalt  }
0x41: {  	_ =	shalt  }
0x42: {  	_ =	shalt  }
0x43: {  	_ =	shalt  }
0x44: {  	_ =	shalt  }
0x45: {  	_ =	shalt  }
0x46: {  	_ =	shalt  }
0x47: {  	_ =	shalt  }
0x48: {  	_ =	shalt  }
0x49: {  	_ =	shalt  }
0x4a: {  	_ =	shalt  }
0x4b: {  	_ =	shalt  }
0x4c: {  	_ =	shalt  }
0x4d: {  	_ =	shalt  }
0x4e: {  	_ =	shalt  }
0x4f: {  	_ =	shalt  }
0x50: {  	_ =	shalt  }
0x51: {  	_ =	shalt  }
0x52: {  	_ =	shalt  }
0x53: {  	_ =	shalt  }
0x54: {  	_ =	shalt  }
0x55: {  	_ =	shalt  }
0x56: {  	_ =	shalt  }
0x57: {  	_ =	shalt  }
0x58: {  	_ =	shalt  }
0x59: {  	_ =	shalt  }
0x5a: {  	_ =	shalt  }
0x5b: {  	_ =	shalt  }
0x5c: {  	_ =	shalt  }
0x5d: {  	_ =	shalt  }
0x5e: {  	_ =	shalt  }
0x5f: {  	_ =	shalt  }
0x60: {  	_ =	shalt  }
0x61: {  	_ =	shalt  }
0x62: {  	_ =	shalt  }
0x63: {  	_ =	shalt  }
0x64: {  	_ =	shalt  }
0x65: {  	_ =	shalt  }
0x66: {  	_ =	shalt  }
0x67: {  	_ =	shalt  }
0x68: {  	_ =	shalt  }
0x69: {  	_ =	shalt  }
0x6a: {  	_ =	shalt  }
0x6b: {  	_ =	shalt  }
0x6c: {  	_ =	shalt  }
0x6d: {  	_ =	shalt  }
0x6e: {  	_ =	shalt  }
0x6f: {  	_ =	shalt  }
0x70: {  	_ =	shalt  }
0x71: {  	_ =	shalt  }
0x72: {  	_ =	shalt  }
0x73: {  	_ =	shalt  }
0x74: {  	_ =	shalt  }
0x75: {  	_ =	shalt  }
0x76: {  	_ =	shalt  }
0x77: {  	_ =	shalt  }
0x78: {  	_ =	shalt  }
0x79: {  	_ =	shalt  }
0x7a: {  	_ =	shalt  }
0x7b: {  	_ =	shalt  }
0x7c: {  	_ =	shalt  }
0x7d: {  	_ =	shalt  }
0x7e: {  	_ =	shalt  }
0x7f: {  	_ =	shalt  }
0x80: {  	_ =	shalt  }
0x81: {  	_ =	shalt  }
0x82: {  	_ =	shalt  }
0x83: {  	_ =	shalt  }
0x84: {  	_ =	shalt  }
0x85: {  	_ =	shalt  }
0x86: {  	_ =	shalt  }
0x87: {  	_ =	shalt  }
.Lfunc_end0:
.L_simem_size_0:
called_computation_lowered:
.L_overlay_start_0:
0x88: {  	s2 =	sld [smem:$0x3FD9]  }
0x89: {  	s3 =	sld [smem:$0x3FFE];
	_ =	sdelay $0x1  }
0x8a: {  	s1 =	srdreg.scid  }
0x8b: {  	s0 =	sand.u32 $0x1, s1  }
0x8c: {  	s17 =	sshll.u32 s0, $0xA;
	s2 =	sadd.s32 s3, s2  }
0x8d: {  	s2 =	sadd.s32 s2, s17  }
0x8e: {  	[smem:$0x3FB8] =	sst s2  }
0x8f: {  	_ = 	snop  }
0x90: {  	s2 =	sld [smem:$0x3FD0];
	(tm) =	ssettm $0x1  }
0x91: {  	s18 =	sld [smem:$0x3FFB];
	_ =	sdelay $0x3  }
0x92: {  	_ =	strace s18  }
0x93: {  	s3 =	sld [smem:$0x3FFC];
	_ =	sdelay $0x3  }
0x94: {  	_ =	strace s3  }
0x95: {  	s3 =	sld [smem:$0x3FFD];
	_ =	sdelay $0x3  }
0x96: {  	_ =	strace s3  }
0x97: {  	_ =	strace $0x8FFFFFFF  }
0x98: {  	s19 =	sld [smem:$0x3FDB];
	_ =	sdelay $0x1  }
0x99: {  	s4 =	simm.s32 $_scs_section_size  }
0x9a: {  	s5 =	simm.s32 $_size__tile_overlayer_lowered;
	s6 =	simm.s32 $_tile_overlayer_lowered  }
0x9b: {  	s22 =	simm.s32 $0x1BFF;
	s21 =	sshll.u32 s6, $0x1;
	s3 =	sadd.s32 s4, s19  }
0x9c: {  	s7 =	simm.s32 $0x0;
	s20 =	sshll.u32 s5, $0x1;
	s5 =	sadd.s32 s21, s3  }
0x9d: {  	[timem:s7], [sflag:s22] =	dma.local [hbm:s5], s20  }
0x9e: {  	_ =	swait.ge [sflag:s22], s20  }
0x9f: {  	s4 =	ssub.s32 $0x0, s20;
	[sflag:s22] =	ssyncset.done $0x0  }
0xa0: {  	[sflag:s22] =	ssyncadd.s32 s4;
	_ =	sdelay $0x1  }
0xa1: {  	s23 =	simm.s32 $0x1B8B  }
0xa2: {  	_ =	swait.ge [sflag:s23], $0x1  }
0xa3: {  	[sflag:s23] =	ssyncset.done $0x0  }
0xa4: {  	s25 =	simm.s32 $0x1B8E;
	s24 =	sld [smem:$0x3FFE];
	[sflag:s23] =	ssyncadd.s32 $0xFFFFFFFF  }
0xa5: {  	s26 =	simm.s32 $execute0_lowered;
	[smem:$0x3FD2] =	sst s25  }
0xa6: {  	s5 =	sshll.u32 s26, $0x1;
	_ =	strace $0x80000046;
	[dreg:$0x1] =	wrdreg $0xFFFFFFFF  }
0xa7: {  	s28 =	simm.s32 $_size_execute0_lowered;
	s3 =	sadd.s32 s3, s5;
	[dreg:$0x0] =	wrdreg $0x0  }
0xa8: {  	s5 =	sshll.u32 s28, $0x1;
	[dreg:$0x2] =	wrdreg s3  }
0xa9: {  	[dreg:$0x3] =	wrdreg s5  }
0xaa: {  	[dreg:$0x4] =	wrdreg $0xC0  }
0xab: {  	_ =	task [dreg:s7], $0x5FFFF  }
0xac: {  	[dreg:$0x1] =	wrdreg $0xFFFFFFFF  }
0xad: {  	[dreg:$0x0] =	wrdreg $0x60  }
0xae: {  	[dreg:$0x2] =	wrdreg s24  }
0xaf: {  	[dreg:$0x3] =	wrdreg s2  }
0xb0: {  	[dreg:$0x4] =	wrdreg $0x28800  }
0xb1: {  	[dreg:$0x5] =	wrdreg $0x9  }
0xb2: {  	_ =	task.clear_ibuf [dreg:s7], $0x6FFFF;
	_ =	strace $0x90000046  }
0xb3: {  	s29 =	simm.s32 $0x9;
	_ =	strace $0x80000048  }
0xb4: {  	_ =	swait.ge [sflag:s29], $0x1  }
0xb5: {  	[sflag:s29] =	ssyncadd.s32 $0xFFFFFFFF  }
0xb6: {  	_ =	strace $0x90000048  }
0xb7: {  	_ =	sfence  }
0xb8: {  	s30 =	sld [smem:$0x0];
	_ =	sdelay $0x2  }
0xb9: {  	s31 =	sshll.u32 s1, $0xD;
	s1 =	sshrl.u32 s1, $0x2  }
0xba: {  	s3 =	sand.u32 $0x4000, s31;
	s1 =	sadd.s32 s1, s30  }
0xbb: {  	s0 =	sor.u32 s3, s0;
	s1 =	sshll.u32 s1, $0x11  }
0xbc: {  	s0 =	sor.u32 s1, s0  }
0xbd: {  	s0 =	sadd.s32 $0x8F2B, s0  }
0xbe: {  	[sflag:s0] =	ssyncadd.remote.s32 $0x1  }
0xbf: {  	_ =	sfence.sel $0xFFFF  }
0xc0: {  	[dreg:$0x0] =	wrdreg $0xFFFFFFFF;
	(pc) =	sbr.abs _section_cstart, $3  }
0xc1: {  	[dreg:$0x1] =	wrdreg $0xFFFFFFFF  }
0xc2: {  	_ =	task.clear_ibuf [dreg:s7], $0x2FFFF;
	_ =	strace $0x9FFFFFFF  }
0xc3: {  	(tm) =	ssettm $0x7FFFFFFF  }
tec
execute0_lowered:
.L_overlay_start_1:
0x0: {  	(tag) =	ssettag $0x1  }
0x1: {  	s6 =	rddreg [dreg:$0x0]  }
0x2: {  	s0 =	srdreg.scid;
	s2 =	rddreg [dreg:$0x1]  }
0x3: {  	s3 =	rddreg [dreg:$0x2];
	s4 =	simm.s32 $0x0;
	s13 =	simm.s32 $0x80  }
0x4: {  	s14 =	simm.s32 $0x1;
	s15 =	simm.s32 $0x20;
	s16 =	simm.s32 $0x10  }
0x5: {  	s17 =	simm.s32 $0x0;
	s7 =	sand.u32 $0x1, s0;
	s0 =	stileid.u32  }
0x6: {  	[smem:$0x7FF] =	sst s4;
	s1 =	sshll.u32 s7, $0x4;
	s8 =	smul.u32 $0x500, s0  }
0x7: {  	s9 =	sshll.u32 s7, $0x7;
	s29 =	smul.u32 $0xA00, s0;
	s7 =	ssub.s32 $0x2, s7  }
0x8: {  	s31 =	sshll.u32 s0, $0x6;
	s5 =	sor.u32 s0, s1;
	s1 =	rddreg [dreg:$0x3]  }
0x9: {  	_ =	strace $0x80000047;
	s30 =	sshrl.u32 s7, $0x1;
	s5 =	smul.u32 $0x500, s5  }
0xa: {  	s8 =	sor.u32 s9, s8;
	s9 =	sshrl.u32 s29, $0x2;
	s11 =	ssub.s32 s7, s30  }
0xb: {  	s8 =	sshrl.u32 s8, $0x3;
	s12 =	sadd.s32 s9, s3;
	s9 =	smax.u32 s11, $0x1  }
0xc: {  	s11 =	simm.s32 $0x2;
	s10 =	sadd.s32 s5, s6;
	s5 =	sadd.s32 $0xDC00, s6  }
0xd: {  	s8 =	sadd.s32 s8, s6;
	s6 =	sor.u32 $0x1C02, s31;
	s7 =	sadd.s32 $0x3C00, s10  }
0xe: {  	s8 =	sadd.s32 $0xDE00, s8;
	s10 =	sshrl.u32 s12, $0x3;
	s12 =	simm.s32 $0x2800  }
.LBB2_1:
0xf: {  	[spmem:s10], [sflag:s6] =	dma.local [hbm:s2], $0x50  }
0x10: {  	_ =	swait.ge [sflag:s11], $0x50  }
0x11: {  	[sflag:s11] =	ssyncset.done $0x0  }
0x12: {  	[sflag:s11] =	ssyncadd.s32 $0xFFFFFFB0  }
0x13: {  	[tilespmem:s12], [sflag:$0x2] =	stream.linear.gather [hbm4b:s5+s4], $0x80, $0x38;
	[tilespmem:$0x2B00] =	vst v63  }
0x14: {  	_ =	swait.ge [sflag:s11], $0x80  }
0x15: {  	[sflag:s11] =	ssyncset.done $0x0  }
0x16: {  	[sflag:s11] =	ssyncadd.s32 $0xFFFFFF80  }
0x17: {  	[tilespmem:s4], [sflag:$0x2] =	stream.linear.gather [hbm4b:s7+s4], $0x2800, $0x38;
	[tilespmem:$0x2B00] =	vst v63  }
0x18: {  	_ =	swait.ge [sflag:s11], $0x2800  }
0x19: {  	[sflag:s11] =	ssyncset.done $0x0  }
0x1a: {  	[sflag:s11] =	ssyncadd.s32 $0xFFFFD800  }
0x1b: {  	s18 =	simm.s32 $0x0;
	[bflag:$0x0] =	sbarrier.arrive $0xFFFF  }
0x1c: {  	[spmem:s3] =	stream.indirect.scatter.add.f32 [tilespmem:s12], [sflag:$0x1], $0x1, s18, s13, $0xb8;
	[tilespmem:$0x2B00] =	vst v63  }
0x1d: {  	s24 =	simm.s32 $0x80  }
0x1e: {  	[spmem:s3] =	stream.indirect.scatter.add.f32 [tilespmem:s12], [sflag:$0x1], $0x1, s24, s13, $0xb8;
	[tilespmem:$0x2B00] =	vst v63  }
0x1f: {  	s25 =	simm.s32 $0x100  }
0x20: {  	[spmem:s3] =	stream.indirect.scatter.add.f32 [tilespmem:s12], [sflag:$0x1], $0x1, s25, s13, $0xb8;
	[tilespmem:$0x2B00] =	vst v63  }
0x21: {  	s26 =	simm.s32 $0x180  }
0x22: {  	[spmem:s3] =	stream.indirect.scatter.add.f32 [tilespmem:s12], [sflag:$0x1], $0x1, s26, s13, $0xb8;
	[tilespmem:$0x2B00] =	vst v63  }
0x23: {  	s28 =	simm.s32 $0x200  }
0x24: {  	[spmem:s3] =	stream.indirect.scatter.add.f32 [tilespmem:s12], [sflag:$0x1], $0x1, s28, s13, $0xb8;
	[tilespmem:$0x2B00] =	vst v63  }
0x25: {  	s29 =	simm.s32 $0x280  }
0x26: {  	[spmem:s3] =	stream.indirect.scatter.add.f32 [tilespmem:s12], [sflag:$0x1], $0x1, s29, s13, $0xb8;
	[tilespmem:$0x2B00] =	vst v63  }
0x27: {  	s30 =	simm.s32 $0x300  }
0x28: {  	[spmem:s3] =	stream.indirect.scatter.add.f32 [tilespmem:s12], [sflag:$0x1], $0x1, s30, s13, $0xb8;
	[tilespmem:$0x2B00] =	vst v63  }
0x29: {  	s31 =	simm.s32 $0x380  }
0x2a: {  	[spmem:s3] =	stream.indirect.scatter.add.f32 [tilespmem:s12], [sflag:$0x1], $0x1, s31, s13, $0xb8;
	[tilespmem:$0x2B00] =	vst v63  }
0x2b: {  	_ =	swait.ge [sflag:s14], $0x80  }
0x2c: {  	[sflag:s14] =	ssyncset.done $0x0  }
0x2d: {  	[sflag:s14] =	ssyncadd.s32 $0xFFFFFF80  }
0x2e: {  	_ =	swait.ge [sflag:s14], $0x80  }
0x2f: {  	[sflag:s14] =	ssyncset.done $0x0  }
0x30: {  	[sflag:s14] =	ssyncadd.s32 $0xFFFFFF80  }
0x31: {  	_ =	swait.ge [sflag:s14], $0x80  }
0x32: {  	[sflag:s14] =	ssyncset.done $0x0  }
0x33: {  	[sflag:s14] =	ssyncadd.s32 $0xFFFFFF80  }
0x34: {  	_ =	swait.ge [sflag:s14], $0x80  }
0x35: {  	[sflag:s14] =	ssyncset.done $0x0  }
0x36: {  	[sflag:s14] =	ssyncadd.s32 $0xFFFFFF80  }
0x37: {  	_ =	swait.ge [sflag:s14], $0x80  }
0x38: {  	[sflag:s14] =	ssyncset.done $0x0  }
0x39: {  	[sflag:s14] =	ssyncadd.s32 $0xFFFFFF80  }
0x3a: {  	_ =	swait.ge [sflag:s14], $0x80  }
0x3b: {  	[sflag:s14] =	ssyncset.done $0x0  }
0x3c: {  	[sflag:s14] =	ssyncadd.s32 $0xFFFFFF80  }
0x3d: {  	_ =	swait.ge [sflag:s14], $0x80  }
0x3e: {  	[sflag:s14] =	ssyncset.done $0x0  }
0x3f: {  	[sflag:s14] =	ssyncadd.s32 $0xFFFFFF80  }
0x40: {  	_ =	swait.ge [sflag:s14], $0x80  }
0x41: {  	s20 =	simm.s32 $0x2000;
	s18 =	simm.s32 $0x1000;
	[sflag:s14] =	ssyncset.done $0x0  }
.LBB2_2:
0x42: {  	s21 =	sshra.s32 s18, $0x2  }
0x43: {  	[sflag:s14] =	ssyncadd.s32 $0xFFFFFF80;
	s18 =	smov.u32 s20;
	s19 =	sadd.s32 $0x1000, s20  }
0x44: {  	[spmem:s3] =	stream.indirect.scatter.add.f32 [tilespmem:s12], [sflag:$0x1], $0x1, s21, s13, $0xb8;
	[tilespmem:$0x2B00] =	vst v63  }
0x45: {  	p0 =	sne.s32 s20, $0x9000;
	s20 =	sadd.s32 $0x80, s21  }
0x46: {  	[spmem:s3] =	stream.indirect.scatter.add.f32 [tilespmem:s12], [sflag:$0x1], $0x1, s20, s13, $0xb8;
	[tilespmem:$0x2B00] =	vst v63  }
0x47: {  	s20 =	sadd.s32 $0x100, s21  }
0x48: {  	[spmem:s3] =	stream.indirect.scatter.add.f32 [tilespmem:s12], [sflag:$0x1], $0x1, s20, s13, $0xb8;
	[tilespmem:$0x2B00] =	vst v63  }
0x49: {  	s20 =	sadd.s32 $0x180, s21  }
0x4a: {  	[spmem:s3] =	stream.indirect.scatter.add.f32 [tilespmem:s12], [sflag:$0x1], $0x1, s20, s13, $0xb8;
	[tilespmem:$0x2B00] =	vst v63  }
0x4b: {  	s20 =	sadd.s32 $0x200, s21  }
0x4c: {  	[spmem:s3] =	stream.indirect.scatter.add.f32 [tilespmem:s12], [sflag:$0x1], $0x1, s20, s13, $0xb8;
	[tilespmem:$0x2B00] =	vst v63  }
0x4d: {  	s20 =	sadd.s32 $0x280, s21  }
0x4e: {  	[spmem:s3] =	stream.indirect.scatter.add.f32 [tilespmem:s12], [sflag:$0x1], $0x1, s20, s13, $0xb8;
	[tilespmem:$0x2B00] =	vst v63  }
0x4f: {  	s20 =	sadd.s32 $0x300, s21  }
0x50: {  	[spmem:s3] =	stream.indirect.scatter.add.f32 [tilespmem:s12], [sflag:$0x1], $0x1, s20, s13, $0xb8;
	[tilespmem:$0x2B00] =	vst v63  }
0x51: {  	s20 =	sadd.s32 $0x380, s21  }
0x52: {  	[spmem:s3] =	stream.indirect.scatter.add.f32 [tilespmem:s12], [sflag:$0x1], $0x1, s20, s13, $0xb8;
	[tilespmem:$0x2B00] =	vst v63  }
0x53: {  	_ =	swait.ge [sflag:s14], $0x80  }
0x54: {  	[sflag:s14] =	ssyncset.done $0x0  }
0x55: {  	[sflag:s14] =	ssyncadd.s32 $0xFFFFFF80  }
0x56: {  	_ =	swait.ge [sflag:s14], $0x80  }
0x57: {  	[sflag:s14] =	ssyncset.done $0x0  }
0x58: {  	[sflag:s14] =	ssyncadd.s32 $0xFFFFFF80  }
0x59: {  	_ =	swait.ge [sflag:s14], $0x80  }
0x5a: {  	[sflag:s14] =	ssyncset.done $0x0  }
0x5b: {  	[sflag:s14] =	ssyncadd.s32 $0xFFFFFF80  }
0x5c: {  	_ =	swait.ge [sflag:s14], $0x80  }
0x5d: {  	[sflag:s14] =	ssyncset.done $0x0  }
0x5e: {  	[sflag:s14] =	ssyncadd.s32 $0xFFFFFF80  }
0x5f: {  	_ =	swait.ge [sflag:s14], $0x80  }
0x60: {  	[sflag:s14] =	ssyncset.done $0x0  }
0x61: {  	[sflag:s14] =	ssyncadd.s32 $0xFFFFFF80  }
0x62: {  	_ =	swait.ge [sflag:s14], $0x80  }
0x63: {  	[sflag:s14] =	ssyncset.done $0x0  }
0x64: {  	[sflag:s14] =	ssyncadd.s32 $0xFFFFFF80  }
.Ltmp0:
0x65: {  	_ =	swait.ge [sflag:s14], $0x80;
	(pc) =	sbr.rel @p0 .LBB2_2-.Ltmp0, $4  }
0x66: {  	[sflag:s14] =	ssyncset.done $0x0  }
0x67: {  	[sflag:s14] =	ssyncadd.s32 $0xFFFFFF80  }
0x68: {  	_ =	swait.ge [sflag:s14], $0x80  }
0x69: {  	s20 =	smov.u32 s19;
	[sflag:s14] =	ssyncset.done $0x0  }
0x6a: {  	s18 =	sshra.s32 s18, $0x2;
	[sflag:s14] =	ssyncadd.s32 $0xFFFFFF80  }
0x6b: {  	[spmem:s3] =	stream.indirect.scatter.add.f32 [tilespmem:s12], [sflag:$0x1], $0x1, s18, s13, $0xb8;
	[tilespmem:$0x2B00] =	vst v63  }
0x6c: {  	s19 =	sadd.s32 $0x80, s18  }
0x6d: {  	[spmem:s3] =	stream.indirect.scatter.add.f32 [tilespmem:s12], [sflag:$0x1], $0x1, s19, s13, $0xb8;
	[tilespmem:$0x2B00] =	vst v63  }
0x6e: {  	s26 =	sadd.s32 $0x100, s18  }
0x6f: {  	[spmem:s3] =	stream.indirect.scatter.add.f32 [tilespmem:s12], [sflag:$0x1], $0x1, s26, s13, $0xb8;
	[tilespmem:$0x2B00] =	vst v63  }
0x70: {  	s28 =	sadd.s32 $0x180, s18  }
0x71: {  	[spmem:s3] =	stream.indirect.scatter.add.f32 [tilespmem:s12], [sflag:$0x1], $0x1, s28, s13, $0xb8;
	[tilespmem:$0x2B00] =	vst v63  }
0x72: {  	s29 =	sadd.s32 $0x200, s18  }
0x73: {  	[spmem:s3] =	stream.indirect.scatter.add.f32 [tilespmem:s12], [sflag:$0x1], $0x1, s29, s13, $0xb8;
	[tilespmem:$0x2B00] =	vst v63  }
0x74: {  	s30 =	sadd.s32 $0x280, s18  }
0x75: {  	[spmem:s3] =	stream.indirect.scatter.add.f32 [tilespmem:s12], [sflag:$0x1], $0x1, s30, s13, $0xb8;
	[tilespmem:$0x2B00] =	vst v63  }
0x76: {  	s31 =	sadd.s32 $0x300, s18  }
0x77: {  	[spmem:s3] =	stream.indirect.scatter.add.f32 [tilespmem:s12], [sflag:$0x1], $0x1, s31, s13, $0xb8;
	[tilespmem:$0x2B00] =	vst v63  }
0x78: {  	s18 =	sadd.s32 $0x380, s18  }
0x79: {  	[spmem:s3] =	stream.indirect.scatter.add.f32 [tilespmem:s12], [sflag:$0x1], $0x1, s18, s13, $0xb8;
	[tilespmem:$0x2B00] =	vst v63  }
0x7a: {  	_ =	swait.ge [sflag:s14], $0x80  }
0x7b: {  	[sflag:s14] =	ssyncset.done $0x0  }
0x7c: {  	[sflag:s14] =	ssyncadd.s32 $0xFFFFFF80  }
0x7d: {  	_ =	swait.ge [sflag:s14], $0x80  }
0x7e: {  	[sflag:s14] =	ssyncset.done $0x0  }
0x7f: {  	[sflag:s14] =	ssyncadd.s32 $0xFFFFFF80  }
0x80: {  	_ =	swait.ge [sflag:s14], $0x80  }
0x81: {  	[sflag:s14] =	ssyncset.done $0x0  }
0x82: {  	[sflag:s14] =	ssyncadd.s32 $0xFFFFFF80  }
0x83: {  	_ =	swait.ge [sflag:s14], $0x80  }
0x84: {  	[sflag:s14] =	ssyncset.done $0x0  }
0x85: {  	[sflag:s14] =	ssyncadd.s32 $0xFFFFFF80  }
0x86: {  	_ =	swait.ge [sflag:s14], $0x80  }
0x87: {  	[sflag:s14] =	ssyncset.done $0x0  }
0x88: {  	[sflag:s14] =	ssyncadd.s32 $0xFFFFFF80  }
0x89: {  	_ =	swait.ge [sflag:s14], $0x80  }
0x8a: {  	[sflag:s14] =	ssyncset.done $0x0  }
0x8b: {  	[sflag:s14] =	ssyncadd.s32 $0xFFFFFF80  }
0x8c: {  	_ =	swait.ge [sflag:s14], $0x80  }
0x8d: {  	[sflag:s14] =	ssyncset.done $0x0  }
0x8e: {  	[sflag:s14] =	ssyncadd.s32 $0xFFFFFF80  }
0x8f: {  	_ =	swait.ge [sflag:s14], $0x80  }
0x90: {  	s17 =	sadd.s32 $0x1, s17;
	[sflag:s14] =	ssyncset.done $0x0  }
0x91: {  	p0 =	sne.s32 s17, s9;
	[sflag:s14] =	ssyncadd.s32 $0xFFFFFF80  }
.Ltmp1:
0x92: {  	[bflag:$0x0] =	sbarrier.arrive $0xFFFF;
	(pc) =	sbr.rel @p0 .LBB2_1-.Ltmp1, $4  }
0x93: {  	[hbm:s8@s15], [sflag:s6] =	dma.strided [spmem:s10@s16], $0x50, s14, $0x10   }
0x94: {  	_ =	swait.ge [sflag:s11], $0x50  }
0x95: {  	[sflag:s11] =	ssyncset.done $0x0  }
0x96: {  	[sflag:s11] =	ssyncadd.s32 $0xFFFFFFB0  }
0x97: {  	_ =	sfence.sel $0x180000  }
0x98: {  	[bflag:$0x0] =	sbarrier.arrive $0xFFFF  }
0x99: {  	p0 =	sne.s32 s0, $0x0;
	_ =	strace $0x90000047  }
0x9a: {  	s0 =	sadd.s32 @!p0 $0x100000, s1;
	[bflag:$0x2] =	sbarrier.arrive $0xFFFF  }
0x9b: {  	[sflag:s0] =	ssyncadd.tile.s32 @!p0 $0x1;
	_ =	shalt  }
.Lfunc_end2:
_tile_overlayer_lowered:
.L_overlay_start_2:
0x9c: {  	(tag) =	ssettag $0x2  }
0x9d: {  	s0 =	rddreg [dreg:$0x0];
	s2 =	stileid.u32  }
0x9e: {  	s1 =	rddreg [dreg:$0x1];
	p0 =	sne.s32 s2, $0x0  }
0x9f: {  	s3 =	rddreg [dreg:$0x2];
	[bflag:$0x3] =	sbarrier.arrive $0xFFFF;
	s2 =	simm.s32 @!p0 $0x1C02  }
0xa0: {  	[timem:s3], [sflag:s2] =	dma.local @!p0 [hbm:s0], s1  }
0xa1: {  	s0 =	simm.s32 @!p0 $0x2  }
0xa2: {  	_ =	swait.ge @!p0 [sflag:s0], s1  }
0xa3: {  	s1 =	ssub.s32 @!p0 $0x0, s1;
	[sflag:s0] =	ssyncset.done @!p0 $0x0  }
0xa4: {  	[sflag:s0] =	ssyncadd.s32 @!p0 s1  }
0xa5: {  	[bflag:$0x3] =	sbarrier.arrive $0xFFFF  }
0xa6: {  	_ =	shalt  }

</sc_bundles>
